<compile_context>
chip_gen: v7x
topology: tpu7x:2x2x1
jax: 0.10.2.dev20260603
libtpu: 0.0.44.dev20260713+nightly
codegen_flags: <defaults>
</compile_context>

<pallas_src>
import functools

import jax
import jax.numpy as jnp
from jax import lax
from jax.experimental import pallas as pl
from jax.experimental.pallas import tpu as pltpu
from jax.experimental.pallas import tpu_sc as plsc

_N = 10000
_E = 320000
_F = 128
_NCLASS = 40

_NC = 2
_NS = 16
_NW = _NC * _NS
_C = 64
_TB = 16
_K = 4
_T0 = 304
_T1 = 16
_EPAD = _NS * (_T0 + _T1) * _C
_RPT = 632
_NACC = _RPT * _NS

_BR = 1000


def _make_agg_kernel():
    mesh = plsc.VectorSubcoreMesh(core_axis_name="c", subcore_axis_name="s")

    @functools.partial(
        pl.kernel,
        out_type=jax.ShapeDtypeStruct((_NC, _NACC, _F), jnp.float32),
        mesh=mesh,
        scratch_types=[
            pltpu.VMEM((_TB, _C), jnp.int32),
            pltpu.VMEM((_TB, _C), jnp.int32),
            [pltpu.VMEM((_C, _F), jnp.float32) for _ in range(_K)],
            pltpu.VMEM_SHARED((_NACC, _F), jnp.float32),
            [pltpu.SemaphoreType.DMA for _ in range(_K)],
            [pltpu.SemaphoreType.DMA for _ in range(_K)],
        ],
    )
    def agg(h_hbm, srcb_hbm, dstb_hbm,
            out_hbm, src_v, dst_v, bufs, acc_sh, gs, ps):
        c = lax.axis_index("c")
        s = lax.axis_index("s")

        @pl.when((c == 0) | (_T1 > 0))
        def _():
            zvec = jnp.zeros((16,), jnp.float32)

            def zrow(r, carry):
                for j2 in range(_F // 16):
                    bufs[0][r, pl.ds(j2 * 16, 16)] = zvec
                return carry

            lax.fori_loop(0, _C, zrow, 0)

            nfull = _RPT // _C
            rem = _RPT - nfull * _C

            def crow(k, carry):
                pltpu.sync_copy(bufs[0],
                                acc_sh.at[pl.ds(s * _RPT + k * _C, _C)])
                return carry

            lax.fori_loop(0, nfull, crow, 0)
            if rem:
                pltpu.sync_copy(
                    bufs[0].at[pl.ds(0, rem)],
                    acc_sh.at[pl.ds(s * _RPT + nfull * _C, rem)])
        plsc.subcore_barrier()

        def start_gather(t, j):
            pltpu.async_copy(h_hbm.at[src_v.at[t]], bufs[j], gs[j])

        def wait_gather(j):
            pltpu.make_async_copy(h_hbm.at[src_v.at[0]], bufs[j],
                                  gs[j]).wait()

        def start_scatter(t, j):
            pltpu.async_copy(bufs[j], acc_sh.at[dst_v.at[t]], ps[j],
                             add=True)

        def wait_scatter(j):
            pltpu.make_async_copy(bufs[j], acc_sh.at[dst_v.at[0]],
                                  ps[j]).wait()

        nb0 = _T0 // _TB
        nb1 = _T1 // _TB
        nblk = jnp.where(c == 0, nb0, nb1)
        bbase = jnp.where(c == 0, s * nb0, _NS * nb0 + s * nb1)

        def blk_body(blk, carry):
            pltpu.sync_copy(srcb_hbm.at[bbase + blk], src_v)
            pltpu.sync_copy(dstb_hbm.at[bbase + blk], dst_v)
            for j in range(_K - 1):
                start_gather(j, j)

            for j in range(_K):
                wait_gather(j)
                start_scatter(j, j)
                jn = (j + _K - 1) % _K
                if j > 0:
                    wait_scatter(jn)
                start_gather(j + _K - 1, jn)

            def group_body(g, carry2):
                base = g * _K
                for j in range(_K):
                    t = base + j
                    wait_gather(j)
                    start_scatter(t, j)
                    jn = (j + _K - 1) % _K
                    wait_scatter(jn)
                    start_gather(t + _K - 1, jn)
                return carry2

            lax.fori_loop(1, _TB // _K - 1, group_body, 0)

            base = _TB - _K
            wait_gather(0)
            start_scatter(base, 0)
            wait_scatter(_K - 1)
            start_gather(_TB - 1, _K - 1)
            for j in range(1, _K):
                wait_gather(j)
                start_scatter(base + j, j)
            for j in range(_K):
                wait_scatter(j)
            return carry

        lax.fori_loop(0, nblk, blk_body, 0)

        plsc.subcore_barrier()

        @pl.when((c == 0) | (_T1 > 0))
        def _():
            pltpu.sync_copy(acc_sh.at[pl.ds(s * _RPT, _RPT)],
                            out_hbm.at[c].at[pl.ds(s * _RPT, _RPT)])

    return agg


_agg = _make_agg_kernel()


def _mm_relu_body(x_ref, w_ref, b_ref, o_ref):
    z = jnp.dot(x_ref[...], w_ref[...], preferred_element_type=jnp.float32)
    o_ref[...] = jnp.maximum(z + b_ref[...], 0.0)


_NAGG = 2 if _T1 > 0 else 1


def _gin_mm_relu_body(h_ref, *refs):
    aggs, (w_ref, b_ref, o_ref) = refs[:_NAGG], refs[_NAGG:]
    z = h_ref[...]
    for a_ref in aggs:
        z = z + a_ref[...]
    z = jnp.dot(z, w_ref[...], preferred_element_type=jnp.float32)
    o_ref[...] = jnp.maximum(z + b_ref[...], 0.0)


def _final_body(h_ref, *refs):
    aggs, (w_ref, b_ref, fw_ref, fb_ref, o_ref) = refs[:_NAGG], refs[_NAGG:]
    z = h_ref[...]
    for a_ref in aggs:
        z = z + a_ref[...]
    z = jnp.dot(z, w_ref[...], preferred_element_type=jnp.float32)
    h2 = jnp.maximum(z + b_ref[...], 0.0)
    logits = jnp.dot(h2, fw_ref[...], preferred_element_type=jnp.float32)
    logits = logits + fb_ref[...]
    col = lax.broadcasted_iota(jnp.int32, logits.shape, 1)
    logits = jnp.where(col < _NCLASS, logits, -1e30)
    m = jnp.max(logits, axis=1, keepdims=True)
    lse = jnp.log(jnp.sum(jnp.exp(logits - m), axis=1, keepdims=True)) + m
    o_ref[...] = logits - lse


def _row_spec():
    return pl.BlockSpec((_BR, _F), lambda i: (i, 0))


def _full_spec(shape):
    return pl.BlockSpec(shape, lambda i: (0,) * len(shape))


def _grid():
    return (_N + _BR - 1) // _BR


def _mm_relu(x, w, b):
    return pl.pallas_call(
        _mm_relu_body,
        grid=(_grid(),),
        in_specs=[_row_spec(), _full_spec((_F, _F)), _full_spec((1, _F))],
        out_specs=_row_spec(),
        out_shape=jax.ShapeDtypeStruct((_N, _F), jnp.float32),
    )(x, w, b)


def _gin_mm_relu(h, aggs, w, b):
    return pl.pallas_call(
        _gin_mm_relu_body,
        grid=(_grid(),),
        in_specs=[_row_spec()] * (1 + _NAGG)
        + [_full_spec((_F, _F)), _full_spec((1, _F))],
        out_specs=_row_spec(),
        out_shape=jax.ShapeDtypeStruct((_N, _F), jnp.float32),
    )(h, *aggs, w, b)


def _final(h, aggs, w, b, fw, fb):
    return pl.pallas_call(
        _final_body,
        grid=(_grid(),),
        in_specs=[_row_spec()] * (1 + _NAGG)
        + [_full_spec((_F, _F)), _full_spec((1, _F)),
           _full_spec((_F, _F)), _full_spec((1, _F))],
        out_specs=_row_spec(),
        out_shape=jax.ShapeDtypeStruct((_N, _F), jnp.float32),
    )(h, *aggs, w, b, fw, fb)


def kernel(x, adj, fc0_W, fc0_b, mlp0_W, mlp0_b, mlp1_W, mlp1_b, fc1_W, fc1_b):
    pad = _EPAD - _E
    nblk_tot = _EPAD // (_TB * _C)
    src_b = jnp.concatenate(
        [adj[0], jnp.zeros((pad,), jnp.int32)]).reshape(nblk_tot, _TB, _C)
    dst_b = jnp.concatenate(
        [adj[1], jnp.full((pad,), _N, jnp.int32)]).reshape(nblk_tot, _TB, _C)

    fc0_b2 = fc0_b.reshape(1, _F)
    mlp0_b2 = mlp0_b.reshape(1, _F)
    mlp1_b2 = mlp1_b.reshape(1, _F)
    fw_pad = jnp.zeros((_F, _F), jnp.float32).at[:, :_NCLASS].set(fc1_W)
    fb_pad = jnp.zeros((1, _F), jnp.float32).at[0, :_NCLASS].set(fc1_b)

    h0 = _mm_relu(x, fc0_W, fc0_b2)

    agg1 = _agg(h0, src_b, dst_b)
    h1 = _gin_mm_relu(h0, [agg1[i] for i in range(_NAGG)], mlp0_W, mlp0_b2)

    agg2 = _agg(h1, src_b, dst_b)
    out = _final(h1, [agg2[i] for i in range(_NAGG)],
                 mlp1_W, mlp1_b2, fw_pad, fb_pad)

    return out[:, :_NCLASS]

# --- scband reference (transcript-rebuilt; emitter-appended) ---
"""Pipeline reference for scband-gin-38225208934940 (READ-ONLY COPY).

The authoritative reference and input builder live on the scoring server;
editing this copy changes nothing except your own understanding.
"""

import jax, jax.numpy as jnp
import numpy as np

N = 10000
E = 320000
NFEAT = 128
NHID = 128
NCLASS = 40
EPS = 0.0


def setup_inputs(seed: int = 0) -> dict:
    key = jax.random.key(seed)
    ks = jax.random.split(key, 12)
    x = jax.random.normal(ks[0], (N, NFEAT), dtype=jnp.float32)
    adj = jax.random.randint(ks[1], (2, E), 0, N, dtype=jnp.int32)
    fc0_W = jax.random.normal(ks[2], (NFEAT, NHID), dtype=jnp.float32) / np.sqrt(NFEAT)
    fc0_b = jnp.zeros((NHID,), dtype=jnp.float32)
    mlp0_W = jax.random.normal(ks[3], (NHID, NHID), dtype=jnp.float32) / np.sqrt(NHID)
    mlp0_b = jnp.zeros((NHID,), dtype=jnp.float32)
    mlp1_W = jax.random.normal(ks[4], (NHID, NHID), dtype=jnp.float32) / np.sqrt(NHID)
    mlp1_b = jnp.zeros((NHID,), dtype=jnp.float32)
    fc1_W = jax.random.normal(ks[5], (NHID, NCLASS), dtype=jnp.float32) / np.sqrt(NHID)
    fc1_b = jnp.zeros((NCLASS,), dtype=jnp.float32)
    return {
        "x": x,
        "adj": adj,
        "fc0_W": fc0_W,
        "fc0_b": fc0_b,
        "mlp0_W": mlp0_W,
        "mlp0_b": mlp0_b,
        "mlp1_W": mlp1_W,
        "mlp1_b": mlp1_b,
        "fc1_W": fc1_W,
        "fc1_b": fc1_b,
    }


def reference(x, adj, fc0_W, fc0_b, mlp0_W, mlp0_b, mlp1_W, mlp1_b, fc1_W, fc1_b):
    # dropout layers are identity in eval mode
    h = jax.nn.relu(x @ fc0_W + fc0_b)
    src = adj[0]
    dst = adj[1]
    for W, b in ((mlp0_W, mlp0_b), (mlp1_W, mlp1_b)):
        # GINConv with eps=0, learn_eps=False: (1+eps)*h + sum_{j in N(i)} h_j
        msgs = jnp.take(h, src, axis=0)
        agg = jax.ops.segment_sum(msgs, dst, num_segments=N)
        h = (1.0 + EPS) * h + agg
        h = jax.nn.relu(h @ W + b)
    logits = h @ fc1_W + fc1_b
    return jax.nn.log_softmax(logits, axis=1)

if __name__ == "__main__":
    import jax
    _d = setup_inputs()
    print(jax.jit(kernel)(*tuple(_d.values())))

</pallas_src>

<mosaic_0001>
#map = affine_map<(d0, d1) -> (0, 0)>
#map1 = affine_map<(d0, d1) -> (0, 0, 0)>
module attributes {stable_mosaic.version = 14 : i64} {
  func.func @agg(%arg0: i32, %arg1: i32, %arg2: memref<10000x128xf32, #tpu.memory_space<hbm>>, %arg3: memref<320x16x64xi32, #tpu.memory_space<hbm>>, %arg4: memref<320x16x64xi32, #tpu.memory_space<hbm>>, %arg5: memref<2x10112x128xf32, #tpu.memory_space<hbm>>, %arg6: memref<16x64xi32, #tpu.memory_space<vmem>>, %arg7: memref<16x64xi32, #tpu.memory_space<vmem>>, %arg8: memref<64x128xf32, #tpu.memory_space<vmem>>, %arg9: memref<64x128xf32, #tpu.memory_space<vmem>>, %arg10: memref<64x128xf32, #tpu.memory_space<vmem>>, %arg11: memref<64x128xf32, #tpu.memory_space<vmem>>, %arg12: memref<10112x128xf32, #tpu.memory_space<vmem_shared>>, %arg13: memref<!tpu.dma_semaphore, #tpu.memory_space<semaphore_mem>>, %arg14: memref<!tpu.dma_semaphore, #tpu.memory_space<semaphore_mem>>, %arg15: memref<!tpu.dma_semaphore, #tpu.memory_space<semaphore_mem>>, %arg16: memref<!tpu.dma_semaphore, #tpu.memory_space<semaphore_mem>>, %arg17: memref<!tpu.dma_semaphore, #tpu.memory_space<semaphore_mem>>, %arg18: memref<!tpu.dma_semaphore, #tpu.memory_space<semaphore_mem>>, %arg19: memref<!tpu.dma_semaphore, #tpu.memory_space<semaphore_mem>>, %arg20: memref<!tpu.dma_semaphore, #tpu.memory_space<semaphore_mem>>) attributes {dimension_semantics = [#tpu.dimension_semantics<core_parallel>, #tpu.dimension_semantics<subcore_parallel>], iteration_bounds = array<i64: 2, 16>, scalar_prefetch = 0 : i64, scratch_operands = 15 : i64, tpu.core_type = #tpu.core_type<sc_vector_subcore>, window_params = [{transform_indices = #map}, {transform_indices = #map1}, {transform_indices = #map1}, {transform_indices = #map1}]} {
    %eq3A = arith.constant 0 : i32
    %eq3A_0 = arith.cmpi eq, %arg0, %eq3A : i32
    %or3A = arith.constant true
    %or3A_1 = arith.ori %eq3A_0, %or3A : i1
    %convert_element_type3A = arith.extui %or3A_1 : i1 to i32
    %cond3A = arith.constant 0 : i32
    %cond3A_2 = arith.cmpi ne, %convert_element_type3A, %cond3A : i32
    scf.if %cond3A_2 {
      %broadcast_in_dim3A = arith.constant 0.000000e+00 : f32
      %broadcast_in_dim3A_30 = vector.broadcast %broadcast_in_dim3A : f32 to vector<16xf32>
      %scan3A = arith.constant 0 : i32
      %scan3A_31 = arith.constant 0 : i32
      %scan3A_32 = arith.constant 64 : i32
      %scan3A_33 = arith.addi %scan3A_31, %scan3A_32 : i32
      %scan3A_34 = arith.constant 1 : i32
      scf.for %scan3A_46 = %scan3A_31 to %scan3A_33 step %scan3A_34  : i32 {
        %swap3A = arith.index_cast %scan3A_46 : i32 to index
        %swap3A_47 = arith.constant 0 : index
        %swap3A_48 = tpu.vector_load %arg8[%swap3A, %swap3A_47] {strides = array<i32>} : memref<64x128xf32, #tpu.memory_space<vmem>>, vector<1x16xf32>,
        %swap3A_49 = vector.shape_cast %swap3A_48 : vector<1x16xf32> to vector<16xf32>
        %swap3A_50 = vector.shape_cast %broadcast_in_dim3A_30 : vector<16xf32> to vector<1x16xf32>
        tpu.vector_store %arg8[%swap3A, %swap3A_47], %swap3A_50 {strides = array<i32>} : memref<64x128xf32, #tpu.memory_space<vmem>>, vector<1x16xf32>,
        %swap3A_51 = arith.index_cast %scan3A_46 : i32 to index
        %swap3A_52 = arith.constant 16 : index
        %swap3A_53 = tpu.vector_load %arg8[%swap3A_51, %swap3A_52] {strides = array<i32>} : memref<64x128xf32, #tpu.memory_space<vmem>>, vector<1x16xf32>,
        %swap3A_54 = vector.shape_cast %swap3A_53 : vector<1x16xf32> to vector<16xf32>
        %swap3A_55 = vector.shape_cast %broadcast_in_dim3A_30 : vector<16xf32> to vector<1x16xf32>
        tpu.vector_store %arg8[%swap3A_51, %swap3A_52], %swap3A_55 {strides = array<i32>} : memref<64x128xf32, #tpu.memory_space<vmem>>, vector<1x16xf32>,
        %swap3A_56 = arith.index_cast %scan3A_46 : i32 to index
        %swap3A_57 = arith.constant 32 : index
        %swap3A_58 = tpu.vector_load %arg8[%swap3A_56, %swap3A_57] {strides = array<i32>} : memref<64x128xf32, #tpu.memory_space<vmem>>, vector<1x16xf32>,
        %swap3A_59 = vector.shape_cast %swap3A_58 : vector<1x16xf32> to vector<16xf32>
        %swap3A_60 = vector.shape_cast %broadcast_in_dim3A_30 : vector<16xf32> to vector<1x16xf32>
        tpu.vector_store %arg8[%swap3A_56, %swap3A_57], %swap3A_60 {strides = array<i32>} : memref<64x128xf32, #tpu.memory_space<vmem>>, vector<1x16xf32>,
        %swap3A_61 = arith.index_cast %scan3A_46 : i32 to index
        %swap3A_62 = arith.constant 48 : index
        %swap3A_63 = tpu.vector_load %arg8[%swap3A_61, %swap3A_62] {strides = array<i32>} : memref<64x128xf32, #tpu.memory_space<vmem>>, vector<1x16xf32>,
        %swap3A_64 = vector.shape_cast %swap3A_63 : vector<1x16xf32> to vector<16xf32>
        %swap3A_65 = vector.shape_cast %broadcast_in_dim3A_30 : vector<16xf32> to vector<1x16xf32>
        tpu.vector_store %arg8[%swap3A_61, %swap3A_62], %swap3A_65 {strides = array<i32>} : memref<64x128xf32, #tpu.memory_space<vmem>>, vector<1x16xf32>,
        %swap3A_66 = arith.index_cast %scan3A_46 : i32 to index
        %swap3A_67 = arith.constant 64 : index
        %swap3A_68 = tpu.vector_load %arg8[%swap3A_66, %swap3A_67] {strides = array<i32>} : memref<64x128xf32, #tpu.memory_space<vmem>>, vector<1x16xf32>,
        %swap3A_69 = vector.shape_cast %swap3A_68 : vector<1x16xf32> to vector<16xf32>
        %swap3A_70 = vector.shape_cast %broadcast_in_dim3A_30 : vector<16xf32> to vector<1x16xf32>
        tpu.vector_store %arg8[%swap3A_66, %swap3A_67], %swap3A_70 {strides = array<i32>} : memref<64x128xf32, #tpu.memory_space<vmem>>, vector<1x16xf32>,
        %swap3A_71 = arith.index_cast %scan3A_46 : i32 to index
        %swap3A_72 = arith.constant 80 : index
        %swap3A_73 = tpu.vector_load %arg8[%swap3A_71, %swap3A_72] {strides = array<i32>} : memref<64x128xf32, #tpu.memory_space<vmem>>, vector<1x16xf32>,
        %swap3A_74 = vector.shape_cast %swap3A_73 : vector<1x16xf32> to vector<16xf32>
        %swap3A_75 = vector.shape_cast %broadcast_in_dim3A_30 : vector<16xf32> to vector<1x16xf32>
        tpu.vector_store %arg8[%swap3A_71, %swap3A_72], %swap3A_75 {strides = array<i32>} : memref<64x128xf32, #tpu.memory_space<vmem>>, vector<1x16xf32>,
        %swap3A_76 = arith.index_cast %scan3A_46 : i32 to index
        %swap3A_77 = arith.constant 96 : index
        %swap3A_78 = tpu.vector_load %arg8[%swap3A_76, %swap3A_77] {strides = array<i32>} : memref<64x128xf32, #tpu.memory_space<vmem>>, vector<1x16xf32>,
        %swap3A_79 = vector.shape_cast %swap3A_78 : vector<1x16xf32> to vector<16xf32>
        %swap3A_80 = vector.shape_cast %broadcast_in_dim3A_30 : vector<16xf32> to vector<1x16xf32>
        tpu.vector_store %arg8[%swap3A_76, %swap3A_77], %swap3A_80 {strides = array<i32>} : memref<64x128xf32, #tpu.memory_space<vmem>>, vector<1x16xf32>,
        %swap3A_81 = arith.index_cast %scan3A_46 : i32 to index
        %swap3A_82 = arith.constant 112 : index
        %swap3A_83 = tpu.vector_load %arg8[%swap3A_81, %swap3A_82] {strides = array<i32>} : memref<64x128xf32, #tpu.memory_space<vmem>>, vector<1x16xf32>,
        %swap3A_84 = vector.shape_cast %swap3A_83 : vector<1x16xf32> to vector<16xf32>
        %swap3A_85 = vector.shape_cast %broadcast_in_dim3A_30 : vector<16xf32> to vector<1x16xf32>
        tpu.vector_store %arg8[%swap3A_81, %swap3A_82], %swap3A_85 {strides = array<i32>} : memref<64x128xf32, #tpu.memory_space<vmem>>, vector<1x16xf32>,
      }
      %scan3A_35 = arith.constant 64 : i32
      %scan3A_36 = arith.constant 0 : i32
      %scan3A_37 = arith.constant 0 : i32
      %scan3A_38 = arith.constant 9 : i32
      %scan3A_39 = arith.addi %scan3A_37, %scan3A_38 : i32
      %scan3A_40 = arith.constant 1 : i32
      scf.for %scan3A_46 = %scan3A_37 to %scan3A_39 step %scan3A_40  : i32 {
        %mul3A_47 = arith.constant 632 : i32
        %mul3A_48 = arith.muli %arg1, %mul3A_47 : i32
        %mul3A_49 = arith.constant 64 : i32
        %mul3A_50 = arith.muli %scan3A_46, %mul3A_49 : i32
        %add3A_51 = arith.addi %mul3A_48, %mul3A_50 : i32
        "tpu.region"() ({
          %run_scoped3A = tpu.sem_alloc : memref<!tpu.dma_semaphore, #tpu.memory_space<semaphore_mem>>
          %dma_start3A = arith.constant 0 : i32
          %dma_start3A_52 = tpu.memref_slice %arg12[%add3A_51, %dma_start3A] : memref<10112x128xf32, #tpu.memory_space<vmem_shared>> -> memref<64x128xf32, #tpu.memory_space<vmem_shared>>
          %dma_start3A_53 = arith.constant 0 : i32
          %dma_start3A_54 = tpu.memref_slice %arg12[%add3A_51, %dma_start3A_53] : memref<10112x128xf32, #tpu.memory_space<vmem_shared>> -> memref<64x128xf32, #tpu.memory_space<vmem_shared>>
          tpu.enqueue_dma source(%arg8 : memref<64x128xf32, #tpu.memory_space<vmem>>) target(%dma_start3A_54 : memref<64x128xf32, #tpu.memory_space<vmem_shared>>) target_semaphore(%run_scoped3A : memref<!tpu.dma_semaphore, #tpu.memory_space<semaphore_mem>>)
          %dma_wait3A = arith.constant 0 : i32
          %dma_wait3A_55 = tpu.memref_slice %arg12[%add3A_51, %dma_wait3A] : memref<10112x128xf32, #tpu.memory_space<vmem_shared>> -> memref<64x128xf32, #tpu.memory_space<vmem_shared>>
          %dma_wait3A_56 = arith.constant 0 : i32
          %dma_wait3A_57 = tpu.memref_slice %arg12[%add3A_51, %dma_wait3A_56] : memref<10112x128xf32, #tpu.memory_space<vmem_shared>> -> memref<64x128xf32, #tpu.memory_space<vmem_shared>>
          tpu.wait_dma2 semaphore(%run_scoped3A : memref<!tpu.dma_semaphore, #tpu.memory_space<semaphore_mem>>) src(%arg8 : memref<64x128xf32, #tpu.memory_space<vmem>>) dst(%dma_wait3A_57 : memref<64x128xf32, #tpu.memory_space<vmem_shared>>)
          tpu.yield
        }) : () -> ()
      }
      %scan3A_41 = arith.constant 9 : i32
      %mul3A_42 = arith.constant 632 : i32
      %mul3A_43 = arith.muli %arg1, %mul3A_42 : i32
      %add3A_44 = arith.constant 576 : i32
      %add3A_45 = arith.addi %mul3A_43, %add3A_44 : i32
      "tpu.region"() ({
        %run_scoped3A = tpu.sem_alloc : memref<!tpu.dma_semaphore, #tpu.memory_space<semaphore_mem>>
        %dma_start3A = arith.constant 0 : i32
        %dma_start3A_46 = arith.constant 0 : i32
        %dma_start3A_47 = tpu.memref_slice %arg8[%dma_start3A, %dma_start3A_46] : memref<64x128xf32, #tpu.memory_space<vmem>> -> memref<56x128xf32, #tpu.memory_space<vmem>>
        %dma_start3A_48 = arith.constant 0 : i32
        %dma_start3A_49 = tpu.memref_slice %arg12[%add3A_45, %dma_start3A_48] : memref<10112x128xf32, #tpu.memory_space<vmem_shared>> -> memref<56x128xf32, #tpu.memory_space<vmem_shared>>
        %dma_start3A_50 = arith.constant 0 : i32
        %dma_start3A_51 = tpu.memref_slice %arg12[%add3A_45, %dma_start3A_50] : memref<10112x128xf32, #tpu.memory_space<vmem_shared>> -> memref<56x128xf32, #tpu.memory_space<vmem_shared>>
        %dma_start3A_52 = arith.constant 0 : i32
        %dma_start3A_53 = arith.constant 0 : i32
        %dma_start3A_54 = tpu.memref_slice %arg8[%dma_start3A_52, %dma_start3A_53] : memref<64x128xf32, #tpu.memory_space<vmem>> -> memref<56x128xf32, #tpu.memory_space<vmem>>
        tpu.enqueue_dma source(%dma_start3A_54 : memref<56x128xf32, #tpu.memory_space<vmem>>) target(%dma_start3A_51 : memref<56x128xf32, #tpu.memory_space<vmem_shared>>) target_semaphore(%run_scoped3A : memref<!tpu.dma_semaphore, #tpu.memory_space<semaphore_mem>>)
        %dma_wait3A = arith.constant 0 : i32
        %dma_wait3A_55 = arith.constant 0 : i32
        %dma_wait3A_56 = tpu.memref_slice %arg8[%dma_wait3A, %dma_wait3A_55] : memref<64x128xf32, #tpu.memory_space<vmem>> -> memref<56x128xf32, #tpu.memory_space<vmem>>
        %dma_wait3A_57 = arith.constant 0 : i32
        %dma_wait3A_58 = tpu.memref_slice %arg12[%add3A_45, %dma_wait3A_57] : memref<10112x128xf32, #tpu.memory_space<vmem_shared>> -> memref<56x128xf32, #tpu.memory_space<vmem_shared>>
        %dma_wait3A_59 = arith.constant 0 : i32
        %dma_wait3A_60 = tpu.memref_slice %arg12[%add3A_45, %dma_wait3A_59] : memref<10112x128xf32, #tpu.memory_space<vmem_shared>> -> memref<56x128xf32, #tpu.memory_space<vmem_shared>>
        %dma_wait3A_61 = arith.constant 0 : i32
        %dma_wait3A_62 = arith.constant 0 : i32
        %dma_wait3A_63 = tpu.memref_slice %arg8[%dma_wait3A_61, %dma_wait3A_62] : memref<64x128xf32, #tpu.memory_space<vmem>> -> memref<56x128xf32, #tpu.memory_space<vmem>>
        tpu.wait_dma2 semaphore(%run_scoped3A : memref<!tpu.dma_semaphore, #tpu.memory_space<semaphore_mem>>) src(%dma_wait3A_63 : memref<56x128xf32, #tpu.memory_space<vmem>>) dst(%dma_wait3A_60 : memref<56x128xf32, #tpu.memory_space<vmem_shared>>)
        tpu.yield
      }) : () -> ()
    } else {
    }
    %barrier3A = arith.constant 0 : index
    tpu.barrier barrier_id(%barrier3A)
    %eq3A_3 = arith.constant 0 : i32
    %eq3A_4 = arith.cmpi eq, %arg0, %eq3A_3 : i32
    %jit3A = arith.constant 19 : i32
    %jit3A_5 = arith.constant 1 : i32
    %select_n3A = arith.select %eq3A_4, %jit3A, %jit3A_5 : i32
    %eq3A_6 = arith.constant 0 : i32
    %eq3A_7 = arith.cmpi eq, %arg0, %eq3A_6 : i32
    %mul3A = arith.constant 19 : i32
    %mul3A_8 = arith.muli %arg1, %mul3A : i32
    %mul3A_9 = arith.constant 1 : i32
    %mul3A_10 = arith.muli %arg1, %mul3A_9 : i32
    %add3A = arith.constant 304 : i32
    %add3A_11 = arith.addi %add3A, %mul3A_10 : i32
    %select_n3A_12 = arith.select %eq3A_7, %mul3A_8, %add3A_11 : i32
    %while3A = arith.constant 0 : i32
    %while3A_13 = arith.constant 0 : i32
    %while3A_14 = arith.subi %select_n3A, %while3A_13 : i32
    %while3A_15 = arith.addi %while3A_13, %while3A_14 : i32
    %while3A_16 = arith.constant 1 : i32
    %while3A_17 = arith.divsi %while3A_14, %while3A_16 : i32
    %while3A_18 = arith.muli %while3A_17, %while3A_16 : i32
    %while3A_19 = arith.addi %while3A_13, %while3A_18 : i32
    %while3A_20 = arith.constant 1 : i32
    scf.for %while3A_30 = %while3A_13 to %while3A_19 step %while3A_20  : i32 {
      %add3A_31 = arith.addi %select_n3A_12, %while3A_30 : i32
      "tpu.region"() ({
        %run_scoped3A = tpu.sem_alloc : memref<!tpu.dma_semaphore, #tpu.memory_space<semaphore_mem>>
        %dma_start3A_260 = arith.constant 0 : i32
        %dma_start3A_261 = arith.constant 0 : i32
        %dma_start3A_262 = tpu.memref_slice %arg3[%add3A_31, %dma_start3A_260, %dma_start3A_261] : memref<320x16x64xi32, #tpu.memory_space<hbm>> -> memref<1x16x64xi32, #tpu.memory_space<hbm>>
        %dma_start3A_263 = tpu.memref_squeeze %dma_start3A_262 : memref<1x16x64xi32, #tpu.memory_space<hbm>> -> memref<16x64xi32, #tpu.memory_space<hbm>>
        %dma_start3A_264 = arith.constant 0 : i32
        %dma_start3A_265 = arith.constant 0 : i32
        %dma_start3A_266 = tpu.memref_slice %arg3[%add3A_31, %dma_start3A_264, %dma_start3A_265] : memref<320x16x64xi32, #tpu.memory_space<hbm>> -> memref<1x16x64xi32, #tpu.memory_space<hbm>>
        %dma_start3A_267 = tpu.memref_squeeze %dma_start3A_266 : memref<1x16x64xi32, #tpu.memory_space<hbm>> -> memref<16x64xi32, #tpu.memory_space<hbm>>
        tpu.enqueue_dma source(%dma_start3A_267 : memref<16x64xi32, #tpu.memory_space<hbm>>) target(%arg6 : memref<16x64xi32, #tpu.memory_space<vmem>>) target_semaphore(%run_scoped3A : memref<!tpu.dma_semaphore, #tpu.memory_space<semaphore_mem>>)
        %dma_wait3A_268 = arith.constant 0 : i32
        %dma_wait3A_269 = arith.constant 0 : i32
        %dma_wait3A_270 = tpu.memref_slice %arg3[%add3A_31, %dma_wait3A_268, %dma_wait3A_269] : memref<320x16x64xi32, #tpu.memory_space<hbm>> -> memref<1x16x64xi32, #tpu.memory_space<hbm>>
        %dma_wait3A_271 = tpu.memref_squeeze %dma_wait3A_270 : memref<1x16x64xi32, #tpu.memory_space<hbm>> -> memref<16x64xi32, #tpu.memory_space<hbm>>
        %dma_wait3A_272 = arith.constant 0 : i32
        %dma_wait3A_273 = arith.constant 0 : i32
        %dma_wait3A_274 = tpu.memref_slice %arg3[%add3A_31, %dma_wait3A_272, %dma_wait3A_273] : memref<320x16x64xi32, #tpu.memory_space<hbm>> -> memref<1x16x64xi32, #tpu.memory_space<hbm>>
        %dma_wait3A_275 = tpu.memref_squeeze %dma_wait3A_274 : memref<1x16x64xi32, #tpu.memory_space<hbm>> -> memref<16x64xi32, #tpu.memory_space<hbm>>
        tpu.wait_dma2 semaphore(%run_scoped3A : memref<!tpu.dma_semaphore, #tpu.memory_space<semaphore_mem>>) src(%dma_wait3A_275 : memref<16x64xi32, #tpu.memory_space<hbm>>) dst(%arg6 : memref<16x64xi32, #tpu.memory_space<vmem>>)
        tpu.yield
      }) : () -> ()
      %add3A_32 = arith.addi %select_n3A_12, %while3A_30 : i32
      "tpu.region"() ({
        %run_scoped3A = tpu.sem_alloc : memref<!tpu.dma_semaphore, #tpu.memory_space<semaphore_mem>>
        %dma_start3A_260 = arith.constant 0 : i32
        %dma_start3A_261 = arith.constant 0 : i32
        %dma_start3A_262 = tpu.memref_slice %arg4[%add3A_32, %dma_start3A_260, %dma_start3A_261] : memref<320x16x64xi32, #tpu.memory_space<hbm>> -> memref<1x16x64xi32, #tpu.memory_space<hbm>>
        %dma_start3A_263 = tpu.memref_squeeze %dma_start3A_262 : memref<1x16x64xi32, #tpu.memory_space<hbm>> -> memref<16x64xi32, #tpu.memory_space<hbm>>
        %dma_start3A_264 = arith.constant 0 : i32
        %dma_start3A_265 = arith.constant 0 : i32
        %dma_start3A_266 = tpu.memref_slice %arg4[%add3A_32, %dma_start3A_264, %dma_start3A_265] : memref<320x16x64xi32, #tpu.memory_space<hbm>> -> memref<1x16x64xi32, #tpu.memory_space<hbm>>
        %dma_start3A_267 = tpu.memref_squeeze %dma_start3A_266 : memref<1x16x64xi32, #tpu.memory_space<hbm>> -> memref<16x64xi32, #tpu.memory_space<hbm>>
        tpu.enqueue_dma source(%dma_start3A_267 : memref<16x64xi32, #tpu.memory_space<hbm>>) target(%arg7 : memref<16x64xi32, #tpu.memory_space<vmem>>) target_semaphore(%run_scoped3A : memref<!tpu.dma_semaphore, #tpu.memory_space<semaphore_mem>>)
        %dma_wait3A_268 = arith.constant 0 : i32
        %dma_wait3A_269 = arith.constant 0 : i32
        %dma_wait3A_270 = tpu.memref_slice %arg4[%add3A_32, %dma_wait3A_268, %dma_wait3A_269] : memref<320x16x64xi32, #tpu.memory_space<hbm>> -> memref<1x16x64xi32, #tpu.memory_space<hbm>>
        %dma_wait3A_271 = tpu.memref_squeeze %dma_wait3A_270 : memref<1x16x64xi32, #tpu.memory_space<hbm>> -> memref<16x64xi32, #tpu.memory_space<hbm>>
        %dma_wait3A_272 = arith.constant 0 : i32
        %dma_wait3A_273 = arith.constant 0 : i32
        %dma_wait3A_274 = tpu.memref_slice %arg4[%add3A_32, %dma_wait3A_272, %dma_wait3A_273] : memref<320x16x64xi32, #tpu.memory_space<hbm>> -> memref<1x16x64xi32, #tpu.memory_space<hbm>>
        %dma_wait3A_275 = tpu.memref_squeeze %dma_wait3A_274 : memref<1x16x64xi32, #tpu.memory_space<hbm>> -> memref<16x64xi32, #tpu.memory_space<hbm>>
        tpu.wait_dma2 semaphore(%run_scoped3A : memref<!tpu.dma_semaphore, #tpu.memory_space<semaphore_mem>>) src(%dma_wait3A_275 : memref<16x64xi32, #tpu.memory_space<hbm>>) dst(%arg7 : memref<16x64xi32, #tpu.memory_space<vmem>>)
        tpu.yield
      }) : () -> ()
      %dma_start3A = arith.constant 0 : i32
      %dma_start3A_33 = arith.constant 0 : i32
      %dma_start3A_34 = tpu.memref_slice %arg6[%dma_start3A, %dma_start3A_33] : memref<16x64xi32, #tpu.memory_space<vmem>> -> memref<1x64xi32, #tpu.memory_space<vmem>>
      %dma_start3A_35 = tpu.memref_squeeze %dma_start3A_34 : memref<1x64xi32, #tpu.memory_space<vmem>> -> memref<64xi32, #tpu.memory_space<vmem>>
      %dma_start3A_36 = arith.constant 0 : i32
      %dma_start3A_37 = arith.constant 0 : i32
      %dma_start3A_38 = tpu.memref_slice %arg2[%dma_start3A_36, %dma_start3A_37] : memref<10000x128xf32, #tpu.memory_space<hbm>> -> memref<10000x128xf32, #tpu.memory_space<hbm>>
      tpu.enqueue_indirect_dma source(%dma_start3A_38 : memref<10000x128xf32, #tpu.memory_space<hbm>>) target(%arg8 : memref<64x128xf32, #tpu.memory_space<vmem>>) offsets(%dma_start3A_35 : memref<64xi32, #tpu.memory_space<vmem>>) semaphore(%arg13 : memref<!tpu.dma_semaphore, #tpu.memory_space<semaphore_mem>>)
      %dma_start3A_39 = arith.constant 1 : i32
      %dma_start3A_40 = arith.constant 0 : i32
      %dma_start3A_41 = tpu.memref_slice %arg6[%dma_start3A_39, %dma_start3A_40] : memref<16x64xi32, #tpu.memory_space<vmem>> -> memref<1x64xi32, #tpu.memory_space<vmem>>
      %dma_start3A_42 = tpu.memref_squeeze %dma_start3A_41 : memref<1x64xi32, #tpu.memory_space<vmem>> -> memref<64xi32, #tpu.memory_space<vmem>>
      %dma_start3A_43 = arith.constant 0 : i32
      %dma_start3A_44 = arith.constant 0 : i32
      %dma_start3A_45 = tpu.memref_slice %arg2[%dma_start3A_43, %dma_start3A_44] : memref<10000x128xf32, #tpu.memory_space<hbm>> -> memref<10000x128xf32, #tpu.memory_space<hbm>>
      tpu.enqueue_indirect_dma source(%dma_start3A_45 : memref<10000x128xf32, #tpu.memory_space<hbm>>) target(%arg9 : memref<64x128xf32, #tpu.memory_space<vmem>>) offsets(%dma_start3A_42 : memref<64xi32, #tpu.memory_space<vmem>>) semaphore(%arg14 : memref<!tpu.dma_semaphore, #tpu.memory_space<semaphore_mem>>)
      %dma_start3A_46 = arith.constant 2 : i32
      %dma_start3A_47 = arith.constant 0 : i32
      %dma_start3A_48 = tpu.memref_slice %arg6[%dma_start3A_46, %dma_start3A_47] : memref<16x64xi32, #tpu.memory_space<vmem>> -> memref<1x64xi32, #tpu.memory_space<vmem>>
      %dma_start3A_49 = tpu.memref_squeeze %dma_start3A_48 : memref<1x64xi32, #tpu.memory_space<vmem>> -> memref<64xi32, #tpu.memory_space<vmem>>
      %dma_start3A_50 = arith.constant 0 : i32
      %dma_start3A_51 = arith.constant 0 : i32
      %dma_start3A_52 = tpu.memref_slice %arg2[%dma_start3A_50, %dma_start3A_51] : memref<10000x128xf32, #tpu.memory_space<hbm>> -> memref<10000x128xf32, #tpu.memory_space<hbm>>
      tpu.enqueue_indirect_dma source(%dma_start3A_52 : memref<10000x128xf32, #tpu.memory_space<hbm>>) target(%arg10 : memref<64x128xf32, #tpu.memory_space<vmem>>) offsets(%dma_start3A_49 : memref<64xi32, #tpu.memory_space<vmem>>) semaphore(%arg15 : memref<!tpu.dma_semaphore, #tpu.memory_space<semaphore_mem>>)
      %dma_wait3A = arith.constant 0 : i32
      %dma_wait3A_53 = arith.constant 0 : i32
      %dma_wait3A_54 = tpu.memref_slice %arg6[%dma_wait3A, %dma_wait3A_53] : memref<16x64xi32, #tpu.memory_space<vmem>> -> memref<1x64xi32, #tpu.memory_space<vmem>>
      %dma_wait3A_55 = tpu.memref_squeeze %dma_wait3A_54 : memref<1x64xi32, #tpu.memory_space<vmem>> -> memref<64xi32, #tpu.memory_space<vmem>>
      %dma_wait3A_56 = arith.constant 0 : i32
      %dma_wait3A_57 = arith.constant 0 : i32
      %dma_wait3A_58 = tpu.memref_slice %arg2[%dma_wait3A_56, %dma_wait3A_57] : memref<10000x128xf32, #tpu.memory_space<hbm>> -> memref<10000x128xf32, #tpu.memory_space<hbm>>
      tpu.wait_indirect_dma semaphore(%arg13 : memref<!tpu.dma_semaphore, #tpu.memory_space<semaphore_mem>>) src(%dma_wait3A_58 : memref<10000x128xf32, #tpu.memory_space<hbm>>) dst(%arg8 : memref<64x128xf32, #tpu.memory_space<vmem>>)
      %dma_start3A_59 = arith.constant 0 : i32
      %dma_start3A_60 = arith.constant 0 : i32
      %dma_start3A_61 = tpu.memref_slice %arg7[%dma_start3A_59, %dma_start3A_60] : memref<16x64xi32, #tpu.memory_space<vmem>> -> memref<1x64xi32, #tpu.memory_space<vmem>>
      %dma_start3A_62 = tpu.memref_squeeze %dma_start3A_61 : memref<1x64xi32, #tpu.memory_space<vmem>> -> memref<64xi32, #tpu.memory_space<vmem>>
      %dma_start3A_63 = arith.constant 0 : i32
      %dma_start3A_64 = arith.constant 0 : i32
      %dma_start3A_65 = tpu.memref_slice %arg12[%dma_start3A_63, %dma_start3A_64] : memref<10112x128xf32, #tpu.memory_space<vmem_shared>> -> memref<10112x128xf32, #tpu.memory_space<vmem_shared>>
      tpu.enqueue_indirect_dma source(%arg8 : memref<64x128xf32, #tpu.memory_space<vmem>>) target(%dma_start3A_65 : memref<10112x128xf32, #tpu.memory_space<vmem_shared>>) offsets(%dma_start3A_62 : memref<64xi32, #tpu.memory_space<vmem>>) semaphore(%arg17 : memref<!tpu.dma_semaphore, #tpu.memory_space<semaphore_mem>>) {add = true}
      %dma_start3A_66 = arith.constant 3 : i32
      %dma_start3A_67 = arith.constant 0 : i32
      %dma_start3A_68 = tpu.memref_slice %arg6[%dma_start3A_66, %dma_start3A_67] : memref<16x64xi32, #tpu.memory_space<vmem>> -> memref<1x64xi32, #tpu.memory_space<vmem>>
      %dma_start3A_69 = tpu.memref_squeeze %dma_start3A_68 : memref<1x64xi32, #tpu.memory_space<vmem>> -> memref<64xi32, #tpu.memory_space<vmem>>
      %dma_start3A_70 = arith.constant 0 : i32
      %dma_start3A_71 = arith.constant 0 : i32
      %dma_start3A_72 = tpu.memref_slice %arg2[%dma_start3A_70, %dma_start3A_71] : memref<10000x128xf32, #tpu.memory_space<hbm>> -> memref<10000x128xf32, #tpu.memory_space<hbm>>
      tpu.enqueue_indirect_dma source(%dma_start3A_72 : memref<10000x128xf32, #tpu.memory_space<hbm>>) target(%arg11 : memref<64x128xf32, #tpu.memory_space<vmem>>) offsets(%dma_start3A_69 : memref<64xi32, #tpu.memory_space<vmem>>) semaphore(%arg16 : memref<!tpu.dma_semaphore, #tpu.memory_space<semaphore_mem>>)
      %dma_wait3A_73 = arith.constant 0 : i32
      %dma_wait3A_74 = arith.constant 0 : i32
      %dma_wait3A_75 = tpu.memref_slice %arg6[%dma_wait3A_73, %dma_wait3A_74] : memref<16x64xi32, #tpu.memory_space<vmem>> -> memref<1x64xi32, #tpu.memory_space<vmem>>
      %dma_wait3A_76 = tpu.memref_squeeze %dma_wait3A_75 : memref<1x64xi32, #tpu.memory_space<vmem>> -> memref<64xi32, #tpu.memory_space<vmem>>
      %dma_wait3A_77 = arith.constant 0 : i32
      %dma_wait3A_78 = arith.constant 0 : i32
      %dma_wait3A_79 = tpu.memref_slice %arg2[%dma_wait3A_77, %dma_wait3A_78] : memref<10000x128xf32, #tpu.memory_space<hbm>> -> memref<10000x128xf32, #tpu.memory_space<hbm>>
      tpu.wait_indirect_dma semaphore(%arg14 : memref<!tpu.dma_semaphore, #tpu.memory_space<semaphore_mem>>) src(%dma_wait3A_79 : memref<10000x128xf32, #tpu.memory_space<hbm>>) dst(%arg9 : memref<64x128xf32, #tpu.memory_space<vmem>>)
      %dma_start3A_80 = arith.constant 1 : i32
      %dma_start3A_81 = arith.constant 0 : i32
      %dma_start3A_82 = tpu.memref_slice %arg7[%dma_start3A_80, %dma_start3A_81] : memref<16x64xi32, #tpu.memory_space<vmem>> -> memref<1x64xi32, #tpu.memory_space<vmem>>
      %dma_start3A_83 = tpu.memref_squeeze %dma_start3A_82 : memref<1x64xi32, #tpu.memory_space<vmem>> -> memref<64xi32, #tpu.memory_space<vmem>>
      %dma_start3A_84 = arith.constant 0 : i32
      %dma_start3A_85 = arith.constant 0 : i32
      %dma_start3A_86 = tpu.memref_slice %arg12[%dma_start3A_84, %dma_start3A_85] : memref<10112x128xf32, #tpu.memory_space<vmem_shared>> -> memref<10112x128xf32, #tpu.memory_space<vmem_shared>>
      tpu.enqueue_indirect_dma source(%arg9 : memref<64x128xf32, #tpu.memory_space<vmem>>) target(%dma_start3A_86 : memref<10112x128xf32, #tpu.memory_space<vmem_shared>>) offsets(%dma_start3A_83 : memref<64xi32, #tpu.memory_space<vmem>>) semaphore(%arg18 : memref<!tpu.dma_semaphore, #tpu.memory_space<semaphore_mem>>) {add = true}
      %dma_wait3A_87 = arith.constant 0 : i32
      %dma_wait3A_88 = arith.constant 0 : i32
      %dma_wait3A_89 = tpu.memref_slice %arg7[%dma_wait3A_87, %dma_wait3A_88] : memref<16x64xi32, #tpu.memory_space<vmem>> -> memref<1x64xi32, #tpu.memory_space<vmem>>
      %dma_wait3A_90 = tpu.memref_squeeze %dma_wait3A_89 : memref<1x64xi32, #tpu.memory_space<vmem>> -> memref<64xi32, #tpu.memory_space<vmem>>
      %dma_wait3A_91 = arith.constant 0 : i32
      %dma_wait3A_92 = arith.constant 0 : i32
      %dma_wait3A_93 = tpu.memref_slice %arg12[%dma_wait3A_91, %dma_wait3A_92] : memref<10112x128xf32, #tpu.memory_space<vmem_shared>> -> memref<10112x128xf32, #tpu.memory_space<vmem_shared>>
      tpu.wait_indirect_dma semaphore(%arg17 : memref<!tpu.dma_semaphore, #tpu.memory_space<semaphore_mem>>) src(%arg8 : memref<64x128xf32, #tpu.memory_space<vmem>>) dst(%dma_wait3A_93 : memref<10112x128xf32, #tpu.memory_space<vmem_shared>>)
      %dma_start3A_94 = arith.constant 4 : i32
      %dma_start3A_95 = arith.constant 0 : i32
      %dma_start3A_96 = tpu.memref_slice %arg6[%dma_start3A_94, %dma_start3A_95] : memref<16x64xi32, #tpu.memory_space<vmem>> -> memref<1x64xi32, #tpu.memory_space<vmem>>
      %dma_start3A_97 = tpu.memref_squeeze %dma_start3A_96 : memref<1x64xi32, #tpu.memory_space<vmem>> -> memref<64xi32, #tpu.memory_space<vmem>>
      %dma_start3A_98 = arith.constant 0 : i32
      %dma_start3A_99 = arith.constant 0 : i32
      %dma_start3A_100 = tpu.memref_slice %arg2[%dma_start3A_98, %dma_start3A_99] : memref<10000x128xf32, #tpu.memory_space<hbm>> -> memref<10000x128xf32, #tpu.memory_space<hbm>>
      tpu.enqueue_indirect_dma source(%dma_start3A_100 : memref<10000x128xf32, #tpu.memory_space<hbm>>) target(%arg8 : memref<64x128xf32, #tpu.memory_space<vmem>>) offsets(%dma_start3A_97 : memref<64xi32, #tpu.memory_space<vmem>>) semaphore(%arg13 : memref<!tpu.dma_semaphore, #tpu.memory_space<semaphore_mem>>)
      %dma_wait3A_101 = arith.constant 0 : i32
      %dma_wait3A_102 = arith.constant 0 : i32
      %dma_wait3A_103 = tpu.memref_slice %arg6[%dma_wait3A_101, %dma_wait3A_102] : memref<16x64xi32, #tpu.memory_space<vmem>> -> memref<1x64xi32, #tpu.memory_space<vmem>>
      %dma_wait3A_104 = tpu.memref_squeeze %dma_wait3A_103 : memref<1x64xi32, #tpu.memory_space<vmem>> -> memref<64xi32, #tpu.memory_space<vmem>>
      %dma_wait3A_105 = arith.constant 0 : i32
      %dma_wait3A_106 = arith.constant 0 : i32
      %dma_wait3A_107 = tpu.memref_slice %arg2[%dma_wait3A_105, %dma_wait3A_106] : memref<10000x128xf32, #tpu.memory_space<hbm>> -> memref<10000x128xf32, #tpu.memory_space<hbm>>
      tpu.wait_indirect_dma semaphore(%arg15 : memref<!tpu.dma_semaphore, #tpu.memory_space<semaphore_mem>>) src(%dma_wait3A_107 : memref<10000x128xf32, #tpu.memory_space<hbm>>) dst(%arg10 : memref<64x128xf32, #tpu.memory_space<vmem>>)
      %dma_start3A_108 = arith.constant 2 : i32
      %dma_start3A_109 = arith.constant 0 : i32
      %dma_start3A_110 = tpu.memref_slice %arg7[%dma_start3A_108, %dma_start3A_109] : memref<16x64xi32, #tpu.memory_space<vmem>> -> memref<1x64xi32, #tpu.memory_space<vmem>>
      %dma_start3A_111 = tpu.memref_squeeze %dma_start3A_110 : memref<1x64xi32, #tpu.memory_space<vmem>> -> memref<64xi32, #tpu.memory_space<vmem>>
      %dma_start3A_112 = arith.constant 0 : i32
      %dma_start3A_113 = arith.constant 0 : i32
      %dma_start3A_114 = tpu.memref_slice %arg12[%dma_start3A_112, %dma_start3A_113] : memref<10112x128xf32, #tpu.memory_space<vmem_shared>> -> memref<10112x128xf32, #tpu.memory_space<vmem_shared>>
      tpu.enqueue_indirect_dma source(%arg10 : memref<64x128xf32, #tpu.memory_space<vmem>>) target(%dma_start3A_114 : memref<10112x128xf32, #tpu.memory_space<vmem_shared>>) offsets(%dma_start3A_111 : memref<64xi32, #tpu.memory_space<vmem>>) semaphore(%arg19 : memref<!tpu.dma_semaphore, #tpu.memory_space<semaphore_mem>>) {add = true}
      %dma_wait3A_115 = arith.constant 0 : i32
      %dma_wait3A_116 = arith.constant 0 : i32
      %dma_wait3A_117 = tpu.memref_slice %arg7[%dma_wait3A_115, %dma_wait3A_116] : memref<16x64xi32, #tpu.memory_space<vmem>> -> memref<1x64xi32, #tpu.memory_space<vmem>>
      %dma_wait3A_118 = tpu.memref_squeeze %dma_wait3A_117 : memref<1x64xi32, #tpu.memory_space<vmem>> -> memref<64xi32, #tpu.memory_space<vmem>>
      %dma_wait3A_119 = arith.constant 0 : i32
      %dma_wait3A_120 = arith.constant 0 : i32
      %dma_wait3A_121 = tpu.memref_slice %arg12[%dma_wait3A_119, %dma_wait3A_120] : memref<10112x128xf32, #tpu.memory_space<vmem_shared>> -> memref<10112x128xf32, #tpu.memory_space<vmem_shared>>
      tpu.wait_indirect_dma semaphore(%arg18 : memref<!tpu.dma_semaphore, #tpu.memory_space<semaphore_mem>>) src(%arg9 : memref<64x128xf32, #tpu.memory_space<vmem>>) dst(%dma_wait3A_121 : memref<10112x128xf32, #tpu.memory_space<vmem_shared>>)
      %dma_start3A_122 = arith.constant 5 : i32
      %dma_start3A_123 = arith.constant 0 : i32
      %dma_start3A_124 = tpu.memref_slice %arg6[%dma_start3A_122, %dma_start3A_123] : memref<16x64xi32, #tpu.memory_space<vmem>> -> memref<1x64xi32, #tpu.memory_space<vmem>>
      %dma_start3A_125 = tpu.memref_squeeze %dma_start3A_124 : memref<1x64xi32, #tpu.memory_space<vmem>> -> memref<64xi32, #tpu.memory_space<vmem>>
      %dma_start3A_126 = arith.constant 0 : i32
      %dma_start3A_127 = arith.constant 0 : i32
      %dma_start3A_128 = tpu.memref_slice %arg2[%dma_start3A_126, %dma_start3A_127] : memref<10000x128xf32, #tpu.memory_space<hbm>> -> memref<10000x128xf32, #tpu.memory_space<hbm>>
      tpu.enqueue_indirect_dma source(%dma_start3A_128 : memref<10000x128xf32, #tpu.memory_space<hbm>>) target(%arg9 : memref<64x128xf32, #tpu.memory_space<vmem>>) offsets(%dma_start3A_125 : memref<64xi32, #tpu.memory_space<vmem>>) semaphore(%arg14 : memref<!tpu.dma_semaphore, #tpu.memory_space<semaphore_mem>>)
      %dma_wait3A_129 = arith.constant 0 : i32
      %dma_wait3A_130 = arith.constant 0 : i32
      %dma_wait3A_131 = tpu.memref_slice %arg6[%dma_wait3A_129, %dma_wait3A_130] : memref<16x64xi32, #tpu.memory_space<vmem>> -> memref<1x64xi32, #tpu.memory_space<vmem>>
      %dma_wait3A_132 = tpu.memref_squeeze %dma_wait3A_131 : memref<1x64xi32, #tpu.memory_space<vmem>> -> memref<64xi32, #tpu.memory_space<vmem>>
      %dma_wait3A_133 = arith.constant 0 : i32
      %dma_wait3A_134 = arith.constant 0 : i32
      %dma_wait3A_135 = tpu.memref_slice %arg2[%dma_wait3A_133, %dma_wait3A_134] : memref<10000x128xf32, #tpu.memory_space<hbm>> -> memref<10000x128xf32, #tpu.memory_space<hbm>>
      tpu.wait_indirect_dma semaphore(%arg16 : memref<!tpu.dma_semaphore, #tpu.memory_space<semaphore_mem>>) src(%dma_wait3A_135 : memref<10000x128xf32, #tpu.memory_space<hbm>>) dst(%arg11 : memref<64x128xf32, #tpu.memory_space<vmem>>)
      %dma_start3A_136 = arith.constant 3 : i32
      %dma_start3A_137 = arith.constant 0 : i32
      %dma_start3A_138 = tpu.memref_slice %arg7[%dma_start3A_136, %dma_start3A_137] : memref<16x64xi32, #tpu.memory_space<vmem>> -> memref<1x64xi32, #tpu.memory_space<vmem>>
      %dma_start3A_139 = tpu.memref_squeeze %dma_start3A_138 : memref<1x64xi32, #tpu.memory_space<vmem>> -> memref<64xi32, #tpu.memory_space<vmem>>
      %dma_start3A_140 = arith.constant 0 : i32
      %dma_start3A_141 = arith.constant 0 : i32
      %dma_start3A_142 = tpu.memref_slice %arg12[%dma_start3A_140, %dma_start3A_141] : memref<10112x128xf32, #tpu.memory_space<vmem_shared>> -> memref<10112x128xf32, #tpu.memory_space<vmem_shared>>
      tpu.enqueue_indirect_dma source(%arg11 : memref<64x128xf32, #tpu.memory_space<vmem>>) target(%dma_start3A_142 : memref<10112x128xf32, #tpu.memory_space<vmem_shared>>) offsets(%dma_start3A_139 : memref<64xi32, #tpu.memory_space<vmem>>) semaphore(%arg20 : memref<!tpu.dma_semaphore, #tpu.memory_space<semaphore_mem>>) {add = true}
      %dma_wait3A_143 = arith.constant 0 : i32
      %dma_wait3A_144 = arith.constant 0 : i32
      %dma_wait3A_145 = tpu.memref_slice %arg7[%dma_wait3A_143, %dma_wait3A_144] : memref<16x64xi32, #tpu.memory_space<vmem>> -> memref<1x64xi32, #tpu.memory_space<vmem>>
      %dma_wait3A_146 = tpu.memref_squeeze %dma_wait3A_145 : memref<1x64xi32, #tpu.memory_space<vmem>> -> memref<64xi32, #tpu.memory_space<vmem>>
      %dma_wait3A_147 = arith.constant 0 : i32
      %dma_wait3A_148 = arith.constant 0 : i32
      %dma_wait3A_149 = tpu.memref_slice %arg12[%dma_wait3A_147, %dma_wait3A_148] : memref<10112x128xf32, #tpu.memory_space<vmem_shared>> -> memref<10112x128xf32, #tpu.memory_space<vmem_shared>>
      tpu.wait_indirect_dma semaphore(%arg19 : memref<!tpu.dma_semaphore, #tpu.memory_space<semaphore_mem>>) src(%arg10 : memref<64x128xf32, #tpu.memory_space<vmem>>) dst(%dma_wait3A_149 : memref<10112x128xf32, #tpu.memory_space<vmem_shared>>)
      %dma_start3A_150 = arith.constant 6 : i32
      %dma_start3A_151 = arith.constant 0 : i32
      %dma_start3A_152 = tpu.memref_slice %arg6[%dma_start3A_150, %dma_start3A_151] : memref<16x64xi32, #tpu.memory_space<vmem>> -> memref<1x64xi32, #tpu.memory_space<vmem>>
      %dma_start3A_153 = tpu.memref_squeeze %dma_start3A_152 : memref<1x64xi32, #tpu.memory_space<vmem>> -> memref<64xi32, #tpu.memory_space<vmem>>
      %dma_start3A_154 = arith.constant 0 : i32
      %dma_start3A_155 = arith.constant 0 : i32
      %dma_start3A_156 = tpu.memref_slice %arg2[%dma_start3A_154, %dma_start3A_155] : memref<10000x128xf32, #tpu.memory_space<hbm>> -> memref<10000x128xf32, #tpu.memory_space<hbm>>
      tpu.enqueue_indirect_dma source(%dma_start3A_156 : memref<10000x128xf32, #tpu.memory_space<hbm>>) target(%arg10 : memref<64x128xf32, #tpu.memory_space<vmem>>) offsets(%dma_start3A_153 : memref<64xi32, #tpu.memory_space<vmem>>) semaphore(%arg15 : memref<!tpu.dma_semaphore, #tpu.memory_space<semaphore_mem>>)
      %scan3A = arith.constant 0 : i32
      %scan3A_157 = arith.constant 1 : i32
      %scan3A_158 = arith.constant 2 : i32
      %scan3A_159 = arith.addi %scan3A_157, %scan3A_158 : i32
      %scan3A_160 = arith.constant 1 : i32
      scf.for %scan3A_260 = %scan3A_157 to %scan3A_159 step %scan3A_160  : i32 {
        %mul3A_261 = arith.constant 4 : i32
        %mul3A_262 = arith.muli %scan3A_260, %mul3A_261 : i32
        %add3A_263 = arith.constant 0 : i32
        %add3A_264 = arith.addi %mul3A_262, %add3A_263 : i32
        %dma_wait3A_265 = arith.constant 0 : i32
        %dma_wait3A_266 = arith.constant 0 : i32
        %dma_wait3A_267 = tpu.memref_slice %arg6[%dma_wait3A_265, %dma_wait3A_266] : memref<16x64xi32, #tpu.memory_space<vmem>> -> memref<1x64xi32, #tpu.memory_space<vmem>>
        %dma_wait3A_268 = tpu.memref_squeeze %dma_wait3A_267 : memref<1x64xi32, #tpu.memory_space<vmem>> -> memref<64xi32, #tpu.memory_space<vmem>>
        %dma_wait3A_269 = arith.constant 0 : i32
        %dma_wait3A_270 = arith.constant 0 : i32
        %dma_wait3A_271 = tpu.memref_slice %arg2[%dma_wait3A_269, %dma_wait3A_270] : memref<10000x128xf32, #tpu.memory_space<hbm>> -> memref<10000x128xf32, #tpu.memory_space<hbm>>
        tpu.wait_indirect_dma semaphore(%arg13 : memref<!tpu.dma_semaphore, #tpu.memory_space<semaphore_mem>>) src(%dma_wait3A_271 : memref<10000x128xf32, #tpu.memory_space<hbm>>) dst(%arg8 : memref<64x128xf32, #tpu.memory_space<vmem>>)
        %dma_start3A_272 = arith.constant 0 : i32
        %dma_start3A_273 = tpu.memref_slice %arg7[%add3A_264, %dma_start3A_272] : memref<16x64xi32, #tpu.memory_space<vmem>> -> memref<1x64xi32, #tpu.memory_space<vmem>>
        %dma_start3A_274 = tpu.memref_squeeze %dma_start3A_273 : memref<1x64xi32, #tpu.memory_space<vmem>> -> memref<64xi32, #tpu.memory_space<vmem>>
        %dma_start3A_275 = arith.constant 0 : i32
        %dma_start3A_276 = arith.constant 0 : i32
        %dma_start3A_277 = tpu.memref_slice %arg12[%dma_start3A_275, %dma_start3A_276] : memref<10112x128xf32, #tpu.memory_space<vmem_shared>> -> memref<10112x128xf32, #tpu.memory_space<vmem_shared>>
        tpu.enqueue_indirect_dma source(%arg8 : memref<64x128xf32, #tpu.memory_space<vmem>>) target(%dma_start3A_277 : memref<10112x128xf32, #tpu.memory_space<vmem_shared>>) offsets(%dma_start3A_274 : memref<64xi32, #tpu.memory_space<vmem>>) semaphore(%arg17 : memref<!tpu.dma_semaphore, #tpu.memory_space<semaphore_mem>>) {add = true}
        %dma_wait3A_278 = arith.constant 0 : i32
        %dma_wait3A_279 = arith.constant 0 : i32
        %dma_wait3A_280 = tpu.memref_slice %arg7[%dma_wait3A_278, %dma_wait3A_279] : memref<16x64xi32, #tpu.memory_space<vmem>> -> memref<1x64xi32, #tpu.memory_space<vmem>>
        %dma_wait3A_281 = tpu.memref_squeeze %dma_wait3A_280 : memref<1x64xi32, #tpu.memory_space<vmem>> -> memref<64xi32, #tpu.memory_space<vmem>>
        %dma_wait3A_282 = arith.constant 0 : i32
        %dma_wait3A_283 = arith.constant 0 : i32
        %dma_wait3A_284 = tpu.memref_slice %arg12[%dma_wait3A_282, %dma_wait3A_283] : memref<10112x128xf32, #tpu.memory_space<vmem_shared>> -> memref<10112x128xf32, #tpu.memory_space<vmem_shared>>
        tpu.wait_indirect_dma semaphore(%arg20 : memref<!tpu.dma_semaphore, #tpu.memory_space<semaphore_mem>>) src(%arg11 : memref<64x128xf32, #tpu.memory_space<vmem>>) dst(%dma_wait3A_284 : memref<10112x128xf32, #tpu.memory_space<vmem_shared>>)
        %add3A_285 = arith.constant 4 : i32
        %add3A_286 = arith.addi %add3A_264, %add3A_285 : i32
        %sub3A = arith.constant 1 : i32
        %sub3A_287 = arith.subi %add3A_286, %sub3A : i32
        %dma_start3A_288 = arith.constant 0 : i32
        %dma_start3A_289 = tpu.memref_slice %arg6[%sub3A_287, %dma_start3A_288] : memref<16x64xi32, #tpu.memory_space<vmem>> -> memref<1x64xi32, #tpu.memory_space<vmem>>
        %dma_start3A_290 = tpu.memref_squeeze %dma_start3A_289 : memref<1x64xi32, #tpu.memory_space<vmem>> -> memref<64xi32, #tpu.memory_space<vmem>>
        %dma_start3A_291 = arith.constant 0 : i32
        %dma_start3A_292 = arith.constant 0 : i32
        %dma_start3A_293 = tpu.memref_slice %arg2[%dma_start3A_291, %dma_start3A_292] : memref<10000x128xf32, #tpu.memory_space<hbm>> -> memref<10000x128xf32, #tpu.memory_space<hbm>>
        tpu.enqueue_indirect_dma source(%dma_start3A_293 : memref<10000x128xf32, #tpu.memory_space<hbm>>) target(%arg11 : memref<64x128xf32, #tpu.memory_space<vmem>>) offsets(%dma_start3A_290 : memref<64xi32, #tpu.memory_space<vmem>>) semaphore(%arg16 : memref<!tpu.dma_semaphore, #tpu.memory_space<semaphore_mem>>)
        %add3A_294 = arith.constant 1 : i32
        %add3A_295 = arith.addi %mul3A_262, %add3A_294 : i32
        %dma_wait3A_296 = arith.constant 0 : i32
        %dma_wait3A_297 = arith.constant 0 : i32
        %dma_wait3A_298 = tpu.memref_slice %arg6[%dma_wait3A_296, %dma_wait3A_297] : memref<16x64xi32, #tpu.memory_space<vmem>> -> memref<1x64xi32, #tpu.memory_space<vmem>>
        %dma_wait3A_299 = tpu.memref_squeeze %dma_wait3A_298 : memref<1x64xi32, #tpu.memory_space<vmem>> -> memref<64xi32, #tpu.memory_space<vmem>>
        %dma_wait3A_300 = arith.constant 0 : i32
        %dma_wait3A_301 = arith.constant 0 : i32
        %dma_wait3A_302 = tpu.memref_slice %arg2[%dma_wait3A_300, %dma_wait3A_301] : memref<10000x128xf32, #tpu.memory_space<hbm>> -> memref<10000x128xf32, #tpu.memory_space<hbm>>
        tpu.wait_indirect_dma semaphore(%arg14 : memref<!tpu.dma_semaphore, #tpu.memory_space<semaphore_mem>>) src(%dma_wait3A_302 : memref<10000x128xf32, #tpu.memory_space<hbm>>) dst(%arg9 : memref<64x128xf32, #tpu.memory_space<vmem>>)
        %dma_start3A_303 = arith.constant 0 : i32
        %dma_start3A_304 = tpu.memref_slice %arg7[%add3A_295, %dma_start3A_303] : memref<16x64xi32, #tpu.memory_space<vmem>> -> memref<1x64xi32, #tpu.memory_space<vmem>>
        %dma_start3A_305 = tpu.memref_squeeze %dma_start3A_304 : memref<1x64xi32, #tpu.memory_space<vmem>> -> memref<64xi32, #tpu.memory_space<vmem>>
        %dma_start3A_306 = arith.constant 0 : i32
        %dma_start3A_307 = arith.constant 0 : i32
        %dma_start3A_308 = tpu.memref_slice %arg12[%dma_start3A_306, %dma_start3A_307] : memref<10112x128xf32, #tpu.memory_space<vmem_shared>> -> memref<10112x128xf32, #tpu.memory_space<vmem_shared>>
        tpu.enqueue_indirect_dma source(%arg9 : memref<64x128xf32, #tpu.memory_space<vmem>>) target(%dma_start3A_308 : memref<10112x128xf32, #tpu.memory_space<vmem_shared>>) offsets(%dma_start3A_305 : memref<64xi32, #tpu.memory_space<vmem>>) semaphore(%arg18 : memref<!tpu.dma_semaphore, #tpu.memory_space<semaphore_mem>>) {add = true}
        %dma_wait3A_309 = arith.constant 0 : i32
        %dma_wait3A_310 = arith.constant 0 : i32
        %dma_wait3A_311 = tpu.memref_slice %arg7[%dma_wait3A_309, %dma_wait3A_310] : memref<16x64xi32, #tpu.memory_space<vmem>> -> memref<1x64xi32, #tpu.memory_space<vmem>>
        %dma_wait3A_312 = tpu.memref_squeeze %dma_wait3A_311 : memref<1x64xi32, #tpu.memory_space<vmem>> -> memref<64xi32, #tpu.memory_space<vmem>>
        %dma_wait3A_313 = arith.constant 0 : i32
        %dma_wait3A_314 = arith.constant 0 : i32
        %dma_wait3A_315 = tpu.memref_slice %arg12[%dma_wait3A_313, %dma_wait3A_314] : memref<10112x128xf32, #tpu.memory_space<vmem_shared>> -> memref<10112x128xf32, #tpu.memory_space<vmem_shared>>
        tpu.wait_indirect_dma semaphore(%arg17 : memref<!tpu.dma_semaphore, #tpu.memory_space<semaphore_mem>>) src(%arg8 : memref<64x128xf32, #tpu.memory_space<vmem>>) dst(%dma_wait3A_315 : memref<10112x128xf32, #tpu.memory_space<vmem_shared>>)
        %add3A_316 = arith.constant 4 : i32
        %add3A_317 = arith.addi %add3A_295, %add3A_316 : i32
        %sub3A_318 = arith.constant 1 : i32
        %sub3A_319 = arith.subi %add3A_317, %sub3A_318 : i32
        %dma_start3A_320 = arith.constant 0 : i32
        %dma_start3A_321 = tpu.memref_slice %arg6[%sub3A_319, %dma_start3A_320] : memref<16x64xi32, #tpu.memory_space<vmem>> -> memref<1x64xi32, #tpu.memory_space<vmem>>
        %dma_start3A_322 = tpu.memref_squeeze %dma_start3A_321 : memref<1x64xi32, #tpu.memory_space<vmem>> -> memref<64xi32, #tpu.memory_space<vmem>>
        %dma_start3A_323 = arith.constant 0 : i32
        %dma_start3A_324 = arith.constant 0 : i32
        %dma_start3A_325 = tpu.memref_slice %arg2[%dma_start3A_323, %dma_start3A_324] : memref<10000x128xf32, #tpu.memory_space<hbm>> -> memref<10000x128xf32, #tpu.memory_space<hbm>>
        tpu.enqueue_indirect_dma source(%dma_start3A_325 : memref<10000x128xf32, #tpu.memory_space<hbm>>) target(%arg8 : memref<64x128xf32, #tpu.memory_space<vmem>>) offsets(%dma_start3A_322 : memref<64xi32, #tpu.memory_space<vmem>>) semaphore(%arg13 : memref<!tpu.dma_semaphore, #tpu.memory_space<semaphore_mem>>)
        %add3A_326 = arith.constant 2 : i32
        %add3A_327 = arith.addi %mul3A_262, %add3A_326 : i32
        %dma_wait3A_328 = arith.constant 0 : i32
        %dma_wait3A_329 = arith.constant 0 : i32
        %dma_wait3A_330 = tpu.memref_slice %arg6[%dma_wait3A_328, %dma_wait3A_329] : memref<16x64xi32, #tpu.memory_space<vmem>> -> memref<1x64xi32, #tpu.memory_space<vmem>>
        %dma_wait3A_331 = tpu.memref_squeeze %dma_wait3A_330 : memref<1x64xi32, #tpu.memory_space<vmem>> -> memref<64xi32, #tpu.memory_space<vmem>>
        %dma_wait3A_332 = arith.constant 0 : i32
        %dma_wait3A_333 = arith.constant 0 : i32
        %dma_wait3A_334 = tpu.memref_slice %arg2[%dma_wait3A_332, %dma_wait3A_333] : memref<10000x128xf32, #tpu.memory_space<hbm>> -> memref<10000x128xf32, #tpu.memory_space<hbm>>
        tpu.wait_indirect_dma semaphore(%arg15 : memref<!tpu.dma_semaphore, #tpu.memory_space<semaphore_mem>>) src(%dma_wait3A_334 : memref<10000x128xf32, #tpu.memory_space<hbm>>) dst(%arg10 : memref<64x128xf32, #tpu.memory_space<vmem>>)
        %dma_start3A_335 = arith.constant 0 : i32
        %dma_start3A_336 = tpu.memref_slice %arg7[%add3A_327, %dma_start3A_335] : memref<16x64xi32, #tpu.memory_space<vmem>> -> memref<1x64xi32, #tpu.memory_space<vmem>>
        %dma_start3A_337 = tpu.memref_squeeze %dma_start3A_336 : memref<1x64xi32, #tpu.memory_space<vmem>> -> memref<64xi32, #tpu.memory_space<vmem>>
        %dma_start3A_338 = arith.constant 0 : i32
        %dma_start3A_339 = arith.constant 0 : i32
        %dma_start3A_340 = tpu.memref_slice %arg12[%dma_start3A_338, %dma_start3A_339] : memref<10112x128xf32, #tpu.memory_space<vmem_shared>> -> memref<10112x128xf32, #tpu.memory_space<vmem_shared>>
        tpu.enqueue_indirect_dma source(%arg10 : memref<64x128xf32, #tpu.memory_space<vmem>>) target(%dma_start3A_340 : memref<10112x128xf32, #tpu.memory_space<vmem_shared>>) offsets(%dma_start3A_337 : memref<64xi32, #tpu.memory_space<vmem>>) semaphore(%arg19 : memref<!tpu.dma_semaphore, #tpu.memory_space<semaphore_mem>>) {add = true}
        %dma_wait3A_341 = arith.constant 0 : i32
        %dma_wait3A_342 = arith.constant 0 : i32
        %dma_wait3A_343 = tpu.memref_slice %arg7[%dma_wait3A_341, %dma_wait3A_342] : memref<16x64xi32, #tpu.memory_space<vmem>> -> memref<1x64xi32, #tpu.memory_space<vmem>>
        %dma_wait3A_344 = tpu.memref_squeeze %dma_wait3A_343 : memref<1x64xi32, #tpu.memory_space<vmem>> -> memref<64xi32, #tpu.memory_space<vmem>>
        %dma_wait3A_345 = arith.constant 0 : i32
        %dma_wait3A_346 = arith.constant 0 : i32
        %dma_wait3A_347 = tpu.memref_slice %arg12[%dma_wait3A_345, %dma_wait3A_346] : memref<10112x128xf32, #tpu.memory_space<vmem_shared>> -> memref<10112x128xf32, #tpu.memory_space<vmem_shared>>
        tpu.wait_indirect_dma semaphore(%arg18 : memref<!tpu.dma_semaphore, #tpu.memory_space<semaphore_mem>>) src(%arg9 : memref<64x128xf32, #tpu.memory_space<vmem>>) dst(%dma_wait3A_347 : memref<10112x128xf32, #tpu.memory_space<vmem_shared>>)
        %add3A_348 = arith.constant 4 : i32
        %add3A_349 = arith.addi %add3A_327, %add3A_348 : i32
        %sub3A_350 = arith.constant 1 : i32
        %sub3A_351 = arith.subi %add3A_349, %sub3A_350 : i32
        %dma_start3A_352 = arith.constant 0 : i32
        %dma_start3A_353 = tpu.memref_slice %arg6[%sub3A_351, %dma_start3A_352] : memref<16x64xi32, #tpu.memory_space<vmem>> -> memref<1x64xi32, #tpu.memory_space<vmem>>
        %dma_start3A_354 = tpu.memref_squeeze %dma_start3A_353 : memref<1x64xi32, #tpu.memory_space<vmem>> -> memref<64xi32, #tpu.memory_space<vmem>>
        %dma_start3A_355 = arith.constant 0 : i32
        %dma_start3A_356 = arith.constant 0 : i32
        %dma_start3A_357 = tpu.memref_slice %arg2[%dma_start3A_355, %dma_start3A_356] : memref<10000x128xf32, #tpu.memory_space<hbm>> -> memref<10000x128xf32, #tpu.memory_space<hbm>>
        tpu.enqueue_indirect_dma source(%dma_start3A_357 : memref<10000x128xf32, #tpu.memory_space<hbm>>) target(%arg9 : memref<64x128xf32, #tpu.memory_space<vmem>>) offsets(%dma_start3A_354 : memref<64xi32, #tpu.memory_space<vmem>>) semaphore(%arg14 : memref<!tpu.dma_semaphore, #tpu.memory_space<semaphore_mem>>)
        %add3A_358 = arith.constant 3 : i32
        %add3A_359 = arith.addi %mul3A_262, %add3A_358 : i32
        %dma_wait3A_360 = arith.constant 0 : i32
        %dma_wait3A_361 = arith.constant 0 : i32
        %dma_wait3A_362 = tpu.memref_slice %arg6[%dma_wait3A_360, %dma_wait3A_361] : memref<16x64xi32, #tpu.memory_space<vmem>> -> memref<1x64xi32, #tpu.memory_space<vmem>>
        %dma_wait3A_363 = tpu.memref_squeeze %dma_wait3A_362 : memref<1x64xi32, #tpu.memory_space<vmem>> -> memref<64xi32, #tpu.memory_space<vmem>>
        %dma_wait3A_364 = arith.constant 0 : i32
        %dma_wait3A_365 = arith.constant 0 : i32
        %dma_wait3A_366 = tpu.memref_slice %arg2[%dma_wait3A_364, %dma_wait3A_365] : memref<10000x128xf32, #tpu.memory_space<hbm>> -> memref<10000x128xf32, #tpu.memory_space<hbm>>
        tpu.wait_indirect_dma semaphore(%arg16 : memref<!tpu.dma_semaphore, #tpu.memory_space<semaphore_mem>>) src(%dma_wait3A_366 : memref<10000x128xf32, #tpu.memory_space<hbm>>) dst(%arg11 : memref<64x128xf32, #tpu.memory_space<vmem>>)
        %dma_start3A_367 = arith.constant 0 : i32
        %dma_start3A_368 = tpu.memref_slice %arg7[%add3A_359, %dma_start3A_367] : memref<16x64xi32, #tpu.memory_space<vmem>> -> memref<1x64xi32, #tpu.memory_space<vmem>>
        %dma_start3A_369 = tpu.memref_squeeze %dma_start3A_368 : memref<1x64xi32, #tpu.memory_space<vmem>> -> memref<64xi32, #tpu.memory_space<vmem>>
        %dma_start3A_370 = arith.constant 0 : i32
        %dma_start3A_371 = arith.constant 0 : i32
        %dma_start3A_372 = tpu.memref_slice %arg12[%dma_start3A_370, %dma_start3A_371] : memref<10112x128xf32, #tpu.memory_space<vmem_shared>> -> memref<10112x128xf32, #tpu.memory_space<vmem_shared>>
        tpu.enqueue_indirect_dma source(%arg11 : memref<64x128xf32, #tpu.memory_space<vmem>>) target(%dma_start3A_372 : memref<10112x128xf32, #tpu.memory_space<vmem_shared>>) offsets(%dma_start3A_369 : memref<64xi32, #tpu.memory_space<vmem>>) semaphore(%arg20 : memref<!tpu.dma_semaphore, #tpu.memory_space<semaphore_mem>>) {add = true}
        %dma_wait3A_373 = arith.constant 0 : i32
        %dma_wait3A_374 = arith.constant 0 : i32
        %dma_wait3A_375 = tpu.memref_slice %arg7[%dma_wait3A_373, %dma_wait3A_374] : memref<16x64xi32, #tpu.memory_space<vmem>> -> memref<1x64xi32, #tpu.memory_space<vmem>>
        %dma_wait3A_376 = tpu.memref_squeeze %dma_wait3A_375 : memref<1x64xi32, #tpu.memory_space<vmem>> -> memref<64xi32, #tpu.memory_space<vmem>>
        %dma_wait3A_377 = arith.constant 0 : i32
        %dma_wait3A_378 = arith.constant 0 : i32
        %dma_wait3A_379 = tpu.memref_slice %arg12[%dma_wait3A_377, %dma_wait3A_378] : memref<10112x128xf32, #tpu.memory_space<vmem_shared>> -> memref<10112x128xf32, #tpu.memory_space<vmem_shared>>
        tpu.wait_indirect_dma semaphore(%arg19 : memref<!tpu.dma_semaphore, #tpu.memory_space<semaphore_mem>>) src(%arg10 : memref<64x128xf32, #tpu.memory_space<vmem>>) dst(%dma_wait3A_379 : memref<10112x128xf32, #tpu.memory_space<vmem_shared>>)
        %add3A_380 = arith.constant 4 : i32
        %add3A_381 = arith.addi %add3A_359, %add3A_380 : i32
        %sub3A_382 = arith.constant 1 : i32
        %sub3A_383 = arith.subi %add3A_381, %sub3A_382 : i32
        %dma_start3A_384 = arith.constant 0 : i32
        %dma_start3A_385 = tpu.memref_slice %arg6[%sub3A_383, %dma_start3A_384] : memref<16x64xi32, #tpu.memory_space<vmem>> -> memref<1x64xi32, #tpu.memory_space<vmem>>
        %dma_start3A_386 = tpu.memref_squeeze %dma_start3A_385 : memref<1x64xi32, #tpu.memory_space<vmem>> -> memref<64xi32, #tpu.memory_space<vmem>>
        %dma_start3A_387 = arith.constant 0 : i32
        %dma_start3A_388 = arith.constant 0 : i32
        %dma_start3A_389 = tpu.memref_slice %arg2[%dma_start3A_387, %dma_start3A_388] : memref<10000x128xf32, #tpu.memory_space<hbm>> -> memref<10000x128xf32, #tpu.memory_space<hbm>>
        tpu.enqueue_indirect_dma source(%dma_start3A_389 : memref<10000x128xf32, #tpu.memory_space<hbm>>) target(%arg10 : memref<64x128xf32, #tpu.memory_space<vmem>>) offsets(%dma_start3A_386 : memref<64xi32, #tpu.memory_space<vmem>>) semaphore(%arg15 : memref<!tpu.dma_semaphore, #tpu.memory_space<semaphore_mem>>)
      }
      %scan3A_161 = arith.constant 2 : i32
      %dma_wait3A_162 = arith.constant 0 : i32
      %dma_wait3A_163 = arith.constant 0 : i32
      %dma_wait3A_164 = tpu.memref_slice %arg6[%dma_wait3A_162, %dma_wait3A_163] : memref<16x64xi32, #tpu.memory_space<vmem>> -> memref<1x64xi32, #tpu.memory_space<vmem>>
      %dma_wait3A_165 = tpu.memref_squeeze %dma_wait3A_164 : memref<1x64xi32, #tpu.memory_space<vmem>> -> memref<64xi32, #tpu.memory_space<vmem>>
      %dma_wait3A_166 = arith.constant 0 : i32
      %dma_wait3A_167 = arith.constant 0 : i32
      %dma_wait3A_168 = tpu.memref_slice %arg2[%dma_wait3A_166, %dma_wait3A_167] : memref<10000x128xf32, #tpu.memory_space<hbm>> -> memref<10000x128xf32, #tpu.memory_space<hbm>>
      tpu.wait_indirect_dma semaphore(%arg13 : memref<!tpu.dma_semaphore, #tpu.memory_space<semaphore_mem>>) src(%dma_wait3A_168 : memref<10000x128xf32, #tpu.memory_space<hbm>>) dst(%arg8 : memref<64x128xf32, #tpu.memory_space<vmem>>)
      %dma_start3A_169 = arith.constant 12 : i32
      %dma_start3A_170 = arith.constant 0 : i32
      %dma_start3A_171 = tpu.memref_slice %arg7[%dma_start3A_169, %dma_start3A_170] : memref<16x64xi32, #tpu.memory_space<vmem>> -> memref<1x64xi32, #tpu.memory_space<vmem>>
      %dma_start3A_172 = tpu.memref_squeeze %dma_start3A_171 : memref<1x64xi32, #tpu.memory_space<vmem>> -> memref<64xi32, #tpu.memory_space<vmem>>
      %dma_start3A_173 = arith.constant 0 : i32
      %dma_start3A_174 = arith.constant 0 : i32
      %dma_start3A_175 = tpu.memref_slice %arg12[%dma_start3A_173, %dma_start3A_174] : memref<10112x128xf32, #tpu.memory_space<vmem_shared>> -> memref<10112x128xf32, #tpu.memory_space<vmem_shared>>
      tpu.enqueue_indirect_dma source(%arg8 : memref<64x128xf32, #tpu.memory_space<vmem>>) target(%dma_start3A_175 : memref<10112x128xf32, #tpu.memory_space<vmem_shared>>) offsets(%dma_start3A_172 : memref<64xi32, #tpu.memory_space<vmem>>) semaphore(%arg17 : memref<!tpu.dma_semaphore, #tpu.memory_space<semaphore_mem>>) {add = true}
      %dma_wait3A_176 = arith.constant 0 : i32
      %dma_wait3A_177 = arith.constant 0 : i32
      %dma_wait3A_178 = tpu.memref_slice %arg7[%dma_wait3A_176, %dma_wait3A_177] : memref<16x64xi32, #tpu.memory_space<vmem>> -> memref<1x64xi32, #tpu.memory_space<vmem>>
      %dma_wait3A_179 = tpu.memref_squeeze %dma_wait3A_178 : memref<1x64xi32, #tpu.memory_space<vmem>> -> memref<64xi32, #tpu.memory_space<vmem>>
      %dma_wait3A_180 = arith.constant 0 : i32
      %dma_wait3A_181 = arith.constant 0 : i32
      %dma_wait3A_182 = tpu.memref_slice %arg12[%dma_wait3A_180, %dma_wait3A_181] : memref<10112x128xf32, #tpu.memory_space<vmem_shared>> -> memref<10112x128xf32, #tpu.memory_space<vmem_shared>>
      tpu.wait_indirect_dma semaphore(%arg20 : memref<!tpu.dma_semaphore, #tpu.memory_space<semaphore_mem>>) src(%arg11 : memref<64x128xf32, #tpu.memory_space<vmem>>) dst(%dma_wait3A_182 : memref<10112x128xf32, #tpu.memory_space<vmem_shared>>)
      %dma_start3A_183 = arith.constant 15 : i32
      %dma_start3A_184 = arith.constant 0 : i32
      %dma_start3A_185 = tpu.memref_slice %arg6[%dma_start3A_183, %dma_start3A_184] : memref<16x64xi32, #tpu.memory_space<vmem>> -> memref<1x64xi32, #tpu.memory_space<vmem>>
      %dma_start3A_186 = tpu.memref_squeeze %dma_start3A_185 : memref<1x64xi32, #tpu.memory_space<vmem>> -> memref<64xi32, #tpu.memory_space<vmem>>
      %dma_start3A_187 = arith.constant 0 : i32
      %dma_start3A_188 = arith.constant 0 : i32
      %dma_start3A_189 = tpu.memref_slice %arg2[%dma_start3A_187, %dma_start3A_188] : memref<10000x128xf32, #tpu.memory_space<hbm>> -> memref<10000x128xf32, #tpu.memory_space<hbm>>
      tpu.enqueue_indirect_dma source(%dma_start3A_189 : memref<10000x128xf32, #tpu.memory_space<hbm>>) target(%arg11 : memref<64x128xf32, #tpu.memory_space<vmem>>) offsets(%dma_start3A_186 : memref<64xi32, #tpu.memory_space<vmem>>) semaphore(%arg16 : memref<!tpu.dma_semaphore, #tpu.memory_space<semaphore_mem>>)
      %dma_wait3A_190 = arith.constant 0 : i32
      %dma_wait3A_191 = arith.constant 0 : i32
      %dma_wait3A_192 = tpu.memref_slice %arg6[%dma_wait3A_190, %dma_wait3A_191] : memref<16x64xi32, #tpu.memory_space<vmem>> -> memref<1x64xi32, #tpu.memory_space<vmem>>
      %dma_wait3A_193 = tpu.memref_squeeze %dma_wait3A_192 : memref<1x64xi32, #tpu.memory_space<vmem>> -> memref<64xi32, #tpu.memory_space<vmem>>
      %dma_wait3A_194 = arith.constant 0 : i32
      %dma_wait3A_195 = arith.constant 0 : i32
      %dma_wait3A_196 = tpu.memref_slice %arg2[%dma_wait3A_194, %dma_wait3A_195] : memref<10000x128xf32, #tpu.memory_space<hbm>> -> memref<10000x128xf32, #tpu.memory_space<hbm>>
      tpu.wait_indirect_dma semaphore(%arg14 : memref<!tpu.dma_semaphore, #tpu.memory_space<semaphore_mem>>) src(%dma_wait3A_196 : memref<10000x128xf32, #tpu.memory_space<hbm>>) dst(%arg9 : memref<64x128xf32, #tpu.memory_space<vmem>>)
      %dma_start3A_197 = arith.constant 13 : i32
      %dma_start3A_198 = arith.constant 0 : i32
      %dma_start3A_199 = tpu.memref_slice %arg7[%dma_start3A_197, %dma_start3A_198] : memref<16x64xi32, #tpu.memory_space<vmem>> -> memref<1x64xi32, #tpu.memory_space<vmem>>
      %dma_start3A_200 = tpu.memref_squeeze %dma_start3A_199 : memref<1x64xi32, #tpu.memory_space<vmem>> -> memref<64xi32, #tpu.memory_space<vmem>>
      %dma_start3A_201 = arith.constant 0 : i32
      %dma_start3A_202 = arith.constant 0 : i32
      %dma_start3A_203 = tpu.memref_slice %arg12[%dma_start3A_201, %dma_start3A_202] : memref<10112x128xf32, #tpu.memory_space<vmem_shared>> -> memref<10112x128xf32, #tpu.memory_space<vmem_shared>>
      tpu.enqueue_indirect_dma source(%arg9 : memref<64x128xf32, #tpu.memory_space<vmem>>) target(%dma_start3A_203 : memref<10112x128xf32, #tpu.memory_space<vmem_shared>>) offsets(%dma_start3A_200 : memref<64xi32, #tpu.memory_space<vmem>>) semaphore(%arg18 : memref<!tpu.dma_semaphore, #tpu.memory_space<semaphore_mem>>) {add = true}
      %dma_wait3A_204 = arith.constant 0 : i32
      %dma_wait3A_205 = arith.constant 0 : i32
      %dma_wait3A_206 = tpu.memref_slice %arg6[%dma_wait3A_204, %dma_wait3A_205] : memref<16x64xi32, #tpu.memory_space<vmem>> -> memref<1x64xi32, #tpu.memory_space<vmem>>
      %dma_wait3A_207 = tpu.memref_squeeze %dma_wait3A_206 : memref<1x64xi32, #tpu.memory_space<vmem>> -> memref<64xi32, #tpu.memory_space<vmem>>
      %dma_wait3A_208 = arith.constant 0 : i32
      %dma_wait3A_209 = arith.constant 0 : i32
      %dma_wait3A_210 = tpu.memref_slice %arg2[%dma_wait3A_208, %dma_wait3A_209] : memref<10000x128xf32, #tpu.memory_space<hbm>> -> memref<10000x128xf32, #tpu.memory_space<hbm>>
      tpu.wait_indirect_dma semaphore(%arg15 : memref<!tpu.dma_semaphore, #tpu.memory_space<semaphore_mem>>) src(%dma_wait3A_210 : memref<10000x128xf32, #tpu.memory_space<hbm>>) dst(%arg10 : memref<64x128xf32, #tpu.memory_space<vmem>>)
      %dma_start3A_211 = arith.constant 14 : i32
      %dma_start3A_212 = arith.constant 0 : i32
      %dma_start3A_213 = tpu.memref_slice %arg7[%dma_start3A_211, %dma_start3A_212] : memref<16x64xi32, #tpu.memory_space<vmem>> -> memref<1x64xi32, #tpu.memory_space<vmem>>
      %dma_start3A_214 = tpu.memref_squeeze %dma_start3A_213 : memref<1x64xi32, #tpu.memory_space<vmem>> -> memref<64xi32, #tpu.memory_space<vmem>>
      %dma_start3A_215 = arith.constant 0 : i32
      %dma_start3A_216 = arith.constant 0 : i32
      %dma_start3A_217 = tpu.memref_slice %arg12[%dma_start3A_215, %dma_start3A_216] : memref<10112x128xf32, #tpu.memory_space<vmem_shared>> -> memref<10112x128xf32, #tpu.memory_space<vmem_shared>>
      tpu.enqueue_indirect_dma source(%arg10 : memref<64x128xf32, #tpu.memory_space<vmem>>) target(%dma_start3A_217 : memref<10112x128xf32, #tpu.memory_space<vmem_shared>>) offsets(%dma_start3A_214 : memref<64xi32, #tpu.memory_space<vmem>>) semaphore(%arg19 : memref<!tpu.dma_semaphore, #tpu.memory_space<semaphore_mem>>) {add = true}
      %dma_wait3A_218 = arith.constant 0 : i32
      %dma_wait3A_219 = arith.constant 0 : i32
      %dma_wait3A_220 = tpu.memref_slice %arg6[%dma_wait3A_218, %dma_wait3A_219] : memref<16x64xi32, #tpu.memory_space<vmem>> -> memref<1x64xi32, #tpu.memory_space<vmem>>
      %dma_wait3A_221 = tpu.memref_squeeze %dma_wait3A_220 : memref<1x64xi32, #tpu.memory_space<vmem>> -> memref<64xi32, #tpu.memory_space<vmem>>
      %dma_wait3A_222 = arith.constant 0 : i32
      %dma_wait3A_223 = arith.constant 0 : i32
      %dma_wait3A_224 = tpu.memref_slice %arg2[%dma_wait3A_222, %dma_wait3A_223] : memref<10000x128xf32, #tpu.memory_space<hbm>> -> memref<10000x128xf32, #tpu.memory_space<hbm>>
      tpu.wait_indirect_dma semaphore(%arg16 : memref<!tpu.dma_semaphore, #tpu.memory_space<semaphore_mem>>) src(%dma_wait3A_224 : memref<10000x128xf32, #tpu.memory_space<hbm>>) dst(%arg11 : memref<64x128xf32, #tpu.memory_space<vmem>>)
      %dma_start3A_225 = arith.constant 15 : i32
      %dma_start3A_226 = arith.constant 0 : i32
      %dma_start3A_227 = tpu.memref_slice %arg7[%dma_start3A_225, %dma_start3A_226] : memref<16x64xi32, #tpu.memory_space<vmem>> -> memref<1x64xi32, #tpu.memory_space<vmem>>
      %dma_start3A_228 = tpu.memref_squeeze %dma_start3A_227 : memref<1x64xi32, #tpu.memory_space<vmem>> -> memref<64xi32, #tpu.memory_space<vmem>>
      %dma_start3A_229 = arith.constant 0 : i32
      %dma_start3A_230 = arith.constant 0 : i32
      %dma_start3A_231 = tpu.memref_slice %arg12[%dma_start3A_229, %dma_start3A_230] : memref<10112x128xf32, #tpu.memory_space<vmem_shared>> -> memref<10112x128xf32, #tpu.memory_space<vmem_shared>>
      tpu.enqueue_indirect_dma source(%arg11 : memref<64x128xf32, #tpu.memory_space<vmem>>) target(%dma_start3A_231 : memref<10112x128xf32, #tpu.memory_space<vmem_shared>>) offsets(%dma_start3A_228 : memref<64xi32, #tpu.memory_space<vmem>>) semaphore(%arg20 : memref<!tpu.dma_semaphore, #tpu.memory_space<semaphore_mem>>) {add = true}
      %dma_wait3A_232 = arith.constant 0 : i32
      %dma_wait3A_233 = arith.constant 0 : i32
      %dma_wait3A_234 = tpu.memref_slice %arg7[%dma_wait3A_232, %dma_wait3A_233] : memref<16x64xi32, #tpu.memory_space<vmem>> -> memref<1x64xi32, #tpu.memory_space<vmem>>
      %dma_wait3A_235 = tpu.memref_squeeze %dma_wait3A_234 : memref<1x64xi32, #tpu.memory_space<vmem>> -> memref<64xi32, #tpu.memory_space<vmem>>
      %dma_wait3A_236 = arith.constant 0 : i32
      %dma_wait3A_237 = arith.constant 0 : i32
      %dma_wait3A_238 = tpu.memref_slice %arg12[%dma_wait3A_236, %dma_wait3A_237] : memref<10112x128xf32, #tpu.memory_space<vmem_shared>> -> memref<10112x128xf32, #tpu.memory_space<vmem_shared>>
      tpu.wait_indirect_dma semaphore(%arg17 : memref<!tpu.dma_semaphore, #tpu.memory_space<semaphore_mem>>) src(%arg8 : memref<64x128xf32, #tpu.memory_space<vmem>>) dst(%dma_wait3A_238 : memref<10112x128xf32, #tpu.memory_space<vmem_shared>>)
      %dma_wait3A_239 = arith.constant 0 : i32
      %dma_wait3A_240 = arith.constant 0 : i32
      %dma_wait3A_241 = tpu.memref_slice %arg7[%dma_wait3A_239, %dma_wait3A_240] : memref<16x64xi32, #tpu.memory_space<vmem>> -> memref<1x64xi32, #tpu.memory_space<vmem>>
      %dma_wait3A_242 = tpu.memref_squeeze %dma_wait3A_241 : memref<1x64xi32, #tpu.memory_space<vmem>> -> memref<64xi32, #tpu.memory_space<vmem>>
      %dma_wait3A_243 = arith.constant 0 : i32
      %dma_wait3A_244 = arith.constant 0 : i32
      %dma_wait3A_245 = tpu.memref_slice %arg12[%dma_wait3A_243, %dma_wait3A_244] : memref<10112x128xf32, #tpu.memory_space<vmem_shared>> -> memref<10112x128xf32, #tpu.memory_space<vmem_shared>>
      tpu.wait_indirect_dma semaphore(%arg18 : memref<!tpu.dma_semaphore, #tpu.memory_space<semaphore_mem>>) src(%arg9 : memref<64x128xf32, #tpu.memory_space<vmem>>) dst(%dma_wait3A_245 : memref<10112x128xf32, #tpu.memory_space<vmem_shared>>)
      %dma_wait3A_246 = arith.constant 0 : i32
      %dma_wait3A_247 = arith.constant 0 : i32
      %dma_wait3A_248 = tpu.memref_slice %arg7[%dma_wait3A_246, %dma_wait3A_247] : memref<16x64xi32, #tpu.memory_space<vmem>> -> memref<1x64xi32, #tpu.memory_space<vmem>>
      %dma_wait3A_249 = tpu.memref_squeeze %dma_wait3A_248 : memref<1x64xi32, #tpu.memory_space<vmem>> -> memref<64xi32, #tpu.memory_space<vmem>>
      %dma_wait3A_250 = arith.constant 0 : i32
      %dma_wait3A_251 = arith.constant 0 : i32
      %dma_wait3A_252 = tpu.memref_slice %arg12[%dma_wait3A_250, %dma_wait3A_251] : memref<10112x128xf32, #tpu.memory_space<vmem_shared>> -> memref<10112x128xf32, #tpu.memory_space<vmem_shared>>
      tpu.wait_indirect_dma semaphore(%arg19 : memref<!tpu.dma_semaphore, #tpu.memory_space<semaphore_mem>>) src(%arg10 : memref<64x128xf32, #tpu.memory_space<vmem>>) dst(%dma_wait3A_252 : memref<10112x128xf32, #tpu.memory_space<vmem_shared>>)
      %dma_wait3A_253 = arith.constant 0 : i32
      %dma_wait3A_254 = arith.constant 0 : i32
      %dma_wait3A_255 = tpu.memref_slice %arg7[%dma_wait3A_253, %dma_wait3A_254] : memref<16x64xi32, #tpu.memory_space<vmem>> -> memref<1x64xi32, #tpu.memory_space<vmem>>
      %dma_wait3A_256 = tpu.memref_squeeze %dma_wait3A_255 : memref<1x64xi32, #tpu.memory_space<vmem>> -> memref<64xi32, #tpu.memory_space<vmem>>
      %dma_wait3A_257 = arith.constant 0 : i32
      %dma_wait3A_258 = arith.constant 0 : i32
      %dma_wait3A_259 = tpu.memref_slice %arg12[%dma_wait3A_257, %dma_wait3A_258] : memref<10112x128xf32, #tpu.memory_space<vmem_shared>> -> memref<10112x128xf32, #tpu.memory_space<vmem_shared>>
      tpu.wait_indirect_dma semaphore(%arg20 : memref<!tpu.dma_semaphore, #tpu.memory_space<semaphore_mem>>) src(%arg11 : memref<64x128xf32, #tpu.memory_space<vmem>>) dst(%dma_wait3A_259 : memref<10112x128xf32, #tpu.memory_space<vmem_shared>>)
    }
    %while3A_21 = arith.constant 1 : i32
    scf.for %while3A_30 = %while3A_19 to %while3A_15 step %while3A_21  : i32 {
      %add3A_31 = arith.addi %select_n3A_12, %while3A_30 : i32
      "tpu.region"() ({
        %run_scoped3A = tpu.sem_alloc : memref<!tpu.dma_semaphore, #tpu.memory_space<semaphore_mem>>
        %dma_start3A_260 = arith.constant 0 : i32
        %dma_start3A_261 = arith.constant 0 : i32
        %dma_start3A_262 = tpu.memref_slice %arg3[%add3A_31, %dma_start3A_260, %dma_start3A_261] : memref<320x16x64xi32, #tpu.memory_space<hbm>> -> memref<1x16x64xi32, #tpu.memory_space<hbm>>
        %dma_start3A_263 = tpu.memref_squeeze %dma_start3A_262 : memref<1x16x64xi32, #tpu.memory_space<hbm>> -> memref<16x64xi32, #tpu.memory_space<hbm>>
        %dma_start3A_264 = arith.constant 0 : i32
        %dma_start3A_265 = arith.constant 0 : i32
        %dma_start3A_266 = tpu.memref_slice %arg3[%add3A_31, %dma_start3A_264, %dma_start3A_265] : memref<320x16x64xi32, #tpu.memory_space<hbm>> -> memref<1x16x64xi32, #tpu.memory_space<hbm>>
        %dma_start3A_267 = tpu.memref_squeeze %dma_start3A_266 : memref<1x16x64xi32, #tpu.memory_space<hbm>> -> memref<16x64xi32, #tpu.memory_space<hbm>>
        tpu.enqueue_dma source(%dma_start3A_267 : memref<16x64xi32, #tpu.memory_space<hbm>>) target(%arg6 : memref<16x64xi32, #tpu.memory_space<vmem>>) target_semaphore(%run_scoped3A : memref<!tpu.dma_semaphore, #tpu.memory_space<semaphore_mem>>)
        %dma_wait3A_268 = arith.constant 0 : i32
        %dma_wait3A_269 = arith.constant 0 : i32
        %dma_wait3A_270 = tpu.memref_slice %arg3[%add3A_31, %dma_wait3A_268, %dma_wait3A_269] : memref<320x16x64xi32, #tpu.memory_space<hbm>> -> memref<1x16x64xi32, #tpu.memory_space<hbm>>
        %dma_wait3A_271 = tpu.memref_squeeze %dma_wait3A_270 : memref<1x16x64xi32, #tpu.memory_space<hbm>> -> memref<16x64xi32, #tpu.memory_space<hbm>>
        %dma_wait3A_272 = arith.constant 0 : i32
        %dma_wait3A_273 = arith.constant 0 : i32
        %dma_wait3A_274 = tpu.memref_slice %arg3[%add3A_31, %dma_wait3A_272, %dma_wait3A_273] : memref<320x16x64xi32, #tpu.memory_space<hbm>> -> memref<1x16x64xi32, #tpu.memory_space<hbm>>
        %dma_wait3A_275 = tpu.memref_squeeze %dma_wait3A_274 : memref<1x16x64xi32, #tpu.memory_space<hbm>> -> memref<16x64xi32, #tpu.memory_space<hbm>>
        tpu.wait_dma2 semaphore(%run_scoped3A : memref<!tpu.dma_semaphore, #tpu.memory_space<semaphore_mem>>) src(%dma_wait3A_275 : memref<16x64xi32, #tpu.memory_space<hbm>>) dst(%arg6 : memref<16x64xi32, #tpu.memory_space<vmem>>)
        tpu.yield
      }) : () -> ()
      %add3A_32 = arith.addi %select_n3A_12, %while3A_30 : i32
      "tpu.region"() ({
        %run_scoped3A = tpu.sem_alloc : memref<!tpu.dma_semaphore, #tpu.memory_space<semaphore_mem>>
        %dma_start3A_260 = arith.constant 0 : i32
        %dma_start3A_261 = arith.constant 0 : i32
        %dma_start3A_262 = tpu.memref_slice %arg4[%add3A_32, %dma_start3A_260, %dma_start3A_261] : memref<320x16x64xi32, #tpu.memory_space<hbm>> -> memref<1x16x64xi32, #tpu.memory_space<hbm>>
        %dma_start3A_263 = tpu.memref_squeeze %dma_start3A_262 : memref<1x16x64xi32, #tpu.memory_space<hbm>> -> memref<16x64xi32, #tpu.memory_space<hbm>>
        %dma_start3A_264 = arith.constant 0 : i32
        %dma_start3A_265 = arith.constant 0 : i32
        %dma_start3A_266 = tpu.memref_slice %arg4[%add3A_32, %dma_start3A_264, %dma_start3A_265] : memref<320x16x64xi32, #tpu.memory_space<hbm>> -> memref<1x16x64xi32, #tpu.memory_space<hbm>>
        %dma_start3A_267 = tpu.memref_squeeze %dma_start3A_266 : memref<1x16x64xi32, #tpu.memory_space<hbm>> -> memref<16x64xi32, #tpu.memory_space<hbm>>
        tpu.enqueue_dma source(%dma_start3A_267 : memref<16x64xi32, #tpu.memory_space<hbm>>) target(%arg7 : memref<16x64xi32, #tpu.memory_space<vmem>>) target_semaphore(%run_scoped3A : memref<!tpu.dma_semaphore, #tpu.memory_space<semaphore_mem>>)
        %dma_wait3A_268 = arith.constant 0 : i32
        %dma_wait3A_269 = arith.constant 0 : i32
        %dma_wait3A_270 = tpu.memref_slice %arg4[%add3A_32, %dma_wait3A_268, %dma_wait3A_269] : memref<320x16x64xi32, #tpu.memory_space<hbm>> -> memref<1x16x64xi32, #tpu.memory_space<hbm>>
        %dma_wait3A_271 = tpu.memref_squeeze %dma_wait3A_270 : memref<1x16x64xi32, #tpu.memory_space<hbm>> -> memref<16x64xi32, #tpu.memory_space<hbm>>
        %dma_wait3A_272 = arith.constant 0 : i32
        %dma_wait3A_273 = arith.constant 0 : i32
        %dma_wait3A_274 = tpu.memref_slice %arg4[%add3A_32, %dma_wait3A_272, %dma_wait3A_273] : memref<320x16x64xi32, #tpu.memory_space<hbm>> -> memref<1x16x64xi32, #tpu.memory_space<hbm>>
        %dma_wait3A_275 = tpu.memref_squeeze %dma_wait3A_274 : memref<1x16x64xi32, #tpu.memory_space<hbm>> -> memref<16x64xi32, #tpu.memory_space<hbm>>
        tpu.wait_dma2 semaphore(%run_scoped3A : memref<!tpu.dma_semaphore, #tpu.memory_space<semaphore_mem>>) src(%dma_wait3A_275 : memref<16x64xi32, #tpu.memory_space<hbm>>) dst(%arg7 : memref<16x64xi32, #tpu.memory_space<vmem>>)
        tpu.yield
      }) : () -> ()
      %dma_start3A = arith.constant 0 : i32
      %dma_start3A_33 = arith.constant 0 : i32
      %dma_start3A_34 = tpu.memref_slice %arg6[%dma_start3A, %dma_start3A_33] : memref<16x64xi32, #tpu.memory_space<vmem>> -> memref<1x64xi32, #tpu.memory_space<vmem>>
      %dma_start3A_35 = tpu.memref_squeeze %dma_start3A_34 : memref<1x64xi32, #tpu.memory_space<vmem>> -> memref<64xi32, #tpu.memory_space<vmem>>
      %dma_start3A_36 = arith.constant 0 : i32
      %dma_start3A_37 = arith.constant 0 : i32
      %dma_start3A_38 = tpu.memref_slice %arg2[%dma_start3A_36, %dma_start3A_37] : memref<10000x128xf32, #tpu.memory_space<hbm>> -> memref<10000x128xf32, #tpu.memory_space<hbm>>
      tpu.enqueue_indirect_dma source(%dma_start3A_38 : memref<10000x128xf32, #tpu.memory_space<hbm>>) target(%arg8 : memref<64x128xf32, #tpu.memory_space<vmem>>) offsets(%dma_start3A_35 : memref<64xi32, #tpu.memory_space<vmem>>) semaphore(%arg13 : memref<!tpu.dma_semaphore, #tpu.memory_space<semaphore_mem>>)
      %dma_start3A_39 = arith.constant 1 : i32
      %dma_start3A_40 = arith.constant 0 : i32
      %dma_start3A_41 = tpu.memref_slice %arg6[%dma_start3A_39, %dma_start3A_40] : memref<16x64xi32, #tpu.memory_space<vmem>> -> memref<1x64xi32, #tpu.memory_space<vmem>>
      %dma_start3A_42 = tpu.memref_squeeze %dma_start3A_41 : memref<1x64xi32, #tpu.memory_space<vmem>> -> memref<64xi32, #tpu.memory_space<vmem>>
      %dma_start3A_43 = arith.constant 0 : i32
      %dma_start3A_44 = arith.constant 0 : i32
      %dma_start3A_45 = tpu.memref_slice %arg2[%dma_start3A_43, %dma_start3A_44] : memref<10000x128xf32, #tpu.memory_space<hbm>> -> memref<10000x128xf32, #tpu.memory_space<hbm>>
      tpu.enqueue_indirect_dma source(%dma_start3A_45 : memref<10000x128xf32, #tpu.memory_space<hbm>>) target(%arg9 : memref<64x128xf32, #tpu.memory_space<vmem>>) offsets(%dma_start3A_42 : memref<64xi32, #tpu.memory_space<vmem>>) semaphore(%arg14 : memref<!tpu.dma_semaphore, #tpu.memory_space<semaphore_mem>>)
      %dma_start3A_46 = arith.constant 2 : i32
      %dma_start3A_47 = arith.constant 0 : i32
      %dma_start3A_48 = tpu.memref_slice %arg6[%dma_start3A_46, %dma_start3A_47] : memref<16x64xi32, #tpu.memory_space<vmem>> -> memref<1x64xi32, #tpu.memory_space<vmem>>
      %dma_start3A_49 = tpu.memref_squeeze %dma_start3A_48 : memref<1x64xi32, #tpu.memory_space<vmem>> -> memref<64xi32, #tpu.memory_space<vmem>>
      %dma_start3A_50 = arith.constant 0 : i32
      %dma_start3A_51 = arith.constant 0 : i32
      %dma_start3A_52 = tpu.memref_slice %arg2[%dma_start3A_50, %dma_start3A_51] : memref<10000x128xf32, #tpu.memory_space<hbm>> -> memref<10000x128xf32, #tpu.memory_space<hbm>>
      tpu.enqueue_indirect_dma source(%dma_start3A_52 : memref<10000x128xf32, #tpu.memory_space<hbm>>) target(%arg10 : memref<64x128xf32, #tpu.memory_space<vmem>>) offsets(%dma_start3A_49 : memref<64xi32, #tpu.memory_space<vmem>>) semaphore(%arg15 : memref<!tpu.dma_semaphore, #tpu.memory_space<semaphore_mem>>)
      %dma_wait3A = arith.constant 0 : i32
      %dma_wait3A_53 = arith.constant 0 : i32
      %dma_wait3A_54 = tpu.memref_slice %arg6[%dma_wait3A, %dma_wait3A_53] : memref<16x64xi32, #tpu.memory_space<vmem>> -> memref<1x64xi32, #tpu.memory_space<vmem>>
      %dma_wait3A_55 = tpu.memref_squeeze %dma_wait3A_54 : memref<1x64xi32, #tpu.memory_space<vmem>> -> memref<64xi32, #tpu.memory_space<vmem>>
      %dma_wait3A_56 = arith.constant 0 : i32
      %dma_wait3A_57 = arith.constant 0 : i32
      %dma_wait3A_58 = tpu.memref_slice %arg2[%dma_wait3A_56, %dma_wait3A_57] : memref<10000x128xf32, #tpu.memory_space<hbm>> -> memref<10000x128xf32, #tpu.memory_space<hbm>>
      tpu.wait_indirect_dma semaphore(%arg13 : memref<!tpu.dma_semaphore, #tpu.memory_space<semaphore_mem>>) src(%dma_wait3A_58 : memref<10000x128xf32, #tpu.memory_space<hbm>>) dst(%arg8 : memref<64x128xf32, #tpu.memory_space<vmem>>)
      %dma_start3A_59 = arith.constant 0 : i32
      %dma_start3A_60 = arith.constant 0 : i32
      %dma_start3A_61 = tpu.memref_slice %arg7[%dma_start3A_59, %dma_start3A_60] : memref<16x64xi32, #tpu.memory_space<vmem>> -> memref<1x64xi32, #tpu.memory_space<vmem>>
      %dma_start3A_62 = tpu.memref_squeeze %dma_start3A_61 : memref<1x64xi32, #tpu.memory_space<vmem>> -> memref<64xi32, #tpu.memory_space<vmem>>
      %dma_start3A_63 = arith.constant 0 : i32
      %dma_start3A_64 = arith.constant 0 : i32
      %dma_start3A_65 = tpu.memref_slice %arg12[%dma_start3A_63, %dma_start3A_64] : memref<10112x128xf32, #tpu.memory_space<vmem_shared>> -> memref<10112x128xf32, #tpu.memory_space<vmem_shared>>
      tpu.enqueue_indirect_dma source(%arg8 : memref<64x128xf32, #tpu.memory_space<vmem>>) target(%dma_start3A_65 : memref<10112x128xf32, #tpu.memory_space<vmem_shared>>) offsets(%dma_start3A_62 : memref<64xi32, #tpu.memory_space<vmem>>) semaphore(%arg17 : memref<!tpu.dma_semaphore, #tpu.memory_space<semaphore_mem>>) {add = true}
      %dma_start3A_66 = arith.constant 3 : i32
      %dma_start3A_67 = arith.constant 0 : i32
      %dma_start3A_68 = tpu.memref_slice %arg6[%dma_start3A_66, %dma_start3A_67] : memref<16x64xi32, #tpu.memory_space<vmem>> -> memref<1x64xi32, #tpu.memory_space<vmem>>
      %dma_start3A_69 = tpu.memref_squeeze %dma_start3A_68 : memref<1x64xi32, #tpu.memory_space<vmem>> -> memref<64xi32, #tpu.memory_space<vmem>>
      %dma_start3A_70 = arith.constant 0 : i32
      %dma_start3A_71 = arith.constant 0 : i32
      %dma_start3A_72 = tpu.memref_slice %arg2[%dma_start3A_70, %dma_start3A_71] : memref<10000x128xf32, #tpu.memory_space<hbm>> -> memref<10000x128xf32, #tpu.memory_space<hbm>>
      tpu.enqueue_indirect_dma source(%dma_start3A_72 : memref<10000x128xf32, #tpu.memory_space<hbm>>) target(%arg11 : memref<64x128xf32, #tpu.memory_space<vmem>>) offsets(%dma_start3A_69 : memref<64xi32, #tpu.memory_space<vmem>>) semaphore(%arg16 : memref<!tpu.dma_semaphore, #tpu.memory_space<semaphore_mem>>)
      %dma_wait3A_73 = arith.constant 0 : i32
      %dma_wait3A_74 = arith.constant 0 : i32
      %dma_wait3A_75 = tpu.memref_slice %arg6[%dma_wait3A_73, %dma_wait3A_74] : memref<16x64xi32, #tpu.memory_space<vmem>> -> memref<1x64xi32, #tpu.memory_space<vmem>>
      %dma_wait3A_76 = tpu.memref_squeeze %dma_wait3A_75 : memref<1x64xi32, #tpu.memory_space<vmem>> -> memref<64xi32, #tpu.memory_space<vmem>>
      %dma_wait3A_77 = arith.constant 0 : i32
      %dma_wait3A_78 = arith.constant 0 : i32
      %dma_wait3A_79 = tpu.memref_slice %arg2[%dma_wait3A_77, %dma_wait3A_78] : memref<10000x128xf32, #tpu.memory_space<hbm>> -> memref<10000x128xf32, #tpu.memory_space<hbm>>
      tpu.wait_indirect_dma semaphore(%arg14 : memref<!tpu.dma_semaphore, #tpu.memory_space<semaphore_mem>>) src(%dma_wait3A_79 : memref<10000x128xf32, #tpu.memory_space<hbm>>) dst(%arg9 : memref<64x128xf32, #tpu.memory_space<vmem>>)
      %dma_start3A_80 = arith.constant 1 : i32
      %dma_start3A_81 = arith.constant 0 : i32
      %dma_start3A_82 = tpu.memref_slice %arg7[%dma_start3A_80, %dma_start3A_81] : memref<16x64xi32, #tpu.memory_space<vmem>> -> memref<1x64xi32, #tpu.memory_space<vmem>>
      %dma_start3A_83 = tpu.memref_squeeze %dma_start3A_82 : memref<1x64xi32, #tpu.memory_space<vmem>> -> memref<64xi32, #tpu.memory_space<vmem>>
      %dma_start3A_84 = arith.constant 0 : i32
      %dma_start3A_85 = arith.constant 0 : i32
      %dma_start3A_86 = tpu.memref_slice %arg12[%dma_start3A_84, %dma_start3A_85] : memref<10112x128xf32, #tpu.memory_space<vmem_shared>> -> memref<10112x128xf32, #tpu.memory_space<vmem_shared>>
      tpu.enqueue_indirect_dma source(%arg9 : memref<64x128xf32, #tpu.memory_space<vmem>>) target(%dma_start3A_86 : memref<10112x128xf32, #tpu.memory_space<vmem_shared>>) offsets(%dma_start3A_83 : memref<64xi32, #tpu.memory_space<vmem>>) semaphore(%arg18 : memref<!tpu.dma_semaphore, #tpu.memory_space<semaphore_mem>>) {add = true}
      %dma_wait3A_87 = arith.constant 0 : i32
      %dma_wait3A_88 = arith.constant 0 : i32
      %dma_wait3A_89 = tpu.memref_slice %arg7[%dma_wait3A_87, %dma_wait3A_88] : memref<16x64xi32, #tpu.memory_space<vmem>> -> memref<1x64xi32, #tpu.memory_space<vmem>>
      %dma_wait3A_90 = tpu.memref_squeeze %dma_wait3A_89 : memref<1x64xi32, #tpu.memory_space<vmem>> -> memref<64xi32, #tpu.memory_space<vmem>>
      %dma_wait3A_91 = arith.constant 0 : i32
      %dma_wait3A_92 = arith.constant 0 : i32
      %dma_wait3A_93 = tpu.memref_slice %arg12[%dma_wait3A_91, %dma_wait3A_92] : memref<10112x128xf32, #tpu.memory_space<vmem_shared>> -> memref<10112x128xf32, #tpu.memory_space<vmem_shared>>
      tpu.wait_indirect_dma semaphore(%arg17 : memref<!tpu.dma_semaphore, #tpu.memory_space<semaphore_mem>>) src(%arg8 : memref<64x128xf32, #tpu.memory_space<vmem>>) dst(%dma_wait3A_93 : memref<10112x128xf32, #tpu.memory_space<vmem_shared>>)
      %dma_start3A_94 = arith.constant 4 : i32
      %dma_start3A_95 = arith.constant 0 : i32
      %dma_start3A_96 = tpu.memref_slice %arg6[%dma_start3A_94, %dma_start3A_95] : memref<16x64xi32, #tpu.memory_space<vmem>> -> memref<1x64xi32, #tpu.memory_space<vmem>>
      %dma_start3A_97 = tpu.memref_squeeze %dma_start3A_96 : memref<1x64xi32, #tpu.memory_space<vmem>> -> memref<64xi32, #tpu.memory_space<vmem>>
      %dma_start3A_98 = arith.constant 0 : i32
      %dma_start3A_99 = arith.constant 0 : i32
      %dma_start3A_100 = tpu.memref_slice %arg2[%dma_start3A_98, %dma_start3A_99] : memref<10000x128xf32, #tpu.memory_space<hbm>> -> memref<10000x128xf32, #tpu.memory_space<hbm>>
      tpu.enqueue_indirect_dma source(%dma_start3A_100 : memref<10000x128xf32, #tpu.memory_space<hbm>>) target(%arg8 : memref<64x128xf32, #tpu.memory_space<vmem>>) offsets(%dma_start3A_97 : memref<64xi32, #tpu.memory_space<vmem>>) semaphore(%arg13 : memref<!tpu.dma_semaphore, #tpu.memory_space<semaphore_mem>>)
      %dma_wait3A_101 = arith.constant 0 : i32
      %dma_wait3A_102 = arith.constant 0 : i32
      %dma_wait3A_103 = tpu.memref_slice %arg6[%dma_wait3A_101, %dma_wait3A_102] : memref<16x64xi32, #tpu.memory_space<vmem>> -> memref<1x64xi32, #tpu.memory_space<vmem>>
      %dma_wait3A_104 = tpu.memref_squeeze %dma_wait3A_103 : memref<1x64xi32, #tpu.memory_space<vmem>> -> memref<64xi32, #tpu.memory_space<vmem>>
      %dma_wait3A_105 = arith.constant 0 : i32
      %dma_wait3A_106 = arith.constant 0 : i32
      %dma_wait3A_107 = tpu.memref_slice %arg2[%dma_wait3A_105, %dma_wait3A_106] : memref<10000x128xf32, #tpu.memory_space<hbm>> -> memref<10000x128xf32, #tpu.memory_space<hbm>>
      tpu.wait_indirect_dma semaphore(%arg15 : memref<!tpu.dma_semaphore, #tpu.memory_space<semaphore_mem>>) src(%dma_wait3A_107 : memref<10000x128xf32, #tpu.memory_space<hbm>>) dst(%arg10 : memref<64x128xf32, #tpu.memory_space<vmem>>)
      %dma_start3A_108 = arith.constant 2 : i32
      %dma_start3A_109 = arith.constant 0 : i32
      %dma_start3A_110 = tpu.memref_slice %arg7[%dma_start3A_108, %dma_start3A_109] : memref<16x64xi32, #tpu.memory_space<vmem>> -> memref<1x64xi32, #tpu.memory_space<vmem>>
      %dma_start3A_111 = tpu.memref_squeeze %dma_start3A_110 : memref<1x64xi32, #tpu.memory_space<vmem>> -> memref<64xi32, #tpu.memory_space<vmem>>
      %dma_start3A_112 = arith.constant 0 : i32
      %dma_start3A_113 = arith.constant 0 : i32
      %dma_start3A_114 = tpu.memref_slice %arg12[%dma_start3A_112, %dma_start3A_113] : memref<10112x128xf32, #tpu.memory_space<vmem_shared>> -> memref<10112x128xf32, #tpu.memory_space<vmem_shared>>
      tpu.enqueue_indirect_dma source(%arg10 : memref<64x128xf32, #tpu.memory_space<vmem>>) target(%dma_start3A_114 : memref<10112x128xf32, #tpu.memory_space<vmem_shared>>) offsets(%dma_start3A_111 : memref<64xi32, #tpu.memory_space<vmem>>) semaphore(%arg19 : memref<!tpu.dma_semaphore, #tpu.memory_space<semaphore_mem>>) {add = true}
      %dma_wait3A_115 = arith.constant 0 : i32
      %dma_wait3A_116 = arith.constant 0 : i32
      %dma_wait3A_117 = tpu.memref_slice %arg7[%dma_wait3A_115, %dma_wait3A_116] : memref<16x64xi32, #tpu.memory_space<vmem>> -> memref<1x64xi32, #tpu.memory_space<vmem>>
      %dma_wait3A_118 = tpu.memref_squeeze %dma_wait3A_117 : memref<1x64xi32, #tpu.memory_space<vmem>> -> memref<64xi32, #tpu.memory_space<vmem>>
      %dma_wait3A_119 = arith.constant 0 : i32
      %dma_wait3A_120 = arith.constant 0 : i32
      %dma_wait3A_121 = tpu.memref_slice %arg12[%dma_wait3A_119, %dma_wait3A_120] : memref<10112x128xf32, #tpu.memory_space<vmem_shared>> -> memref<10112x128xf32, #tpu.memory_space<vmem_shared>>
      tpu.wait_indirect_dma semaphore(%arg18 : memref<!tpu.dma_semaphore, #tpu.memory_space<semaphore_mem>>) src(%arg9 : memref<64x128xf32, #tpu.memory_space<vmem>>) dst(%dma_wait3A_121 : memref<10112x128xf32, #tpu.memory_space<vmem_shared>>)
      %dma_start3A_122 = arith.constant 5 : i32
      %dma_start3A_123 = arith.constant 0 : i32
      %dma_start3A_124 = tpu.memref_slice %arg6[%dma_start3A_122, %dma_start3A_123] : memref<16x64xi32, #tpu.memory_space<vmem>> -> memref<1x64xi32, #tpu.memory_space<vmem>>
      %dma_start3A_125 = tpu.memref_squeeze %dma_start3A_124 : memref<1x64xi32, #tpu.memory_space<vmem>> -> memref<64xi32, #tpu.memory_space<vmem>>
      %dma_start3A_126 = arith.constant 0 : i32
      %dma_start3A_127 = arith.constant 0 : i32
      %dma_start3A_128 = tpu.memref_slice %arg2[%dma_start3A_126, %dma_start3A_127] : memref<10000x128xf32, #tpu.memory_space<hbm>> -> memref<10000x128xf32, #tpu.memory_space<hbm>>
      tpu.enqueue_indirect_dma source(%dma_start3A_128 : memref<10000x128xf32, #tpu.memory_space<hbm>>) target(%arg9 : memref<64x128xf32, #tpu.memory_space<vmem>>) offsets(%dma_start3A_125 : memref<64xi32, #tpu.memory_space<vmem>>) semaphore(%arg14 : memref<!tpu.dma_semaphore, #tpu.memory_space<semaphore_mem>>)
      %dma_wait3A_129 = arith.constant 0 : i32
      %dma_wait3A_130 = arith.constant 0 : i32
      %dma_wait3A_131 = tpu.memref_slice %arg6[%dma_wait3A_129, %dma_wait3A_130] : memref<16x64xi32, #tpu.memory_space<vmem>> -> memref<1x64xi32, #tpu.memory_space<vmem>>
      %dma_wait3A_132 = tpu.memref_squeeze %dma_wait3A_131 : memref<1x64xi32, #tpu.memory_space<vmem>> -> memref<64xi32, #tpu.memory_space<vmem>>
      %dma_wait3A_133 = arith.constant 0 : i32
      %dma_wait3A_134 = arith.constant 0 : i32
      %dma_wait3A_135 = tpu.memref_slice %arg2[%dma_wait3A_133, %dma_wait3A_134] : memref<10000x128xf32, #tpu.memory_space<hbm>> -> memref<10000x128xf32, #tpu.memory_space<hbm>>
      tpu.wait_indirect_dma semaphore(%arg16 : memref<!tpu.dma_semaphore, #tpu.memory_space<semaphore_mem>>) src(%dma_wait3A_135 : memref<10000x128xf32, #tpu.memory_space<hbm>>) dst(%arg11 : memref<64x128xf32, #tpu.memory_space<vmem>>)
      %dma_start3A_136 = arith.constant 3 : i32
      %dma_start3A_137 = arith.constant 0 : i32
      %dma_start3A_138 = tpu.memref_slice %arg7[%dma_start3A_136, %dma_start3A_137] : memref<16x64xi32, #tpu.memory_space<vmem>> -> memref<1x64xi32, #tpu.memory_space<vmem>>
      %dma_start3A_139 = tpu.memref_squeeze %dma_start3A_138 : memref<1x64xi32, #tpu.memory_space<vmem>> -> memref<64xi32, #tpu.memory_space<vmem>>
      %dma_start3A_140 = arith.constant 0 : i32
      %dma_start3A_141 = arith.constant 0 : i32
      %dma_start3A_142 = tpu.memref_slice %arg12[%dma_start3A_140, %dma_start3A_141] : memref<10112x128xf32, #tpu.memory_space<vmem_shared>> -> memref<10112x128xf32, #tpu.memory_space<vmem_shared>>
      tpu.enqueue_indirect_dma source(%arg11 : memref<64x128xf32, #tpu.memory_space<vmem>>) target(%dma_start3A_142 : memref<10112x128xf32, #tpu.memory_space<vmem_shared>>) offsets(%dma_start3A_139 : memref<64xi32, #tpu.memory_space<vmem>>) semaphore(%arg20 : memref<!tpu.dma_semaphore, #tpu.memory_space<semaphore_mem>>) {add = true}
      %dma_wait3A_143 = arith.constant 0 : i32
      %dma_wait3A_144 = arith.constant 0 : i32
      %dma_wait3A_145 = tpu.memref_slice %arg7[%dma_wait3A_143, %dma_wait3A_144] : memref<16x64xi32, #tpu.memory_space<vmem>> -> memref<1x64xi32, #tpu.memory_space<vmem>>
      %dma_wait3A_146 = tpu.memref_squeeze %dma_wait3A_145 : memref<1x64xi32, #tpu.memory_space<vmem>> -> memref<64xi32, #tpu.memory_space<vmem>>
      %dma_wait3A_147 = arith.constant 0 : i32
      %dma_wait3A_148 = arith.constant 0 : i32
      %dma_wait3A_149 = tpu.memref_slice %arg12[%dma_wait3A_147, %dma_wait3A_148] : memref<10112x128xf32, #tpu.memory_space<vmem_shared>> -> memref<10112x128xf32, #tpu.memory_space<vmem_shared>>
      tpu.wait_indirect_dma semaphore(%arg19 : memref<!tpu.dma_semaphore, #tpu.memory_space<semaphore_mem>>) src(%arg10 : memref<64x128xf32, #tpu.memory_space<vmem>>) dst(%dma_wait3A_149 : memref<10112x128xf32, #tpu.memory_space<vmem_shared>>)
      %dma_start3A_150 = arith.constant 6 : i32
      %dma_start3A_151 = arith.constant 0 : i32
      %dma_start3A_152 = tpu.memref_slice %arg6[%dma_start3A_150, %dma_start3A_151] : memref<16x64xi32, #tpu.memory_space<vmem>> -> memref<1x64xi32, #tpu.memory_space<vmem>>
      %dma_start3A_153 = tpu.memref_squeeze %dma_start3A_152 : memref<1x64xi32, #tpu.memory_space<vmem>> -> memref<64xi32, #tpu.memory_space<vmem>>
      %dma_start3A_154 = arith.constant 0 : i32
      %dma_start3A_155 = arith.constant 0 : i32
      %dma_start3A_156 = tpu.memref_slice %arg2[%dma_start3A_154, %dma_start3A_155] : memref<10000x128xf32, #tpu.memory_space<hbm>> -> memref<10000x128xf32, #tpu.memory_space<hbm>>
      tpu.enqueue_indirect_dma source(%dma_start3A_156 : memref<10000x128xf32, #tpu.memory_space<hbm>>) target(%arg10 : memref<64x128xf32, #tpu.memory_space<vmem>>) offsets(%dma_start3A_153 : memref<64xi32, #tpu.memory_space<vmem>>) semaphore(%arg15 : memref<!tpu.dma_semaphore, #tpu.memory_space<semaphore_mem>>)
      %scan3A = arith.constant 0 : i32
      %scan3A_157 = arith.constant 1 : i32
      %scan3A_158 = arith.constant 2 : i32
      %scan3A_159 = arith.addi %scan3A_157, %scan3A_158 : i32
      %scan3A_160 = arith.constant 1 : i32
      scf.for %scan3A_260 = %scan3A_157 to %scan3A_159 step %scan3A_160  : i32 {
        %mul3A_261 = arith.constant 4 : i32
        %mul3A_262 = arith.muli %scan3A_260, %mul3A_261 : i32
        %add3A_263 = arith.constant 0 : i32
        %add3A_264 = arith.addi %mul3A_262, %add3A_263 : i32
        %dma_wait3A_265 = arith.constant 0 : i32
        %dma_wait3A_266 = arith.constant 0 : i32
        %dma_wait3A_267 = tpu.memref_slice %arg6[%dma_wait3A_265, %dma_wait3A_266] : memref<16x64xi32, #tpu.memory_space<vmem>> -> memref<1x64xi32, #tpu.memory_space<vmem>>
        %dma_wait3A_268 = tpu.memref_squeeze %dma_wait3A_267 : memref<1x64xi32, #tpu.memory_space<vmem>> -> memref<64xi32, #tpu.memory_space<vmem>>
        %dma_wait3A_269 = arith.constant 0 : i32
        %dma_wait3A_270 = arith.constant 0 : i32
        %dma_wait3A_271 = tpu.memref_slice %arg2[%dma_wait3A_269, %dma_wait3A_270] : memref<10000x128xf32, #tpu.memory_space<hbm>> -> memref<10000x128xf32, #tpu.memory_space<hbm>>
        tpu.wait_indirect_dma semaphore(%arg13 : memref<!tpu.dma_semaphore, #tpu.memory_space<semaphore_mem>>) src(%dma_wait3A_271 : memref<10000x128xf32, #tpu.memory_space<hbm>>) dst(%arg8 : memref<64x128xf32, #tpu.memory_space<vmem>>)
        %dma_start3A_272 = arith.constant 0 : i32
        %dma_start3A_273 = tpu.memref_slice %arg7[%add3A_264, %dma_start3A_272] : memref<16x64xi32, #tpu.memory_space<vmem>> -> memref<1x64xi32, #tpu.memory_space<vmem>>
        %dma_start3A_274 = tpu.memref_squeeze %dma_start3A_273 : memref<1x64xi32, #tpu.memory_space<vmem>> -> memref<64xi32, #tpu.memory_space<vmem>>
        %dma_start3A_275 = arith.constant 0 : i32
        %dma_start3A_276 = arith.constant 0 : i32
        %dma_start3A_277 = tpu.memref_slice %arg12[%dma_start3A_275, %dma_start3A_276] : memref<10112x128xf32, #tpu.memory_space<vmem_shared>> -> memref<10112x128xf32, #tpu.memory_space<vmem_shared>>
        tpu.enqueue_indirect_dma source(%arg8 : memref<64x128xf32, #tpu.memory_space<vmem>>) target(%dma_start3A_277 : memref<10112x128xf32, #tpu.memory_space<vmem_shared>>) offsets(%dma_start3A_274 : memref<64xi32, #tpu.memory_space<vmem>>) semaphore(%arg17 : memref<!tpu.dma_semaphore, #tpu.memory_space<semaphore_mem>>) {add = true}
        %dma_wait3A_278 = arith.constant 0 : i32
        %dma_wait3A_279 = arith.constant 0 : i32
        %dma_wait3A_280 = tpu.memref_slice %arg7[%dma_wait3A_278, %dma_wait3A_279] : memref<16x64xi32, #tpu.memory_space<vmem>> -> memref<1x64xi32, #tpu.memory_space<vmem>>
        %dma_wait3A_281 = tpu.memref_squeeze %dma_wait3A_280 : memref<1x64xi32, #tpu.memory_space<vmem>> -> memref<64xi32, #tpu.memory_space<vmem>>
        %dma_wait3A_282 = arith.constant 0 : i32
        %dma_wait3A_283 = arith.constant 0 : i32
        %dma_wait3A_284 = tpu.memref_slice %arg12[%dma_wait3A_282, %dma_wait3A_283] : memref<10112x128xf32, #tpu.memory_space<vmem_shared>> -> memref<10112x128xf32, #tpu.memory_space<vmem_shared>>
        tpu.wait_indirect_dma semaphore(%arg20 : memref<!tpu.dma_semaphore, #tpu.memory_space<semaphore_mem>>) src(%arg11 : memref<64x128xf32, #tpu.memory_space<vmem>>) dst(%dma_wait3A_284 : memref<10112x128xf32, #tpu.memory_space<vmem_shared>>)
        %add3A_285 = arith.constant 4 : i32
        %add3A_286 = arith.addi %add3A_264, %add3A_285 : i32
        %sub3A = arith.constant 1 : i32
        %sub3A_287 = arith.subi %add3A_286, %sub3A : i32
        %dma_start3A_288 = arith.constant 0 : i32
        %dma_start3A_289 = tpu.memref_slice %arg6[%sub3A_287, %dma_start3A_288] : memref<16x64xi32, #tpu.memory_space<vmem>> -> memref<1x64xi32, #tpu.memory_space<vmem>>
        %dma_start3A_290 = tpu.memref_squeeze %dma_start3A_289 : memref<1x64xi32, #tpu.memory_space<vmem>> -> memref<64xi32, #tpu.memory_space<vmem>>
        %dma_start3A_291 = arith.constant 0 : i32
        %dma_start3A_292 = arith.constant 0 : i32
        %dma_start3A_293 = tpu.memref_slice %arg2[%dma_start3A_291, %dma_start3A_292] : memref<10000x128xf32, #tpu.memory_space<hbm>> -> memref<10000x128xf32, #tpu.memory_space<hbm>>
        tpu.enqueue_indirect_dma source(%dma_start3A_293 : memref<10000x128xf32, #tpu.memory_space<hbm>>) target(%arg11 : memref<64x128xf32, #tpu.memory_space<vmem>>) offsets(%dma_start3A_290 : memref<64xi32, #tpu.memory_space<vmem>>) semaphore(%arg16 : memref<!tpu.dma_semaphore, #tpu.memory_space<semaphore_mem>>)
        %add3A_294 = arith.constant 1 : i32
        %add3A_295 = arith.addi %mul3A_262, %add3A_294 : i32
        %dma_wait3A_296 = arith.constant 0 : i32
        %dma_wait3A_297 = arith.constant 0 : i32
        %dma_wait3A_298 = tpu.memref_slice %arg6[%dma_wait3A_296, %dma_wait3A_297] : memref<16x64xi32, #tpu.memory_space<vmem>> -> memref<1x64xi32, #tpu.memory_space<vmem>>
        %dma_wait3A_299 = tpu.memref_squeeze %dma_wait3A_298 : memref<1x64xi32, #tpu.memory_space<vmem>> -> memref<64xi32, #tpu.memory_space<vmem>>
        %dma_wait3A_300 = arith.constant 0 : i32
        %dma_wait3A_301 = arith.constant 0 : i32
        %dma_wait3A_302 = tpu.memref_slice %arg2[%dma_wait3A_300, %dma_wait3A_301] : memref<10000x128xf32, #tpu.memory_space<hbm>> -> memref<10000x128xf32, #tpu.memory_space<hbm>>
        tpu.wait_indirect_dma semaphore(%arg14 : memref<!tpu.dma_semaphore, #tpu.memory_space<semaphore_mem>>) src(%dma_wait3A_302 : memref<10000x128xf32, #tpu.memory_space<hbm>>) dst(%arg9 : memref<64x128xf32, #tpu.memory_space<vmem>>)
        %dma_start3A_303 = arith.constant 0 : i32
        %dma_start3A_304 = tpu.memref_slice %arg7[%add3A_295, %dma_start3A_303] : memref<16x64xi32, #tpu.memory_space<vmem>> -> memref<1x64xi32, #tpu.memory_space<vmem>>
        %dma_start3A_305 = tpu.memref_squeeze %dma_start3A_304 : memref<1x64xi32, #tpu.memory_space<vmem>> -> memref<64xi32, #tpu.memory_space<vmem>>
        %dma_start3A_306 = arith.constant 0 : i32
        %dma_start3A_307 = arith.constant 0 : i32
        %dma_start3A_308 = tpu.memref_slice %arg12[%dma_start3A_306, %dma_start3A_307] : memref<10112x128xf32, #tpu.memory_space<vmem_shared>> -> memref<10112x128xf32, #tpu.memory_space<vmem_shared>>
        tpu.enqueue_indirect_dma source(%arg9 : memref<64x128xf32, #tpu.memory_space<vmem>>) target(%dma_start3A_308 : memref<10112x128xf32, #tpu.memory_space<vmem_shared>>) offsets(%dma_start3A_305 : memref<64xi32, #tpu.memory_space<vmem>>) semaphore(%arg18 : memref<!tpu.dma_semaphore, #tpu.memory_space<semaphore_mem>>) {add = true}
        %dma_wait3A_309 = arith.constant 0 : i32
        %dma_wait3A_310 = arith.constant 0 : i32
        %dma_wait3A_311 = tpu.memref_slice %arg7[%dma_wait3A_309, %dma_wait3A_310] : memref<16x64xi32, #tpu.memory_space<vmem>> -> memref<1x64xi32, #tpu.memory_space<vmem>>
        %dma_wait3A_312 = tpu.memref_squeeze %dma_wait3A_311 : memref<1x64xi32, #tpu.memory_space<vmem>> -> memref<64xi32, #tpu.memory_space<vmem>>
        %dma_wait3A_313 = arith.constant 0 : i32
        %dma_wait3A_314 = arith.constant 0 : i32
        %dma_wait3A_315 = tpu.memref_slice %arg12[%dma_wait3A_313, %dma_wait3A_314] : memref<10112x128xf32, #tpu.memory_space<vmem_shared>> -> memref<10112x128xf32, #tpu.memory_space<vmem_shared>>
        tpu.wait_indirect_dma semaphore(%arg17 : memref<!tpu.dma_semaphore, #tpu.memory_space<semaphore_mem>>) src(%arg8 : memref<64x128xf32, #tpu.memory_space<vmem>>) dst(%dma_wait3A_315 : memref<10112x128xf32, #tpu.memory_space<vmem_shared>>)
        %add3A_316 = arith.constant 4 : i32
        %add3A_317 = arith.addi %add3A_295, %add3A_316 : i32
        %sub3A_318 = arith.constant 1 : i32
        %sub3A_319 = arith.subi %add3A_317, %sub3A_318 : i32
        %dma_start3A_320 = arith.constant 0 : i32
        %dma_start3A_321 = tpu.memref_slice %arg6[%sub3A_319, %dma_start3A_320] : memref<16x64xi32, #tpu.memory_space<vmem>> -> memref<1x64xi32, #tpu.memory_space<vmem>>
        %dma_start3A_322 = tpu.memref_squeeze %dma_start3A_321 : memref<1x64xi32, #tpu.memory_space<vmem>> -> memref<64xi32, #tpu.memory_space<vmem>>
        %dma_start3A_323 = arith.constant 0 : i32
        %dma_start3A_324 = arith.constant 0 : i32
        %dma_start3A_325 = tpu.memref_slice %arg2[%dma_start3A_323, %dma_start3A_324] : memref<10000x128xf32, #tpu.memory_space<hbm>> -> memref<10000x128xf32, #tpu.memory_space<hbm>>
        tpu.enqueue_indirect_dma source(%dma_start3A_325 : memref<10000x128xf32, #tpu.memory_space<hbm>>) target(%arg8 : memref<64x128xf32, #tpu.memory_space<vmem>>) offsets(%dma_start3A_322 : memref<64xi32, #tpu.memory_space<vmem>>) semaphore(%arg13 : memref<!tpu.dma_semaphore, #tpu.memory_space<semaphore_mem>>)
        %add3A_326 = arith.constant 2 : i32
        %add3A_327 = arith.addi %mul3A_262, %add3A_326 : i32
        %dma_wait3A_328 = arith.constant 0 : i32
        %dma_wait3A_329 = arith.constant 0 : i32
        %dma_wait3A_330 = tpu.memref_slice %arg6[%dma_wait3A_328, %dma_wait3A_329] : memref<16x64xi32, #tpu.memory_space<vmem>> -> memref<1x64xi32, #tpu.memory_space<vmem>>
        %dma_wait3A_331 = tpu.memref_squeeze %dma_wait3A_330 : memref<1x64xi32, #tpu.memory_space<vmem>> -> memref<64xi32, #tpu.memory_space<vmem>>
        %dma_wait3A_332 = arith.constant 0 : i32
        %dma_wait3A_333 = arith.constant 0 : i32
        %dma_wait3A_334 = tpu.memref_slice %arg2[%dma_wait3A_332, %dma_wait3A_333] : memref<10000x128xf32, #tpu.memory_space<hbm>> -> memref<10000x128xf32, #tpu.memory_space<hbm>>
        tpu.wait_indirect_dma semaphore(%arg15 : memref<!tpu.dma_semaphore, #tpu.memory_space<semaphore_mem>>) src(%dma_wait3A_334 : memref<10000x128xf32, #tpu.memory_space<hbm>>) dst(%arg10 : memref<64x128xf32, #tpu.memory_space<vmem>>)
        %dma_start3A_335 = arith.constant 0 : i32
        %dma_start3A_336 = tpu.memref_slice %arg7[%add3A_327, %dma_start3A_335] : memref<16x64xi32, #tpu.memory_space<vmem>> -> memref<1x64xi32, #tpu.memory_space<vmem>>
        %dma_start3A_337 = tpu.memref_squeeze %dma_start3A_336 : memref<1x64xi32, #tpu.memory_space<vmem>> -> memref<64xi32, #tpu.memory_space<vmem>>
        %dma_start3A_338 = arith.constant 0 : i32
        %dma_start3A_339 = arith.constant 0 : i32
        %dma_start3A_340 = tpu.memref_slice %arg12[%dma_start3A_338, %dma_start3A_339] : memref<10112x128xf32, #tpu.memory_space<vmem_shared>> -> memref<10112x128xf32, #tpu.memory_space<vmem_shared>>
        tpu.enqueue_indirect_dma source(%arg10 : memref<64x128xf32, #tpu.memory_space<vmem>>) target(%dma_start3A_340 : memref<10112x128xf32, #tpu.memory_space<vmem_shared>>) offsets(%dma_start3A_337 : memref<64xi32, #tpu.memory_space<vmem>>) semaphore(%arg19 : memref<!tpu.dma_semaphore, #tpu.memory_space<semaphore_mem>>) {add = true}
        %dma_wait3A_341 = arith.constant 0 : i32
        %dma_wait3A_342 = arith.constant 0 : i32
        %dma_wait3A_343 = tpu.memref_slice %arg7[%dma_wait3A_341, %dma_wait3A_342] : memref<16x64xi32, #tpu.memory_space<vmem>> -> memref<1x64xi32, #tpu.memory_space<vmem>>
        %dma_wait3A_344 = tpu.memref_squeeze %dma_wait3A_343 : memref<1x64xi32, #tpu.memory_space<vmem>> -> memref<64xi32, #tpu.memory_space<vmem>>
        %dma_wait3A_345 = arith.constant 0 : i32
        %dma_wait3A_346 = arith.constant 0 : i32
        %dma_wait3A_347 = tpu.memref_slice %arg12[%dma_wait3A_345, %dma_wait3A_346] : memref<10112x128xf32, #tpu.memory_space<vmem_shared>> -> memref<10112x128xf32, #tpu.memory_space<vmem_shared>>
        tpu.wait_indirect_dma semaphore(%arg18 : memref<!tpu.dma_semaphore, #tpu.memory_space<semaphore_mem>>) src(%arg9 : memref<64x128xf32, #tpu.memory_space<vmem>>) dst(%dma_wait3A_347 : memref<10112x128xf32, #tpu.memory_space<vmem_shared>>)
        %add3A_348 = arith.constant 4 : i32
        %add3A_349 = arith.addi %add3A_327, %add3A_348 : i32
        %sub3A_350 = arith.constant 1 : i32
        %sub3A_351 = arith.subi %add3A_349, %sub3A_350 : i32
        %dma_start3A_352 = arith.constant 0 : i32
        %dma_start3A_353 = tpu.memref_slice %arg6[%sub3A_351, %dma_start3A_352] : memref<16x64xi32, #tpu.memory_space<vmem>> -> memref<1x64xi32, #tpu.memory_space<vmem>>
        %dma_start3A_354 = tpu.memref_squeeze %dma_start3A_353 : memref<1x64xi32, #tpu.memory_space<vmem>> -> memref<64xi32, #tpu.memory_space<vmem>>
        %dma_start3A_355 = arith.constant 0 : i32
        %dma_start3A_356 = arith.constant 0 : i32
        %dma_start3A_357 = tpu.memref_slice %arg2[%dma_start3A_355, %dma_start3A_356] : memref<10000x128xf32, #tpu.memory_space<hbm>> -> memref<10000x128xf32, #tpu.memory_space<hbm>>
        tpu.enqueue_indirect_dma source(%dma_start3A_357 : memref<10000x128xf32, #tpu.memory_space<hbm>>) target(%arg9 : memref<64x128xf32, #tpu.memory_space<vmem>>) offsets(%dma_start3A_354 : memref<64xi32, #tpu.memory_space<vmem>>) semaphore(%arg14 : memref<!tpu.dma_semaphore, #tpu.memory_space<semaphore_mem>>)
        %add3A_358 = arith.constant 3 : i32
        %add3A_359 = arith.addi %mul3A_262, %add3A_358 : i32
        %dma_wait3A_360 = arith.constant 0 : i32
        %dma_wait3A_361 = arith.constant 0 : i32
        %dma_wait3A_362 = tpu.memref_slice %arg6[%dma_wait3A_360, %dma_wait3A_361] : memref<16x64xi32, #tpu.memory_space<vmem>> -> memref<1x64xi32, #tpu.memory_space<vmem>>
        %dma_wait3A_363 = tpu.memref_squeeze %dma_wait3A_362 : memref<1x64xi32, #tpu.memory_space<vmem>> -> memref<64xi32, #tpu.memory_space<vmem>>
        %dma_wait3A_364 = arith.constant 0 : i32
        %dma_wait3A_365 = arith.constant 0 : i32
        %dma_wait3A_366 = tpu.memref_slice %arg2[%dma_wait3A_364, %dma_wait3A_365] : memref<10000x128xf32, #tpu.memory_space<hbm>> -> memref<10000x128xf32, #tpu.memory_space<hbm>>
        tpu.wait_indirect_dma semaphore(%arg16 : memref<!tpu.dma_semaphore, #tpu.memory_space<semaphore_mem>>) src(%dma_wait3A_366 : memref<10000x128xf32, #tpu.memory_space<hbm>>) dst(%arg11 : memref<64x128xf32, #tpu.memory_space<vmem>>)
        %dma_start3A_367 = arith.constant 0 : i32
        %dma_start3A_368 = tpu.memref_slice %arg7[%add3A_359, %dma_start3A_367] : memref<16x64xi32, #tpu.memory_space<vmem>> -> memref<1x64xi32, #tpu.memory_space<vmem>>
        %dma_start3A_369 = tpu.memref_squeeze %dma_start3A_368 : memref<1x64xi32, #tpu.memory_space<vmem>> -> memref<64xi32, #tpu.memory_space<vmem>>
        %dma_start3A_370 = arith.constant 0 : i32
        %dma_start3A_371 = arith.constant 0 : i32
        %dma_start3A_372 = tpu.memref_slice %arg12[%dma_start3A_370, %dma_start3A_371] : memref<10112x128xf32, #tpu.memory_space<vmem_shared>> -> memref<10112x128xf32, #tpu.memory_space<vmem_shared>>
        tpu.enqueue_indirect_dma source(%arg11 : memref<64x128xf32, #tpu.memory_space<vmem>>) target(%dma_start3A_372 : memref<10112x128xf32, #tpu.memory_space<vmem_shared>>) offsets(%dma_start3A_369 : memref<64xi32, #tpu.memory_space<vmem>>) semaphore(%arg20 : memref<!tpu.dma_semaphore, #tpu.memory_space<semaphore_mem>>) {add = true}
        %dma_wait3A_373 = arith.constant 0 : i32
        %dma_wait3A_374 = arith.constant 0 : i32
        %dma_wait3A_375 = tpu.memref_slice %arg7[%dma_wait3A_373, %dma_wait3A_374] : memref<16x64xi32, #tpu.memory_space<vmem>> -> memref<1x64xi32, #tpu.memory_space<vmem>>
        %dma_wait3A_376 = tpu.memref_squeeze %dma_wait3A_375 : memref<1x64xi32, #tpu.memory_space<vmem>> -> memref<64xi32, #tpu.memory_space<vmem>>
        %dma_wait3A_377 = arith.constant 0 : i32
        %dma_wait3A_378 = arith.constant 0 : i32
        %dma_wait3A_379 = tpu.memref_slice %arg12[%dma_wait3A_377, %dma_wait3A_378] : memref<10112x128xf32, #tpu.memory_space<vmem_shared>> -> memref<10112x128xf32, #tpu.memory_space<vmem_shared>>
        tpu.wait_indirect_dma semaphore(%arg19 : memref<!tpu.dma_semaphore, #tpu.memory_space<semaphore_mem>>) src(%arg10 : memref<64x128xf32, #tpu.memory_space<vmem>>) dst(%dma_wait3A_379 : memref<10112x128xf32, #tpu.memory_space<vmem_shared>>)
        %add3A_380 = arith.constant 4 : i32
        %add3A_381 = arith.addi %add3A_359, %add3A_380 : i32
        %sub3A_382 = arith.constant 1 : i32
        %sub3A_383 = arith.subi %add3A_381, %sub3A_382 : i32
        %dma_start3A_384 = arith.constant 0 : i32
        %dma_start3A_385 = tpu.memref_slice %arg6[%sub3A_383, %dma_start3A_384] : memref<16x64xi32, #tpu.memory_space<vmem>> -> memref<1x64xi32, #tpu.memory_space<vmem>>
        %dma_start3A_386 = tpu.memref_squeeze %dma_start3A_385 : memref<1x64xi32, #tpu.memory_space<vmem>> -> memref<64xi32, #tpu.memory_space<vmem>>
        %dma_start3A_387 = arith.constant 0 : i32
        %dma_start3A_388 = arith.constant 0 : i32
        %dma_start3A_389 = tpu.memref_slice %arg2[%dma_start3A_387, %dma_start3A_388] : memref<10000x128xf32, #tpu.memory_space<hbm>> -> memref<10000x128xf32, #tpu.memory_space<hbm>>
        tpu.enqueue_indirect_dma source(%dma_start3A_389 : memref<10000x128xf32, #tpu.memory_space<hbm>>) target(%arg10 : memref<64x128xf32, #tpu.memory_space<vmem>>) offsets(%dma_start3A_386 : memref<64xi32, #tpu.memory_space<vmem>>) semaphore(%arg15 : memref<!tpu.dma_semaphore, #tpu.memory_space<semaphore_mem>>)
      }
      %scan3A_161 = arith.constant 2 : i32
      %dma_wait3A_162 = arith.constant 0 : i32
      %dma_wait3A_163 = arith.constant 0 : i32
      %dma_wait3A_164 = tpu.memref_slice %arg6[%dma_wait3A_162, %dma_wait3A_163] : memref<16x64xi32, #tpu.memory_space<vmem>> -> memref<1x64xi32, #tpu.memory_space<vmem>>
      %dma_wait3A_165 = tpu.memref_squeeze %dma_wait3A_164 : memref<1x64xi32, #tpu.memory_space<vmem>> -> memref<64xi32, #tpu.memory_space<vmem>>
      %dma_wait3A_166 = arith.constant 0 : i32
      %dma_wait3A_167 = arith.constant 0 : i32
      %dma_wait3A_168 = tpu.memref_slice %arg2[%dma_wait3A_166, %dma_wait3A_167] : memref<10000x128xf32, #tpu.memory_space<hbm>> -> memref<10000x128xf32, #tpu.memory_space<hbm>>
      tpu.wait_indirect_dma semaphore(%arg13 : memref<!tpu.dma_semaphore, #tpu.memory_space<semaphore_mem>>) src(%dma_wait3A_168 : memref<10000x128xf32, #tpu.memory_space<hbm>>) dst(%arg8 : memref<64x128xf32, #tpu.memory_space<vmem>>)
      %dma_start3A_169 = arith.constant 12 : i32
      %dma_start3A_170 = arith.constant 0 : i32
      %dma_start3A_171 = tpu.memref_slice %arg7[%dma_start3A_169, %dma_start3A_170] : memref<16x64xi32, #tpu.memory_space<vmem>> -> memref<1x64xi32, #tpu.memory_space<vmem>>
      %dma_start3A_172 = tpu.memref_squeeze %dma_start3A_171 : memref<1x64xi32, #tpu.memory_space<vmem>> -> memref<64xi32, #tpu.memory_space<vmem>>
      %dma_start3A_173 = arith.constant 0 : i32
      %dma_start3A_174 = arith.constant 0 : i32
      %dma_start3A_175 = tpu.memref_slice %arg12[%dma_start3A_173, %dma_start3A_174] : memref<10112x128xf32, #tpu.memory_space<vmem_shared>> -> memref<10112x128xf32, #tpu.memory_space<vmem_shared>>
      tpu.enqueue_indirect_dma source(%arg8 : memref<64x128xf32, #tpu.memory_space<vmem>>) target(%dma_start3A_175 : memref<10112x128xf32, #tpu.memory_space<vmem_shared>>) offsets(%dma_start3A_172 : memref<64xi32, #tpu.memory_space<vmem>>) semaphore(%arg17 : memref<!tpu.dma_semaphore, #tpu.memory_space<semaphore_mem>>) {add = true}
      %dma_wait3A_176 = arith.constant 0 : i32
      %dma_wait3A_177 = arith.constant 0 : i32
      %dma_wait3A_178 = tpu.memref_slice %arg7[%dma_wait3A_176, %dma_wait3A_177] : memref<16x64xi32, #tpu.memory_space<vmem>> -> memref<1x64xi32, #tpu.memory_space<vmem>>
      %dma_wait3A_179 = tpu.memref_squeeze %dma_wait3A_178 : memref<1x64xi32, #tpu.memory_space<vmem>> -> memref<64xi32, #tpu.memory_space<vmem>>
      %dma_wait3A_180 = arith.constant 0 : i32
      %dma_wait3A_181 = arith.constant 0 : i32
      %dma_wait3A_182 = tpu.memref_slice %arg12[%dma_wait3A_180, %dma_wait3A_181] : memref<10112x128xf32, #tpu.memory_space<vmem_shared>> -> memref<10112x128xf32, #tpu.memory_space<vmem_shared>>
      tpu.wait_indirect_dma semaphore(%arg20 : memref<!tpu.dma_semaphore, #tpu.memory_space<semaphore_mem>>) src(%arg11 : memref<64x128xf32, #tpu.memory_space<vmem>>) dst(%dma_wait3A_182 : memref<10112x128xf32, #tpu.memory_space<vmem_shared>>)
      %dma_start3A_183 = arith.constant 15 : i32
      %dma_start3A_184 = arith.constant 0 : i32
      %dma_start3A_185 = tpu.memref_slice %arg6[%dma_start3A_183, %dma_start3A_184] : memref<16x64xi32, #tpu.memory_space<vmem>> -> memref<1x64xi32, #tpu.memory_space<vmem>>
      %dma_start3A_186 = tpu.memref_squeeze %dma_start3A_185 : memref<1x64xi32, #tpu.memory_space<vmem>> -> memref<64xi32, #tpu.memory_space<vmem>>
      %dma_start3A_187 = arith.constant 0 : i32
      %dma_start3A_188 = arith.constant 0 : i32
      %dma_start3A_189 = tpu.memref_slice %arg2[%dma_start3A_187, %dma_start3A_188] : memref<10000x128xf32, #tpu.memory_space<hbm>> -> memref<10000x128xf32, #tpu.memory_space<hbm>>
      tpu.enqueue_indirect_dma source(%dma_start3A_189 : memref<10000x128xf32, #tpu.memory_space<hbm>>) target(%arg11 : memref<64x128xf32, #tpu.memory_space<vmem>>) offsets(%dma_start3A_186 : memref<64xi32, #tpu.memory_space<vmem>>) semaphore(%arg16 : memref<!tpu.dma_semaphore, #tpu.memory_space<semaphore_mem>>)
      %dma_wait3A_190 = arith.constant 0 : i32
      %dma_wait3A_191 = arith.constant 0 : i32
      %dma_wait3A_192 = tpu.memref_slice %arg6[%dma_wait3A_190, %dma_wait3A_191] : memref<16x64xi32, #tpu.memory_space<vmem>> -> memref<1x64xi32, #tpu.memory_space<vmem>>
      %dma_wait3A_193 = tpu.memref_squeeze %dma_wait3A_192 : memref<1x64xi32, #tpu.memory_space<vmem>> -> memref<64xi32, #tpu.memory_space<vmem>>
      %dma_wait3A_194 = arith.constant 0 : i32
      %dma_wait3A_195 = arith.constant 0 : i32
      %dma_wait3A_196 = tpu.memref_slice %arg2[%dma_wait3A_194, %dma_wait3A_195] : memref<10000x128xf32, #tpu.memory_space<hbm>> -> memref<10000x128xf32, #tpu.memory_space<hbm>>
      tpu.wait_indirect_dma semaphore(%arg14 : memref<!tpu.dma_semaphore, #tpu.memory_space<semaphore_mem>>) src(%dma_wait3A_196 : memref<10000x128xf32, #tpu.memory_space<hbm>>) dst(%arg9 : memref<64x128xf32, #tpu.memory_space<vmem>>)
      %dma_start3A_197 = arith.constant 13 : i32
      %dma_start3A_198 = arith.constant 0 : i32
      %dma_start3A_199 = tpu.memref_slice %arg7[%dma_start3A_197, %dma_start3A_198] : memref<16x64xi32, #tpu.memory_space<vmem>> -> memref<1x64xi32, #tpu.memory_space<vmem>>
      %dma_start3A_200 = tpu.memref_squeeze %dma_start3A_199 : memref<1x64xi32, #tpu.memory_space<vmem>> -> memref<64xi32, #tpu.memory_space<vmem>>
      %dma_start3A_201 = arith.constant 0 : i32
      %dma_start3A_202 = arith.constant 0 : i32
      %dma_start3A_203 = tpu.memref_slice %arg12[%dma_start3A_201, %dma_start3A_202] : memref<10112x128xf32, #tpu.memory_space<vmem_shared>> -> memref<10112x128xf32, #tpu.memory_space<vmem_shared>>
      tpu.enqueue_indirect_dma source(%arg9 : memref<64x128xf32, #tpu.memory_space<vmem>>) target(%dma_start3A_203 : memref<10112x128xf32, #tpu.memory_space<vmem_shared>>) offsets(%dma_start3A_200 : memref<64xi32, #tpu.memory_space<vmem>>) semaphore(%arg18 : memref<!tpu.dma_semaphore, #tpu.memory_space<semaphore_mem>>) {add = true}
      %dma_wait3A_204 = arith.constant 0 : i32
      %dma_wait3A_205 = arith.constant 0 : i32
      %dma_wait3A_206 = tpu.memref_slice %arg6[%dma_wait3A_204, %dma_wait3A_205] : memref<16x64xi32, #tpu.memory_space<vmem>> -> memref<1x64xi32, #tpu.memory_space<vmem>>
      %dma_wait3A_207 = tpu.memref_squeeze %dma_wait3A_206 : memref<1x64xi32, #tpu.memory_space<vmem>> -> memref<64xi32, #tpu.memory_space<vmem>>
      %dma_wait3A_208 = arith.constant 0 : i32
      %dma_wait3A_209 = arith.constant 0 : i32
      %dma_wait3A_210 = tpu.memref_slice %arg2[%dma_wait3A_208, %dma_wait3A_209] : memref<10000x128xf32, #tpu.memory_space<hbm>> -> memref<10000x128xf32, #tpu.memory_space<hbm>>
      tpu.wait_indirect_dma semaphore(%arg15 : memref<!tpu.dma_semaphore, #tpu.memory_space<semaphore_mem>>) src(%dma_wait3A_210 : memref<10000x128xf32, #tpu.memory_space<hbm>>) dst(%arg10 : memref<64x128xf32, #tpu.memory_space<vmem>>)
      %dma_start3A_211 = arith.constant 14 : i32
      %dma_start3A_212 = arith.constant 0 : i32
      %dma_start3A_213 = tpu.memref_slice %arg7[%dma_start3A_211, %dma_start3A_212] : memref<16x64xi32, #tpu.memory_space<vmem>> -> memref<1x64xi32, #tpu.memory_space<vmem>>
      %dma_start3A_214 = tpu.memref_squeeze %dma_start3A_213 : memref<1x64xi32, #tpu.memory_space<vmem>> -> memref<64xi32, #tpu.memory_space<vmem>>
      %dma_start3A_215 = arith.constant 0 : i32
      %dma_start3A_216 = arith.constant 0 : i32
      %dma_start3A_217 = tpu.memref_slice %arg12[%dma_start3A_215, %dma_start3A_216] : memref<10112x128xf32, #tpu.memory_space<vmem_shared>> -> memref<10112x128xf32, #tpu.memory_space<vmem_shared>>
      tpu.enqueue_indirect_dma source(%arg10 : memref<64x128xf32, #tpu.memory_space<vmem>>) target(%dma_start3A_217 : memref<10112x128xf32, #tpu.memory_space<vmem_shared>>) offsets(%dma_start3A_214 : memref<64xi32, #tpu.memory_space<vmem>>) semaphore(%arg19 : memref<!tpu.dma_semaphore, #tpu.memory_space<semaphore_mem>>) {add = true}
      %dma_wait3A_218 = arith.constant 0 : i32
      %dma_wait3A_219 = arith.constant 0 : i32
      %dma_wait3A_220 = tpu.memref_slice %arg6[%dma_wait3A_218, %dma_wait3A_219] : memref<16x64xi32, #tpu.memory_space<vmem>> -> memref<1x64xi32, #tpu.memory_space<vmem>>
      %dma_wait3A_221 = tpu.memref_squeeze %dma_wait3A_220 : memref<1x64xi32, #tpu.memory_space<vmem>> -> memref<64xi32, #tpu.memory_space<vmem>>
      %dma_wait3A_222 = arith.constant 0 : i32
      %dma_wait3A_223 = arith.constant 0 : i32
      %dma_wait3A_224 = tpu.memref_slice %arg2[%dma_wait3A_222, %dma_wait3A_223] : memref<10000x128xf32, #tpu.memory_space<hbm>> -> memref<10000x128xf32, #tpu.memory_space<hbm>>
      tpu.wait_indirect_dma semaphore(%arg16 : memref<!tpu.dma_semaphore, #tpu.memory_space<semaphore_mem>>) src(%dma_wait3A_224 : memref<10000x128xf32, #tpu.memory_space<hbm>>) dst(%arg11 : memref<64x128xf32, #tpu.memory_space<vmem>>)
      %dma_start3A_225 = arith.constant 15 : i32
      %dma_start3A_226 = arith.constant 0 : i32
      %dma_start3A_227 = tpu.memref_slice %arg7[%dma_start3A_225, %dma_start3A_226] : memref<16x64xi32, #tpu.memory_space<vmem>> -> memref<1x64xi32, #tpu.memory_space<vmem>>
      %dma_start3A_228 = tpu.memref_squeeze %dma_start3A_227 : memref<1x64xi32, #tpu.memory_space<vmem>> -> memref<64xi32, #tpu.memory_space<vmem>>
      %dma_start3A_229 = arith.constant 0 : i32
      %dma_start3A_230 = arith.constant 0 : i32
      %dma_start3A_231 = tpu.memref_slice %arg12[%dma_start3A_229, %dma_start3A_230] : memref<10112x128xf32, #tpu.memory_space<vmem_shared>> -> memref<10112x128xf32, #tpu.memory_space<vmem_shared>>
      tpu.enqueue_indirect_dma source(%arg11 : memref<64x128xf32, #tpu.memory_space<vmem>>) target(%dma_start3A_231 : memref<10112x128xf32, #tpu.memory_space<vmem_shared>>) offsets(%dma_start3A_228 : memref<64xi32, #tpu.memory_space<vmem>>) semaphore(%arg20 : memref<!tpu.dma_semaphore, #tpu.memory_space<semaphore_mem>>) {add = true}
      %dma_wait3A_232 = arith.constant 0 : i32
      %dma_wait3A_233 = arith.constant 0 : i32
      %dma_wait3A_234 = tpu.memref_slice %arg7[%dma_wait3A_232, %dma_wait3A_233] : memref<16x64xi32, #tpu.memory_space<vmem>> -> memref<1x64xi32, #tpu.memory_space<vmem>>
      %dma_wait3A_235 = tpu.memref_squeeze %dma_wait3A_234 : memref<1x64xi32, #tpu.memory_space<vmem>> -> memref<64xi32, #tpu.memory_space<vmem>>
      %dma_wait3A_236 = arith.constant 0 : i32
      %dma_wait3A_237 = arith.constant 0 : i32
      %dma_wait3A_238 = tpu.memref_slice %arg12[%dma_wait3A_236, %dma_wait3A_237] : memref<10112x128xf32, #tpu.memory_space<vmem_shared>> -> memref<10112x128xf32, #tpu.memory_space<vmem_shared>>
      tpu.wait_indirect_dma semaphore(%arg17 : memref<!tpu.dma_semaphore, #tpu.memory_space<semaphore_mem>>) src(%arg8 : memref<64x128xf32, #tpu.memory_space<vmem>>) dst(%dma_wait3A_238 : memref<10112x128xf32, #tpu.memory_space<vmem_shared>>)
      %dma_wait3A_239 = arith.constant 0 : i32
      %dma_wait3A_240 = arith.constant 0 : i32
      %dma_wait3A_241 = tpu.memref_slice %arg7[%dma_wait3A_239, %dma_wait3A_240] : memref<16x64xi32, #tpu.memory_space<vmem>> -> memref<1x64xi32, #tpu.memory_space<vmem>>
      %dma_wait3A_242 = tpu.memref_squeeze %dma_wait3A_241 : memref<1x64xi32, #tpu.memory_space<vmem>> -> memref<64xi32, #tpu.memory_space<vmem>>
      %dma_wait3A_243 = arith.constant 0 : i32
      %dma_wait3A_244 = arith.constant 0 : i32
      %dma_wait3A_245 = tpu.memref_slice %arg12[%dma_wait3A_243, %dma_wait3A_244] : memref<10112x128xf32, #tpu.memory_space<vmem_shared>> -> memref<10112x128xf32, #tpu.memory_space<vmem_shared>>
      tpu.wait_indirect_dma semaphore(%arg18 : memref<!tpu.dma_semaphore, #tpu.memory_space<semaphore_mem>>) src(%arg9 : memref<64x128xf32, #tpu.memory_space<vmem>>) dst(%dma_wait3A_245 : memref<10112x128xf32, #tpu.memory_space<vmem_shared>>)
      %dma_wait3A_246 = arith.constant 0 : i32
      %dma_wait3A_247 = arith.constant 0 : i32
      %dma_wait3A_248 = tpu.memref_slice %arg7[%dma_wait3A_246, %dma_wait3A_247] : memref<16x64xi32, #tpu.memory_space<vmem>> -> memref<1x64xi32, #tpu.memory_space<vmem>>
      %dma_wait3A_249 = tpu.memref_squeeze %dma_wait3A_248 : memref<1x64xi32, #tpu.memory_space<vmem>> -> memref<64xi32, #tpu.memory_space<vmem>>
      %dma_wait3A_250 = arith.constant 0 : i32
      %dma_wait3A_251 = arith.constant 0 : i32
      %dma_wait3A_252 = tpu.memref_slice %arg12[%dma_wait3A_250, %dma_wait3A_251] : memref<10112x128xf32, #tpu.memory_space<vmem_shared>> -> memref<10112x128xf32, #tpu.memory_space<vmem_shared>>
      tpu.wait_indirect_dma semaphore(%arg19 : memref<!tpu.dma_semaphore, #tpu.memory_space<semaphore_mem>>) src(%arg10 : memref<64x128xf32, #tpu.memory_space<vmem>>) dst(%dma_wait3A_252 : memref<10112x128xf32, #tpu.memory_space<vmem_shared>>)
      %dma_wait3A_253 = arith.constant 0 : i32
      %dma_wait3A_254 = arith.constant 0 : i32
      %dma_wait3A_255 = tpu.memref_slice %arg7[%dma_wait3A_253, %dma_wait3A_254] : memref<16x64xi32, #tpu.memory_space<vmem>> -> memref<1x64xi32, #tpu.memory_space<vmem>>
      %dma_wait3A_256 = tpu.memref_squeeze %dma_wait3A_255 : memref<1x64xi32, #tpu.memory_space<vmem>> -> memref<64xi32, #tpu.memory_space<vmem>>
      %dma_wait3A_257 = arith.constant 0 : i32
      %dma_wait3A_258 = arith.constant 0 : i32
      %dma_wait3A_259 = tpu.memref_slice %arg12[%dma_wait3A_257, %dma_wait3A_258] : memref<10112x128xf32, #tpu.memory_space<vmem_shared>> -> memref<10112x128xf32, #tpu.memory_space<vmem_shared>>
      tpu.wait_indirect_dma semaphore(%arg20 : memref<!tpu.dma_semaphore, #tpu.memory_space<semaphore_mem>>) src(%arg11 : memref<64x128xf32, #tpu.memory_space<vmem>>) dst(%dma_wait3A_259 : memref<10112x128xf32, #tpu.memory_space<vmem_shared>>)
    }
    %barrier3A_22 = arith.constant 0 : index
    tpu.barrier barrier_id(%barrier3A_22)
    %eq3A_23 = arith.constant 0 : i32
    %eq3A_24 = arith.cmpi eq, %arg0, %eq3A_23 : i32
    %or3A_25 = arith.constant true
    %or3A_26 = arith.ori %eq3A_24, %or3A_25 : i1
    %convert_element_type3A_27 = arith.extui %or3A_26 : i1 to i32
    %cond3A_28 = arith.constant 0 : i32
    %cond3A_29 = arith.cmpi ne, %convert_element_type3A_27, %cond3A_28 : i32
    scf.if %cond3A_29 {
      %mul3A_30 = arith.constant 632 : i32
      %mul3A_31 = arith.muli %arg1, %mul3A_30 : i32
      %mul3A_32 = arith.constant 632 : i32
      %mul3A_33 = arith.muli %arg1, %mul3A_32 : i32
      "tpu.region"() ({
        %run_scoped3A = tpu.sem_alloc : memref<!tpu.dma_semaphore, #tpu.memory_space<semaphore_mem>>
        %dma_start3A = arith.constant 0 : i32
        %dma_start3A_34 = arith.constant 0 : i32
        %dma_start3A_35 = tpu.memref_slice %arg5[%arg0, %dma_start3A, %dma_start3A_34] : memref<2x10112x128xf32, #tpu.memory_space<hbm>> -> memref<1x10112x128xf32, #tpu.memory_space<hbm>>
        %dma_start3A_36 = tpu.memref_squeeze %dma_start3A_35 : memref<1x10112x128xf32, #tpu.memory_space<hbm>> -> memref<10112x128xf32, #tpu.memory_space<hbm>>
        %dma_start3A_37 = arith.constant 0 : i32
        %dma_start3A_38 = tpu.memref_slice %dma_start3A_36[%mul3A_33, %dma_start3A_37] : memref<10112x128xf32, #tpu.memory_space<hbm>> -> memref<632x128xf32, #tpu.memory_space<hbm>>
        %dma_start3A_39 = arith.constant 0 : i32
        %dma_start3A_40 = tpu.memref_slice %arg12[%mul3A_31, %dma_start3A_39] : memref<10112x128xf32, #tpu.memory_space<vmem_shared>> -> memref<632x128xf32, #tpu.memory_space<vmem_shared>>
        tpu.enqueue_dma source(%dma_start3A_40 : memref<632x128xf32, #tpu.memory_space<vmem_shared>>) target(%dma_start3A_38 : memref<632x128xf32, #tpu.memory_space<hbm>>) target_semaphore(%run_scoped3A : memref<!tpu.dma_semaphore, #tpu.memory_space<semaphore_mem>>)
        %dma_wait3A = arith.constant 0 : i32
        %dma_wait3A_41 = arith.constant 0 : i32
        %dma_wait3A_42 = tpu.memref_slice %arg5[%arg0, %dma_wait3A, %dma_wait3A_41] : memref<2x10112x128xf32, #tpu.memory_space<hbm>> -> memref<1x10112x128xf32, #tpu.memory_space<hbm>>
        %dma_wait3A_43 = tpu.memref_squeeze %dma_wait3A_42 : memref<1x10112x128xf32, #tpu.memory_space<hbm>> -> memref<10112x128xf32, #tpu.memory_space<hbm>>
        %dma_wait3A_44 = arith.constant 0 : i32
        %dma_wait3A_45 = tpu.memref_slice %dma_wait3A_43[%mul3A_33, %dma_wait3A_44] : memref<10112x128xf32, #tpu.memory_space<hbm>> -> memref<632x128xf32, #tpu.memory_space<hbm>>
        %dma_wait3A_46 = arith.constant 0 : i32
        %dma_wait3A_47 = tpu.memref_slice %arg12[%mul3A_31, %dma_wait3A_46] : memref<10112x128xf32, #tpu.memory_space<vmem_shared>> -> memref<632x128xf32, #tpu.memory_space<vmem_shared>>
        tpu.wait_dma2 semaphore(%run_scoped3A : memref<!tpu.dma_semaphore, #tpu.memory_space<semaphore_mem>>) src(%dma_wait3A_47 : memref<632x128xf32, #tpu.memory_space<vmem_shared>>) dst(%dma_wait3A_45 : memref<632x128xf32, #tpu.memory_space<hbm>>)
        tpu.yield
      }) : () -> ()
    } else {
    }
    return
  }
}

#map = affine_map<(d0, d1) -> (0, 0)>
#map1 = affine_map<(d0, d1) -> (0, 0, 0)>
module attributes {stable_mosaic.version = 14 : i64} {
  func.func @agg(%arg0: i32, %arg1: i32, %arg2: memref<10000x128xf32, #tpu.memory_space<hbm>>, %arg3: memref<320x16x64xi32, #tpu.memory_space<hbm>>, %arg4: memref<320x16x64xi32, #tpu.memory_space<hbm>>, %arg5: memref<2x10112x128xf32, #tpu.memory_space<hbm>>, %arg6: memref<16x64xi32, #tpu.memory_space<vmem>>, %arg7: memref<16x64xi32, #tpu.memory_space<vmem>>, %arg8: memref<64x128xf32, #tpu.memory_space<vmem>>, %arg9: memref<64x128xf32, #tpu.memory_space<vmem>>, %arg10: memref<64x128xf32, #tpu.memory_space<vmem>>, %arg11: memref<64x128xf32, #tpu.memory_space<vmem>>, %arg12: memref<10112x128xf32, #tpu.memory_space<vmem_shared>>, %arg13: memref<!tpu.dma_semaphore, #tpu.memory_space<semaphore_mem>>, %arg14: memref<!tpu.dma_semaphore, #tpu.memory_space<semaphore_mem>>, %arg15: memref<!tpu.dma_semaphore, #tpu.memory_space<semaphore_mem>>, %arg16: memref<!tpu.dma_semaphore, #tpu.memory_space<semaphore_mem>>, %arg17: memref<!tpu.dma_semaphore, #tpu.memory_space<semaphore_mem>>, %arg18: memref<!tpu.dma_semaphore, #tpu.memory_space<semaphore_mem>>, %arg19: memref<!tpu.dma_semaphore, #tpu.memory_space<semaphore_mem>>, %arg20: memref<!tpu.dma_semaphore, #tpu.memory_space<semaphore_mem>>) attributes {dimension_semantics = [#tpu.dimension_semantics<core_parallel>, #tpu.dimension_semantics<subcore_parallel>], iteration_bounds = array<i64: 2, 16>, scalar_prefetch = 0 : i64, scratch_operands = 15 : i64, tpu.core_type = #tpu.core_type<sc_vector_subcore>, window_params = [{transform_indices = #map}, {transform_indices = #map1}, {transform_indices = #map1}, {transform_indices = #map1}]} {
    %eq3A = arith.constant 0 : i32
    %eq3A_0 = arith.cmpi eq, %arg0, %eq3A : i32
    %or3A = arith.constant true
    %or3A_1 = arith.ori %eq3A_0, %or3A : i1
    %convert_element_type3A = arith.extui %or3A_1 : i1 to i32
    %cond3A = arith.constant 0 : i32
    %cond3A_2 = arith.cmpi ne, %convert_element_type3A, %cond3A : i32
    scf.if %cond3A_2 {
      %broadcast_in_dim3A = arith.constant 0.000000e+00 : f32
      %broadcast_in_dim3A_30 = vector.broadcast %broadcast_in_dim3A : f32 to vector<16xf32>
      %scan3A = arith.constant 0 : i32
      %scan3A_31 = arith.constant 0 : i32
      %scan3A_32 = arith.constant 64 : i32
      %scan3A_33 = arith.addi %scan3A_31, %scan3A_32 : i32
      %scan3A_34 = arith.constant 1 : i32
      scf.for %scan3A_46 = %scan3A_31 to %scan3A_33 step %scan3A_34  : i32 {
        %swap3A = arith.index_cast %scan3A_46 : i32 to index
        %swap3A_47 = arith.constant 0 : index
        %swap3A_48 = tpu.vector_load %arg8[%swap3A, %swap3A_47] {strides = array<i32>} : memref<64x128xf32, #tpu.memory_space<vmem>>, vector<1x16xf32>,
        %swap3A_49 = vector.shape_cast %swap3A_48 : vector<1x16xf32> to vector<16xf32>
        %swap3A_50 = vector.shape_cast %broadcast_in_dim3A_30 : vector<16xf32> to vector<1x16xf32>
        tpu.vector_store %arg8[%swap3A, %swap3A_47], %swap3A_50 {strides = array<i32>} : memref<64x128xf32, #tpu.memory_space<vmem>>, vector<1x16xf32>,
        %swap3A_51 = arith.index_cast %scan3A_46 : i32 to index
        %swap3A_52 = arith.constant 16 : index
        %swap3A_53 = tpu.vector_load %arg8[%swap3A_51, %swap3A_52] {strides = array<i32>} : memref<64x128xf32, #tpu.memory_space<vmem>>, vector<1x16xf32>,
        %swap3A_54 = vector.shape_cast %swap3A_53 : vector<1x16xf32> to vector<16xf32>
        %swap3A_55 = vector.shape_cast %broadcast_in_dim3A_30 : vector<16xf32> to vector<1x16xf32>
        tpu.vector_store %arg8[%swap3A_51, %swap3A_52], %swap3A_55 {strides = array<i32>} : memref<64x128xf32, #tpu.memory_space<vmem>>, vector<1x16xf32>,
        %swap3A_56 = arith.index_cast %scan3A_46 : i32 to index
        %swap3A_57 = arith.constant 32 : index
        %swap3A_58 = tpu.vector_load %arg8[%swap3A_56, %swap3A_57] {strides = array<i32>} : memref<64x128xf32, #tpu.memory_space<vmem>>, vector<1x16xf32>,
        %swap3A_59 = vector.shape_cast %swap3A_58 : vector<1x16xf32> to vector<16xf32>
        %swap3A_60 = vector.shape_cast %broadcast_in_dim3A_30 : vector<16xf32> to vector<1x16xf32>
        tpu.vector_store %arg8[%swap3A_56, %swap3A_57], %swap3A_60 {strides = array<i32>} : memref<64x128xf32, #tpu.memory_space<vmem>>, vector<1x16xf32>,
        %swap3A_61 = arith.index_cast %scan3A_46 : i32 to index
        %swap3A_62 = arith.constant 48 : index
        %swap3A_63 = tpu.vector_load %arg8[%swap3A_61, %swap3A_62] {strides = array<i32>} : memref<64x128xf32, #tpu.memory_space<vmem>>, vector<1x16xf32>,
        %swap3A_64 = vector.shape_cast %swap3A_63 : vector<1x16xf32> to vector<16xf32>
        %swap3A_65 = vector.shape_cast %broadcast_in_dim3A_30 : vector<16xf32> to vector<1x16xf32>
        tpu.vector_store %arg8[%swap3A_61, %swap3A_62], %swap3A_65 {strides = array<i32>} : memref<64x128xf32, #tpu.memory_space<vmem>>, vector<1x16xf32>,
        %swap3A_66 = arith.index_cast %scan3A_46 : i32 to index
        %swap3A_67 = arith.constant 64 : index
        %swap3A_68 = tpu.vector_load %arg8[%swap3A_66, %swap3A_67] {strides = array<i32>} : memref<64x128xf32, #tpu.memory_space<vmem>>, vector<1x16xf32>,
        %swap3A_69 = vector.shape_cast %swap3A_68 : vector<1x16xf32> to vector<16xf32>
        %swap3A_70 = vector.shape_cast %broadcast_in_dim3A_30 : vector<16xf32> to vector<1x16xf32>
        tpu.vector_store %arg8[%swap3A_66, %swap3A_67], %swap3A_70 {strides = array<i32>} : memref<64x128xf32, #tpu.memory_space<vmem>>, vector<1x16xf32>,
        %swap3A_71 = arith.index_cast %scan3A_46 : i32 to index
        %swap3A_72 = arith.constant 80 : index
        %swap3A_73 = tpu.vector_load %arg8[%swap3A_71, %swap3A_72] {strides = array<i32>} : memref<64x128xf32, #tpu.memory_space<vmem>>, vector<1x16xf32>,
        %swap3A_74 = vector.shape_cast %swap3A_73 : vector<1x16xf32> to vector<16xf32>
        %swap3A_75 = vector.shape_cast %broadcast_in_dim3A_30 : vector<16xf32> to vector<1x16xf32>
        tpu.vector_store %arg8[%swap3A_71, %swap3A_72], %swap3A_75 {strides = array<i32>} : memref<64x128xf32, #tpu.memory_space<vmem>>, vector<1x16xf32>,
        %swap3A_76 = arith.index_cast %scan3A_46 : i32 to index
        %swap3A_77 = arith.constant 96 : index
        %swap3A_78 = tpu.vector_load %arg8[%swap3A_76, %swap3A_77] {strides = array<i32>} : memref<64x128xf32, #tpu.memory_space<vmem>>, vector<1x16xf32>,
        %swap3A_79 = vector.shape_cast %swap3A_78 : vector<1x16xf32> to vector<16xf32>
        %swap3A_80 = vector.shape_cast %broadcast_in_dim3A_30 : vector<16xf32> to vector<1x16xf32>
        tpu.vector_store %arg8[%swap3A_76, %swap3A_77], %swap3A_80 {strides = array<i32>} : memref<64x128xf32, #tpu.memory_space<vmem>>, vector<1x16xf32>,
        %swap3A_81 = arith.index_cast %scan3A_46 : i32 to index
        %swap3A_82 = arith.constant 112 : index
        %swap3A_83 = tpu.vector_load %arg8[%swap3A_81, %swap3A_82] {strides = array<i32>} : memref<64x128xf32, #tpu.memory_space<vmem>>, vector<1x16xf32>,
        %swap3A_84 = vector.shape_cast %swap3A_83 : vector<1x16xf32> to vector<16xf32>
        %swap3A_85 = vector.shape_cast %broadcast_in_dim3A_30 : vector<16xf32> to vector<1x16xf32>
        tpu.vector_store %arg8[%swap3A_81, %swap3A_82], %swap3A_85 {strides = array<i32>} : memref<64x128xf32, #tpu.memory_space<vmem>>, vector<1x16xf32>,
      }
      %scan3A_35 = arith.constant 64 : i32
      %scan3A_36 = arith.constant 0 : i32
      %scan3A_37 = arith.constant 0 : i32
      %scan3A_38 = arith.constant 9 : i32
      %scan3A_39 = arith.addi %scan3A_37, %scan3A_38 : i32
      %scan3A_40 = arith.constant 1 : i32
      scf.for %scan3A_46 = %scan3A_37 to %scan3A_39 step %scan3A_40  : i32 {
        %mul3A_47 = arith.constant 632 : i32
        %mul3A_48 = arith.muli %arg1, %mul3A_47 : i32
        %mul3A_49 = arith.constant 64 : i32
        %mul3A_50 = arith.muli %scan3A_46, %mul3A_49 : i32
        %add3A_51 = arith.addi %mul3A_48, %mul3A_50 : i32
        "tpu.region"() ({
          %run_scoped3A = tpu.sem_alloc : memref<!tpu.dma_semaphore, #tpu.memory_space<semaphore_mem>>
          %dma_start3A = arith.constant 0 : i32
          %dma_start3A_52 = tpu.memref_slice %arg12[%add3A_51, %dma_start3A] : memref<10112x128xf32, #tpu.memory_space<vmem_shared>> -> memref<64x128xf32, #tpu.memory_space<vmem_shared>>
          %dma_start3A_53 = arith.constant 0 : i32
          %dma_start3A_54 = tpu.memref_slice %arg12[%add3A_51, %dma_start3A_53] : memref<10112x128xf32, #tpu.memory_space<vmem_shared>> -> memref<64x128xf32, #tpu.memory_space<vmem_shared>>
          tpu.enqueue_dma source(%arg8 : memref<64x128xf32, #tpu.memory_space<vmem>>) target(%dma_start3A_54 : memref<64x128xf32, #tpu.memory_space<vmem_shared>>) target_semaphore(%run_scoped3A : memref<!tpu.dma_semaphore, #tpu.memory_space<semaphore_mem>>)
          %dma_wait3A = arith.constant 0 : i32
          %dma_wait3A_55 = tpu.memref_slice %arg12[%add3A_51, %dma_wait3A] : memref<10112x128xf32, #tpu.memory_space<vmem_shared>> -> memref<64x128xf32, #tpu.memory_space<vmem_shared>>
          %dma_wait3A_56 = arith.constant 0 : i32
          %dma_wait3A_57 = tpu.memref_slice %arg12[%add3A_51, %dma_wait3A_56] : memref<10112x128xf32, #tpu.memory_space<vmem_shared>> -> memref<64x128xf32, #tpu.memory_space<vmem_shared>>
          tpu.wait_dma2 semaphore(%run_scoped3A : memref<!tpu.dma_semaphore, #tpu.memory_space<semaphore_mem>>) src(%arg8 : memref<64x128xf32, #tpu.memory_space<vmem>>) dst(%dma_wait3A_57 : memref<64x128xf32, #tpu.memory_space<vmem_shared>>)
          tpu.yield
        }) : () -> ()
      }
      %scan3A_41 = arith.constant 9 : i32
      %mul3A_42 = arith.constant 632 : i32
      %mul3A_43 = arith.muli %arg1, %mul3A_42 : i32
      %add3A_44 = arith.constant 576 : i32
      %add3A_45 = arith.addi %mul3A_43, %add3A_44 : i32
      "tpu.region"() ({
        %run_scoped3A = tpu.sem_alloc : memref<!tpu.dma_semaphore, #tpu.memory_space<semaphore_mem>>
        %dma_start3A = arith.constant 0 : i32
        %dma_start3A_46 = arith.constant 0 : i32
        %dma_start3A_47 = tpu.memref_slice %arg8[%dma_start3A, %dma_start3A_46] : memref<64x128xf32, #tpu.memory_space<vmem>> -> memref<56x128xf32, #tpu.memory_space<vmem>>
        %dma_start3A_48 = arith.constant 0 : i32
        %dma_start3A_49 = tpu.memref_slice %arg12[%add3A_45, %dma_start3A_48] : memref<10112x128xf32, #tpu.memory_space<vmem_shared>> -> memref<56x128xf32, #tpu.memory_space<vmem_shared>>
        %dma_start3A_50 = arith.constant 0 : i32
        %dma_start3A_51 = tpu.memref_slice %arg12[%add3A_45, %dma_start3A_50] : memref<10112x128xf32, #tpu.memory_space<vmem_shared>> -> memref<56x128xf32, #tpu.memory_space<vmem_shared>>
        %dma_start3A_52 = arith.constant 0 : i32
        %dma_start3A_53 = arith.constant 0 : i32
        %dma_start3A_54 = tpu.memref_slice %arg8[%dma_start3A_52, %dma_start3A_53] : memref<64x128xf32, #tpu.memory_space<vmem>> -> memref<56x128xf32, #tpu.memory_space<vmem>>
        tpu.enqueue_dma source(%dma_start3A_54 : memref<56x128xf32, #tpu.memory_space<vmem>>) target(%dma_start3A_51 : memref<56x128xf32, #tpu.memory_space<vmem_shared>>) target_semaphore(%run_scoped3A : memref<!tpu.dma_semaphore, #tpu.memory_space<semaphore_mem>>)
        %dma_wait3A = arith.constant 0 : i32
        %dma_wait3A_55 = arith.constant 0 : i32
        %dma_wait3A_56 = tpu.memref_slice %arg8[%dma_wait3A, %dma_wait3A_55] : memref<64x128xf32, #tpu.memory_space<vmem>> -> memref<56x128xf32, #tpu.memory_space<vmem>>
        %dma_wait3A_57 = arith.constant 0 : i32
        %dma_wait3A_58 = tpu.memref_slice %arg12[%add3A_45, %dma_wait3A_57] : memref<10112x128xf32, #tpu.memory_space<vmem_shared>> -> memref<56x128xf32, #tpu.memory_space<vmem_shared>>
        %dma_wait3A_59 = arith.constant 0 : i32
        %dma_wait3A_60 = tpu.memref_slice %arg12[%add3A_45, %dma_wait3A_59] : memref<10112x128xf32, #tpu.memory_space<vmem_shared>> -> memref<56x128xf32, #tpu.memory_space<vmem_shared>>
        %dma_wait3A_61 = arith.constant 0 : i32
        %dma_wait3A_62 = arith.constant 0 : i32
        %dma_wait3A_63 = tpu.memref_slice %arg8[%dma_wait3A_61, %dma_wait3A_62] : memref<64x128xf32, #tpu.memory_space<vmem>> -> memref<56x128xf32, #tpu.memory_space<vmem>>
        tpu.wait_dma2 semaphore(%run_scoped3A : memref<!tpu.dma_semaphore, #tpu.memory_space<semaphore_mem>>) src(%dma_wait3A_63 : memref<56x128xf32, #tpu.memory_space<vmem>>) dst(%dma_wait3A_60 : memref<56x128xf32, #tpu.memory_space<vmem_shared>>)
        tpu.yield
      }) : () -> ()
    } else {
    }
    %barrier3A = arith.constant 0 : index
    tpu.barrier barrier_id(%barrier3A)
    %eq3A_3 = arith.constant 0 : i32
    %eq3A_4 = arith.cmpi eq, %arg0, %eq3A_3 : i32
    %jit3A = arith.constant 19 : i32
    %jit3A_5 = arith.constant 1 : i32
    %select_n3A = arith.select %eq3A_4, %jit3A, %jit3A_5 : i32
    %eq3A_6 = arith.constant 0 : i32
    %eq3A_7 = arith.cmpi eq, %arg0, %eq3A_6 : i32
    %mul3A = arith.constant 19 : i32
    %mul3A_8 = arith.muli %arg1, %mul3A : i32
    %mul3A_9 = arith.constant 1 : i32
    %mul3A_10 = arith.muli %arg1, %mul3A_9 : i32
    %add3A = arith.constant 304 : i32
    %add3A_11 = arith.addi %add3A, %mul3A_10 : i32
    %select_n3A_12 = arith.select %eq3A_7, %mul3A_8, %add3A_11 : i32
    %while3A = arith.constant 0 : i32
    %while3A_13 = arith.constant 0 : i32
    %while3A_14 = arith.subi %select_n3A, %while3A_13 : i32
    %while3A_15 = arith.addi %while3A_13, %while3A_14 : i32
    %while3A_16 = arith.constant 1 : i32
    %while3A_17 = arith.divsi %while3A_14, %while3A_16 : i32
    %while3A_18 = arith.muli %while3A_17, %while3A_16 : i32
    %while3A_19 = arith.addi %while3A_13, %while3A_18 : i32
    %while3A_20 = arith.constant 1 : i32
    scf.for %while3A_30 = %while3A_13 to %while3A_19 step %while3A_20  : i32 {
      %add3A_31 = arith.addi %select_n3A_12, %while3A_30 : i32
      "tpu.region"() ({
        %run_scoped3A = tpu.sem_alloc : memref<!tpu.dma_semaphore, #tpu.memory_space<semaphore_mem>>
        %dma_start3A_260 = arith.constant 0 : i32
        %dma_start3A_261 = arith.constant 0 : i32
        %dma_start3A_262 = tpu.memref_slice %arg3[%add3A_31, %dma_start3A_260, %dma_start3A_261] : memref<320x16x64xi32, #tpu.memory_space<hbm>> -> memref<1x16x64xi32, #tpu.memory_space<hbm>>
        %dma_start3A_263 = tpu.memref_squeeze %dma_start3A_262 : memref<1x16x64xi32, #tpu.memory_space<hbm>> -> memref<16x64xi32, #tpu.memory_space<hbm>>
        %dma_start3A_264 = arith.constant 0 : i32
        %dma_start3A_265 = arith.constant 0 : i32
        %dma_start3A_266 = tpu.memref_slice %arg3[%add3A_31, %dma_start3A_264, %dma_start3A_265] : memref<320x16x64xi32, #tpu.memory_space<hbm>> -> memref<1x16x64xi32, #tpu.memory_space<hbm>>
        %dma_start3A_267 = tpu.memref_squeeze %dma_start3A_266 : memref<1x16x64xi32, #tpu.memory_space<hbm>> -> memref<16x64xi32, #tpu.memory_space<hbm>>
        tpu.enqueue_dma source(%dma_start3A_267 : memref<16x64xi32, #tpu.memory_space<hbm>>) target(%arg6 : memref<16x64xi32, #tpu.memory_space<vmem>>) target_semaphore(%run_scoped3A : memref<!tpu.dma_semaphore, #tpu.memory_space<semaphore_mem>>)
        %dma_wait3A_268 = arith.constant 0 : i32
        %dma_wait3A_269 = arith.constant 0 : i32
        %dma_wait3A_270 = tpu.memref_slice %arg3[%add3A_31, %dma_wait3A_268, %dma_wait3A_269] : memref<320x16x64xi32, #tpu.memory_space<hbm>> -> memref<1x16x64xi32, #tpu.memory_space<hbm>>
        %dma_wait3A_271 = tpu.memref_squeeze %dma_wait3A_270 : memref<1x16x64xi32, #tpu.memory_space<hbm>> -> memref<16x64xi32, #tpu.memory_space<hbm>>
        %dma_wait3A_272 = arith.constant 0 : i32
        %dma_wait3A_273 = arith.constant 0 : i32
        %dma_wait3A_274 = tpu.memref_slice %arg3[%add3A_31, %dma_wait3A_272, %dma_wait3A_273] : memref<320x16x64xi32, #tpu.memory_space<hbm>> -> memref<1x16x64xi32, #tpu.memory_space<hbm>>
        %dma_wait3A_275 = tpu.memref_squeeze %dma_wait3A_274 : memref<1x16x64xi32, #tpu.memory_space<hbm>> -> memref<16x64xi32, #tpu.memory_space<hbm>>
        tpu.wait_dma2 semaphore(%run_scoped3A : memref<!tpu.dma_semaphore, #tpu.memory_space<semaphore_mem>>) src(%dma_wait3A_275 : memref<16x64xi32, #tpu.memory_space<hbm>>) dst(%arg6 : memref<16x64xi32, #tpu.memory_space<vmem>>)
        tpu.yield
      }) : () -> ()
      %add3A_32 = arith.addi %select_n3A_12, %while3A_30 : i32
      "tpu.region"() ({
        %run_scoped3A = tpu.sem_alloc : memref<!tpu.dma_semaphore, #tpu.memory_space<semaphore_mem>>
        %dma_start3A_260 = arith.constant 0 : i32
        %dma_start3A_261 = arith.constant 0 : i32
        %dma_start3A_262 = tpu.memref_slice %arg4[%add3A_32, %dma_start3A_260, %dma_start3A_261] : memref<320x16x64xi32, #tpu.memory_space<hbm>> -> memref<1x16x64xi32, #tpu.memory_space<hbm>>
        %dma_start3A_263 = tpu.memref_squeeze %dma_start3A_262 : memref<1x16x64xi32, #tpu.memory_space<hbm>> -> memref<16x64xi32, #tpu.memory_space<hbm>>
        %dma_start3A_264 = arith.constant 0 : i32
        %dma_start3A_265 = arith.constant 0 : i32
        %dma_start3A_266 = tpu.memref_slice %arg4[%add3A_32, %dma_start3A_264, %dma_start3A_265] : memref<320x16x64xi32, #tpu.memory_space<hbm>> -> memref<1x16x64xi32, #tpu.memory_space<hbm>>
        %dma_start3A_267 = tpu.memref_squeeze %dma_start3A_266 : memref<1x16x64xi32, #tpu.memory_space<hbm>> -> memref<16x64xi32, #tpu.memory_space<hbm>>
        tpu.enqueue_dma source(%dma_start3A_267 : memref<16x64xi32, #tpu.memory_space<hbm>>) target(%arg7 : memref<16x64xi32, #tpu.memory_space<vmem>>) target_semaphore(%run_scoped3A : memref<!tpu.dma_semaphore, #tpu.memory_space<semaphore_mem>>)
        %dma_wait3A_268 = arith.constant 0 : i32
        %dma_wait3A_269 = arith.constant 0 : i32
        %dma_wait3A_270 = tpu.memref_slice %arg4[%add3A_32, %dma_wait3A_268, %dma_wait3A_269] : memref<320x16x64xi32, #tpu.memory_space<hbm>> -> memref<1x16x64xi32, #tpu.memory_space<hbm>>
        %dma_wait3A_271 = tpu.memref_squeeze %dma_wait3A_270 : memref<1x16x64xi32, #tpu.memory_space<hbm>> -> memref<16x64xi32, #tpu.memory_space<hbm>>
        %dma_wait3A_272 = arith.constant 0 : i32
        %dma_wait3A_273 = arith.constant 0 : i32
        %dma_wait3A_274 = tpu.memref_slice %arg4[%add3A_32, %dma_wait3A_272, %dma_wait3A_273] : memref<320x16x64xi32, #tpu.memory_space<hbm>> -> memref<1x16x64xi32, #tpu.memory_space<hbm>>
        %dma_wait3A_275 = tpu.memref_squeeze %dma_wait3A_274 : memref<1x16x64xi32, #tpu.memory_space<hbm>> -> memref<16x64xi32, #tpu.memory_space<hbm>>
        tpu.wait_dma2 semaphore(%run_scoped3A : memref<!tpu.dma_semaphore, #tpu.memory_space<semaphore_mem>>) src(%dma_wait3A_275 : memref<16x64xi32, #tpu.memory_space<hbm>>) dst(%arg7 : memref<16x64xi32, #tpu.memory_space<vmem>>)
        tpu.yield
      }) : () -> ()
      %dma_start3A = arith.constant 0 : i32
      %dma_start3A_33 = arith.constant 0 : i32
      %dma_start3A_34 = tpu.memref_slice %arg6[%dma_start3A, %dma_start3A_33] : memref<16x64xi32, #tpu.memory_space<vmem>> -> memref<1x64xi32, #tpu.memory_space<vmem>>
      %dma_start3A_35 = tpu.memref_squeeze %dma_start3A_34 : memref<1x64xi32, #tpu.memory_space<vmem>> -> memref<64xi32, #tpu.memory_space<vmem>>
      %dma_start3A_36 = arith.constant 0 : i32
      %dma_start3A_37 = arith.constant 0 : i32
      %dma_start3A_38 = tpu.memref_slice %arg2[%dma_start3A_36, %dma_start3A_37] : memref<10000x128xf32, #tpu.memory_space<hbm>> -> memref<10000x128xf32, #tpu.memory_space<hbm>>
      tpu.enqueue_indirect_dma source(%dma_start3A_38 : memref<10000x128xf32, #tpu.memory_space<hbm>>) target(%arg8 : memref<64x128xf32, #tpu.memory_space<vmem>>) offsets(%dma_start3A_35 : memref<64xi32, #tpu.memory_space<vmem>>) semaphore(%arg13 : memref<!tpu.dma_semaphore, #tpu.memory_space<semaphore_mem>>)
      %dma_start3A_39 = arith.constant 1 : i32
      %dma_start3A_40 = arith.constant 0 : i32
      %dma_start3A_41 = tpu.memref_slice %arg6[%dma_start3A_39, %dma_start3A_40] : memref<16x64xi32, #tpu.memory_space<vmem>> -> memref<1x64xi32, #tpu.memory_space<vmem>>
      %dma_start3A_42 = tpu.memref_squeeze %dma_start3A_41 : memref<1x64xi32, #tpu.memory_space<vmem>> -> memref<64xi32, #tpu.memory_space<vmem>>
      %dma_start3A_43 = arith.constant 0 : i32
      %dma_start3A_44 = arith.constant 0 : i32
      %dma_start3A_45 = tpu.memref_slice %arg2[%dma_start3A_43, %dma_start3A_44] : memref<10000x128xf32, #tpu.memory_space<hbm>> -> memref<10000x128xf32, #tpu.memory_space<hbm>>
      tpu.enqueue_indirect_dma source(%dma_start3A_45 : memref<10000x128xf32, #tpu.memory_space<hbm>>) target(%arg9 : memref<64x128xf32, #tpu.memory_space<vmem>>) offsets(%dma_start3A_42 : memref<64xi32, #tpu.memory_space<vmem>>) semaphore(%arg14 : memref<!tpu.dma_semaphore, #tpu.memory_space<semaphore_mem>>)
      %dma_start3A_46 = arith.constant 2 : i32
      %dma_start3A_47 = arith.constant 0 : i32
      %dma_start3A_48 = tpu.memref_slice %arg6[%dma_start3A_46, %dma_start3A_47] : memref<16x64xi32, #tpu.memory_space<vmem>> -> memref<1x64xi32, #tpu.memory_space<vmem>>
      %dma_start3A_49 = tpu.memref_squeeze %dma_start3A_48 : memref<1x64xi32, #tpu.memory_space<vmem>> -> memref<64xi32, #tpu.memory_space<vmem>>
      %dma_start3A_50 = arith.constant 0 : i32
      %dma_start3A_51 = arith.constant 0 : i32
      %dma_start3A_52 = tpu.memref_slice %arg2[%dma_start3A_50, %dma_start3A_51] : memref<10000x128xf32, #tpu.memory_space<hbm>> -> memref<10000x128xf32, #tpu.memory_space<hbm>>
      tpu.enqueue_indirect_dma source(%dma_start3A_52 : memref<10000x128xf32, #tpu.memory_space<hbm>>) target(%arg10 : memref<64x128xf32, #tpu.memory_space<vmem>>) offsets(%dma_start3A_49 : memref<64xi32, #tpu.memory_space<vmem>>) semaphore(%arg15 : memref<!tpu.dma_semaphore, #tpu.memory_space<semaphore_mem>>)
      %dma_wait3A = arith.constant 0 : i32
      %dma_wait3A_53 = arith.constant 0 : i32
      %dma_wait3A_54 = tpu.memref_slice %arg6[%dma_wait3A, %dma_wait3A_53] : memref<16x64xi32, #tpu.memory_space<vmem>> -> memref<1x64xi32, #tpu.memory_space<vmem>>
      %dma_wait3A_55 = tpu.memref_squeeze %dma_wait3A_54 : memref<1x64xi32, #tpu.memory_space<vmem>> -> memref<64xi32, #tpu.memory_space<vmem>>
      %dma_wait3A_56 = arith.constant 0 : i32
      %dma_wait3A_57 = arith.constant 0 : i32
      %dma_wait3A_58 = tpu.memref_slice %arg2[%dma_wait3A_56, %dma_wait3A_57] : memref<10000x128xf32, #tpu.memory_space<hbm>> -> memref<10000x128xf32, #tpu.memory_space<hbm>>
      tpu.wait_indirect_dma semaphore(%arg13 : memref<!tpu.dma_semaphore, #tpu.memory_space<semaphore_mem>>) src(%dma_wait3A_58 : memref<10000x128xf32, #tpu.memory_space<hbm>>) dst(%arg8 : memref<64x128xf32, #tpu.memory_space<vmem>>)
      %dma_start3A_59 = arith.constant 0 : i32
      %dma_start3A_60 = arith.constant 0 : i32
      %dma_start3A_61 = tpu.memref_slice %arg7[%dma_start3A_59, %dma_start3A_60] : memref<16x64xi32, #tpu.memory_space<vmem>> -> memref<1x64xi32, #tpu.memory_space<vmem>>
      %dma_start3A_62 = tpu.memref_squeeze %dma_start3A_61 : memref<1x64xi32, #tpu.memory_space<vmem>> -> memref<64xi32, #tpu.memory_space<vmem>>
      %dma_start3A_63 = arith.constant 0 : i32
      %dma_start3A_64 = arith.constant 0 : i32
      %dma_start3A_65 = tpu.memref_slice %arg12[%dma_start3A_63, %dma_start3A_64] : memref<10112x128xf32, #tpu.memory_space<vmem_shared>> -> memref<10112x128xf32, #tpu.memory_space<vmem_shared>>
      tpu.enqueue_indirect_dma source(%arg8 : memref<64x128xf32, #tpu.memory_space<vmem>>) target(%dma_start3A_65 : memref<10112x128xf32, #tpu.memory_space<vmem_shared>>) offsets(%dma_start3A_62 : memref<64xi32, #tpu.memory_space<vmem>>) semaphore(%arg17 : memref<!tpu.dma_semaphore, #tpu.memory_space<semaphore_mem>>) {add = true}
      %dma_start3A_66 = arith.constant 3 : i32
      %dma_start3A_67 = arith.constant 0 : i32
      %dma_start3A_68 = tpu.memref_slice %arg6[%dma_start3A_66, %dma_start3A_67] : memref<16x64xi32, #tpu.memory_space<vmem>> -> memref<1x64xi32, #tpu.memory_space<vmem>>
      %dma_start3A_69 = tpu.memref_squeeze %dma_start3A_68 : memref<1x64xi32, #tpu.memory_space<vmem>> -> memref<64xi32, #tpu.memory_space<vmem>>
      %dma_start3A_70 = arith.constant 0 : i32
      %dma_start3A_71 = arith.constant 0 : i32
      %dma_start3A_72 = tpu.memref_slice %arg2[%dma_start3A_70, %dma_start3A_71] : memref<10000x128xf32, #tpu.memory_space<hbm>> -> memref<10000x128xf32, #tpu.memory_space<hbm>>
      tpu.enqueue_indirect_dma source(%dma_start3A_72 : memref<10000x128xf32, #tpu.memory_space<hbm>>) target(%arg11 : memref<64x128xf32, #tpu.memory_space<vmem>>) offsets(%dma_start3A_69 : memref<64xi32, #tpu.memory_space<vmem>>) semaphore(%arg16 : memref<!tpu.dma_semaphore, #tpu.memory_space<semaphore_mem>>)
      %dma_wait3A_73 = arith.constant 0 : i32
      %dma_wait3A_74 = arith.constant 0 : i32
      %dma_wait3A_75 = tpu.memref_slice %arg6[%dma_wait3A_73, %dma_wait3A_74] : memref<16x64xi32, #tpu.memory_space<vmem>> -> memref<1x64xi32, #tpu.memory_space<vmem>>
      %dma_wait3A_76 = tpu.memref_squeeze %dma_wait3A_75 : memref<1x64xi32, #tpu.memory_space<vmem>> -> memref<64xi32, #tpu.memory_space<vmem>>
      %dma_wait3A_77 = arith.constant 0 : i32
      %dma_wait3A_78 = arith.constant 0 : i32
      %dma_wait3A_79 = tpu.memref_slice %arg2[%dma_wait3A_77, %dma_wait3A_78] : memref<10000x128xf32, #tpu.memory_space<hbm>> -> memref<10000x128xf32, #tpu.memory_space<hbm>>
      tpu.wait_indirect_dma semaphore(%arg14 : memref<!tpu.dma_semaphore, #tpu.memory_space<semaphore_mem>>) src(%dma_wait3A_79 : memref<10000x128xf32, #tpu.memory_space<hbm>>) dst(%arg9 : memref<64x128xf32, #tpu.memory_space<vmem>>)
      %dma_start3A_80 = arith.constant 1 : i32
      %dma_start3A_81 = arith.constant 0 : i32
      %dma_start3A_82 = tpu.memref_slice %arg7[%dma_start3A_80, %dma_start3A_81] : memref<16x64xi32, #tpu.memory_space<vmem>> -> memref<1x64xi32, #tpu.memory_space<vmem>>
      %dma_start3A_83 = tpu.memref_squeeze %dma_start3A_82 : memref<1x64xi32, #tpu.memory_space<vmem>> -> memref<64xi32, #tpu.memory_space<vmem>>
      %dma_start3A_84 = arith.constant 0 : i32
      %dma_start3A_85 = arith.constant 0 : i32
      %dma_start3A_86 = tpu.memref_slice %arg12[%dma_start3A_84, %dma_start3A_85] : memref<10112x128xf32, #tpu.memory_space<vmem_shared>> -> memref<10112x128xf32, #tpu.memory_space<vmem_shared>>
      tpu.enqueue_indirect_dma source(%arg9 : memref<64x128xf32, #tpu.memory_space<vmem>>) target(%dma_start3A_86 : memref<10112x128xf32, #tpu.memory_space<vmem_shared>>) offsets(%dma_start3A_83 : memref<64xi32, #tpu.memory_space<vmem>>) semaphore(%arg18 : memref<!tpu.dma_semaphore, #tpu.memory_space<semaphore_mem>>) {add = true}
      %dma_wait3A_87 = arith.constant 0 : i32
      %dma_wait3A_88 = arith.constant 0 : i32
      %dma_wait3A_89 = tpu.memref_slice %arg7[%dma_wait3A_87, %dma_wait3A_88] : memref<16x64xi32, #tpu.memory_space<vmem>> -> memref<1x64xi32, #tpu.memory_space<vmem>>
      %dma_wait3A_90 = tpu.memref_squeeze %dma_wait3A_89 : memref<1x64xi32, #tpu.memory_space<vmem>> -> memref<64xi32, #tpu.memory_space<vmem>>
      %dma_wait3A_91 = arith.constant 0 : i32
      %dma_wait3A_92 = arith.constant 0 : i32
      %dma_wait3A_93 = tpu.memref_slice %arg12[%dma_wait3A_91, %dma_wait3A_92] : memref<10112x128xf32, #tpu.memory_space<vmem_shared>> -> memref<10112x128xf32, #tpu.memory_space<vmem_shared>>
      tpu.wait_indirect_dma semaphore(%arg17 : memref<!tpu.dma_semaphore, #tpu.memory_space<semaphore_mem>>) src(%arg8 : memref<64x128xf32, #tpu.memory_space<vmem>>) dst(%dma_wait3A_93 : memref<10112x128xf32, #tpu.memory_space<vmem_shared>>)
      %dma_start3A_94 = arith.constant 4 : i32
      %dma_start3A_95 = arith.constant 0 : i32
      %dma_start3A_96 = tpu.memref_slice %arg6[%dma_start3A_94, %dma_start3A_95] : memref<16x64xi32, #tpu.memory_space<vmem>> -> memref<1x64xi32, #tpu.memory_space<vmem>>
      %dma_start3A_97 = tpu.memref_squeeze %dma_start3A_96 : memref<1x64xi32, #tpu.memory_space<vmem>> -> memref<64xi32, #tpu.memory_space<vmem>>
      %dma_start3A_98 = arith.constant 0 : i32
      %dma_start3A_99 = arith.constant 0 : i32
      %dma_start3A_100 = tpu.memref_slice %arg2[%dma_start3A_98, %dma_start3A_99] : memref<10000x128xf32, #tpu.memory_space<hbm>> -> memref<10000x128xf32, #tpu.memory_space<hbm>>
      tpu.enqueue_indirect_dma source(%dma_start3A_100 : memref<10000x128xf32, #tpu.memory_space<hbm>>) target(%arg8 : memref<64x128xf32, #tpu.memory_space<vmem>>) offsets(%dma_start3A_97 : memref<64xi32, #tpu.memory_space<vmem>>) semaphore(%arg13 : memref<!tpu.dma_semaphore, #tpu.memory_space<semaphore_mem>>)
      %dma_wait3A_101 = arith.constant 0 : i32
      %dma_wait3A_102 = arith.constant 0 : i32
      %dma_wait3A_103 = tpu.memref_slice %arg6[%dma_wait3A_101, %dma_wait3A_102] : memref<16x64xi32, #tpu.memory_space<vmem>> -> memref<1x64xi32, #tpu.memory_space<vmem>>
      %dma_wait3A_104 = tpu.memref_squeeze %dma_wait3A_103 : memref<1x64xi32, #tpu.memory_space<vmem>> -> memref<64xi32, #tpu.memory_space<vmem>>
      %dma_wait3A_105 = arith.constant 0 : i32
      %dma_wait3A_106 = arith.constant 0 : i32
      %dma_wait3A_107 = tpu.memref_slice %arg2[%dma_wait3A_105, %dma_wait3A_106] : memref<10000x128xf32, #tpu.memory_space<hbm>> -> memref<10000x128xf32, #tpu.memory_space<hbm>>
      tpu.wait_indirect_dma semaphore(%arg15 : memref<!tpu.dma_semaphore, #tpu.memory_space<semaphore_mem>>) src(%dma_wait3A_107 : memref<10000x128xf32, #tpu.memory_space<hbm>>) dst(%arg10 : memref<64x128xf32, #tpu.memory_space<vmem>>)
      %dma_start3A_108 = arith.constant 2 : i32
      %dma_start3A_109 = arith.constant 0 : i32
      %dma_start3A_110 = tpu.memref_slice %arg7[%dma_start3A_108, %dma_start3A_109] : memref<16x64xi32, #tpu.memory_space<vmem>> -> memref<1x64xi32, #tpu.memory_space<vmem>>
      %dma_start3A_111 = tpu.memref_squeeze %dma_start3A_110 : memref<1x64xi32, #tpu.memory_space<vmem>> -> memref<64xi32, #tpu.memory_space<vmem>>
      %dma_start3A_112 = arith.constant 0 : i32
      %dma_start3A_113 = arith.constant 0 : i32
      %dma_start3A_114 = tpu.memref_slice %arg12[%dma_start3A_112, %dma_start3A_113] : memref<10112x128xf32, #tpu.memory_space<vmem_shared>> -> memref<10112x128xf32, #tpu.memory_space<vmem_shared>>
      tpu.enqueue_indirect_dma source(%arg10 : memref<64x128xf32, #tpu.memory_space<vmem>>) target(%dma_start3A_114 : memref<10112x128xf32, #tpu.memory_space<vmem_shared>>) offsets(%dma_start3A_111 : memref<64xi32, #tpu.memory_space<vmem>>) semaphore(%arg19 : memref<!tpu.dma_semaphore, #tpu.memory_space<semaphore_mem>>) {add = true}
      %dma_wait3A_115 = arith.constant 0 : i32
      %dma_wait3A_116 = arith.constant 0 : i32
      %dma_wait3A_117 = tpu.memref_slice %arg7[%dma_wait3A_115, %dma_wait3A_116] : memref<16x64xi32, #tpu.memory_space<vmem>> -> memref<1x64xi32, #tpu.memory_space<vmem>>
      %dma_wait3A_118 = tpu.memref_squeeze %dma_wait3A_117 : memref<1x64xi32, #tpu.memory_space<vmem>> -> memref<64xi32, #tpu.memory_space<vmem>>
      %dma_wait3A_119 = arith.constant 0 : i32
      %dma_wait3A_120 = arith.constant 0 : i32
      %dma_wait3A_121 = tpu.memref_slice %arg12[%dma_wait3A_119, %dma_wait3A_120] : memref<10112x128xf32, #tpu.memory_space<vmem_shared>> -> memref<10112x128xf32, #tpu.memory_space<vmem_shared>>
      tpu.wait_indirect_dma semaphore(%arg18 : memref<!tpu.dma_semaphore, #tpu.memory_space<semaphore_mem>>) src(%arg9 : memref<64x128xf32, #tpu.memory_space<vmem>>) dst(%dma_wait3A_121 : memref<10112x128xf32, #tpu.memory_space<vmem_shared>>)
      %dma_start3A_122 = arith.constant 5 : i32
      %dma_start3A_123 = arith.constant 0 : i32
      %dma_start3A_124 = tpu.memref_slice %arg6[%dma_start3A_122, %dma_start3A_123] : memref<16x64xi32, #tpu.memory_space<vmem>> -> memref<1x64xi32, #tpu.memory_space<vmem>>
      %dma_start3A_125 = tpu.memref_squeeze %dma_start3A_124 : memref<1x64xi32, #tpu.memory_space<vmem>> -> memref<64xi32, #tpu.memory_space<vmem>>
      %dma_start3A_126 = arith.constant 0 : i32
      %dma_start3A_127 = arith.constant 0 : i32
      %dma_start3A_128 = tpu.memref_slice %arg2[%dma_start3A_126, %dma_start3A_127] : memref<10000x128xf32, #tpu.memory_space<hbm>> -> memref<10000x128xf32, #tpu.memory_space<hbm>>
      tpu.enqueue_indirect_dma source(%dma_start3A_128 : memref<10000x128xf32, #tpu.memory_space<hbm>>) target(%arg9 : memref<64x128xf32, #tpu.memory_space<vmem>>) offsets(%dma_start3A_125 : memref<64xi32, #tpu.memory_space<vmem>>) semaphore(%arg14 : memref<!tpu.dma_semaphore, #tpu.memory_space<semaphore_mem>>)
      %dma_wait3A_129 = arith.constant 0 : i32
      %dma_wait3A_130 = arith.constant 0 : i32
      %dma_wait3A_131 = tpu.memref_slice %arg6[%dma_wait3A_129, %dma_wait3A_130] : memref<16x64xi32, #tpu.memory_space<vmem>> -> memref<1x64xi32, #tpu.memory_space<vmem>>
      %dma_wait3A_132 = tpu.memref_squeeze %dma_wait3A_131 : memref<1x64xi32, #tpu.memory_space<vmem>> -> memref<64xi32, #tpu.memory_space<vmem>>
      %dma_wait3A_133 = arith.constant 0 : i32
      %dma_wait3A_134 = arith.constant 0 : i32
      %dma_wait3A_135 = tpu.memref_slice %arg2[%dma_wait3A_133, %dma_wait3A_134] : memref<10000x128xf32, #tpu.memory_space<hbm>> -> memref<10000x128xf32, #tpu.memory_space<hbm>>
      tpu.wait_indirect_dma semaphore(%arg16 : memref<!tpu.dma_semaphore, #tpu.memory_space<semaphore_mem>>) src(%dma_wait3A_135 : memref<10000x128xf32, #tpu.memory_space<hbm>>) dst(%arg11 : memref<64x128xf32, #tpu.memory_space<vmem>>)
      %dma_start3A_136 = arith.constant 3 : i32
      %dma_start3A_137 = arith.constant 0 : i32
      %dma_start3A_138 = tpu.memref_slice %arg7[%dma_start3A_136, %dma_start3A_137] : memref<16x64xi32, #tpu.memory_space<vmem>> -> memref<1x64xi32, #tpu.memory_space<vmem>>
      %dma_start3A_139 = tpu.memref_squeeze %dma_start3A_138 : memref<1x64xi32, #tpu.memory_space<vmem>> -> memref<64xi32, #tpu.memory_space<vmem>>
      %dma_start3A_140 = arith.constant 0 : i32
      %dma_start3A_141 = arith.constant 0 : i32
      %dma_start3A_142 = tpu.memref_slice %arg12[%dma_start3A_140, %dma_start3A_141] : memref<10112x128xf32, #tpu.memory_space<vmem_shared>> -> memref<10112x128xf32, #tpu.memory_space<vmem_shared>>
      tpu.enqueue_indirect_dma source(%arg11 : memref<64x128xf32, #tpu.memory_space<vmem>>) target(%dma_start3A_142 : memref<10112x128xf32, #tpu.memory_space<vmem_shared>>) offsets(%dma_start3A_139 : memref<64xi32, #tpu.memory_space<vmem>>) semaphore(%arg20 : memref<!tpu.dma_semaphore, #tpu.memory_space<semaphore_mem>>) {add = true}
      %dma_wait3A_143 = arith.constant 0 : i32
      %dma_wait3A_144 = arith.constant 0 : i32
      %dma_wait3A_145 = tpu.memref_slice %arg7[%dma_wait3A_143, %dma_wait3A_144] : memref<16x64xi32, #tpu.memory_space<vmem>> -> memref<1x64xi32, #tpu.memory_space<vmem>>
      %dma_wait3A_146 = tpu.memref_squeeze %dma_wait3A_145 : memref<1x64xi32, #tpu.memory_space<vmem>> -> memref<64xi32, #tpu.memory_space<vmem>>
      %dma_wait3A_147 = arith.constant 0 : i32
      %dma_wait3A_148 = arith.constant 0 : i32
      %dma_wait3A_149 = tpu.memref_slice %arg12[%dma_wait3A_147, %dma_wait3A_148] : memref<10112x128xf32, #tpu.memory_space<vmem_shared>> -> memref<10112x128xf32, #tpu.memory_space<vmem_shared>>
      tpu.wait_indirect_dma semaphore(%arg19 : memref<!tpu.dma_semaphore, #tpu.memory_space<semaphore_mem>>) src(%arg10 : memref<64x128xf32, #tpu.memory_space<vmem>>) dst(%dma_wait3A_149 : memref<10112x128xf32, #tpu.memory_space<vmem_shared>>)
      %dma_start3A_150 = arith.constant 6 : i32
      %dma_start3A_151 = arith.constant 0 : i32
      %dma_start3A_152 = tpu.memref_slice %arg6[%dma_start3A_150, %dma_start3A_151] : memref<16x64xi32, #tpu.memory_space<vmem>> -> memref<1x64xi32, #tpu.memory_space<vmem>>
      %dma_start3A_153 = tpu.memref_squeeze %dma_start3A_152 : memref<1x64xi32, #tpu.memory_space<vmem>> -> memref<64xi32, #tpu.memory_space<vmem>>
      %dma_start3A_154 = arith.constant 0 : i32
      %dma_start3A_155 = arith.constant 0 : i32
      %dma_start3A_156 = tpu.memref_slice %arg2[%dma_start3A_154, %dma_start3A_155] : memref<10000x128xf32, #tpu.memory_space<hbm>> -> memref<10000x128xf32, #tpu.memory_space<hbm>>
      tpu.enqueue_indirect_dma source(%dma_start3A_156 : memref<10000x128xf32, #tpu.memory_space<hbm>>) target(%arg10 : memref<64x128xf32, #tpu.memory_space<vmem>>) offsets(%dma_start3A_153 : memref<64xi32, #tpu.memory_space<vmem>>) semaphore(%arg15 : memref<!tpu.dma_semaphore, #tpu.memory_space<semaphore_mem>>)
      %scan3A = arith.constant 0 : i32
      %scan3A_157 = arith.constant 1 : i32
      %scan3A_158 = arith.constant 2 : i32
      %scan3A_159 = arith.addi %scan3A_157, %scan3A_158 : i32
      %scan3A_160 = arith.constant 1 : i32
      scf.for %scan3A_260 = %scan3A_157 to %scan3A_159 step %scan3A_160  : i32 {
        %mul3A_261 = arith.constant 4 : i32
        %mul3A_262 = arith.muli %scan3A_260, %mul3A_261 : i32
        %add3A_263 = arith.constant 0 : i32
        %add3A_264 = arith.addi %mul3A_262, %add3A_263 : i32
        %dma_wait3A_265 = arith.constant 0 : i32
        %dma_wait3A_266 = arith.constant 0 : i32
        %dma_wait3A_267 = tpu.memref_slice %arg6[%dma_wait3A_265, %dma_wait3A_266] : memref<16x64xi32, #tpu.memory_space<vmem>> -> memref<1x64xi32, #tpu.memory_space<vmem>>
        %dma_wait3A_268 = tpu.memref_squeeze %dma_wait3A_267 : memref<1x64xi32, #tpu.memory_space<vmem>> -> memref<64xi32, #tpu.memory_space<vmem>>
        %dma_wait3A_269 = arith.constant 0 : i32
        %dma_wait3A_270 = arith.constant 0 : i32
        %dma_wait3A_271 = tpu.memref_slice %arg2[%dma_wait3A_269, %dma_wait3A_270] : memref<10000x128xf32, #tpu.memory_space<hbm>> -> memref<10000x128xf32, #tpu.memory_space<hbm>>
        tpu.wait_indirect_dma semaphore(%arg13 : memref<!tpu.dma_semaphore, #tpu.memory_space<semaphore_mem>>) src(%dma_wait3A_271 : memref<10000x128xf32, #tpu.memory_space<hbm>>) dst(%arg8 : memref<64x128xf32, #tpu.memory_space<vmem>>)
        %dma_start3A_272 = arith.constant 0 : i32
        %dma_start3A_273 = tpu.memref_slice %arg7[%add3A_264, %dma_start3A_272] : memref<16x64xi32, #tpu.memory_space<vmem>> -> memref<1x64xi32, #tpu.memory_space<vmem>>
        %dma_start3A_274 = tpu.memref_squeeze %dma_start3A_273 : memref<1x64xi32, #tpu.memory_space<vmem>> -> memref<64xi32, #tpu.memory_space<vmem>>
        %dma_start3A_275 = arith.constant 0 : i32
        %dma_start3A_276 = arith.constant 0 : i32
        %dma_start3A_277 = tpu.memref_slice %arg12[%dma_start3A_275, %dma_start3A_276] : memref<10112x128xf32, #tpu.memory_space<vmem_shared>> -> memref<10112x128xf32, #tpu.memory_space<vmem_shared>>
        tpu.enqueue_indirect_dma source(%arg8 : memref<64x128xf32, #tpu.memory_space<vmem>>) target(%dma_start3A_277 : memref<10112x128xf32, #tpu.memory_space<vmem_shared>>) offsets(%dma_start3A_274 : memref<64xi32, #tpu.memory_space<vmem>>) semaphore(%arg17 : memref<!tpu.dma_semaphore, #tpu.memory_space<semaphore_mem>>) {add = true}
        %dma_wait3A_278 = arith.constant 0 : i32
        %dma_wait3A_279 = arith.constant 0 : i32
        %dma_wait3A_280 = tpu.memref_slice %arg7[%dma_wait3A_278, %dma_wait3A_279] : memref<16x64xi32, #tpu.memory_space<vmem>> -> memref<1x64xi32, #tpu.memory_space<vmem>>
        %dma_wait3A_281 = tpu.memref_squeeze %dma_wait3A_280 : memref<1x64xi32, #tpu.memory_space<vmem>> -> memref<64xi32, #tpu.memory_space<vmem>>
        %dma_wait3A_282 = arith.constant 0 : i32
        %dma_wait3A_283 = arith.constant 0 : i32
        %dma_wait3A_284 = tpu.memref_slice %arg12[%dma_wait3A_282, %dma_wait3A_283] : memref<10112x128xf32, #tpu.memory_space<vmem_shared>> -> memref<10112x128xf32, #tpu.memory_space<vmem_shared>>
        tpu.wait_indirect_dma semaphore(%arg20 : memref<!tpu.dma_semaphore, #tpu.memory_space<semaphore_mem>>) src(%arg11 : memref<64x128xf32, #tpu.memory_space<vmem>>) dst(%dma_wait3A_284 : memref<10112x128xf32, #tpu.memory_space<vmem_shared>>)
        %add3A_285 = arith.constant 4 : i32
        %add3A_286 = arith.addi %add3A_264, %add3A_285 : i32
        %sub3A = arith.constant 1 : i32
        %sub3A_287 = arith.subi %add3A_286, %sub3A : i32
        %dma_start3A_288 = arith.constant 0 : i32
        %dma_start3A_289 = tpu.memref_slice %arg6[%sub3A_287, %dma_start3A_288] : memref<16x64xi32, #tpu.memory_space<vmem>> -> memref<1x64xi32, #tpu.memory_space<vmem>>
        %dma_start3A_290 = tpu.memref_squeeze %dma_start3A_289 : memref<1x64xi32, #tpu.memory_space<vmem>> -> memref<64xi32, #tpu.memory_space<vmem>>
        %dma_start3A_291 = arith.constant 0 : i32
        %dma_start3A_292 = arith.constant 0 : i32
        %dma_start3A_293 = tpu.memref_slice %arg2[%dma_start3A_291, %dma_start3A_292] : memref<10000x128xf32, #tpu.memory_space<hbm>> -> memref<10000x128xf32, #tpu.memory_space<hbm>>
        tpu.enqueue_indirect_dma source(%dma_start3A_293 : memref<10000x128xf32, #tpu.memory_space<hbm>>) target(%arg11 : memref<64x128xf32, #tpu.memory_space<vmem>>) offsets(%dma_start3A_290 : memref<64xi32, #tpu.memory_space<vmem>>) semaphore(%arg16 : memref<!tpu.dma_semaphore, #tpu.memory_space<semaphore_mem>>)
        %add3A_294 = arith.constant 1 : i32
        %add3A_295 = arith.addi %mul3A_262, %add3A_294 : i32
        %dma_wait3A_296 = arith.constant 0 : i32
        %dma_wait3A_297 = arith.constant 0 : i32
        %dma_wait3A_298 = tpu.memref_slice %arg6[%dma_wait3A_296, %dma_wait3A_297] : memref<16x64xi32, #tpu.memory_space<vmem>> -> memref<1x64xi32, #tpu.memory_space<vmem>>
        %dma_wait3A_299 = tpu.memref_squeeze %dma_wait3A_298 : memref<1x64xi32, #tpu.memory_space<vmem>> -> memref<64xi32, #tpu.memory_space<vmem>>
        %dma_wait3A_300 = arith.constant 0 : i32
        %dma_wait3A_301 = arith.constant 0 : i32
        %dma_wait3A_302 = tpu.memref_slice %arg2[%dma_wait3A_300, %dma_wait3A_301] : memref<10000x128xf32, #tpu.memory_space<hbm>> -> memref<10000x128xf32, #tpu.memory_space<hbm>>
        tpu.wait_indirect_dma semaphore(%arg14 : memref<!tpu.dma_semaphore, #tpu.memory_space<semaphore_mem>>) src(%dma_wait3A_302 : memref<10000x128xf32, #tpu.memory_space<hbm>>) dst(%arg9 : memref<64x128xf32, #tpu.memory_space<vmem>>)
        %dma_start3A_303 = arith.constant 0 : i32
        %dma_start3A_304 = tpu.memref_slice %arg7[%add3A_295, %dma_start3A_303] : memref<16x64xi32, #tpu.memory_space<vmem>> -> memref<1x64xi32, #tpu.memory_space<vmem>>
        %dma_start3A_305 = tpu.memref_squeeze %dma_start3A_304 : memref<1x64xi32, #tpu.memory_space<vmem>> -> memref<64xi32, #tpu.memory_space<vmem>>
        %dma_start3A_306 = arith.constant 0 : i32
        %dma_start3A_307 = arith.constant 0 : i32
        %dma_start3A_308 = tpu.memref_slice %arg12[%dma_start3A_306, %dma_start3A_307] : memref<10112x128xf32, #tpu.memory_space<vmem_shared>> -> memref<10112x128xf32, #tpu.memory_space<vmem_shared>>
        tpu.enqueue_indirect_dma source(%arg9 : memref<64x128xf32, #tpu.memory_space<vmem>>) target(%dma_start3A_308 : memref<10112x128xf32, #tpu.memory_space<vmem_shared>>) offsets(%dma_start3A_305 : memref<64xi32, #tpu.memory_space<vmem>>) semaphore(%arg18 : memref<!tpu.dma_semaphore, #tpu.memory_space<semaphore_mem>>) {add = true}
        %dma_wait3A_309 = arith.constant 0 : i32
        %dma_wait3A_310 = arith.constant 0 : i32
        %dma_wait3A_311 = tpu.memref_slice %arg7[%dma_wait3A_309, %dma_wait3A_310] : memref<16x64xi32, #tpu.memory_space<vmem>> -> memref<1x64xi32, #tpu.memory_space<vmem>>
        %dma_wait3A_312 = tpu.memref_squeeze %dma_wait3A_311 : memref<1x64xi32, #tpu.memory_space<vmem>> -> memref<64xi32, #tpu.memory_space<vmem>>
        %dma_wait3A_313 = arith.constant 0 : i32
        %dma_wait3A_314 = arith.constant 0 : i32
        %dma_wait3A_315 = tpu.memref_slice %arg12[%dma_wait3A_313, %dma_wait3A_314] : memref<10112x128xf32, #tpu.memory_space<vmem_shared>> -> memref<10112x128xf32, #tpu.memory_space<vmem_shared>>
        tpu.wait_indirect_dma semaphore(%arg17 : memref<!tpu.dma_semaphore, #tpu.memory_space<semaphore_mem>>) src(%arg8 : memref<64x128xf32, #tpu.memory_space<vmem>>) dst(%dma_wait3A_315 : memref<10112x128xf32, #tpu.memory_space<vmem_shared>>)
        %add3A_316 = arith.constant 4 : i32
        %add3A_317 = arith.addi %add3A_295, %add3A_316 : i32
        %sub3A_318 = arith.constant 1 : i32
        %sub3A_319 = arith.subi %add3A_317, %sub3A_318 : i32
        %dma_start3A_320 = arith.constant 0 : i32
        %dma_start3A_321 = tpu.memref_slice %arg6[%sub3A_319, %dma_start3A_320] : memref<16x64xi32, #tpu.memory_space<vmem>> -> memref<1x64xi32, #tpu.memory_space<vmem>>
        %dma_start3A_322 = tpu.memref_squeeze %dma_start3A_321 : memref<1x64xi32, #tpu.memory_space<vmem>> -> memref<64xi32, #tpu.memory_space<vmem>>
        %dma_start3A_323 = arith.constant 0 : i32
        %dma_start3A_324 = arith.constant 0 : i32
        %dma_start3A_325 = tpu.memref_slice %arg2[%dma_start3A_323, %dma_start3A_324] : memref<10000x128xf32, #tpu.memory_space<hbm>> -> memref<10000x128xf32, #tpu.memory_space<hbm>>
        tpu.enqueue_indirect_dma source(%dma_start3A_325 : memref<10000x128xf32, #tpu.memory_space<hbm>>) target(%arg8 : memref<64x128xf32, #tpu.memory_space<vmem>>) offsets(%dma_start3A_322 : memref<64xi32, #tpu.memory_space<vmem>>) semaphore(%arg13 : memref<!tpu.dma_semaphore, #tpu.memory_space<semaphore_mem>>)
        %add3A_326 = arith.constant 2 : i32
        %add3A_327 = arith.addi %mul3A_262, %add3A_326 : i32
        %dma_wait3A_328 = arith.constant 0 : i32
        %dma_wait3A_329 = arith.constant 0 : i32
        %dma_wait3A_330 = tpu.memref_slice %arg6[%dma_wait3A_328, %dma_wait3A_329] : memref<16x64xi32, #tpu.memory_space<vmem>> -> memref<1x64xi32, #tpu.memory_space<vmem>>
        %dma_wait3A_331 = tpu.memref_squeeze %dma_wait3A_330 : memref<1x64xi32, #tpu.memory_space<vmem>> -> memref<64xi32, #tpu.memory_space<vmem>>
        %dma_wait3A_332 = arith.constant 0 : i32
        %dma_wait3A_333 = arith.constant 0 : i32
        %dma_wait3A_334 = tpu.memref_slice %arg2[%dma_wait3A_332, %dma_wait3A_333] : memref<10000x128xf32, #tpu.memory_space<hbm>> -> memref<10000x128xf32, #tpu.memory_space<hbm>>
        tpu.wait_indirect_dma semaphore(%arg15 : memref<!tpu.dma_semaphore, #tpu.memory_space<semaphore_mem>>) src(%dma_wait3A_334 : memref<10000x128xf32, #tpu.memory_space<hbm>>) dst(%arg10 : memref<64x128xf32, #tpu.memory_space<vmem>>)
        %dma_start3A_335 = arith.constant 0 : i32
        %dma_start3A_336 = tpu.memref_slice %arg7[%add3A_327, %dma_start3A_335] : memref<16x64xi32, #tpu.memory_space<vmem>> -> memref<1x64xi32, #tpu.memory_space<vmem>>
        %dma_start3A_337 = tpu.memref_squeeze %dma_start3A_336 : memref<1x64xi32, #tpu.memory_space<vmem>> -> memref<64xi32, #tpu.memory_space<vmem>>
        %dma_start3A_338 = arith.constant 0 : i32
        %dma_start3A_339 = arith.constant 0 : i32
        %dma_start3A_340 = tpu.memref_slice %arg12[%dma_start3A_338, %dma_start3A_339] : memref<10112x128xf32, #tpu.memory_space<vmem_shared>> -> memref<10112x128xf32, #tpu.memory_space<vmem_shared>>
        tpu.enqueue_indirect_dma source(%arg10 : memref<64x128xf32, #tpu.memory_space<vmem>>) target(%dma_start3A_340 : memref<10112x128xf32, #tpu.memory_space<vmem_shared>>) offsets(%dma_start3A_337 : memref<64xi32, #tpu.memory_space<vmem>>) semaphore(%arg19 : memref<!tpu.dma_semaphore, #tpu.memory_space<semaphore_mem>>) {add = true}
        %dma_wait3A_341 = arith.constant 0 : i32
        %dma_wait3A_342 = arith.constant 0 : i32
        %dma_wait3A_343 = tpu.memref_slice %arg7[%dma_wait3A_341, %dma_wait3A_342] : memref<16x64xi32, #tpu.memory_space<vmem>> -> memref<1x64xi32, #tpu.memory_space<vmem>>
        %dma_wait3A_344 = tpu.memref_squeeze %dma_wait3A_343 : memref<1x64xi32, #tpu.memory_space<vmem>> -> memref<64xi32, #tpu.memory_space<vmem>>
        %dma_wait3A_345 = arith.constant 0 : i32
        %dma_wait3A_346 = arith.constant 0 : i32
        %dma_wait3A_347 = tpu.memref_slice %arg12[%dma_wait3A_345, %dma_wait3A_346] : memref<10112x128xf32, #tpu.memory_space<vmem_shared>> -> memref<10112x128xf32, #tpu.memory_space<vmem_shared>>
        tpu.wait_indirect_dma semaphore(%arg18 : memref<!tpu.dma_semaphore, #tpu.memory_space<semaphore_mem>>) src(%arg9 : memref<64x128xf32, #tpu.memory_space<vmem>>) dst(%dma_wait3A_347 : memref<10112x128xf32, #tpu.memory_space<vmem_shared>>)
        %add3A_348 = arith.constant 4 : i32
        %add3A_349 = arith.addi %add3A_327, %add3A_348 : i32
        %sub3A_350 = arith.constant 1 : i32
        %sub3A_351 = arith.subi %add3A_349, %sub3A_350 : i32
        %dma_start3A_352 = arith.constant 0 : i32
        %dma_start3A_353 = tpu.memref_slice %arg6[%sub3A_351, %dma_start3A_352] : memref<16x64xi32, #tpu.memory_space<vmem>> -> memref<1x64xi32, #tpu.memory_space<vmem>>
        %dma_start3A_354 = tpu.memref_squeeze %dma_start3A_353 : memref<1x64xi32, #tpu.memory_space<vmem>> -> memref<64xi32, #tpu.memory_space<vmem>>
        %dma_start3A_355 = arith.constant 0 : i32
        %dma_start3A_356 = arith.constant 0 : i32
        %dma_start3A_357 = tpu.memref_slice %arg2[%dma_start3A_355, %dma_start3A_356] : memref<10000x128xf32, #tpu.memory_space<hbm>> -> memref<10000x128xf32, #tpu.memory_space<hbm>>
        tpu.enqueue_indirect_dma source(%dma_start3A_357 : memref<10000x128xf32, #tpu.memory_space<hbm>>) target(%arg9 : memref<64x128xf32, #tpu.memory_space<vmem>>) offsets(%dma_start3A_354 : memref<64xi32, #tpu.memory_space<vmem>>) semaphore(%arg14 : memref<!tpu.dma_semaphore, #tpu.memory_space<semaphore_mem>>)
        %add3A_358 = arith.constant 3 : i32
        %add3A_359 = arith.addi %mul3A_262, %add3A_358 : i32
        %dma_wait3A_360 = arith.constant 0 : i32
        %dma_wait3A_361 = arith.constant 0 : i32
        %dma_wait3A_362 = tpu.memref_slice %arg6[%dma_wait3A_360, %dma_wait3A_361] : memref<16x64xi32, #tpu.memory_space<vmem>> -> memref<1x64xi32, #tpu.memory_space<vmem>>
        %dma_wait3A_363 = tpu.memref_squeeze %dma_wait3A_362 : memref<1x64xi32, #tpu.memory_space<vmem>> -> memref<64xi32, #tpu.memory_space<vmem>>
        %dma_wait3A_364 = arith.constant 0 : i32
        %dma_wait3A_365 = arith.constant 0 : i32
        %dma_wait3A_366 = tpu.memref_slice %arg2[%dma_wait3A_364, %dma_wait3A_365] : memref<10000x128xf32, #tpu.memory_space<hbm>> -> memref<10000x128xf32, #tpu.memory_space<hbm>>
        tpu.wait_indirect_dma semaphore(%arg16 : memref<!tpu.dma_semaphore, #tpu.memory_space<semaphore_mem>>) src(%dma_wait3A_366 : memref<10000x128xf32, #tpu.memory_space<hbm>>) dst(%arg11 : memref<64x128xf32, #tpu.memory_space<vmem>>)
        %dma_start3A_367 = arith.constant 0 : i32
        %dma_start3A_368 = tpu.memref_slice %arg7[%add3A_359, %dma_start3A_367] : memref<16x64xi32, #tpu.memory_space<vmem>> -> memref<1x64xi32, #tpu.memory_space<vmem>>
        %dma_start3A_369 = tpu.memref_squeeze %dma_start3A_368 : memref<1x64xi32, #tpu.memory_space<vmem>> -> memref<64xi32, #tpu.memory_space<vmem>>
        %dma_start3A_370 = arith.constant 0 : i32
        %dma_start3A_371 = arith.constant 0 : i32
        %dma_start3A_372 = tpu.memref_slice %arg12[%dma_start3A_370, %dma_start3A_371] : memref<10112x128xf32, #tpu.memory_space<vmem_shared>> -> memref<10112x128xf32, #tpu.memory_space<vmem_shared>>
        tpu.enqueue_indirect_dma source(%arg11 : memref<64x128xf32, #tpu.memory_space<vmem>>) target(%dma_start3A_372 : memref<10112x128xf32, #tpu.memory_space<vmem_shared>>) offsets(%dma_start3A_369 : memref<64xi32, #tpu.memory_space<vmem>>) semaphore(%arg20 : memref<!tpu.dma_semaphore, #tpu.memory_space<semaphore_mem>>) {add = true}
        %dma_wait3A_373 = arith.constant 0 : i32
        %dma_wait3A_374 = arith.constant 0 : i32
        %dma_wait3A_375 = tpu.memref_slice %arg7[%dma_wait3A_373, %dma_wait3A_374] : memref<16x64xi32, #tpu.memory_space<vmem>> -> memref<1x64xi32, #tpu.memory_space<vmem>>
        %dma_wait3A_376 = tpu.memref_squeeze %dma_wait3A_375 : memref<1x64xi32, #tpu.memory_space<vmem>> -> memref<64xi32, #tpu.memory_space<vmem>>
        %dma_wait3A_377 = arith.constant 0 : i32
        %dma_wait3A_378 = arith.constant 0 : i32
        %dma_wait3A_379 = tpu.memref_slice %arg12[%dma_wait3A_377, %dma_wait3A_378] : memref<10112x128xf32, #tpu.memory_space<vmem_shared>> -> memref<10112x128xf32, #tpu.memory_space<vmem_shared>>
        tpu.wait_indirect_dma semaphore(%arg19 : memref<!tpu.dma_semaphore, #tpu.memory_space<semaphore_mem>>) src(%arg10 : memref<64x128xf32, #tpu.memory_space<vmem>>) dst(%dma_wait3A_379 : memref<10112x128xf32, #tpu.memory_space<vmem_shared>>)
        %add3A_380 = arith.constant 4 : i32
        %add3A_381 = arith.addi %add3A_359, %add3A_380 : i32
        %sub3A_382 = arith.constant 1 : i32
        %sub3A_383 = arith.subi %add3A_381, %sub3A_382 : i32
        %dma_start3A_384 = arith.constant 0 : i32
        %dma_start3A_385 = tpu.memref_slice %arg6[%sub3A_383, %dma_start3A_384] : memref<16x64xi32, #tpu.memory_space<vmem>> -> memref<1x64xi32, #tpu.memory_space<vmem>>
        %dma_start3A_386 = tpu.memref_squeeze %dma_start3A_385 : memref<1x64xi32, #tpu.memory_space<vmem>> -> memref<64xi32, #tpu.memory_space<vmem>>
        %dma_start3A_387 = arith.constant 0 : i32
        %dma_start3A_388 = arith.constant 0 : i32
        %dma_start3A_389 = tpu.memref_slice %arg2[%dma_start3A_387, %dma_start3A_388] : memref<10000x128xf32, #tpu.memory_space<hbm>> -> memref<10000x128xf32, #tpu.memory_space<hbm>>
        tpu.enqueue_indirect_dma source(%dma_start3A_389 : memref<10000x128xf32, #tpu.memory_space<hbm>>) target(%arg10 : memref<64x128xf32, #tpu.memory_space<vmem>>) offsets(%dma_start3A_386 : memref<64xi32, #tpu.memory_space<vmem>>) semaphore(%arg15 : memref<!tpu.dma_semaphore, #tpu.memory_space<semaphore_mem>>)
      }
      %scan3A_161 = arith.constant 2 : i32
      %dma_wait3A_162 = arith.constant 0 : i32
      %dma_wait3A_163 = arith.constant 0 : i32
      %dma_wait3A_164 = tpu.memref_slice %arg6[%dma_wait3A_162, %dma_wait3A_163] : memref<16x64xi32, #tpu.memory_space<vmem>> -> memref<1x64xi32, #tpu.memory_space<vmem>>
      %dma_wait3A_165 = tpu.memref_squeeze %dma_wait3A_164 : memref<1x64xi32, #tpu.memory_space<vmem>> -> memref<64xi32, #tpu.memory_space<vmem>>
      %dma_wait3A_166 = arith.constant 0 : i32
      %dma_wait3A_167 = arith.constant 0 : i32
      %dma_wait3A_168 = tpu.memref_slice %arg2[%dma_wait3A_166, %dma_wait3A_167] : memref<10000x128xf32, #tpu.memory_space<hbm>> -> memref<10000x128xf32, #tpu.memory_space<hbm>>
      tpu.wait_indirect_dma semaphore(%arg13 : memref<!tpu.dma_semaphore, #tpu.memory_space<semaphore_mem>>) src(%dma_wait3A_168 : memref<10000x128xf32, #tpu.memory_space<hbm>>) dst(%arg8 : memref<64x128xf32, #tpu.memory_space<vmem>>)
      %dma_start3A_169 = arith.constant 12 : i32
      %dma_start3A_170 = arith.constant 0 : i32
      %dma_start3A_171 = tpu.memref_slice %arg7[%dma_start3A_169, %dma_start3A_170] : memref<16x64xi32, #tpu.memory_space<vmem>> -> memref<1x64xi32, #tpu.memory_space<vmem>>
      %dma_start3A_172 = tpu.memref_squeeze %dma_start3A_171 : memref<1x64xi32, #tpu.memory_space<vmem>> -> memref<64xi32, #tpu.memory_space<vmem>>
      %dma_start3A_173 = arith.constant 0 : i32
      %dma_start3A_174 = arith.constant 0 : i32
      %dma_start3A_175 = tpu.memref_slice %arg12[%dma_start3A_173, %dma_start3A_174] : memref<10112x128xf32, #tpu.memory_space<vmem_shared>> -> memref<10112x128xf32, #tpu.memory_space<vmem_shared>>
      tpu.enqueue_indirect_dma source(%arg8 : memref<64x128xf32, #tpu.memory_space<vmem>>) target(%dma_start3A_175 : memref<10112x128xf32, #tpu.memory_space<vmem_shared>>) offsets(%dma_start3A_172 : memref<64xi32, #tpu.memory_space<vmem>>) semaphore(%arg17 : memref<!tpu.dma_semaphore, #tpu.memory_space<semaphore_mem>>) {add = true}
      %dma_wait3A_176 = arith.constant 0 : i32
      %dma_wait3A_177 = arith.constant 0 : i32
      %dma_wait3A_178 = tpu.memref_slice %arg7[%dma_wait3A_176, %dma_wait3A_177] : memref<16x64xi32, #tpu.memory_space<vmem>> -> memref<1x64xi32, #tpu.memory_space<vmem>>
      %dma_wait3A_179 = tpu.memref_squeeze %dma_wait3A_178 : memref<1x64xi32, #tpu.memory_space<vmem>> -> memref<64xi32, #tpu.memory_space<vmem>>
      %dma_wait3A_180 = arith.constant 0 : i32
      %dma_wait3A_181 = arith.constant 0 : i32
      %dma_wait3A_182 = tpu.memref_slice %arg12[%dma_wait3A_180, %dma_wait3A_181] : memref<10112x128xf32, #tpu.memory_space<vmem_shared>> -> memref<10112x128xf32, #tpu.memory_space<vmem_shared>>
      tpu.wait_indirect_dma semaphore(%arg20 : memref<!tpu.dma_semaphore, #tpu.memory_space<semaphore_mem>>) src(%arg11 : memref<64x128xf32, #tpu.memory_space<vmem>>) dst(%dma_wait3A_182 : memref<10112x128xf32, #tpu.memory_space<vmem_shared>>)
      %dma_start3A_183 = arith.constant 15 : i32
      %dma_start3A_184 = arith.constant 0 : i32
      %dma_start3A_185 = tpu.memref_slice %arg6[%dma_start3A_183, %dma_start3A_184] : memref<16x64xi32, #tpu.memory_space<vmem>> -> memref<1x64xi32, #tpu.memory_space<vmem>>
      %dma_start3A_186 = tpu.memref_squeeze %dma_start3A_185 : memref<1x64xi32, #tpu.memory_space<vmem>> -> memref<64xi32, #tpu.memory_space<vmem>>
      %dma_start3A_187 = arith.constant 0 : i32
      %dma_start3A_188 = arith.constant 0 : i32
      %dma_start3A_189 = tpu.memref_slice %arg2[%dma_start3A_187, %dma_start3A_188] : memref<10000x128xf32, #tpu.memory_space<hbm>> -> memref<10000x128xf32, #tpu.memory_space<hbm>>
      tpu.enqueue_indirect_dma source(%dma_start3A_189 : memref<10000x128xf32, #tpu.memory_space<hbm>>) target(%arg11 : memref<64x128xf32, #tpu.memory_space<vmem>>) offsets(%dma_start3A_186 : memref<64xi32, #tpu.memory_space<vmem>>) semaphore(%arg16 : memref<!tpu.dma_semaphore, #tpu.memory_space<semaphore_mem>>)
      %dma_wait3A_190 = arith.constant 0 : i32
      %dma_wait3A_191 = arith.constant 0 : i32
      %dma_wait3A_192 = tpu.memref_slice %arg6[%dma_wait3A_190, %dma_wait3A_191] : memref<16x64xi32, #tpu.memory_space<vmem>> -> memref<1x64xi32, #tpu.memory_space<vmem>>
      %dma_wait3A_193 = tpu.memref_squeeze %dma_wait3A_192 : memref<1x64xi32, #tpu.memory_space<vmem>> -> memref<64xi32, #tpu.memory_space<vmem>>
      %dma_wait3A_194 = arith.constant 0 : i32
      %dma_wait3A_195 = arith.constant 0 : i32
      %dma_wait3A_196 = tpu.memref_slice %arg2[%dma_wait3A_194, %dma_wait3A_195] : memref<10000x128xf32, #tpu.memory_space<hbm>> -> memref<10000x128xf32, #tpu.memory_space<hbm>>
      tpu.wait_indirect_dma semaphore(%arg14 : memref<!tpu.dma_semaphore, #tpu.memory_space<semaphore_mem>>) src(%dma_wait3A_196 : memref<10000x128xf32, #tpu.memory_space<hbm>>) dst(%arg9 : memref<64x128xf32, #tpu.memory_space<vmem>>)
      %dma_start3A_197 = arith.constant 13 : i32
      %dma_start3A_198 = arith.constant 0 : i32
      %dma_start3A_199 = tpu.memref_slice %arg7[%dma_start3A_197, %dma_start3A_198] : memref<16x64xi32, #tpu.memory_space<vmem>> -> memref<1x64xi32, #tpu.memory_space<vmem>>
      %dma_start3A_200 = tpu.memref_squeeze %dma_start3A_199 : memref<1x64xi32, #tpu.memory_space<vmem>> -> memref<64xi32, #tpu.memory_space<vmem>>
      %dma_start3A_201 = arith.constant 0 : i32
      %dma_start3A_202 = arith.constant 0 : i32
      %dma_start3A_203 = tpu.memref_slice %arg12[%dma_start3A_201, %dma_start3A_202] : memref<10112x128xf32, #tpu.memory_space<vmem_shared>> -> memref<10112x128xf32, #tpu.memory_space<vmem_shared>>
      tpu.enqueue_indirect_dma source(%arg9 : memref<64x128xf32, #tpu.memory_space<vmem>>) target(%dma_start3A_203 : memref<10112x128xf32, #tpu.memory_space<vmem_shared>>) offsets(%dma_start3A_200 : memref<64xi32, #tpu.memory_space<vmem>>) semaphore(%arg18 : memref<!tpu.dma_semaphore, #tpu.memory_space<semaphore_mem>>) {add = true}
      %dma_wait3A_204 = arith.constant 0 : i32
      %dma_wait3A_205 = arith.constant 0 : i32
      %dma_wait3A_206 = tpu.memref_slice %arg6[%dma_wait3A_204, %dma_wait3A_205] : memref<16x64xi32, #tpu.memory_space<vmem>> -> memref<1x64xi32, #tpu.memory_space<vmem>>
      %dma_wait3A_207 = tpu.memref_squeeze %dma_wait3A_206 : memref<1x64xi32, #tpu.memory_space<vmem>> -> memref<64xi32, #tpu.memory_space<vmem>>
      %dma_wait3A_208 = arith.constant 0 : i32
      %dma_wait3A_209 = arith.constant 0 : i32
      %dma_wait3A_210 = tpu.memref_slice %arg2[%dma_wait3A_208, %dma_wait3A_209] : memref<10000x128xf32, #tpu.memory_space<hbm>> -> memref<10000x128xf32, #tpu.memory_space<hbm>>
      tpu.wait_indirect_dma semaphore(%arg15 : memref<!tpu.dma_semaphore, #tpu.memory_space<semaphore_mem>>) src(%dma_wait3A_210 : memref<10000x128xf32, #tpu.memory_space<hbm>>) dst(%arg10 : memref<64x128xf32, #tpu.memory_space<vmem>>)
      %dma_start3A_211 = arith.constant 14 : i32
      %dma_start3A_212 = arith.constant 0 : i32
      %dma_start3A_213 = tpu.memref_slice %arg7[%dma_start3A_211, %dma_start3A_212] : memref<16x64xi32, #tpu.memory_space<vmem>> -> memref<1x64xi32, #tpu.memory_space<vmem>>
      %dma_start3A_214 = tpu.memref_squeeze %dma_start3A_213 : memref<1x64xi32, #tpu.memory_space<vmem>> -> memref<64xi32, #tpu.memory_space<vmem>>
      %dma_start3A_215 = arith.constant 0 : i32
      %dma_start3A_216 = arith.constant 0 : i32
      %dma_start3A_217 = tpu.memref_slice %arg12[%dma_start3A_215, %dma_start3A_216] : memref<10112x128xf32, #tpu.memory_space<vmem_shared>> -> memref<10112x128xf32, #tpu.memory_space<vmem_shared>>
      tpu.enqueue_indirect_dma source(%arg10 : memref<64x128xf32, #tpu.memory_space<vmem>>) target(%dma_start3A_217 : memref<10112x128xf32, #tpu.memory_space<vmem_shared>>) offsets(%dma_start3A_214 : memref<64xi32, #tpu.memory_space<vmem>>) semaphore(%arg19 : memref<!tpu.dma_semaphore, #tpu.memory_space<semaphore_mem>>) {add = true}
      %dma_wait3A_218 = arith.constant 0 : i32
      %dma_wait3A_219 = arith.constant 0 : i32
      %dma_wait3A_220 = tpu.memref_slice %arg6[%dma_wait3A_218, %dma_wait3A_219] : memref<16x64xi32, #tpu.memory_space<vmem>> -> memref<1x64xi32, #tpu.memory_space<vmem>>
      %dma_wait3A_221 = tpu.memref_squeeze %dma_wait3A_220 : memref<1x64xi32, #tpu.memory_space<vmem>> -> memref<64xi32, #tpu.memory_space<vmem>>
      %dma_wait3A_222 = arith.constant 0 : i32
      %dma_wait3A_223 = arith.constant 0 : i32
      %dma_wait3A_224 = tpu.memref_slice %arg2[%dma_wait3A_222, %dma_wait3A_223] : memref<10000x128xf32, #tpu.memory_space<hbm>> -> memref<10000x128xf32, #tpu.memory_space<hbm>>
      tpu.wait_indirect_dma semaphore(%arg16 : memref<!tpu.dma_semaphore, #tpu.memory_space<semaphore_mem>>) src(%dma_wait3A_224 : memref<10000x128xf32, #tpu.memory_space<hbm>>) dst(%arg11 : memref<64x128xf32, #tpu.memory_space<vmem>>)
      %dma_start3A_225 = arith.constant 15 : i32
      %dma_start3A_226 = arith.constant 0 : i32
      %dma_start3A_227 = tpu.memref_slice %arg7[%dma_start3A_225, %dma_start3A_226] : memref<16x64xi32, #tpu.memory_space<vmem>> -> memref<1x64xi32, #tpu.memory_space<vmem>>
      %dma_start3A_228 = tpu.memref_squeeze %dma_start3A_227 : memref<1x64xi32, #tpu.memory_space<vmem>> -> memref<64xi32, #tpu.memory_space<vmem>>
      %dma_start3A_229 = arith.constant 0 : i32
      %dma_start3A_230 = arith.constant 0 : i32
      %dma_start3A_231 = tpu.memref_slice %arg12[%dma_start3A_229, %dma_start3A_230] : memref<10112x128xf32, #tpu.memory_space<vmem_shared>> -> memref<10112x128xf32, #tpu.memory_space<vmem_shared>>
      tpu.enqueue_indirect_dma source(%arg11 : memref<64x128xf32, #tpu.memory_space<vmem>>) target(%dma_start3A_231 : memref<10112x128xf32, #tpu.memory_space<vmem_shared>>) offsets(%dma_start3A_228 : memref<64xi32, #tpu.memory_space<vmem>>) semaphore(%arg20 : memref<!tpu.dma_semaphore, #tpu.memory_space<semaphore_mem>>) {add = true}
      %dma_wait3A_232 = arith.constant 0 : i32
      %dma_wait3A_233 = arith.constant 0 : i32
      %dma_wait3A_234 = tpu.memref_slice %arg7[%dma_wait3A_232, %dma_wait3A_233] : memref<16x64xi32, #tpu.memory_space<vmem>> -> memref<1x64xi32, #tpu.memory_space<vmem>>
      %dma_wait3A_235 = tpu.memref_squeeze %dma_wait3A_234 : memref<1x64xi32, #tpu.memory_space<vmem>> -> memref<64xi32, #tpu.memory_space<vmem>>
      %dma_wait3A_236 = arith.constant 0 : i32
      %dma_wait3A_237 = arith.constant 0 : i32
      %dma_wait3A_238 = tpu.memref_slice %arg12[%dma_wait3A_236, %dma_wait3A_237] : memref<10112x128xf32, #tpu.memory_space<vmem_shared>> -> memref<10112x128xf32, #tpu.memory_space<vmem_shared>>
      tpu.wait_indirect_dma semaphore(%arg17 : memref<!tpu.dma_semaphore, #tpu.memory_space<semaphore_mem>>) src(%arg8 : memref<64x128xf32, #tpu.memory_space<vmem>>) dst(%dma_wait3A_238 : memref<10112x128xf32, #tpu.memory_space<vmem_shared>>)
      %dma_wait3A_239 = arith.constant 0 : i32
      %dma_wait3A_240 = arith.constant 0 : i32
      %dma_wait3A_241 = tpu.memref_slice %arg7[%dma_wait3A_239, %dma_wait3A_240] : memref<16x64xi32, #tpu.memory_space<vmem>> -> memref<1x64xi32, #tpu.memory_space<vmem>>
      %dma_wait3A_242 = tpu.memref_squeeze %dma_wait3A_241 : memref<1x64xi32, #tpu.memory_space<vmem>> -> memref<64xi32, #tpu.memory_space<vmem>>
      %dma_wait3A_243 = arith.constant 0 : i32
      %dma_wait3A_244 = arith.constant 0 : i32
      %dma_wait3A_245 = tpu.memref_slice %arg12[%dma_wait3A_243, %dma_wait3A_244] : memref<10112x128xf32, #tpu.memory_space<vmem_shared>> -> memref<10112x128xf32, #tpu.memory_space<vmem_shared>>
      tpu.wait_indirect_dma semaphore(%arg18 : memref<!tpu.dma_semaphore, #tpu.memory_space<semaphore_mem>>) src(%arg9 : memref<64x128xf32, #tpu.memory_space<vmem>>) dst(%dma_wait3A_245 : memref<10112x128xf32, #tpu.memory_space<vmem_shared>>)
      %dma_wait3A_246 = arith.constant 0 : i32
      %dma_wait3A_247 = arith.constant 0 : i32
      %dma_wait3A_248 = tpu.memref_slice %arg7[%dma_wait3A_246, %dma_wait3A_247] : memref<16x64xi32, #tpu.memory_space<vmem>> -> memref<1x64xi32, #tpu.memory_space<vmem>>
      %dma_wait3A_249 = tpu.memref_squeeze %dma_wait3A_248 : memref<1x64xi32, #tpu.memory_space<vmem>> -> memref<64xi32, #tpu.memory_space<vmem>>
      %dma_wait3A_250 = arith.constant 0 : i32
      %dma_wait3A_251 = arith.constant 0 : i32
      %dma_wait3A_252 = tpu.memref_slice %arg12[%dma_wait3A_250, %dma_wait3A_251] : memref<10112x128xf32, #tpu.memory_space<vmem_shared>> -> memref<10112x128xf32, #tpu.memory_space<vmem_shared>>
      tpu.wait_indirect_dma semaphore(%arg19 : memref<!tpu.dma_semaphore, #tpu.memory_space<semaphore_mem>>) src(%arg10 : memref<64x128xf32, #tpu.memory_space<vmem>>) dst(%dma_wait3A_252 : memref<10112x128xf32, #tpu.memory_space<vmem_shared>>)
      %dma_wait3A_253 = arith.constant 0 : i32
      %dma_wait3A_254 = arith.constant 0 : i32
      %dma_wait3A_255 = tpu.memref_slice %arg7[%dma_wait3A_253, %dma_wait3A_254] : memref<16x64xi32, #tpu.memory_space<vmem>> -> memref<1x64xi32, #tpu.memory_space<vmem>>
      %dma_wait3A_256 = tpu.memref_squeeze %dma_wait3A_255 : memref<1x64xi32, #tpu.memory_space<vmem>> -> memref<64xi32, #tpu.memory_space<vmem>>
      %dma_wait3A_257 = arith.constant 0 : i32
      %dma_wait3A_258 = arith.constant 0 : i32
      %dma_wait3A_259 = tpu.memref_slice %arg12[%dma_wait3A_257, %dma_wait3A_258] : memref<10112x128xf32, #tpu.memory_space<vmem_shared>> -> memref<10112x128xf32, #tpu.memory_space<vmem_shared>>
      tpu.wait_indirect_dma semaphore(%arg20 : memref<!tpu.dma_semaphore, #tpu.memory_space<semaphore_mem>>) src(%arg11 : memref<64x128xf32, #tpu.memory_space<vmem>>) dst(%dma_wait3A_259 : memref<10112x128xf32, #tpu.memory_space<vmem_shared>>)
    }
    %while3A_21 = arith.constant 1 : i32
    scf.for %while3A_30 = %while3A_19 to %while3A_15 step %while3A_21  : i32 {
      %add3A_31 = arith.addi %select_n3A_12, %while3A_30 : i32
      "tpu.region"() ({
        %run_scoped3A = tpu.sem_alloc : memref<!tpu.dma_semaphore, #tpu.memory_space<semaphore_mem>>
        %dma_start3A_260 = arith.constant 0 : i32
        %dma_start3A_261 = arith.constant 0 : i32
        %dma_start3A_262 = tpu.memref_slice %arg3[%add3A_31, %dma_start3A_260, %dma_start3A_261] : memref<320x16x64xi32, #tpu.memory_space<hbm>> -> memref<1x16x64xi32, #tpu.memory_space<hbm>>
        %dma_start3A_263 = tpu.memref_squeeze %dma_start3A_262 : memref<1x16x64xi32, #tpu.memory_space<hbm>> -> memref<16x64xi32, #tpu.memory_space<hbm>>
        %dma_start3A_264 = arith.constant 0 : i32
        %dma_start3A_265 = arith.constant 0 : i32
        %dma_start3A_266 = tpu.memref_slice %arg3[%add3A_31, %dma_start3A_264, %dma_start3A_265] : memref<320x16x64xi32, #tpu.memory_space<hbm>> -> memref<1x16x64xi32, #tpu.memory_space<hbm>>
        %dma_start3A_267 = tpu.memref_squeeze %dma_start3A_266 : memref<1x16x64xi32, #tpu.memory_space<hbm>> -> memref<16x64xi32, #tpu.memory_space<hbm>>
        tpu.enqueue_dma source(%dma_start3A_267 : memref<16x64xi32, #tpu.memory_space<hbm>>) target(%arg6 : memref<16x64xi32, #tpu.memory_space<vmem>>) target_semaphore(%run_scoped3A : memref<!tpu.dma_semaphore, #tpu.memory_space<semaphore_mem>>)
        %dma_wait3A_268 = arith.constant 0 : i32
        %dma_wait3A_269 = arith.constant 0 : i32
        %dma_wait3A_270 = tpu.memref_slice %arg3[%add3A_31, %dma_wait3A_268, %dma_wait3A_269] : memref<320x16x64xi32, #tpu.memory_space<hbm>> -> memref<1x16x64xi32, #tpu.memory_space<hbm>>
        %dma_wait3A_271 = tpu.memref_squeeze %dma_wait3A_270 : memref<1x16x64xi32, #tpu.memory_space<hbm>> -> memref<16x64xi32, #tpu.memory_space<hbm>>
        %dma_wait3A_272 = arith.constant 0 : i32
        %dma_wait3A_273 = arith.constant 0 : i32
        %dma_wait3A_274 = tpu.memref_slice %arg3[%add3A_31, %dma_wait3A_272, %dma_wait3A_273] : memref<320x16x64xi32, #tpu.memory_space<hbm>> -> memref<1x16x64xi32, #tpu.memory_space<hbm>>
        %dma_wait3A_275 = tpu.memref_squeeze %dma_wait3A_274 : memref<1x16x64xi32, #tpu.memory_space<hbm>> -> memref<16x64xi32, #tpu.memory_space<hbm>>
        tpu.wait_dma2 semaphore(%run_scoped3A : memref<!tpu.dma_semaphore, #tpu.memory_space<semaphore_mem>>) src(%dma_wait3A_275 : memref<16x64xi32, #tpu.memory_space<hbm>>) dst(%arg6 : memref<16x64xi32, #tpu.memory_space<vmem>>)
        tpu.yield
      }) : () -> ()
      %add3A_32 = arith.addi %select_n3A_12, %while3A_30 : i32
      "tpu.region"() ({
        %run_scoped3A = tpu.sem_alloc : memref<!tpu.dma_semaphore, #tpu.memory_space<semaphore_mem>>
        %dma_start3A_260 = arith.constant 0 : i32
        %dma_start3A_261 = arith.constant 0 : i32
        %dma_start3A_262 = tpu.memref_slice %arg4[%add3A_32, %dma_start3A_260, %dma_start3A_261] : memref<320x16x64xi32, #tpu.memory_space<hbm>> -> memref<1x16x64xi32, #tpu.memory_space<hbm>>
        %dma_start3A_263 = tpu.memref_squeeze %dma_start3A_262 : memref<1x16x64xi32, #tpu.memory_space<hbm>> -> memref<16x64xi32, #tpu.memory_space<hbm>>
        %dma_start3A_264 = arith.constant 0 : i32
        %dma_start3A_265 = arith.constant 0 : i32
        %dma_start3A_266 = tpu.memref_slice %arg4[%add3A_32, %dma_start3A_264, %dma_start3A_265] : memref<320x16x64xi32, #tpu.memory_space<hbm>> -> memref<1x16x64xi32, #tpu.memory_space<hbm>>
        %dma_start3A_267 = tpu.memref_squeeze %dma_start3A_266 : memref<1x16x64xi32, #tpu.memory_space<hbm>> -> memref<16x64xi32, #tpu.memory_space<hbm>>
        tpu.enqueue_dma source(%dma_start3A_267 : memref<16x64xi32, #tpu.memory_space<hbm>>) target(%arg7 : memref<16x64xi32, #tpu.memory_space<vmem>>) target_semaphore(%run_scoped3A : memref<!tpu.dma_semaphore, #tpu.memory_space<semaphore_mem>>)
        %dma_wait3A_268 = arith.constant 0 : i32
        %dma_wait3A_269 = arith.constant 0 : i32
        %dma_wait3A_270 = tpu.memref_slice %arg4[%add3A_32, %dma_wait3A_268, %dma_wait3A_269] : memref<320x16x64xi32, #tpu.memory_space<hbm>> -> memref<1x16x64xi32, #tpu.memory_space<hbm>>
        %dma_wait3A_271 = tpu.memref_squeeze %dma_wait3A_270 : memref<1x16x64xi32, #tpu.memory_space<hbm>> -> memref<16x64xi32, #tpu.memory_space<hbm>>
        %dma_wait3A_272 = arith.constant 0 : i32
        %dma_wait3A_273 = arith.constant 0 : i32
        %dma_wait3A_274 = tpu.memref_slice %arg4[%add3A_32, %dma_wait3A_272, %dma_wait3A_273] : memref<320x16x64xi32, #tpu.memory_space<hbm>> -> memref<1x16x64xi32, #tpu.memory_space<hbm>>
        %dma_wait3A_275 = tpu.memref_squeeze %dma_wait3A_274 : memref<1x16x64xi32, #tpu.memory_space<hbm>> -> memref<16x64xi32, #tpu.memory_space<hbm>>
        tpu.wait_dma2 semaphore(%run_scoped3A : memref<!tpu.dma_semaphore, #tpu.memory_space<semaphore_mem>>) src(%dma_wait3A_275 : memref<16x64xi32, #tpu.memory_space<hbm>>) dst(%arg7 : memref<16x64xi32, #tpu.memory_space<vmem>>)
        tpu.yield
      }) : () -> ()
      %dma_start3A = arith.constant 0 : i32
      %dma_start3A_33 = arith.constant 0 : i32
      %dma_start3A_34 = tpu.memref_slice %arg6[%dma_start3A, %dma_start3A_33] : memref<16x64xi32, #tpu.memory_space<vmem>> -> memref<1x64xi32, #tpu.memory_space<vmem>>
      %dma_start3A_35 = tpu.memref_squeeze %dma_start3A_34 : memref<1x64xi32, #tpu.memory_space<vmem>> -> memref<64xi32, #tpu.memory_space<vmem>>
      %dma_start3A_36 = arith.constant 0 : i32
      %dma_start3A_37 = arith.constant 0 : i32
      %dma_start3A_38 = tpu.memref_slice %arg2[%dma_start3A_36, %dma_start3A_37] : memref<10000x128xf32, #tpu.memory_space<hbm>> -> memref<10000x128xf32, #tpu.memory_space<hbm>>
      tpu.enqueue_indirect_dma source(%dma_start3A_38 : memref<10000x128xf32, #tpu.memory_space<hbm>>) target(%arg8 : memref<64x128xf32, #tpu.memory_space<vmem>>) offsets(%dma_start3A_35 : memref<64xi32, #tpu.memory_space<vmem>>) semaphore(%arg13 : memref<!tpu.dma_semaphore, #tpu.memory_space<semaphore_mem>>)
      %dma_start3A_39 = arith.constant 1 : i32
      %dma_start3A_40 = arith.constant 0 : i32
      %dma_start3A_41 = tpu.memref_slice %arg6[%dma_start3A_39, %dma_start3A_40] : memref<16x64xi32, #tpu.memory_space<vmem>> -> memref<1x64xi32, #tpu.memory_space<vmem>>
      %dma_start3A_42 = tpu.memref_squeeze %dma_start3A_41 : memref<1x64xi32, #tpu.memory_space<vmem>> -> memref<64xi32, #tpu.memory_space<vmem>>
      %dma_start3A_43 = arith.constant 0 : i32
      %dma_start3A_44 = arith.constant 0 : i32
      %dma_start3A_45 = tpu.memref_slice %arg2[%dma_start3A_43, %dma_start3A_44] : memref<10000x128xf32, #tpu.memory_space<hbm>> -> memref<10000x128xf32, #tpu.memory_space<hbm>>
      tpu.enqueue_indirect_dma source(%dma_start3A_45 : memref<10000x128xf32, #tpu.memory_space<hbm>>) target(%arg9 : memref<64x128xf32, #tpu.memory_space<vmem>>) offsets(%dma_start3A_42 : memref<64xi32, #tpu.memory_space<vmem>>) semaphore(%arg14 : memref<!tpu.dma_semaphore, #tpu.memory_space<semaphore_mem>>)
      %dma_start3A_46 = arith.constant 2 : i32
      %dma_start3A_47 = arith.constant 0 : i32
      %dma_start3A_48 = tpu.memref_slice %arg6[%dma_start3A_46, %dma_start3A_47] : memref<16x64xi32, #tpu.memory_space<vmem>> -> memref<1x64xi32, #tpu.memory_space<vmem>>
      %dma_start3A_49 = tpu.memref_squeeze %dma_start3A_48 : memref<1x64xi32, #tpu.memory_space<vmem>> -> memref<64xi32, #tpu.memory_space<vmem>>
      %dma_start3A_50 = arith.constant 0 : i32
      %dma_start3A_51 = arith.constant 0 : i32
      %dma_start3A_52 = tpu.memref_slice %arg2[%dma_start3A_50, %dma_start3A_51] : memref<10000x128xf32, #tpu.memory_space<hbm>> -> memref<10000x128xf32, #tpu.memory_space<hbm>>
      tpu.enqueue_indirect_dma source(%dma_start3A_52 : memref<10000x128xf32, #tpu.memory_space<hbm>>) target(%arg10 : memref<64x128xf32, #tpu.memory_space<vmem>>) offsets(%dma_start3A_49 : memref<64xi32, #tpu.memory_space<vmem>>) semaphore(%arg15 : memref<!tpu.dma_semaphore, #tpu.memory_space<semaphore_mem>>)
      %dma_wait3A = arith.constant 0 : i32
      %dma_wait3A_53 = arith.constant 0 : i32
      %dma_wait3A_54 = tpu.memref_slice %arg6[%dma_wait3A, %dma_wait3A_53] : memref<16x64xi32, #tpu.memory_space<vmem>> -> memref<1x64xi32, #tpu.memory_space<vmem>>
      %dma_wait3A_55 = tpu.memref_squeeze %dma_wait3A_54 : memref<1x64xi32, #tpu.memory_space<vmem>> -> memref<64xi32, #tpu.memory_space<vmem>>
      %dma_wait3A_56 = arith.constant 0 : i32
      %dma_wait3A_57 = arith.constant 0 : i32
      %dma_wait3A_58 = tpu.memref_slice %arg2[%dma_wait3A_56, %dma_wait3A_57] : memref<10000x128xf32, #tpu.memory_space<hbm>> -> memref<10000x128xf32, #tpu.memory_space<hbm>>
      tpu.wait_indirect_dma semaphore(%arg13 : memref<!tpu.dma_semaphore, #tpu.memory_space<semaphore_mem>>) src(%dma_wait3A_58 : memref<10000x128xf32, #tpu.memory_space<hbm>>) dst(%arg8 : memref<64x128xf32, #tpu.memory_space<vmem>>)
      %dma_start3A_59 = arith.constant 0 : i32
      %dma_start3A_60 = arith.constant 0 : i32
      %dma_start3A_61 = tpu.memref_slice %arg7[%dma_start3A_59, %dma_start3A_60] : memref<16x64xi32, #tpu.memory_space<vmem>> -> memref<1x64xi32, #tpu.memory_space<vmem>>
      %dma_start3A_62 = tpu.memref_squeeze %dma_start3A_61 : memref<1x64xi32, #tpu.memory_space<vmem>> -> memref<64xi32, #tpu.memory_space<vmem>>
      %dma_start3A_63 = arith.constant 0 : i32
      %dma_start3A_64 = arith.constant 0 : i32
      %dma_start3A_65 = tpu.memref_slice %arg12[%dma_start3A_63, %dma_start3A_64] : memref<10112x128xf32, #tpu.memory_space<vmem_shared>> -> memref<10112x128xf32, #tpu.memory_space<vmem_shared>>
      tpu.enqueue_indirect_dma source(%arg8 : memref<64x128xf32, #tpu.memory_space<vmem>>) target(%dma_start3A_65 : memref<10112x128xf32, #tpu.memory_space<vmem_shared>>) offsets(%dma_start3A_62 : memref<64xi32, #tpu.memory_space<vmem>>) semaphore(%arg17 : memref<!tpu.dma_semaphore, #tpu.memory_space<semaphore_mem>>) {add = true}
      %dma_start3A_66 = arith.constant 3 : i32
      %dma_start3A_67 = arith.constant 0 : i32
      %dma_start3A_68 = tpu.memref_slice %arg6[%dma_start3A_66, %dma_start3A_67] : memref<16x64xi32, #tpu.memory_space<vmem>> -> memref<1x64xi32, #tpu.memory_space<vmem>>
      %dma_start3A_69 = tpu.memref_squeeze %dma_start3A_68 : memref<1x64xi32, #tpu.memory_space<vmem>> -> memref<64xi32, #tpu.memory_space<vmem>>
      %dma_start3A_70 = arith.constant 0 : i32
      %dma_start3A_71 = arith.constant 0 : i32
      %dma_start3A_72 = tpu.memref_slice %arg2[%dma_start3A_70, %dma_start3A_71] : memref<10000x128xf32, #tpu.memory_space<hbm>> -> memref<10000x128xf32, #tpu.memory_space<hbm>>
      tpu.enqueue_indirect_dma source(%dma_start3A_72 : memref<10000x128xf32, #tpu.memory_space<hbm>>) target(%arg11 : memref<64x128xf32, #tpu.memory_space<vmem>>) offsets(%dma_start3A_69 : memref<64xi32, #tpu.memory_space<vmem>>) semaphore(%arg16 : memref<!tpu.dma_semaphore, #tpu.memory_space<semaphore_mem>>)
      %dma_wait3A_73 = arith.constant 0 : i32
      %dma_wait3A_74 = arith.constant 0 : i32
      %dma_wait3A_75 = tpu.memref_slice %arg6[%dma_wait3A_73, %dma_wait3A_74] : memref<16x64xi32, #tpu.memory_space<vmem>> -> memref<1x64xi32, #tpu.memory_space<vmem>>
      %dma_wait3A_76 = tpu.memref_squeeze %dma_wait3A_75 : memref<1x64xi32, #tpu.memory_space<vmem>> -> memref<64xi32, #tpu.memory_space<vmem>>
      %dma_wait3A_77 = arith.constant 0 : i32
      %dma_wait3A_78 = arith.constant 0 : i32
      %dma_wait3A_79 = tpu.memref_slice %arg2[%dma_wait3A_77, %dma_wait3A_78] : memref<10000x128xf32, #tpu.memory_space<hbm>> -> memref<10000x128xf32, #tpu.memory_space<hbm>>
      tpu.wait_indirect_dma semaphore(%arg14 : memref<!tpu.dma_semaphore, #tpu.memory_space<semaphore_mem>>) src(%dma_wait3A_79 : memref<10000x128xf32, #tpu.memory_space<hbm>>) dst(%arg9 : memref<64x128xf32, #tpu.memory_space<vmem>>)
      %dma_start3A_80 = arith.constant 1 : i32
      %dma_start3A_81 = arith.constant 0 : i32
      %dma_start3A_82 = tpu.memref_slice %arg7[%dma_start3A_80, %dma_start3A_81] : memref<16x64xi32, #tpu.memory_space<vmem>> -> memref<1x64xi32, #tpu.memory_space<vmem>>
      %dma_start3A_83 = tpu.memref_squeeze %dma_start3A_82 : memref<1x64xi32, #tpu.memory_space<vmem>> -> memref<64xi32, #tpu.memory_space<vmem>>
      %dma_start3A_84 = arith.constant 0 : i32
      %dma_start3A_85 = arith.constant 0 : i32
      %dma_start3A_86 = tpu.memref_slice %arg12[%dma_start3A_84, %dma_start3A_85] : memref<10112x128xf32, #tpu.memory_space<vmem_shared>> -> memref<10112x128xf32, #tpu.memory_space<vmem_shared>>
      tpu.enqueue_indirect_dma source(%arg9 : memref<64x128xf32, #tpu.memory_space<vmem>>) target(%dma_start3A_86 : memref<10112x128xf32, #tpu.memory_space<vmem_shared>>) offsets(%dma_start3A_83 : memref<64xi32, #tpu.memory_space<vmem>>) semaphore(%arg18 : memref<!tpu.dma_semaphore, #tpu.memory_space<semaphore_mem>>) {add = true}
      %dma_wait3A_87 = arith.constant 0 : i32
      %dma_wait3A_88 = arith.constant 0 : i32
      %dma_wait3A_89 = tpu.memref_slice %arg7[%dma_wait3A_87, %dma_wait3A_88] : memref<16x64xi32, #tpu.memory_space<vmem>> -> memref<1x64xi32, #tpu.memory_space<vmem>>
      %dma_wait3A_90 = tpu.memref_squeeze %dma_wait3A_89 : memref<1x64xi32, #tpu.memory_space<vmem>> -> memref<64xi32, #tpu.memory_space<vmem>>
      %dma_wait3A_91 = arith.constant 0 : i32
      %dma_wait3A_92 = arith.constant 0 : i32
      %dma_wait3A_93 = tpu.memref_slice %arg12[%dma_wait3A_91, %dma_wait3A_92] : memref<10112x128xf32, #tpu.memory_space<vmem_shared>> -> memref<10112x128xf32, #tpu.memory_space<vmem_shared>>
      tpu.wait_indirect_dma semaphore(%arg17 : memref<!tpu.dma_semaphore, #tpu.memory_space<semaphore_mem>>) src(%arg8 : memref<64x128xf32, #tpu.memory_space<vmem>>) dst(%dma_wait3A_93 : memref<10112x128xf32, #tpu.memory_space<vmem_shared>>)
      %dma_start3A_94 = arith.constant 4 : i32
      %dma_start3A_95 = arith.constant 0 : i32
      %dma_start3A_96 = tpu.memref_slice %arg6[%dma_start3A_94, %dma_start3A_95] : memref<16x64xi32, #tpu.memory_space<vmem>> -> memref<1x64xi32, #tpu.memory_space<vmem>>
      %dma_start3A_97 = tpu.memref_squeeze %dma_start3A_96 : memref<1x64xi32, #tpu.memory_space<vmem>> -> memref<64xi32, #tpu.memory_space<vmem>>
      %dma_start3A_98 = arith.constant 0 : i32
      %dma_start3A_99 = arith.constant 0 : i32
      %dma_start3A_100 = tpu.memref_slice %arg2[%dma_start3A_98, %dma_start3A_99] : memref<10000x128xf32, #tpu.memory_space<hbm>> -> memref<10000x128xf32, #tpu.memory_space<hbm>>
      tpu.enqueue_indirect_dma source(%dma_start3A_100 : memref<10000x128xf32, #tpu.memory_space<hbm>>) target(%arg8 : memref<64x128xf32, #tpu.memory_space<vmem>>) offsets(%dma_start3A_97 : memref<64xi32, #tpu.memory_space<vmem>>) semaphore(%arg13 : memref<!tpu.dma_semaphore, #tpu.memory_space<semaphore_mem>>)
      %dma_wait3A_101 = arith.constant 0 : i32
      %dma_wait3A_102 = arith.constant 0 : i32
      %dma_wait3A_103 = tpu.memref_slice %arg6[%dma_wait3A_101, %dma_wait3A_102] : memref<16x64xi32, #tpu.memory_space<vmem>> -> memref<1x64xi32, #tpu.memory_space<vmem>>
      %dma_wait3A_104 = tpu.memref_squeeze %dma_wait3A_103 : memref<1x64xi32, #tpu.memory_space<vmem>> -> memref<64xi32, #tpu.memory_space<vmem>>
      %dma_wait3A_105 = arith.constant 0 : i32
      %dma_wait3A_106 = arith.constant 0 : i32
      %dma_wait3A_107 = tpu.memref_slice %arg2[%dma_wait3A_105, %dma_wait3A_106] : memref<10000x128xf32, #tpu.memory_space<hbm>> -> memref<10000x128xf32, #tpu.memory_space<hbm>>
      tpu.wait_indirect_dma semaphore(%arg15 : memref<!tpu.dma_semaphore, #tpu.memory_space<semaphore_mem>>) src(%dma_wait3A_107 : memref<10000x128xf32, #tpu.memory_space<hbm>>) dst(%arg10 : memref<64x128xf32, #tpu.memory_space<vmem>>)
      %dma_start3A_108 = arith.constant 2 : i32
      %dma_start3A_109 = arith.constant 0 : i32
      %dma_start3A_110 = tpu.memref_slice %arg7[%dma_start3A_108, %dma_start3A_109] : memref<16x64xi32, #tpu.memory_space<vmem>> -> memref<1x64xi32, #tpu.memory_space<vmem>>
      %dma_start3A_111 = tpu.memref_squeeze %dma_start3A_110 : memref<1x64xi32, #tpu.memory_space<vmem>> -> memref<64xi32, #tpu.memory_space<vmem>>
      %dma_start3A_112 = arith.constant 0 : i32
      %dma_start3A_113 = arith.constant 0 : i32
      %dma_start3A_114 = tpu.memref_slice %arg12[%dma_start3A_112, %dma_start3A_113] : memref<10112x128xf32, #tpu.memory_space<vmem_shared>> -> memref<10112x128xf32, #tpu.memory_space<vmem_shared>>
      tpu.enqueue_indirect_dma source(%arg10 : memref<64x128xf32, #tpu.memory_space<vmem>>) target(%dma_start3A_114 : memref<10112x128xf32, #tpu.memory_space<vmem_shared>>) offsets(%dma_start3A_111 : memref<64xi32, #tpu.memory_space<vmem>>) semaphore(%arg19 : memref<!tpu.dma_semaphore, #tpu.memory_space<semaphore_mem>>) {add = true}
      %dma_wait3A_115 = arith.constant 0 : i32
      %dma_wait3A_116 = arith.constant 0 : i32
      %dma_wait3A_117 = tpu.memref_slice %arg7[%dma_wait3A_115, %dma_wait3A_116] : memref<16x64xi32, #tpu.memory_space<vmem>> -> memref<1x64xi32, #tpu.memory_space<vmem>>
      %dma_wait3A_118 = tpu.memref_squeeze %dma_wait3A_117 : memref<1x64xi32, #tpu.memory_space<vmem>> -> memref<64xi32, #tpu.memory_space<vmem>>
      %dma_wait3A_119 = arith.constant 0 : i32
      %dma_wait3A_120 = arith.constant 0 : i32
      %dma_wait3A_121 = tpu.memref_slice %arg12[%dma_wait3A_119, %dma_wait3A_120] : memref<10112x128xf32, #tpu.memory_space<vmem_shared>> -> memref<10112x128xf32, #tpu.memory_space<vmem_shared>>
      tpu.wait_indirect_dma semaphore(%arg18 : memref<!tpu.dma_semaphore, #tpu.memory_space<semaphore_mem>>) src(%arg9 : memref<64x128xf32, #tpu.memory_space<vmem>>) dst(%dma_wait3A_121 : memref<10112x128xf32, #tpu.memory_space<vmem_shared>>)
      %dma_start3A_122 = arith.constant 5 : i32
      %dma_start3A_123 = arith.constant 0 : i32
      %dma_start3A_124 = tpu.memref_slice %arg6[%dma_start3A_122, %dma_start3A_123] : memref<16x64xi32, #tpu.memory_space<vmem>> -> memref<1x64xi32, #tpu.memory_space<vmem>>
      %dma_start3A_125 = tpu.memref_squeeze %dma_start3A_124 : memref<1x64xi32, #tpu.memory_space<vmem>> -> memref<64xi32, #tpu.memory_space<vmem>>
      %dma_start3A_126 = arith.constant 0 : i32
      %dma_start3A_127 = arith.constant 0 : i32
      %dma_start3A_128 = tpu.memref_slice %arg2[%dma_start3A_126, %dma_start3A_127] : memref<10000x128xf32, #tpu.memory_space<hbm>> -> memref<10000x128xf32, #tpu.memory_space<hbm>>
      tpu.enqueue_indirect_dma source(%dma_start3A_128 : memref<10000x128xf32, #tpu.memory_space<hbm>>) target(%arg9 : memref<64x128xf32, #tpu.memory_space<vmem>>) offsets(%dma_start3A_125 : memref<64xi32, #tpu.memory_space<vmem>>) semaphore(%arg14 : memref<!tpu.dma_semaphore, #tpu.memory_space<semaphore_mem>>)
      %dma_wait3A_129 = arith.constant 0 : i32
      %dma_wait3A_130 = arith.constant 0 : i32
      %dma_wait3A_131 = tpu.memref_slice %arg6[%dma_wait3A_129, %dma_wait3A_130] : memref<16x64xi32, #tpu.memory_space<vmem>> -> memref<1x64xi32, #tpu.memory_space<vmem>>
      %dma_wait3A_132 = tpu.memref_squeeze %dma_wait3A_131 : memref<1x64xi32, #tpu.memory_space<vmem>> -> memref<64xi32, #tpu.memory_space<vmem>>
      %dma_wait3A_133 = arith.constant 0 : i32
      %dma_wait3A_134 = arith.constant 0 : i32
      %dma_wait3A_135 = tpu.memref_slice %arg2[%dma_wait3A_133, %dma_wait3A_134] : memref<10000x128xf32, #tpu.memory_space<hbm>> -> memref<10000x128xf32, #tpu.memory_space<hbm>>
      tpu.wait_indirect_dma semaphore(%arg16 : memref<!tpu.dma_semaphore, #tpu.memory_space<semaphore_mem>>) src(%dma_wait3A_135 : memref<10000x128xf32, #tpu.memory_space<hbm>>) dst(%arg11 : memref<64x128xf32, #tpu.memory_space<vmem>>)
      %dma_start3A_136 = arith.constant 3 : i32
      %dma_start3A_137 = arith.constant 0 : i32
      %dma_start3A_138 = tpu.memref_slice %arg7[%dma_start3A_136, %dma_start3A_137] : memref<16x64xi32, #tpu.memory_space<vmem>> -> memref<1x64xi32, #tpu.memory_space<vmem>>
      %dma_start3A_139 = tpu.memref_squeeze %dma_start3A_138 : memref<1x64xi32, #tpu.memory_space<vmem>> -> memref<64xi32, #tpu.memory_space<vmem>>
      %dma_start3A_140 = arith.constant 0 : i32
      %dma_start3A_141 = arith.constant 0 : i32
      %dma_start3A_142 = tpu.memref_slice %arg12[%dma_start3A_140, %dma_start3A_141] : memref<10112x128xf32, #tpu.memory_space<vmem_shared>> -> memref<10112x128xf32, #tpu.memory_space<vmem_shared>>
      tpu.enqueue_indirect_dma source(%arg11 : memref<64x128xf32, #tpu.memory_space<vmem>>) target(%dma_start3A_142 : memref<10112x128xf32, #tpu.memory_space<vmem_shared>>) offsets(%dma_start3A_139 : memref<64xi32, #tpu.memory_space<vmem>>) semaphore(%arg20 : memref<!tpu.dma_semaphore, #tpu.memory_space<semaphore_mem>>) {add = true}
      %dma_wait3A_143 = arith.constant 0 : i32
      %dma_wait3A_144 = arith.constant 0 : i32
      %dma_wait3A_145 = tpu.memref_slice %arg7[%dma_wait3A_143, %dma_wait3A_144] : memref<16x64xi32, #tpu.memory_space<vmem>> -> memref<1x64xi32, #tpu.memory_space<vmem>>
      %dma_wait3A_146 = tpu.memref_squeeze %dma_wait3A_145 : memref<1x64xi32, #tpu.memory_space<vmem>> -> memref<64xi32, #tpu.memory_space<vmem>>
      %dma_wait3A_147 = arith.constant 0 : i32
      %dma_wait3A_148 = arith.constant 0 : i32
      %dma_wait3A_149 = tpu.memref_slice %arg12[%dma_wait3A_147, %dma_wait3A_148] : memref<10112x128xf32, #tpu.memory_space<vmem_shared>> -> memref<10112x128xf32, #tpu.memory_space<vmem_shared>>
      tpu.wait_indirect_dma semaphore(%arg19 : memref<!tpu.dma_semaphore, #tpu.memory_space<semaphore_mem>>) src(%arg10 : memref<64x128xf32, #tpu.memory_space<vmem>>) dst(%dma_wait3A_149 : memref<10112x128xf32, #tpu.memory_space<vmem_shared>>)
      %dma_start3A_150 = arith.constant 6 : i32
      %dma_start3A_151 = arith.constant 0 : i32
      %dma_start3A_152 = tpu.memref_slice %arg6[%dma_start3A_150, %dma_start3A_151] : memref<16x64xi32, #tpu.memory_space<vmem>> -> memref<1x64xi32, #tpu.memory_space<vmem>>
      %dma_start3A_153 = tpu.memref_squeeze %dma_start3A_152 : memref<1x64xi32, #tpu.memory_space<vmem>> -> memref<64xi32, #tpu.memory_space<vmem>>
      %dma_start3A_154 = arith.constant 0 : i32
      %dma_start3A_155 = arith.constant 0 : i32
      %dma_start3A_156 = tpu.memref_slice %arg2[%dma_start3A_154, %dma_start3A_155] : memref<10000x128xf32, #tpu.memory_space<hbm>> -> memref<10000x128xf32, #tpu.memory_space<hbm>>
      tpu.enqueue_indirect_dma source(%dma_start3A_156 : memref<10000x128xf32, #tpu.memory_space<hbm>>) target(%arg10 : memref<64x128xf32, #tpu.memory_space<vmem>>) offsets(%dma_start3A_153 : memref<64xi32, #tpu.memory_space<vmem>>) semaphore(%arg15 : memref<!tpu.dma_semaphore, #tpu.memory_space<semaphore_mem>>)
      %scan3A = arith.constant 0 : i32
      %scan3A_157 = arith.constant 1 : i32
      %scan3A_158 = arith.constant 2 : i32
      %scan3A_159 = arith.addi %scan3A_157, %scan3A_158 : i32
      %scan3A_160 = arith.constant 1 : i32
      scf.for %scan3A_260 = %scan3A_157 to %scan3A_159 step %scan3A_160  : i32 {
        %mul3A_261 = arith.constant 4 : i32
        %mul3A_262 = arith.muli %scan3A_260, %mul3A_261 : i32
        %add3A_263 = arith.constant 0 : i32
        %add3A_264 = arith.addi %mul3A_262, %add3A_263 : i32
        %dma_wait3A_265 = arith.constant 0 : i32
        %dma_wait3A_266 = arith.constant 0 : i32
        %dma_wait3A_267 = tpu.memref_slice %arg6[%dma_wait3A_265, %dma_wait3A_266] : memref<16x64xi32, #tpu.memory_space<vmem>> -> memref<1x64xi32, #tpu.memory_space<vmem>>
        %dma_wait3A_268 = tpu.memref_squeeze %dma_wait3A_267 : memref<1x64xi32, #tpu.memory_space<vmem>> -> memref<64xi32, #tpu.memory_space<vmem>>
        %dma_wait3A_269 = arith.constant 0 : i32
        %dma_wait3A_270 = arith.constant 0 : i32
        %dma_wait3A_271 = tpu.memref_slice %arg2[%dma_wait3A_269, %dma_wait3A_270] : memref<10000x128xf32, #tpu.memory_space<hbm>> -> memref<10000x128xf32, #tpu.memory_space<hbm>>
        tpu.wait_indirect_dma semaphore(%arg13 : memref<!tpu.dma_semaphore, #tpu.memory_space<semaphore_mem>>) src(%dma_wait3A_271 : memref<10000x128xf32, #tpu.memory_space<hbm>>) dst(%arg8 : memref<64x128xf32, #tpu.memory_space<vmem>>)
        %dma_start3A_272 = arith.constant 0 : i32
        %dma_start3A_273 = tpu.memref_slice %arg7[%add3A_264, %dma_start3A_272] : memref<16x64xi32, #tpu.memory_space<vmem>> -> memref<1x64xi32, #tpu.memory_space<vmem>>
        %dma_start3A_274 = tpu.memref_squeeze %dma_start3A_273 : memref<1x64xi32, #tpu.memory_space<vmem>> -> memref<64xi32, #tpu.memory_space<vmem>>
        %dma_start3A_275 = arith.constant 0 : i32
        %dma_start3A_276 = arith.constant 0 : i32
        %dma_start3A_277 = tpu.memref_slice %arg12[%dma_start3A_275, %dma_start3A_276] : memref<10112x128xf32, #tpu.memory_space<vmem_shared>> -> memref<10112x128xf32, #tpu.memory_space<vmem_shared>>
        tpu.enqueue_indirect_dma source(%arg8 : memref<64x128xf32, #tpu.memory_space<vmem>>) target(%dma_start3A_277 : memref<10112x128xf32, #tpu.memory_space<vmem_shared>>) offsets(%dma_start3A_274 : memref<64xi32, #tpu.memory_space<vmem>>) semaphore(%arg17 : memref<!tpu.dma_semaphore, #tpu.memory_space<semaphore_mem>>) {add = true}
        %dma_wait3A_278 = arith.constant 0 : i32
        %dma_wait3A_279 = arith.constant 0 : i32
        %dma_wait3A_280 = tpu.memref_slice %arg7[%dma_wait3A_278, %dma_wait3A_279] : memref<16x64xi32, #tpu.memory_space<vmem>> -> memref<1x64xi32, #tpu.memory_space<vmem>>
        %dma_wait3A_281 = tpu.memref_squeeze %dma_wait3A_280 : memref<1x64xi32, #tpu.memory_space<vmem>> -> memref<64xi32, #tpu.memory_space<vmem>>
        %dma_wait3A_282 = arith.constant 0 : i32
        %dma_wait3A_283 = arith.constant 0 : i32
        %dma_wait3A_284 = tpu.memref_slice %arg12[%dma_wait3A_282, %dma_wait3A_283] : memref<10112x128xf32, #tpu.memory_space<vmem_shared>> -> memref<10112x128xf32, #tpu.memory_space<vmem_shared>>
        tpu.wait_indirect_dma semaphore(%arg20 : memref<!tpu.dma_semaphore, #tpu.memory_space<semaphore_mem>>) src(%arg11 : memref<64x128xf32, #tpu.memory_space<vmem>>) dst(%dma_wait3A_284 : memref<10112x128xf32, #tpu.memory_space<vmem_shared>>)
        %add3A_285 = arith.constant 4 : i32
        %add3A_286 = arith.addi %add3A_264, %add3A_285 : i32
        %sub3A = arith.constant 1 : i32
        %sub3A_287 = arith.subi %add3A_286, %sub3A : i32
        %dma_start3A_288 = arith.constant 0 : i32
        %dma_start3A_289 = tpu.memref_slice %arg6[%sub3A_287, %dma_start3A_288] : memref<16x64xi32, #tpu.memory_space<vmem>> -> memref<1x64xi32, #tpu.memory_space<vmem>>
        %dma_start3A_290 = tpu.memref_squeeze %dma_start3A_289 : memref<1x64xi32, #tpu.memory_space<vmem>> -> memref<64xi32, #tpu.memory_space<vmem>>
        %dma_start3A_291 = arith.constant 0 : i32
        %dma_start3A_292 = arith.constant 0 : i32
        %dma_start3A_293 = tpu.memref_slice %arg2[%dma_start3A_291, %dma_start3A_292] : memref<10000x128xf32, #tpu.memory_space<hbm>> -> memref<10000x128xf32, #tpu.memory_space<hbm>>
        tpu.enqueue_indirect_dma source(%dma_start3A_293 : memref<10000x128xf32, #tpu.memory_space<hbm>>) target(%arg11 : memref<64x128xf32, #tpu.memory_space<vmem>>) offsets(%dma_start3A_290 : memref<64xi32, #tpu.memory_space<vmem>>) semaphore(%arg16 : memref<!tpu.dma_semaphore, #tpu.memory_space<semaphore_mem>>)
        %add3A_294 = arith.constant 1 : i32
        %add3A_295 = arith.addi %mul3A_262, %add3A_294 : i32
        %dma_wait3A_296 = arith.constant 0 : i32
        %dma_wait3A_297 = arith.constant 0 : i32
        %dma_wait3A_298 = tpu.memref_slice %arg6[%dma_wait3A_296, %dma_wait3A_297] : memref<16x64xi32, #tpu.memory_space<vmem>> -> memref<1x64xi32, #tpu.memory_space<vmem>>
        %dma_wait3A_299 = tpu.memref_squeeze %dma_wait3A_298 : memref<1x64xi32, #tpu.memory_space<vmem>> -> memref<64xi32, #tpu.memory_space<vmem>>
        %dma_wait3A_300 = arith.constant 0 : i32
        %dma_wait3A_301 = arith.constant 0 : i32
        %dma_wait3A_302 = tpu.memref_slice %arg2[%dma_wait3A_300, %dma_wait3A_301] : memref<10000x128xf32, #tpu.memory_space<hbm>> -> memref<10000x128xf32, #tpu.memory_space<hbm>>
        tpu.wait_indirect_dma semaphore(%arg14 : memref<!tpu.dma_semaphore, #tpu.memory_space<semaphore_mem>>) src(%dma_wait3A_302 : memref<10000x128xf32, #tpu.memory_space<hbm>>) dst(%arg9 : memref<64x128xf32, #tpu.memory_space<vmem>>)
        %dma_start3A_303 = arith.constant 0 : i32
        %dma_start3A_304 = tpu.memref_slice %arg7[%add3A_295, %dma_start3A_303] : memref<16x64xi32, #tpu.memory_space<vmem>> -> memref<1x64xi32, #tpu.memory_space<vmem>>
        %dma_start3A_305 = tpu.memref_squeeze %dma_start3A_304 : memref<1x64xi32, #tpu.memory_space<vmem>> -> memref<64xi32, #tpu.memory_space<vmem>>
        %dma_start3A_306 = arith.constant 0 : i32
        %dma_start3A_307 = arith.constant 0 : i32
        %dma_start3A_308 = tpu.memref_slice %arg12[%dma_start3A_306, %dma_start3A_307] : memref<10112x128xf32, #tpu.memory_space<vmem_shared>> -> memref<10112x128xf32, #tpu.memory_space<vmem_shared>>
        tpu.enqueue_indirect_dma source(%arg9 : memref<64x128xf32, #tpu.memory_space<vmem>>) target(%dma_start3A_308 : memref<10112x128xf32, #tpu.memory_space<vmem_shared>>) offsets(%dma_start3A_305 : memref<64xi32, #tpu.memory_space<vmem>>) semaphore(%arg18 : memref<!tpu.dma_semaphore, #tpu.memory_space<semaphore_mem>>) {add = true}
        %dma_wait3A_309 = arith.constant 0 : i32
        %dma_wait3A_310 = arith.constant 0 : i32
        %dma_wait3A_311 = tpu.memref_slice %arg7[%dma_wait3A_309, %dma_wait3A_310] : memref<16x64xi32, #tpu.memory_space<vmem>> -> memref<1x64xi32, #tpu.memory_space<vmem>>
        %dma_wait3A_312 = tpu.memref_squeeze %dma_wait3A_311 : memref<1x64xi32, #tpu.memory_space<vmem>> -> memref<64xi32, #tpu.memory_space<vmem>>
        %dma_wait3A_313 = arith.constant 0 : i32
        %dma_wait3A_314 = arith.constant 0 : i32
        %dma_wait3A_315 = tpu.memref_slice %arg12[%dma_wait3A_313, %dma_wait3A_314] : memref<10112x128xf32, #tpu.memory_space<vmem_shared>> -> memref<10112x128xf32, #tpu.memory_space<vmem_shared>>
        tpu.wait_indirect_dma semaphore(%arg17 : memref<!tpu.dma_semaphore, #tpu.memory_space<semaphore_mem>>) src(%arg8 : memref<64x128xf32, #tpu.memory_space<vmem>>) dst(%dma_wait3A_315 : memref<10112x128xf32, #tpu.memory_space<vmem_shared>>)
        %add3A_316 = arith.constant 4 : i32
        %add3A_317 = arith.addi %add3A_295, %add3A_316 : i32
        %sub3A_318 = arith.constant 1 : i32
        %sub3A_319 = arith.subi %add3A_317, %sub3A_318 : i32
        %dma_start3A_320 = arith.constant 0 : i32
        %dma_start3A_321 = tpu.memref_slice %arg6[%sub3A_319, %dma_start3A_320] : memref<16x64xi32, #tpu.memory_space<vmem>> -> memref<1x64xi32, #tpu.memory_space<vmem>>
        %dma_start3A_322 = tpu.memref_squeeze %dma_start3A_321 : memref<1x64xi32, #tpu.memory_space<vmem>> -> memref<64xi32, #tpu.memory_space<vmem>>
        %dma_start3A_323 = arith.constant 0 : i32
        %dma_start3A_324 = arith.constant 0 : i32
        %dma_start3A_325 = tpu.memref_slice %arg2[%dma_start3A_323, %dma_start3A_324] : memref<10000x128xf32, #tpu.memory_space<hbm>> -> memref<10000x128xf32, #tpu.memory_space<hbm>>
        tpu.enqueue_indirect_dma source(%dma_start3A_325 : memref<10000x128xf32, #tpu.memory_space<hbm>>) target(%arg8 : memref<64x128xf32, #tpu.memory_space<vmem>>) offsets(%dma_start3A_322 : memref<64xi32, #tpu.memory_space<vmem>>) semaphore(%arg13 : memref<!tpu.dma_semaphore, #tpu.memory_space<semaphore_mem>>)
        %add3A_326 = arith.constant 2 : i32
        %add3A_327 = arith.addi %mul3A_262, %add3A_326 : i32
        %dma_wait3A_328 = arith.constant 0 : i32
        %dma_wait3A_329 = arith.constant 0 : i32
        %dma_wait3A_330 = tpu.memref_slice %arg6[%dma_wait3A_328, %dma_wait3A_329] : memref<16x64xi32, #tpu.memory_space<vmem>> -> memref<1x64xi32, #tpu.memory_space<vmem>>
        %dma_wait3A_331 = tpu.memref_squeeze %dma_wait3A_330 : memref<1x64xi32, #tpu.memory_space<vmem>> -> memref<64xi32, #tpu.memory_space<vmem>>
        %dma_wait3A_332 = arith.constant 0 : i32
        %dma_wait3A_333 = arith.constant 0 : i32
        %dma_wait3A_334 = tpu.memref_slice %arg2[%dma_wait3A_332, %dma_wait3A_333] : memref<10000x128xf32, #tpu.memory_space<hbm>> -> memref<10000x128xf32, #tpu.memory_space<hbm>>
        tpu.wait_indirect_dma semaphore(%arg15 : memref<!tpu.dma_semaphore, #tpu.memory_space<semaphore_mem>>) src(%dma_wait3A_334 : memref<10000x128xf32, #tpu.memory_space<hbm>>) dst(%arg10 : memref<64x128xf32, #tpu.memory_space<vmem>>)
        %dma_start3A_335 = arith.constant 0 : i32
        %dma_start3A_336 = tpu.memref_slice %arg7[%add3A_327, %dma_start3A_335] : memref<16x64xi32, #tpu.memory_space<vmem>> -> memref<1x64xi32, #tpu.memory_space<vmem>>
        %dma_start3A_337 = tpu.memref_squeeze %dma_start3A_336 : memref<1x64xi32, #tpu.memory_space<vmem>> -> memref<64xi32, #tpu.memory_space<vmem>>
        %dma_start3A_338 = arith.constant 0 : i32
        %dma_start3A_339 = arith.constant 0 : i32
        %dma_start3A_340 = tpu.memref_slice %arg12[%dma_start3A_338, %dma_start3A_339] : memref<10112x128xf32, #tpu.memory_space<vmem_shared>> -> memref<10112x128xf32, #tpu.memory_space<vmem_shared>>
        tpu.enqueue_indirect_dma source(%arg10 : memref<64x128xf32, #tpu.memory_space<vmem>>) target(%dma_start3A_340 : memref<10112x128xf32, #tpu.memory_space<vmem_shared>>) offsets(%dma_start3A_337 : memref<64xi32, #tpu.memory_space<vmem>>) semaphore(%arg19 : memref<!tpu.dma_semaphore, #tpu.memory_space<semaphore_mem>>) {add = true}
        %dma_wait3A_341 = arith.constant 0 : i32
        %dma_wait3A_342 = arith.constant 0 : i32
        %dma_wait3A_343 = tpu.memref_slice %arg7[%dma_wait3A_341, %dma_wait3A_342] : memref<16x64xi32, #tpu.memory_space<vmem>> -> memref<1x64xi32, #tpu.memory_space<vmem>>
        %dma_wait3A_344 = tpu.memref_squeeze %dma_wait3A_343 : memref<1x64xi32, #tpu.memory_space<vmem>> -> memref<64xi32, #tpu.memory_space<vmem>>
        %dma_wait3A_345 = arith.constant 0 : i32
        %dma_wait3A_346 = arith.constant 0 : i32
        %dma_wait3A_347 = tpu.memref_slice %arg12[%dma_wait3A_345, %dma_wait3A_346] : memref<10112x128xf32, #tpu.memory_space<vmem_shared>> -> memref<10112x128xf32, #tpu.memory_space<vmem_shared>>
        tpu.wait_indirect_dma semaphore(%arg18 : memref<!tpu.dma_semaphore, #tpu.memory_space<semaphore_mem>>) src(%arg9 : memref<64x128xf32, #tpu.memory_space<vmem>>) dst(%dma_wait3A_347 : memref<10112x128xf32, #tpu.memory_space<vmem_shared>>)
        %add3A_348 = arith.constant 4 : i32
        %add3A_349 = arith.addi %add3A_327, %add3A_348 : i32
        %sub3A_350 = arith.constant 1 : i32
        %sub3A_351 = arith.subi %add3A_349, %sub3A_350 : i32
        %dma_start3A_352 = arith.constant 0 : i32
        %dma_start3A_353 = tpu.memref_slice %arg6[%sub3A_351, %dma_start3A_352] : memref<16x64xi32, #tpu.memory_space<vmem>> -> memref<1x64xi32, #tpu.memory_space<vmem>>
        %dma_start3A_354 = tpu.memref_squeeze %dma_start3A_353 : memref<1x64xi32, #tpu.memory_space<vmem>> -> memref<64xi32, #tpu.memory_space<vmem>>
        %dma_start3A_355 = arith.constant 0 : i32
        %dma_start3A_356 = arith.constant 0 : i32
        %dma_start3A_357 = tpu.memref_slice %arg2[%dma_start3A_355, %dma_start3A_356] : memref<10000x128xf32, #tpu.memory_space<hbm>> -> memref<10000x128xf32, #tpu.memory_space<hbm>>
        tpu.enqueue_indirect_dma source(%dma_start3A_357 : memref<10000x128xf32, #tpu.memory_space<hbm>>) target(%arg9 : memref<64x128xf32, #tpu.memory_space<vmem>>) offsets(%dma_start3A_354 : memref<64xi32, #tpu.memory_space<vmem>>) semaphore(%arg14 : memref<!tpu.dma_semaphore, #tpu.memory_space<semaphore_mem>>)
        %add3A_358 = arith.constant 3 : i32
        %add3A_359 = arith.addi %mul3A_262, %add3A_358 : i32
        %dma_wait3A_360 = arith.constant 0 : i32
        %dma_wait3A_361 = arith.constant 0 : i32
        %dma_wait3A_362 = tpu.memref_slice %arg6[%dma_wait3A_360, %dma_wait3A_361] : memref<16x64xi32, #tpu.memory_space<vmem>> -> memref<1x64xi32, #tpu.memory_space<vmem>>
        %dma_wait3A_363 = tpu.memref_squeeze %dma_wait3A_362 : memref<1x64xi32, #tpu.memory_space<vmem>> -> memref<64xi32, #tpu.memory_space<vmem>>
        %dma_wait3A_364 = arith.constant 0 : i32
        %dma_wait3A_365 = arith.constant 0 : i32
        %dma_wait3A_366 = tpu.memref_slice %arg2[%dma_wait3A_364, %dma_wait3A_365] : memref<10000x128xf32, #tpu.memory_space<hbm>> -> memref<10000x128xf32, #tpu.memory_space<hbm>>
        tpu.wait_indirect_dma semaphore(%arg16 : memref<!tpu.dma_semaphore, #tpu.memory_space<semaphore_mem>>) src(%dma_wait3A_366 : memref<10000x128xf32, #tpu.memory_space<hbm>>) dst(%arg11 : memref<64x128xf32, #tpu.memory_space<vmem>>)
        %dma_start3A_367 = arith.constant 0 : i32
        %dma_start3A_368 = tpu.memref_slice %arg7[%add3A_359, %dma_start3A_367] : memref<16x64xi32, #tpu.memory_space<vmem>> -> memref<1x64xi32, #tpu.memory_space<vmem>>
        %dma_start3A_369 = tpu.memref_squeeze %dma_start3A_368 : memref<1x64xi32, #tpu.memory_space<vmem>> -> memref<64xi32, #tpu.memory_space<vmem>>
        %dma_start3A_370 = arith.constant 0 : i32
        %dma_start3A_371 = arith.constant 0 : i32
        %dma_start3A_372 = tpu.memref_slice %arg12[%dma_start3A_370, %dma_start3A_371] : memref<10112x128xf32, #tpu.memory_space<vmem_shared>> -> memref<10112x128xf32, #tpu.memory_space<vmem_shared>>
        tpu.enqueue_indirect_dma source(%arg11 : memref<64x128xf32, #tpu.memory_space<vmem>>) target(%dma_start3A_372 : memref<10112x128xf32, #tpu.memory_space<vmem_shared>>) offsets(%dma_start3A_369 : memref<64xi32, #tpu.memory_space<vmem>>) semaphore(%arg20 : memref<!tpu.dma_semaphore, #tpu.memory_space<semaphore_mem>>) {add = true}
        %dma_wait3A_373 = arith.constant 0 : i32
        %dma_wait3A_374 = arith.constant 0 : i32
        %dma_wait3A_375 = tpu.memref_slice %arg7[%dma_wait3A_373, %dma_wait3A_374] : memref<16x64xi32, #tpu.memory_space<vmem>> -> memref<1x64xi32, #tpu.memory_space<vmem>>
        %dma_wait3A_376 = tpu.memref_squeeze %dma_wait3A_375 : memref<1x64xi32, #tpu.memory_space<vmem>> -> memref<64xi32, #tpu.memory_space<vmem>>
        %dma_wait3A_377 = arith.constant 0 : i32
        %dma_wait3A_378 = arith.constant 0 : i32
        %dma_wait3A_379 = tpu.memref_slice %arg12[%dma_wait3A_377, %dma_wait3A_378] : memref<10112x128xf32, #tpu.memory_space<vmem_shared>> -> memref<10112x128xf32, #tpu.memory_space<vmem_shared>>
        tpu.wait_indirect_dma semaphore(%arg19 : memref<!tpu.dma_semaphore, #tpu.memory_space<semaphore_mem>>) src(%arg10 : memref<64x128xf32, #tpu.memory_space<vmem>>) dst(%dma_wait3A_379 : memref<10112x128xf32, #tpu.memory_space<vmem_shared>>)
        %add3A_380 = arith.constant 4 : i32
        %add3A_381 = arith.addi %add3A_359, %add3A_380 : i32
        %sub3A_382 = arith.constant 1 : i32
        %sub3A_383 = arith.subi %add3A_381, %sub3A_382 : i32
        %dma_start3A_384 = arith.constant 0 : i32
        %dma_start3A_385 = tpu.memref_slice %arg6[%sub3A_383, %dma_start3A_384] : memref<16x64xi32, #tpu.memory_space<vmem>> -> memref<1x64xi32, #tpu.memory_space<vmem>>
        %dma_start3A_386 = tpu.memref_squeeze %dma_start3A_385 : memref<1x64xi32, #tpu.memory_space<vmem>> -> memref<64xi32, #tpu.memory_space<vmem>>
        %dma_start3A_387 = arith.constant 0 : i32
        %dma_start3A_388 = arith.constant 0 : i32
        %dma_start3A_389 = tpu.memref_slice %arg2[%dma_start3A_387, %dma_start3A_388] : memref<10000x128xf32, #tpu.memory_space<hbm>> -> memref<10000x128xf32, #tpu.memory_space<hbm>>
        tpu.enqueue_indirect_dma source(%dma_start3A_389 : memref<10000x128xf32, #tpu.memory_space<hbm>>) target(%arg10 : memref<64x128xf32, #tpu.memory_space<vmem>>) offsets(%dma_start3A_386 : memref<64xi32, #tpu.memory_space<vmem>>) semaphore(%arg15 : memref<!tpu.dma_semaphore, #tpu.memory_space<semaphore_mem>>)
      }
      %scan3A_161 = arith.constant 2 : i32
      %dma_wait3A_162 = arith.constant 0 : i32
      %dma_wait3A_163 = arith.constant 0 : i32
      %dma_wait3A_164 = tpu.memref_slice %arg6[%dma_wait3A_162, %dma_wait3A_163] : memref<16x64xi32, #tpu.memory_space<vmem>> -> memref<1x64xi32, #tpu.memory_space<vmem>>
      %dma_wait3A_165 = tpu.memref_squeeze %dma_wait3A_164 : memref<1x64xi32, #tpu.memory_space<vmem>> -> memref<64xi32, #tpu.memory_space<vmem>>
      %dma_wait3A_166 = arith.constant 0 : i32
      %dma_wait3A_167 = arith.constant 0 : i32
      %dma_wait3A_168 = tpu.memref_slice %arg2[%dma_wait3A_166, %dma_wait3A_167] : memref<10000x128xf32, #tpu.memory_space<hbm>> -> memref<10000x128xf32, #tpu.memory_space<hbm>>
      tpu.wait_indirect_dma semaphore(%arg13 : memref<!tpu.dma_semaphore, #tpu.memory_space<semaphore_mem>>) src(%dma_wait3A_168 : memref<10000x128xf32, #tpu.memory_space<hbm>>) dst(%arg8 : memref<64x128xf32, #tpu.memory_space<vmem>>)
      %dma_start3A_169 = arith.constant 12 : i32
      %dma_start3A_170 = arith.constant 0 : i32
      %dma_start3A_171 = tpu.memref_slice %arg7[%dma_start3A_169, %dma_start3A_170] : memref<16x64xi32, #tpu.memory_space<vmem>> -> memref<1x64xi32, #tpu.memory_space<vmem>>
      %dma_start3A_172 = tpu.memref_squeeze %dma_start3A_171 : memref<1x64xi32, #tpu.memory_space<vmem>> -> memref<64xi32, #tpu.memory_space<vmem>>
      %dma_start3A_173 = arith.constant 0 : i32
      %dma_start3A_174 = arith.constant 0 : i32
      %dma_start3A_175 = tpu.memref_slice %arg12[%dma_start3A_173, %dma_start3A_174] : memref<10112x128xf32, #tpu.memory_space<vmem_shared>> -> memref<10112x128xf32, #tpu.memory_space<vmem_shared>>
      tpu.enqueue_indirect_dma source(%arg8 : memref<64x128xf32, #tpu.memory_space<vmem>>) target(%dma_start3A_175 : memref<10112x128xf32, #tpu.memory_space<vmem_shared>>) offsets(%dma_start3A_172 : memref<64xi32, #tpu.memory_space<vmem>>) semaphore(%arg17 : memref<!tpu.dma_semaphore, #tpu.memory_space<semaphore_mem>>) {add = true}
      %dma_wait3A_176 = arith.constant 0 : i32
      %dma_wait3A_177 = arith.constant 0 : i32
      %dma_wait3A_178 = tpu.memref_slice %arg7[%dma_wait3A_176, %dma_wait3A_177] : memref<16x64xi32, #tpu.memory_space<vmem>> -> memref<1x64xi32, #tpu.memory_space<vmem>>
      %dma_wait3A_179 = tpu.memref_squeeze %dma_wait3A_178 : memref<1x64xi32, #tpu.memory_space<vmem>> -> memref<64xi32, #tpu.memory_space<vmem>>
      %dma_wait3A_180 = arith.constant 0 : i32
      %dma_wait3A_181 = arith.constant 0 : i32
      %dma_wait3A_182 = tpu.memref_slice %arg12[%dma_wait3A_180, %dma_wait3A_181] : memref<10112x128xf32, #tpu.memory_space<vmem_shared>> -> memref<10112x128xf32, #tpu.memory_space<vmem_shared>>
      tpu.wait_indirect_dma semaphore(%arg20 : memref<!tpu.dma_semaphore, #tpu.memory_space<semaphore_mem>>) src(%arg11 : memref<64x128xf32, #tpu.memory_space<vmem>>) dst(%dma_wait3A_182 : memref<10112x128xf32, #tpu.memory_space<vmem_shared>>)
      %dma_start3A_183 = arith.constant 15 : i32
      %dma_start3A_184 = arith.constant 0 : i32
      %dma_start3A_185 = tpu.memref_slice %arg6[%dma_start3A_183, %dma_start3A_184] : memref<16x64xi32, #tpu.memory_space<vmem>> -> memref<1x64xi32, #tpu.memory_space<vmem>>
      %dma_start3A_186 = tpu.memref_squeeze %dma_start3A_185 : memref<1x64xi32, #tpu.memory_space<vmem>> -> memref<64xi32, #tpu.memory_space<vmem>>
      %dma_start3A_187 = arith.constant 0 : i32
      %dma_start3A_188 = arith.constant 0 : i32
      %dma_start3A_189 = tpu.memref_slice %arg2[%dma_start3A_187, %dma_start3A_188] : memref<10000x128xf32, #tpu.memory_space<hbm>> -> memref<10000x128xf32, #tpu.memory_space<hbm>>
      tpu.enqueue_indirect_dma source(%dma_start3A_189 : memref<10000x128xf32, #tpu.memory_space<hbm>>) target(%arg11 : memref<64x128xf32, #tpu.memory_space<vmem>>) offsets(%dma_start3A_186 : memref<64xi32, #tpu.memory_space<vmem>>) semaphore(%arg16 : memref<!tpu.dma_semaphore, #tpu.memory_space<semaphore_mem>>)
      %dma_wait3A_190 = arith.constant 0 : i32
      %dma_wait3A_191 = arith.constant 0 : i32
      %dma_wait3A_192 = tpu.memref_slice %arg6[%dma_wait3A_190, %dma_wait3A_191] : memref<16x64xi32, #tpu.memory_space<vmem>> -> memref<1x64xi32, #tpu.memory_space<vmem>>
      %dma_wait3A_193 = tpu.memref_squeeze %dma_wait3A_192 : memref<1x64xi32, #tpu.memory_space<vmem>> -> memref<64xi32, #tpu.memory_space<vmem>>
      %dma_wait3A_194 = arith.constant 0 : i32
      %dma_wait3A_195 = arith.constant 0 : i32
      %dma_wait3A_196 = tpu.memref_slice %arg2[%dma_wait3A_194, %dma_wait3A_195] : memref<10000x128xf32, #tpu.memory_space<hbm>> -> memref<10000x128xf32, #tpu.memory_space<hbm>>
      tpu.wait_indirect_dma semaphore(%arg14 : memref<!tpu.dma_semaphore, #tpu.memory_space<semaphore_mem>>) src(%dma_wait3A_196 : memref<10000x128xf32, #tpu.memory_space<hbm>>) dst(%arg9 : memref<64x128xf32, #tpu.memory_space<vmem>>)
      %dma_start3A_197 = arith.constant 13 : i32
      %dma_start3A_198 = arith.constant 0 : i32
      %dma_start3A_199 = tpu.memref_slice %arg7[%dma_start3A_197, %dma_start3A_198] : memref<16x64xi32, #tpu.memory_space<vmem>> -> memref<1x64xi32, #tpu.memory_space<vmem>>
      %dma_start3A_200 = tpu.memref_squeeze %dma_start3A_199 : memref<1x64xi32, #tpu.memory_space<vmem>> -> memref<64xi32, #tpu.memory_space<vmem>>
      %dma_start3A_201 = arith.constant 0 : i32
      %dma_start3A_202 = arith.constant 0 : i32
      %dma_start3A_203 = tpu.memref_slice %arg12[%dma_start3A_201, %dma_start3A_202] : memref<10112x128xf32, #tpu.memory_space<vmem_shared>> -> memref<10112x128xf32, #tpu.memory_space<vmem_shared>>
      tpu.enqueue_indirect_dma source(%arg9 : memref<64x128xf32, #tpu.memory_space<vmem>>) target(%dma_start3A_203 : memref<10112x128xf32, #tpu.memory_space<vmem_shared>>) offsets(%dma_start3A_200 : memref<64xi32, #tpu.memory_space<vmem>>) semaphore(%arg18 : memref<!tpu.dma_semaphore, #tpu.memory_space<semaphore_mem>>) {add = true}
      %dma_wait3A_204 = arith.constant 0 : i32
      %dma_wait3A_205 = arith.constant 0 : i32
      %dma_wait3A_206 = tpu.memref_slice %arg6[%dma_wait3A_204, %dma_wait3A_205] : memref<16x64xi32, #tpu.memory_space<vmem>> -> memref<1x64xi32, #tpu.memory_space<vmem>>
      %dma_wait3A_207 = tpu.memref_squeeze %dma_wait3A_206 : memref<1x64xi32, #tpu.memory_space<vmem>> -> memref<64xi32, #tpu.memory_space<vmem>>
      %dma_wait3A_208 = arith.constant 0 : i32
      %dma_wait3A_209 = arith.constant 0 : i32
      %dma_wait3A_210 = tpu.memref_slice %arg2[%dma_wait3A_208, %dma_wait3A_209] : memref<10000x128xf32, #tpu.memory_space<hbm>> -> memref<10000x128xf32, #tpu.memory_space<hbm>>
      tpu.wait_indirect_dma semaphore(%arg15 : memref<!tpu.dma_semaphore, #tpu.memory_space<semaphore_mem>>) src(%dma_wait3A_210 : memref<10000x128xf32, #tpu.memory_space<hbm>>) dst(%arg10 : memref<64x128xf32, #tpu.memory_space<vmem>>)
      %dma_start3A_211 = arith.constant 14 : i32
      %dma_start3A_212 = arith.constant 0 : i32
      %dma_start3A_213 = tpu.memref_slice %arg7[%dma_start3A_211, %dma_start3A_212] : memref<16x64xi32, #tpu.memory_space<vmem>> -> memref<1x64xi32, #tpu.memory_space<vmem>>
      %dma_start3A_214 = tpu.memref_squeeze %dma_start3A_213 : memref<1x64xi32, #tpu.memory_space<vmem>> -> memref<64xi32, #tpu.memory_space<vmem>>
      %dma_start3A_215 = arith.constant 0 : i32
      %dma_start3A_216 = arith.constant 0 : i32
      %dma_start3A_217 = tpu.memref_slice %arg12[%dma_start3A_215, %dma_start3A_216] : memref<10112x128xf32, #tpu.memory_space<vmem_shared>> -> memref<10112x128xf32, #tpu.memory_space<vmem_shared>>
      tpu.enqueue_indirect_dma source(%arg10 : memref<64x128xf32, #tpu.memory_space<vmem>>) target(%dma_start3A_217 : memref<10112x128xf32, #tpu.memory_space<vmem_shared>>) offsets(%dma_start3A_214 : memref<64xi32, #tpu.memory_space<vmem>>) semaphore(%arg19 : memref<!tpu.dma_semaphore, #tpu.memory_space<semaphore_mem>>) {add = true}
      %dma_wait3A_218 = arith.constant 0 : i32
      %dma_wait3A_219 = arith.constant 0 : i32
      %dma_wait3A_220 = tpu.memref_slice %arg6[%dma_wait3A_218, %dma_wait3A_219] : memref<16x64xi32, #tpu.memory_space<vmem>> -> memref<1x64xi32, #tpu.memory_space<vmem>>
      %dma_wait3A_221 = tpu.memref_squeeze %dma_wait3A_220 : memref<1x64xi32, #tpu.memory_space<vmem>> -> memref<64xi32, #tpu.memory_space<vmem>>
      %dma_wait3A_222 = arith.constant 0 : i32
      %dma_wait3A_223 = arith.constant 0 : i32
      %dma_wait3A_224 = tpu.memref_slice %arg2[%dma_wait3A_222, %dma_wait3A_223] : memref<10000x128xf32, #tpu.memory_space<hbm>> -> memref<10000x128xf32, #tpu.memory_space<hbm>>
      tpu.wait_indirect_dma semaphore(%arg16 : memref<!tpu.dma_semaphore, #tpu.memory_space<semaphore_mem>>) src(%dma_wait3A_224 : memref<10000x128xf32, #tpu.memory_space<hbm>>) dst(%arg11 : memref<64x128xf32, #tpu.memory_space<vmem>>)
      %dma_start3A_225 = arith.constant 15 : i32
      %dma_start3A_226 = arith.constant 0 : i32
      %dma_start3A_227 = tpu.memref_slice %arg7[%dma_start3A_225, %dma_start3A_226] : memref<16x64xi32, #tpu.memory_space<vmem>> -> memref<1x64xi32, #tpu.memory_space<vmem>>
      %dma_start3A_228 = tpu.memref_squeeze %dma_start3A_227 : memref<1x64xi32, #tpu.memory_space<vmem>> -> memref<64xi32, #tpu.memory_space<vmem>>
      %dma_start3A_229 = arith.constant 0 : i32
      %dma_start3A_230 = arith.constant 0 : i32
      %dma_start3A_231 = tpu.memref_slice %arg12[%dma_start3A_229, %dma_start3A_230] : memref<10112x128xf32, #tpu.memory_space<vmem_shared>> -> memref<10112x128xf32, #tpu.memory_space<vmem_shared>>
      tpu.enqueue_indirect_dma source(%arg11 : memref<64x128xf32, #tpu.memory_space<vmem>>) target(%dma_start3A_231 : memref<10112x128xf32, #tpu.memory_space<vmem_shared>>) offsets(%dma_start3A_228 : memref<64xi32, #tpu.memory_space<vmem>>) semaphore(%arg20 : memref<!tpu.dma_semaphore, #tpu.memory_space<semaphore_mem>>) {add = true}
      %dma_wait3A_232 = arith.constant 0 : i32
      %dma_wait3A_233 = arith.constant 0 : i32
      %dma_wait3A_234 = tpu.memref_slice %arg7[%dma_wait3A_232, %dma_wait3A_233] : memref<16x64xi32, #tpu.memory_space<vmem>> -> memref<1x64xi32, #tpu.memory_space<vmem>>
      %dma_wait3A_235 = tpu.memref_squeeze %dma_wait3A_234 : memref<1x64xi32, #tpu.memory_space<vmem>> -> memref<64xi32, #tpu.memory_space<vmem>>
      %dma_wait3A_236 = arith.constant 0 : i32
      %dma_wait3A_237 = arith.constant 0 : i32
      %dma_wait3A_238 = tpu.memref_slice %arg12[%dma_wait3A_236, %dma_wait3A_237] : memref<10112x128xf32, #tpu.memory_space<vmem_shared>> -> memref<10112x128xf32, #tpu.memory_space<vmem_shared>>
      tpu.wait_indirect_dma semaphore(%arg17 : memref<!tpu.dma_semaphore, #tpu.memory_space<semaphore_mem>>) src(%arg8 : memref<64x128xf32, #tpu.memory_space<vmem>>) dst(%dma_wait3A_238 : memref<10112x128xf32, #tpu.memory_space<vmem_shared>>)
      %dma_wait3A_239 = arith.constant 0 : i32
      %dma_wait3A_240 = arith.constant 0 : i32
      %dma_wait3A_241 = tpu.memref_slice %arg7[%dma_wait3A_239, %dma_wait3A_240] : memref<16x64xi32, #tpu.memory_space<vmem>> -> memref<1x64xi32, #tpu.memory_space<vmem>>
      %dma_wait3A_242 = tpu.memref_squeeze %dma_wait3A_241 : memref<1x64xi32, #tpu.memory_space<vmem>> -> memref<64xi32, #tpu.memory_space<vmem>>
      %dma_wait3A_243 = arith.constant 0 : i32
      %dma_wait3A_244 = arith.constant 0 : i32
      %dma_wait3A_245 = tpu.memref_slice %arg12[%dma_wait3A_243, %dma_wait3A_244] : memref<10112x128xf32, #tpu.memory_space<vmem_shared>> -> memref<10112x128xf32, #tpu.memory_space<vmem_shared>>
      tpu.wait_indirect_dma semaphore(%arg18 : memref<!tpu.dma_semaphore, #tpu.memory_space<semaphore_mem>>) src(%arg9 : memref<64x128xf32, #tpu.memory_space<vmem>>) dst(%dma_wait3A_245 : memref<10112x128xf32, #tpu.memory_space<vmem_shared>>)
      %dma_wait3A_246 = arith.constant 0 : i32
      %dma_wait3A_247 = arith.constant 0 : i32
      %dma_wait3A_248 = tpu.memref_slice %arg7[%dma_wait3A_246, %dma_wait3A_247] : memref<16x64xi32, #tpu.memory_space<vmem>> -> memref<1x64xi32, #tpu.memory_space<vmem>>
      %dma_wait3A_249 = tpu.memref_squeeze %dma_wait3A_248 : memref<1x64xi32, #tpu.memory_space<vmem>> -> memref<64xi32, #tpu.memory_space<vmem>>
      %dma_wait3A_250 = arith.constant 0 : i32
      %dma_wait3A_251 = arith.constant 0 : i32
      %dma_wait3A_252 = tpu.memref_slice %arg12[%dma_wait3A_250, %dma_wait3A_251] : memref<10112x128xf32, #tpu.memory_space<vmem_shared>> -> memref<10112x128xf32, #tpu.memory_space<vmem_shared>>
      tpu.wait_indirect_dma semaphore(%arg19 : memref<!tpu.dma_semaphore, #tpu.memory_space<semaphore_mem>>) src(%arg10 : memref<64x128xf32, #tpu.memory_space<vmem>>) dst(%dma_wait3A_252 : memref<10112x128xf32, #tpu.memory_space<vmem_shared>>)
      %dma_wait3A_253 = arith.constant 0 : i32
      %dma_wait3A_254 = arith.constant 0 : i32
      %dma_wait3A_255 = tpu.memref_slice %arg7[%dma_wait3A_253, %dma_wait3A_254] : memref<16x64xi32, #tpu.memory_space<vmem>> -> memref<1x64xi32, #tpu.memory_space<vmem>>
      %dma_wait3A_256 = tpu.memref_squeeze %dma_wait3A_255 : memref<1x64xi32, #tpu.memory_space<vmem>> -> memref<64xi32, #tpu.memory_space<vmem>>
      %dma_wait3A_257 = arith.constant 0 : i32
      %dma_wait3A_258 = arith.constant 0 : i32
      %dma_wait3A_259 = tpu.memref_slice %arg12[%dma_wait3A_257, %dma_wait3A_258] : memref<10112x128xf32, #tpu.memory_space<vmem_shared>> -> memref<10112x128xf32, #tpu.memory_space<vmem_shared>>
      tpu.wait_indirect_dma semaphore(%arg20 : memref<!tpu.dma_semaphore, #tpu.memory_space<semaphore_mem>>) src(%arg11 : memref<64x128xf32, #tpu.memory_space<vmem>>) dst(%dma_wait3A_259 : memref<10112x128xf32, #tpu.memory_space<vmem_shared>>)
    }
    %barrier3A_22 = arith.constant 0 : index
    tpu.barrier barrier_id(%barrier3A_22)
    %eq3A_23 = arith.constant 0 : i32
    %eq3A_24 = arith.cmpi eq, %arg0, %eq3A_23 : i32
    %or3A_25 = arith.constant true
    %or3A_26 = arith.ori %eq3A_24, %or3A_25 : i1
    %convert_element_type3A_27 = arith.extui %or3A_26 : i1 to i32
    %cond3A_28 = arith.constant 0 : i32
    %cond3A_29 = arith.cmpi ne, %convert_element_type3A_27, %cond3A_28 : i32
    scf.if %cond3A_29 {
      %mul3A_30 = arith.constant 632 : i32
      %mul3A_31 = arith.muli %arg1, %mul3A_30 : i32
      %mul3A_32 = arith.constant 632 : i32
      %mul3A_33 = arith.muli %arg1, %mul3A_32 : i32
      "tpu.region"() ({
        %run_scoped3A = tpu.sem_alloc : memref<!tpu.dma_semaphore, #tpu.memory_space<semaphore_mem>>
        %dma_start3A = arith.constant 0 : i32
        %dma_start3A_34 = arith.constant 0 : i32
        %dma_start3A_35 = tpu.memref_slice %arg5[%arg0, %dma_start3A, %dma_start3A_34] : memref<2x10112x128xf32, #tpu.memory_space<hbm>> -> memref<1x10112x128xf32, #tpu.memory_space<hbm>>
        %dma_start3A_36 = tpu.memref_squeeze %dma_start3A_35 : memref<1x10112x128xf32, #tpu.memory_space<hbm>> -> memref<10112x128xf32, #tpu.memory_space<hbm>>
        %dma_start3A_37 = arith.constant 0 : i32
        %dma_start3A_38 = tpu.memref_slice %dma_start3A_36[%mul3A_33, %dma_start3A_37] : memref<10112x128xf32, #tpu.memory_space<hbm>> -> memref<632x128xf32, #tpu.memory_space<hbm>>
        %dma_start3A_39 = arith.constant 0 : i32
        %dma_start3A_40 = tpu.memref_slice %arg12[%mul3A_31, %dma_start3A_39] : memref<10112x128xf32, #tpu.memory_space<vmem_shared>> -> memref<632x128xf32, #tpu.memory_space<vmem_shared>>
        tpu.enqueue_dma source(%dma_start3A_40 : memref<632x128xf32, #tpu.memory_space<vmem_shared>>) target(%dma_start3A_38 : memref<632x128xf32, #tpu.memory_space<hbm>>) target_semaphore(%run_scoped3A : memref<!tpu.dma_semaphore, #tpu.memory_space<semaphore_mem>>)
        %dma_wait3A = arith.constant 0 : i32
        %dma_wait3A_41 = arith.constant 0 : i32
        %dma_wait3A_42 = tpu.memref_slice %arg5[%arg0, %dma_wait3A, %dma_wait3A_41] : memref<2x10112x128xf32, #tpu.memory_space<hbm>> -> memref<1x10112x128xf32, #tpu.memory_space<hbm>>
        %dma_wait3A_43 = tpu.memref_squeeze %dma_wait3A_42 : memref<1x10112x128xf32, #tpu.memory_space<hbm>> -> memref<10112x128xf32, #tpu.memory_space<hbm>>
        %dma_wait3A_44 = arith.constant 0 : i32
        %dma_wait3A_45 = tpu.memref_slice %dma_wait3A_43[%mul3A_33, %dma_wait3A_44] : memref<10112x128xf32, #tpu.memory_space<hbm>> -> memref<632x128xf32, #tpu.memory_space<hbm>>
        %dma_wait3A_46 = arith.constant 0 : i32
        %dma_wait3A_47 = tpu.memref_slice %arg12[%mul3A_31, %dma_wait3A_46] : memref<10112x128xf32, #tpu.memory_space<vmem_shared>> -> memref<632x128xf32, #tpu.memory_space<vmem_shared>>
        tpu.wait_dma2 semaphore(%run_scoped3A : memref<!tpu.dma_semaphore, #tpu.memory_space<semaphore_mem>>) src(%dma_wait3A_47 : memref<632x128xf32, #tpu.memory_space<vmem_shared>>) dst(%dma_wait3A_45 : memref<632x128xf32, #tpu.memory_space<hbm>>)
        tpu.yield
      }) : () -> ()
    } else {
    }
    return
  }
}

module attributes {stable_mosaic.version = 14 : i64} {
  func.func @_mm_relu_body(%arg0: i32, %arg1: memref<1000x128xf32, #tpu.memory_space<vmem>>, %arg2: memref<128x128xf32, #tpu.memory_space<vmem>>, %arg3: memref<1x128xf32, #tpu.memory_space<vmem>>, %arg4: memref<1000x128xf32, #tpu.memory_space<vmem>>) attributes {dimension_semantics = [#tpu.dimension_semantics<arbitrary>], iteration_bounds = array<i64: 10>, scalar_prefetch = 0 : i64, scratch_operands = 0 : i64, tpu.core_type = #tpu.core_type<tc>, window_params = [{transform_indices = @transform_0, window_bounds = array<i64: 1000, 128>}, {pipeline_mode = #tpu.pipeline_mode<synchronous>, transform_indices = @transform_1, window_bounds = array<i64: 128, 128>}, {pipeline_mode = #tpu.pipeline_mode<synchronous>, transform_indices = @transform_2, window_bounds = array<i64: 1, 128>}, {transform_indices = @transform_3, window_bounds = array<i64: 1000, 128>}]} {
    %get3A = arith.constant 0 : index
    %get3A_0 = arith.constant 0 : index
    %get3A_1 = vector.load %arg1[%get3A, %get3A_0] : memref<1000x128xf32, #tpu.memory_space<vmem>>, vector<1000x128xf32>
    %get3A_2 = arith.constant 0 : index
    %get3A_3 = arith.constant 0 : index
    %get3A_4 = vector.load %arg2[%get3A_2, %get3A_3] : memref<128x128xf32, #tpu.memory_space<vmem>>, vector<128x128xf32>
    %dot_general3A = arith.constant dense<0.000000e+00> : vector<1000x128xf32>
    %dot_general3A_5 = tpu.matmul %get3A_1, %get3A_4, %dot_general3A {dimension_numbers = #tpu.dot_dimension_numbers<[1], [0], [0], [1], [0, 0, 1, 1], [], []>, transpose_lhs_hint = false} : vector<1000x128xf32>, vector<128x128xf32>, vector<1000x128xf32> -> vector<1000x128xf32>
    %get3A_6 = arith.constant 0 : index
    %get3A_7 = arith.constant 0 : index
    %get3A_8 = vector.load %arg3[%get3A_6, %get3A_7] : memref<1x128xf32, #tpu.memory_space<vmem>>, vector<1x128xf32>
    %add3A = vector.broadcast %get3A_8 : vector<1x128xf32> to vector<1000x128xf32>
    %add3A_9 = arith.addf %dot_general3A_5, %add3A : vector<1000x128xf32>
    %max3A = arith.constant 0.000000e+00 : f32
    %max3A_10 = vector.broadcast %max3A : f32 to vector<1000x128xf32>
    %max3A_11 = arith.maximumf %add3A_9, %max3A_10 : vector<1000x128xf32>
    %swap3A = arith.constant 0 : index
    %swap3A_12 = arith.constant 0 : index
    %swap3A_13 = vector.load %arg4[%swap3A, %swap3A_12] : memref<1000x128xf32, #tpu.memory_space<vmem>>, vector<1000x128xf32>
    tpu.vector_store %arg4[%swap3A, %swap3A_12], %max3A_11 {strides = array<i32>} : memref<1000x128xf32, #tpu.memory_space<vmem>>, vector<1000x128xf32>,
    return
  }
  func.func @transform_0(%arg0: i32) -> (i32, i32) {
    %c0_i32 = arith.constant 0 : i32
    %c0_i32_0 = arith.constant 0 : i32
    return %arg0, %c0_i32 : i32, i32
  }
  func.func @transform_1(%arg0: i32) -> (i32, i32) {
    %c0_i32 = arith.constant 0 : i32
    %c0_i32_0 = arith.constant 0 : i32
    %c0_i32_1 = arith.constant 0 : i32
    return %c0_i32, %c0_i32_0 : i32, i32
  }
  func.func @transform_2(%arg0: i32) -> (i32, i32) {
    %c0_i32 = arith.constant 0 : i32
    %c0_i32_0 = arith.constant 0 : i32
    %c0_i32_1 = arith.constant 0 : i32
    return %c0_i32, %c0_i32_0 : i32, i32
  }
  func.func @transform_3(%arg0: i32) -> (i32, i32) {
    %c0_i32 = arith.constant 0 : i32
    %c0_i32_0 = arith.constant 0 : i32
    return %arg0, %c0_i32 : i32, i32
  }
}

module attributes {stable_mosaic.version = 14 : i64} {
  func.func @_gin_mm_relu_body(%arg0: i32, %arg1: memref<1000x128xf32, #tpu.memory_space<vmem>>, %arg2: memref<1000x128xf32, #tpu.memory_space<vmem>>, %arg3: memref<1000x128xf32, #tpu.memory_space<vmem>>, %arg4: memref<128x128xf32, #tpu.memory_space<vmem>>, %arg5: memref<1x128xf32, #tpu.memory_space<vmem>>, %arg6: memref<1000x128xf32, #tpu.memory_space<vmem>>) attributes {dimension_semantics = [#tpu.dimension_semantics<arbitrary>], iteration_bounds = array<i64: 10>, scalar_prefetch = 0 : i64, scratch_operands = 0 : i64, tpu.core_type = #tpu.core_type<tc>, window_params = [{transform_indices = @transform_0, window_bounds = array<i64: 1000, 128>}, {transform_indices = @transform_1, window_bounds = array<i64: 1000, 128>}, {transform_indices = @transform_2, window_bounds = array<i64: 1000, 128>}, {pipeline_mode = #tpu.pipeline_mode<synchronous>, transform_indices = @transform_3, window_bounds = array<i64: 128, 128>}, {pipeline_mode = #tpu.pipeline_mode<synchronous>, transform_indices = @transform_4, window_bounds = array<i64: 1, 128>}, {transform_indices = @transform_5, window_bounds = array<i64: 1000, 128>}]} {
    %get3A = arith.constant 0 : index
    %get3A_0 = arith.constant 0 : index
    %get3A_1 = vector.load %arg1[%get3A, %get3A_0] : memref<1000x128xf32, #tpu.memory_space<vmem>>, vector<1000x128xf32>
    %get3A_2 = arith.constant 0 : index
    %get3A_3 = arith.constant 0 : index
    %get3A_4 = vector.load %arg2[%get3A_2, %get3A_3] : memref<1000x128xf32, #tpu.memory_space<vmem>>, vector<1000x128xf32>
    %add3A = arith.addf %get3A_1, %get3A_4 : vector<1000x128xf32>
    %get3A_5 = arith.constant 0 : index
    %get3A_6 = arith.constant 0 : index
    %get3A_7 = vector.load %arg3[%get3A_5, %get3A_6] : memref<1000x128xf32, #tpu.memory_space<vmem>>, vector<1000x128xf32>
    %add3A_8 = arith.addf %add3A, %get3A_7 : vector<1000x128xf32>
    %get3A_9 = arith.constant 0 : index
    %get3A_10 = arith.constant 0 : index
    %get3A_11 = vector.load %arg4[%get3A_9, %get3A_10] : memref<128x128xf32, #tpu.memory_space<vmem>>, vector<128x128xf32>
    %dot_general3A = arith.constant dense<0.000000e+00> : vector<1000x128xf32>
    %dot_general3A_12 = tpu.matmul %add3A_8, %get3A_11, %dot_general3A {dimension_numbers = #tpu.dot_dimension_numbers<[1], [0], [0], [1], [0, 0, 1, 1], [], []>, transpose_lhs_hint = false} : vector<1000x128xf32>, vector<128x128xf32>, vector<1000x128xf32> -> vector<1000x128xf32>
    %get3A_13 = arith.constant 0 : index
    %get3A_14 = arith.constant 0 : index
    %get3A_15 = vector.load %arg5[%get3A_13, %get3A_14] : memref<1x128xf32, #tpu.memory_space<vmem>>, vector<1x128xf32>
    %add3A_16 = vector.broadcast %get3A_15 : vector<1x128xf32> to vector<1000x128xf32>
    %add3A_17 = arith.addf %dot_general3A_12, %add3A_16 : vector<1000x128xf32>
    %max3A = arith.constant 0.000000e+00 : f32
    %max3A_18 = vector.broadcast %max3A : f32 to vector<1000x128xf32>
    %max3A_19 = arith.maximumf %add3A_17, %max3A_18 : vector<1000x128xf32>
    %swap3A = arith.constant 0 : index
    %swap3A_20 = arith.constant 0 : index
    %swap3A_21 = vector.load %arg6[%swap3A, %swap3A_20] : memref<1000x128xf32, #tpu.memory_space<vmem>>, vector<1000x128xf32>
    tpu.vector_store %arg6[%swap3A, %swap3A_20], %max3A_19 {strides = array<i32>} : memref<1000x128xf32, #tpu.memory_space<vmem>>, vector<1000x128xf32>,
    return
  }
  func.func @transform_0(%arg0: i32) -> (i32, i32) {
    %c0_i32 = arith.constant 0 : i32
    %c0_i32_0 = arith.constant 0 : i32
    return %arg0, %c0_i32 : i32, i32
  }
  func.func @transform_1(%arg0: i32) -> (i32, i32) {
    %c0_i32 = arith.constant 0 : i32
    %c0_i32_0 = arith.constant 0 : i32
    return %arg0, %c0_i32 : i32, i32
  }
  func.func @transform_2(%arg0: i32) -> (i32, i32) {
    %c0_i32 = arith.constant 0 : i32
    %c0_i32_0 = arith.constant 0 : i32
    return %arg0, %c0_i32 : i32, i32
  }
  func.func @transform_3(%arg0: i32) -> (i32, i32) {
    %c0_i32 = arith.constant 0 : i32
    %c0_i32_0 = arith.constant 0 : i32
    %c0_i32_1 = arith.constant 0 : i32
    return %c0_i32, %c0_i32_0 : i32, i32
  }
  func.func @transform_4(%arg0: i32) -> (i32, i32) {
    %c0_i32 = arith.constant 0 : i32
    %c0_i32_0 = arith.constant 0 : i32
    %c0_i32_1 = arith.constant 0 : i32
    return %c0_i32, %c0_i32_0 : i32, i32
  }
  func.func @transform_5(%arg0: i32) -> (i32, i32) {
    %c0_i32 = arith.constant 0 : i32
    %c0_i32_0 = arith.constant 0 : i32
    return %arg0, %c0_i32 : i32, i32
  }
}

module attributes {stable_mosaic.version = 14 : i64} {
  func.func @_final_body(%arg0: i32, %arg1: memref<1000x128xf32, #tpu.memory_space<vmem>>, %arg2: memref<1000x128xf32, #tpu.memory_space<vmem>>, %arg3: memref<1000x128xf32, #tpu.memory_space<vmem>>, %arg4: memref<128x128xf32, #tpu.memory_space<vmem>>, %arg5: memref<1x128xf32, #tpu.memory_space<vmem>>, %arg6: memref<128x128xf32, #tpu.memory_space<vmem>>, %arg7: memref<1x128xf32, #tpu.memory_space<vmem>>, %arg8: memref<1000x128xf32, #tpu.memory_space<vmem>>) attributes {dimension_semantics = [#tpu.dimension_semantics<arbitrary>], iteration_bounds = array<i64: 10>, scalar_prefetch = 0 : i64, scratch_operands = 0 : i64, tpu.core_type = #tpu.core_type<tc>, window_params = [{transform_indices = @transform_0, window_bounds = array<i64: 1000, 128>}, {transform_indices = @transform_1, window_bounds = array<i64: 1000, 128>}, {transform_indices = @transform_2, window_bounds = array<i64: 1000, 128>}, {pipeline_mode = #tpu.pipeline_mode<synchronous>, transform_indices = @transform_3, window_bounds = array<i64: 128, 128>}, {pipeline_mode = #tpu.pipeline_mode<synchronous>, transform_indices = @transform_4, window_bounds = array<i64: 1, 128>}, {pipeline_mode = #tpu.pipeline_mode<synchronous>, transform_indices = @transform_5, window_bounds = array<i64: 128, 128>}, {pipeline_mode = #tpu.pipeline_mode<synchronous>, transform_indices = @transform_6, window_bounds = array<i64: 1, 128>}, {transform_indices = @transform_7, window_bounds = array<i64: 1000, 128>}]} {
    %get3A = arith.constant 0 : index
    %get3A_0 = arith.constant 0 : index
    %get3A_1 = vector.load %arg1[%get3A, %get3A_0] : memref<1000x128xf32, #tpu.memory_space<vmem>>, vector<1000x128xf32>
    %get3A_2 = arith.constant 0 : index
    %get3A_3 = arith.constant 0 : index
    %get3A_4 = vector.load %arg2[%get3A_2, %get3A_3] : memref<1000x128xf32, #tpu.memory_space<vmem>>, vector<1000x128xf32>
    %add3A = arith.addf %get3A_1, %get3A_4 : vector<1000x128xf32>
    %get3A_5 = arith.constant 0 : index
    %get3A_6 = arith.constant 0 : index
    %get3A_7 = vector.load %arg3[%get3A_5, %get3A_6] : memref<1000x128xf32, #tpu.memory_space<vmem>>, vector<1000x128xf32>
    %add3A_8 = arith.addf %add3A, %get3A_7 : vector<1000x128xf32>
    %get3A_9 = arith.constant 0 : index
    %get3A_10 = arith.constant 0 : index
    %get3A_11 = vector.load %arg4[%get3A_9, %get3A_10] : memref<128x128xf32, #tpu.memory_space<vmem>>, vector<128x128xf32>
    %dot_general3A = arith.constant dense<0.000000e+00> : vector<1000x128xf32>
    %dot_general3A_12 = tpu.matmul %add3A_8, %get3A_11, %dot_general3A {dimension_numbers = #tpu.dot_dimension_numbers<[1], [0], [0], [1], [0, 0, 1, 1], [], []>, transpose_lhs_hint = false} : vector<1000x128xf32>, vector<128x128xf32>, vector<1000x128xf32> -> vector<1000x128xf32>
    %get3A_13 = arith.constant 0 : index
    %get3A_14 = arith.constant 0 : index
    %get3A_15 = vector.load %arg5[%get3A_13, %get3A_14] : memref<1x128xf32, #tpu.memory_space<vmem>>, vector<1x128xf32>
    %add3A_16 = vector.broadcast %get3A_15 : vector<1x128xf32> to vector<1000x128xf32>
    %add3A_17 = arith.addf %dot_general3A_12, %add3A_16 : vector<1000x128xf32>
    %max3A = arith.constant 0.000000e+00 : f32
    %max3A_18 = vector.broadcast %max3A : f32 to vector<1000x128xf32>
    %max3A_19 = arith.maximumf %add3A_17, %max3A_18 : vector<1000x128xf32>
    %get3A_20 = arith.constant 0 : index
    %get3A_21 = arith.constant 0 : index
    %get3A_22 = vector.load %arg6[%get3A_20, %get3A_21] : memref<128x128xf32, #tpu.memory_space<vmem>>, vector<128x128xf32>
    %dot_general3A_23 = arith.constant dense<0.000000e+00> : vector<1000x128xf32>
    %dot_general3A_24 = tpu.matmul %max3A_19, %get3A_22, %dot_general3A_23 {dimension_numbers = #tpu.dot_dimension_numbers<[1], [0], [0], [1], [0, 0, 1, 1], [], []>, transpose_lhs_hint = false} : vector<1000x128xf32>, vector<128x128xf32>, vector<1000x128xf32> -> vector<1000x128xf32>
    %get3A_25 = arith.constant 0 : index
    %get3A_26 = arith.constant 0 : index
    %get3A_27 = vector.load %arg7[%get3A_25, %get3A_26] : memref<1x128xf32, #tpu.memory_space<vmem>>, vector<1x128xf32>
    %add3A_28 = vector.broadcast %get3A_27 : vector<1x128xf32> to vector<1000x128xf32>
    %add3A_29 = arith.addf %dot_general3A_24, %add3A_28 : vector<1000x128xf32>
    %iota3A = tpu.iota {dimensions = array<i32: 1>} : vector<1000x128xi32>
    %lt3A = arith.constant 40 : i32
    %lt3A_30 = vector.broadcast %lt3A : i32 to vector<1000x128xi32>
    %lt3A_31 = arith.cmpi slt, %iota3A, %lt3A_30 : vector<1000x128xi32>
    %jit3A = arith.constant -1.000000e+30 : f32
    %broadcast_in_dim3A = vector.broadcast %jit3A : f32 to vector<1000x128xf32>
    %select_n3A = arith.select %lt3A_31, %add3A_29, %broadcast_in_dim3A : vector<1000x128xi1>, vector<1000x128xf32>
    %reduce_max3A = arith.constant dense<0xFF800000> : vector<1000xf32>
    %reduce_max3A_32 = vector.multi_reduction <maximumf>, %select_n3A, %reduce_max3A [1] : vector<1000x128xf32> to vector<1000xf32>
    %broadcast_in_dim3A_33 = vector.shape_cast %reduce_max3A_32 : vector<1000xf32> to vector<1000x1xf32>
    %sub3A = vector.broadcast %broadcast_in_dim3A_33 : vector<1000x1xf32> to vector<1000x128xf32>
    %sub3A_34 = arith.subf %select_n3A, %sub3A : vector<1000x128xf32>
    %exp3A = math.exp %sub3A_34 : vector<1000x128xf32>
    %reduce_sum3A = arith.constant dense<0.000000e+00> : vector<1000xf32>
    %reduce_sum3A_35 = vector.multi_reduction <add>, %exp3A, %reduce_sum3A [1] : vector<1000x128xf32> to vector<1000xf32>
    %broadcast_in_dim3A_36 = vector.shape_cast %reduce_sum3A_35 : vector<1000xf32> to vector<1000x1xf32>
    %log3A = math.log %broadcast_in_dim3A_36 : vector<1000x1xf32>
    %add3A_37 = arith.addf %log3A, %broadcast_in_dim3A_33 : vector<1000x1xf32>
    %sub3A_38 = vector.broadcast %add3A_37 : vector<1000x1xf32> to vector<1000x128xf32>
    %sub3A_39 = arith.subf %select_n3A, %sub3A_38 : vector<1000x128xf32>
    %swap3A = arith.constant 0 : index
    %swap3A_40 = arith.constant 0 : index
    %swap3A_41 = vector.load %arg8[%swap3A, %swap3A_40] : memref<1000x128xf32, #tpu.memory_space<vmem>>, vector<1000x128xf32>
    tpu.vector_store %arg8[%swap3A, %swap3A_40], %sub3A_39 {strides = array<i32>} : memref<1000x128xf32, #tpu.memory_space<vmem>>, vector<1000x128xf32>,
    return
  }
  func.func @transform_0(%arg0: i32) -> (i32, i32) {
    %c0_i32 = arith.constant 0 : i32
    %c0_i32_0 = arith.constant 0 : i32
    return %arg0, %c0_i32 : i32, i32
  }
  func.func @transform_1(%arg0: i32) -> (i32, i32) {
    %c0_i32 = arith.constant 0 : i32
    %c0_i32_0 = arith.constant 0 : i32
    return %arg0, %c0_i32 : i32, i32
  }
  func.func @transform_2(%arg0: i32) -> (i32, i32) {
    %c0_i32 = arith.constant 0 : i32
    %c0_i32_0 = arith.constant 0 : i32
    return %arg0, %c0_i32 : i32, i32
  }
  func.func @transform_3(%arg0: i32) -> (i32, i32) {
    %c0_i32 = arith.constant 0 : i32
    %c0_i32_0 = arith.constant 0 : i32
    %c0_i32_1 = arith.constant 0 : i32
    return %c0_i32, %c0_i32_0 : i32, i32
  }
  func.func @transform_4(%arg0: i32) -> (i32, i32) {
    %c0_i32 = arith.constant 0 : i32
    %c0_i32_0 = arith.constant 0 : i32
    %c0_i32_1 = arith.constant 0 : i32
    return %c0_i32, %c0_i32_0 : i32, i32
  }
  func.func @transform_5(%arg0: i32) -> (i32, i32) {
    %c0_i32 = arith.constant 0 : i32
    %c0_i32_0 = arith.constant 0 : i32
    %c0_i32_1 = arith.constant 0 : i32
    return %c0_i32, %c0_i32_0 : i32, i32
  }
  func.func @transform_6(%arg0: i32) -> (i32, i32) {
    %c0_i32 = arith.constant 0 : i32
    %c0_i32_0 = arith.constant 0 : i32
    %c0_i32_1 = arith.constant 0 : i32
    return %c0_i32, %c0_i32_0 : i32, i32
  }
  func.func @transform_7(%arg0: i32) -> (i32, i32) {
    %c0_i32 = arith.constant 0 : i32
    %c0_i32_0 = arith.constant 0 : i32
    return %arg0, %c0_i32 : i32, i32
  }
}

</mosaic_0001>

<sc_bundles>
// kernel: kernel.10.cloned.1.call-start
scs
__scs_entry_jumppad:
0x0: {  	(pc) =	sbr.rel $0x88, $3  }
0x1: {  	(tag) =	ssettag $0x0;
	lr =	simm.s32 $0x1  }
0x2: {  	[smem:$0x3F97] =	sst lr;
	_ =	strace $0xD0000000  }
0x3: {  	_ = 	snop  }
0x4: {  	_ = 	snop  }
0x5: {  	_ = 	snop  }
0x6: {  	_ = 	snop  }
0x7: {  	_ = 	snop  }
__scs_overlays_trampoline_lowered:
0x8: {  	[smem:$0x3FA6] =	sst s0  }
0x9: {  	[smem:$0x3FA7] =	sst s1  }
0xa: {  	[smem:$0x3FA8] =	sst s2  }
0xb: {  	[smem:$0x3FA9] =	sst s3  }
0xc: {  	[smem:$0x3FAA] =	sst s4  }
0xd: {  	[smem:$0x3FAB] =	sst s5  }
0xe: {  	[smem:$0x3FAC] =	sst s6  }
0xf: {  	[smem:$0x3FAD] =	sst s7  }
0x10: {  	[smem:$0x3FAE] =	sst s8  }
0x11: {  	[smem:$0x3FAF] =	sst s9;
	s0 =	simm.s32 @!p0 $0x0  }
0x12: {  	s1 =	sld [smem:$0x3F95];
	s0 =	simm.s32 @p0 $0x1  }
0x13: {  	[smem:$0x3FB0] =	sst s0;
	s0 =	simm.s32 @!p1 $0x0  }
0x14: {  	s2 =	sld [smem:$0x3F94];
	s0 =	simm.s32 @p1 $0x1  }
0x15: {  	[smem:$0x3FB1] =	sst s0;
	s0 =	simm.s32 @!p2 $0x0  }
0x16: {  	s3 =	sld [smem:$0x3FDB];
	s0 =	simm.s32 @p2 $0x1  }
0x17: {  	s4 =	simm.s32 $0x1BF5;
	[smem:$0x3FB3] =	sst s0  }
0x18: {  	s0 =	sld [smem:$0x3F96];
	_ =	swait.ge [sflag:s4], $0x0  }
0x19: {  	s7 =	sld [smem:$0x3F97]  }
0x1a: {  	s8 =	sadd.s32 $0xFFFFE003, lr  }
0x1b: {  	s9 =	sadd.s32 $0xFFFFFEF7, lr;
	s5 =	simm.s32 $0xFFFFFFFF;
	p2 =	slt.u32 s8, $0xFFFFF086  }
0x1c: {  	p1 =	slt.u32 s9, $0xF7A;
	s5 =	simm.s32 @!p2 $0x0  }
0x1d: {  	s5 =	simm.s32 @p1 $0x1;
	p0 =	seq.s32 s7, s2  }
0x1e: {  	s7 =	smul.u32 @!p0 $0xF7A, s2;
	p2 =	seq.s32 @!p0 s5, $0x0  }
0x1f: {  	s9 =	smul.u32 $0xF7A, s1;
	s8 =	simm.s32 @!p0 $0x1BF5;
	p2 =	por !p2, p0  }
0x20: {  	[sflag:s8] =	ssyncset.s32 @!p0 $0xFFFFF086;
	s6 =	sadd.s32 @!p0 s3, s7;
	s7 =	simm.s32 @!p0 $0x108  }
0x21: {  	s3 =	sadd.s32 s3, s9;
	s6 =	sadd.s32 @!p0 $0x88, s6;
	s7 =	simm.s32 @p2 $0x1082  }
0x22: {  	[simem:s7], [sflag:s8] =	dma.local @!p0 [hbm:s6], $0xF7A  }
0x23: {  	s9 =	sor.u32 $0xD0000000, s2;
	s6 =	simm.s32 $0x108;
	_ =	swait.ge @!p0 [sflag:s8], $0x0  }
0x24: {  	s3 =	sadd.s32 $0x88, s3;
	s6 =	simm.s32 @!p1 $0x1082;
	[sflag:s4] =	ssyncset.s32 $0xFFFFF086  }
0x25: {  	[simem:s6], [sflag:s4] =	dma.local [hbm:s3], $0xF7A  }
0x26: {  	[smem:$0x3F97] =	sst s1;
	(tag) =	ssettag s2;
	_ =	strace s9  }
0x27: {  	s1 =	sld [smem:$0x3FA7]  }
0x28: {  	s2 =	sld [smem:$0x3FA8]  }
0x29: {  	s4 =	sld [smem:$0x3FAA]  }
0x2a: {  	p0 =	seq.s32 s5, $0x0;
	s5 =	sld [smem:$0x3FAB]  }
0x2b: {  	s6 =	sld [smem:$0x3FAC]  }
0x2c: {  	s7 =	sld [smem:$0x3FAD]  }
0x2d: {  	s3 =	simm.s32 $0x108;
	s8 =	sld [smem:$0x3FAE]  }
0x2e: {  	s3 =	simm.s32 @!p0 $0x1082;
	s9 =	sld [smem:$0x3FAF]  }
0x2f: {  	lr =	sadd.s32 s0, s3;
	s0 =	sld [smem:$0x3FA6]  }
0x30: {  	s3 =	sld [smem:$0x3FA9]  }
0x31: {  	[smem:$0x3FB2] =	sst s10  }
0x32: {  	s10 =	sld [smem:$0x3FB0];
	_ =	sdelay $0x3  }
0x33: {  	p0 =	seq.s32 s10, $0x1;
	s10 =	sld [smem:$0x3FB2];
	_ =	sdelay $0x3  }
0x34: {  	[smem:$0x3FB2] =	sst s10  }
0x35: {  	s10 =	sld [smem:$0x3FB1];
	_ =	sdelay $0x3  }
0x36: {  	p1 =	seq.s32 s10, $0x1;
	s10 =	sld [smem:$0x3FB2];
	_ =	sdelay $0x3  }
0x37: {  	[smem:$0x3FB2] =	sst s10  }
0x38: {  	s10 =	sld [smem:$0x3FB3]  }
0x39: {  	_ = 	snop;
	(pc) =	sbr.ind lr, $3  }
0x3a: {  	_ = 	snop  }
0x3b: {  	_ = 	snop  }
0x3c: {  	p2 =	seq.s32 s10, $0x1;
	s10 =	sld [smem:$0x3FB2]  }
0x3d: {  	_ =	shalt  }
0x3e: {  	_ =	shalt  }
0x3f: {  	_ =	shalt  }
0x40: {  	_ =	shalt  }
0x41: {  	_ =	shalt  }
0x42: {  	_ =	shalt  }
0x43: {  	_ =	shalt  }
0x44: {  	_ =	shalt  }
0x45: {  	_ =	shalt  }
0x46: {  	_ =	shalt  }
0x47: {  	_ =	shalt  }
0x48: {  	_ =	shalt  }
0x49: {  	_ =	shalt  }
0x4a: {  	_ =	shalt  }
0x4b: {  	_ =	shalt  }
0x4c: {  	_ =	shalt  }
0x4d: {  	_ =	shalt  }
0x4e: {  	_ =	shalt  }
0x4f: {  	_ =	shalt  }
0x50: {  	_ =	shalt  }
0x51: {  	_ =	shalt  }
0x52: {  	_ =	shalt  }
0x53: {  	_ =	shalt  }
0x54: {  	_ =	shalt  }
0x55: {  	_ =	shalt  }
0x56: {  	_ =	shalt  }
0x57: {  	_ =	shalt  }
0x58: {  	_ =	shalt  }
0x59: {  	_ =	shalt  }
0x5a: {  	_ =	shalt  }
0x5b: {  	_ =	shalt  }
0x5c: {  	_ =	shalt  }
0x5d: {  	_ =	shalt  }
0x5e: {  	_ =	shalt  }
0x5f: {  	_ =	shalt  }
0x60: {  	_ =	shalt  }
0x61: {  	_ =	shalt  }
0x62: {  	_ =	shalt  }
0x63: {  	_ =	shalt  }
0x64: {  	_ =	shalt  }
0x65: {  	_ =	shalt  }
0x66: {  	_ =	shalt  }
0x67: {  	_ =	shalt  }
0x68: {  	_ =	shalt  }
0x69: {  	_ =	shalt  }
0x6a: {  	_ =	shalt  }
0x6b: {  	_ =	shalt  }
0x6c: {  	_ =	shalt  }
0x6d: {  	_ =	shalt  }
0x6e: {  	_ =	shalt  }
0x6f: {  	_ =	shalt  }
0x70: {  	_ =	shalt  }
0x71: {  	_ =	shalt  }
0x72: {  	_ =	shalt  }
0x73: {  	_ =	shalt  }
0x74: {  	_ =	shalt  }
0x75: {  	_ =	shalt  }
0x76: {  	_ =	shalt  }
0x77: {  	_ =	shalt  }
0x78: {  	_ =	shalt  }
0x79: {  	_ =	shalt  }
0x7a: {  	_ =	shalt  }
0x7b: {  	_ =	shalt  }
0x7c: {  	_ =	shalt  }
0x7d: {  	_ =	shalt  }
0x7e: {  	_ =	shalt  }
0x7f: {  	_ =	shalt  }
0x80: {  	_ =	shalt  }
0x81: {  	_ =	shalt  }
0x82: {  	_ =	shalt  }
0x83: {  	_ =	shalt  }
0x84: {  	_ =	shalt  }
0x85: {  	_ =	shalt  }
0x86: {  	_ =	shalt  }
0x87: {  	_ =	shalt  }
.Lfunc_end0:
.L_simem_size_0:
called_computation.1_lowered:
.L_overlay_start_0:
0x88: {  	s2 =	sld [smem:$0x3FD9]  }
0x89: {  	s3 =	sld [smem:$0x3FFE];
	_ =	sdelay $0x1  }
0x8a: {  	s1 =	srdreg.scid  }
0x8b: {  	s0 =	sand.u32 $0x1, s1  }
0x8c: {  	s16 =	sshll.u32 s0, $0xA;
	s2 =	sadd.s32 s3, s2  }
0x8d: {  	s2 =	sadd.s32 s2, s16  }
0x8e: {  	[smem:$0x3FBE] =	sst s2  }
0x8f: {  	_ = 	snop  }
0x90: {  	(tm) =	ssettm $0x1  }
0x91: {  	s17 =	sld [smem:$0x3FFB];
	_ =	sdelay $0x3  }
0x92: {  	_ =	strace s17  }
0x93: {  	s2 =	sld [smem:$0x3FFC];
	_ =	sdelay $0x3  }
0x94: {  	_ =	strace s2  }
0x95: {  	s2 =	sld [smem:$0x3FFD];
	_ =	sdelay $0x3  }
0x96: {  	_ =	strace s2  }
0x97: {  	_ =	strace $0x8FFFFFFF  }
0x98: {  	s18 =	sld [smem:$0x3FDB];
	_ =	sdelay $0x1  }
0x99: {  	s19 =	simm.s32 $_scs_section_size  }
0x9a: {  	s4 =	simm.s32 $_size__tile_overlayer_lowered;
	s5 =	simm.s32 $_tile_overlayer_lowered  }
0x9b: {  	s22 =	simm.s32 $0x1BFF;
	s21 =	sshll.u32 s5, $0x1;
	s2 =	sadd.s32 s19, s18  }
0x9c: {  	s6 =	simm.s32 $0x0;
	s20 =	sshll.u32 s4, $0x1;
	s4 =	sadd.s32 s21, s2  }
0x9d: {  	[timem:s6], [sflag:s22] =	dma.local [hbm:s4], s20  }
0x9e: {  	_ =	swait.ge [sflag:s22], s20  }
0x9f: {  	s3 =	ssub.s32 $0x0, s20;
	[sflag:s22] =	ssyncset.done $0x0  }
0xa0: {  	[sflag:s22] =	ssyncadd.s32 s3;
	_ =	sdelay $0x1  }
0xa1: {  	s23 =	simm.s32 $0x1B8B  }
0xa2: {  	_ =	swait.ge [sflag:s23], $0x1  }
0xa3: {  	[sflag:s23] =	ssyncset.done $0x0  }
0xa4: {  	s25 =	simm.s32 $0x1B8E;
	s24 =	sld [smem:$0x3FFE];
	[sflag:s23] =	ssyncadd.s32 $0xFFFFFFFF  }
0xa5: {  	s26 =	simm.s32 $execute0_lowered;
	[smem:$0x3FD2] =	sst s25  }
0xa6: {  	s4 =	sshll.u32 s26, $0x1;
	_ =	strace $0x80000049;
	[dreg:$0x1] =	wrdreg $0xFFFFFFFF  }
0xa7: {  	s28 =	simm.s32 $_size_execute0_lowered;
	s2 =	sadd.s32 s2, s4;
	[dreg:$0x0] =	wrdreg $0x0  }
0xa8: {  	s4 =	sshll.u32 s28, $0x1;
	[dreg:$0x2] =	wrdreg s2  }
0xa9: {  	[dreg:$0x3] =	wrdreg s4  }
0xaa: {  	[dreg:$0x4] =	wrdreg $0xC0  }
0xab: {  	_ =	task [dreg:s6], $0x5FFFF  }
0xac: {  	[dreg:$0x1] =	wrdreg $0xFFFFFFFF  }
0xad: {  	[dreg:$0x0] =	wrdreg $0x60  }
0xae: {  	[dreg:$0x2] =	wrdreg s24  }
0xaf: {  	[dreg:$0x3] =	wrdreg $0x90000  }
0xb0: {  	[dreg:$0x4] =	wrdreg $0x9  }
0xb1: {  	_ =	task.clear_ibuf [dreg:s6], $0x5FFFF;
	_ =	strace $0x90000049  }
0xb2: {  	s29 =	simm.s32 $0x9;
	_ =	strace $0x8000004B  }
0xb3: {  	_ =	swait.ge [sflag:s29], $0x1  }
0xb4: {  	[sflag:s29] =	ssyncadd.s32 $0xFFFFFFFF  }
0xb5: {  	_ =	strace $0x9000004B  }
0xb6: {  	_ =	sfence  }
0xb7: {  	s30 =	sld [smem:$0x0];
	_ =	sdelay $0x2  }
0xb8: {  	s31 =	sshll.u32 s1, $0xD;
	s1 =	sshrl.u32 s1, $0x2  }
0xb9: {  	s3 =	sand.u32 $0x4000, s31;
	s1 =	sadd.s32 s1, s30  }
0xba: {  	s0 =	sor.u32 s3, s0;
	s1 =	sshll.u32 s1, $0x11  }
0xbb: {  	s0 =	sor.u32 s1, s0  }
0xbc: {  	s0 =	sadd.s32 $0x8F2B, s0  }
0xbd: {  	[sflag:s0] =	ssyncadd.remote.s32 $0x1  }
0xbe: {  	_ =	sfence.sel $0xFFFF  }
0xbf: {  	[dreg:$0x0] =	wrdreg $0xFFFFFFFF;
	(pc) =	sbr.abs _section_cstart, $3  }
0xc0: {  	[dreg:$0x1] =	wrdreg $0xFFFFFFFF  }
0xc1: {  	_ =	task.clear_ibuf [dreg:s6], $0x2FFFF;
	_ =	strace $0x9FFFFFFF  }
0xc2: {  	(tm) =	ssettm $0x7FFFFFFF  }
0xc3: {  	_ =	shalt  }
tec
execute0_lowered:
.L_overlay_start_1:
0x0: {  	(tag) =	ssettag $0x1  }
0x1: {  	s0 =	rddreg [dreg:$0x0]  }
0x2: {  	s2 =	rddreg [dreg:$0x1]  }
0x3: {  	s1 =	srdreg.scid;
	s9 =	stileid.u32;
	s3 =	simm.s32 $0x0  }
0x4: {  	s28 =	simm.s32 $0x1;
	s30 =	simm.s32 $0x7000;
	s31 =	simm.s32 $0x2  }
0x5: {  	s11 =	simm.s32 $0x4;
	s13 =	simm.s32 $0x7;
	s4 =	smul.u32 $0x13, s9  }
0x6: {  	s29 =	simm.s32 $0xF00;
	s1 =	sand.u32 $0x1, s1;
	s6 =	smul.u32 $0x4F000, s9  }
0x7: {  	[smem:$0x7FF] =	sst s3;
	s5 =	sor.u32 $0x130, s9;
	s17 =	smul.u32 $0x2780, s9  }
0x8: {  	s9 =	simm.s32 $0x6;
	p0 =	seq.s32 s1, $0x0;
	_ =	strace $0x8000004A  }
0x9: {  	s7 =	smul.u32 $0x27800, s1;
	s8 =	ssub.s32 $0x2, s1;
	s6 =	sshrl.u32 s6, $0x2  }
0xa: {  	s5 =	smov.u32 @p0 s4;
	s14 =	sshrl.u32 s8, $0x1;
	s10 =	sadd.s32 s6, s2  }
0xb: {  	s15 =	ssub.s32 s8, s14;
	s16 =	sadd.s32 $0x12000, s10;
	[dreg:$0x3] =	wrdreg s10  }
0xc: {  	s4 =	sadd.s32 $0x2AA00, s0;
	s6 =	smax.u32 s15, $0x1;
	[dreg:$0x4] =	wrdreg s16  }
0xd: {  	p0 =	sne.s32 s1, $0x0;
	s18 =	sadd.s32 $0x2000, s10;
	[dreg:$0x5] =	wrdreg s6  }
0xe: {  	s1 =	simm.s32 $0x5;
	s19 =	sadd.s32 $0x4000, s10;
	[dreg:$0x6] =	wrdreg s18  }
0xf: {  	s5 =	sshll.u32 s5, $0x8;
	s20 =	sadd.s32 $0x6000, s10;
	[dreg:$0x7] =	wrdreg s19  }
0x10: {  	s14 =	simm.s32 $0xD00;
	s21 =	sadd.s32 $0x8000, s10;
	[dreg:$0x8] =	wrdreg s20  }
0x11: {  	s5 =	sadd.s32 s5, s0;
	s22 =	sadd.s32 $0xA000, s10;
	[dreg:$0x9] =	wrdreg s21  }
0x12: {  	s0 =	sadd.s32 s7, s0;
	s23 =	sadd.s32 $0xC000, s10;
	[dreg:$0xa] =	wrdreg s22  }
0x13: {  	s24 =	sadd.s32 $0xE000, s10;
	s25 =	sadd.s32 $0x10000, s10;
	[dreg:$0xb] =	wrdreg s23  }
0x14: {  	s7 =	simm.s32 $0x3;
	s15 =	simm.s32 $0x680;
	[dreg:$0xc] =	wrdreg s24  }
0x15: {  	s0 =	sadd.s32 $0x51C00, s0;
	[dreg:$0xd] =	wrdreg s25;
	s26 =	sadd.s32 $0x16A00, s5  }
0x16: {  	s5 =	sadd.s32 $0x2A00, s5;
	s18 =	simm.s32 $0x1000;
	s19 =	simm.s32 $0x9  }
0x17: {  	s20 =	simm.s32 $0x800;
	s21 =	simm.s32 $0x40;
	s23 =	simm.s32 $0x3000  }
0x18: {  	s16 =	simm.s32 $0x8;
	s24 =	simm.s32 $0x700;
	[dreg:$0xe] =	wrdreg s26  }
0x19: {  	s22 =	simm.s32 $0x780;
	s25 =	simm.s32 $0xE80;
	[dreg:$0xf] =	wrdreg s5  }
0x1a: {  	s0 =	sadd.s32 s17, s0;
	s26 =	simm.s32 $0x5000;
	s17 =	simm.s32 $0xD80  }
0x1b: {  	v0 =	vimm.f32 $0.0e+00;
	s5 =	simm.s32 $0xE00;
	[dreg:$0x10] =	wrdreg s0;
	s0 =	simm.s32 $0x0  }
.LBB2_1:
0x1c: {  	[dreg:$0x11] =	wrdreg s0;
	s6 =	simm.s32 $0x0;
	s8 =	simm.s32 $0x200  }
.LBB2_2:
0x1d: {  	p1 =	sne.s32 s8, $0x7E00;
	[tilespmem:s6+$0x1070] =	vst v0  }
0x1e: {  	[tilespmem:s6+$0x1000] =	vst v0  }
0x1f: {  	[tilespmem:s6+$0x1010] =	vst v0  }
.Ltmp0:
0x20: {  	[tilespmem:s6+$0x1020] =	vst v0;
	(pc) =	sbr.rel @p1 .LBB2_2-.Ltmp0, $4  }
0x21: {  	[tilespmem:s6+$0x1030] =	vst v0  }
0x22: {  	[tilespmem:s6+$0x1040] =	vst v0  }
0x23: {  	[tilespmem:s6+$0x1050] =	vst v0  }
0x24: {  	[tilespmem:s6+$0x1060] =	vst v0;
	s6 =	sshra.s32 s8, $0x2;
	s8 =	sadd.s32 $0x200, s8  }
0x25: {  	[tilespmem:s6+$0x1070] =	vst v0  }
0x26: {  	[tilespmem:s6+$0x1000] =	vst v0  }
0x27: {  	[tilespmem:s6+$0x1010] =	vst v0  }
0x28: {  	[tilespmem:s6+$0x1020] =	vst v0  }
0x29: {  	[tilespmem:s6+$0x1030] =	vst v0  }
0x2a: {  	[tilespmem:s6+$0x1040] =	vst v0  }
0x2b: {  	[tilespmem:s6+$0x1050] =	vst v0  }
0x2c: {  	[tilespmem:s6+$0x1060] =	vst v0  }
0x2d: {  	[spmem:s10] =	stream.linear.scatter [tilespmem:s18], [sflag:$0x9], $0x2000, $0x38;
	[tilespmem:$0x1CC00] =	vst v63  }
0x2e: {  	_ =	swait.ge [sflag:s19], $0x2000  }
0x2f: {  	[sflag:s19] =	ssyncset.done $0x0  }
0x30: {  	s12 =	rddreg [dreg:$0x6];
	[sflag:s19] =	ssyncadd.s32 $0xFFFFE000  }
0x31: {  	[spmem:s12] =	stream.linear.scatter [tilespmem:s18], [sflag:$0x9], $0x2000, $0x38;
	[tilespmem:$0x1CC00] =	vst v63  }
0x32: {  	_ =	swait.ge [sflag:s19], $0x2000  }
0x33: {  	[sflag:s19] =	ssyncset.done $0x0  }
0x34: {  	s0 =	rddreg [dreg:$0x7];
	[sflag:s19] =	ssyncadd.s32 $0xFFFFE000  }
0x35: {  	[spmem:s0] =	stream.linear.scatter [tilespmem:s18], [sflag:$0x9], $0x2000, $0x38;
	[tilespmem:$0x1CC00] =	vst v63  }
0x36: {  	_ =	swait.ge [sflag:s19], $0x2000  }
0x37: {  	[sflag:s19] =	ssyncset.done $0x0  }
0x38: {  	s8 =	rddreg [dreg:$0x8];
	[sflag:s19] =	ssyncadd.s32 $0xFFFFE000  }
0x39: {  	[spmem:s8] =	stream.linear.scatter [tilespmem:s18], [sflag:$0x9], $0x2000, $0x38;
	[tilespmem:$0x1CC00] =	vst v63  }
0x3a: {  	_ =	swait.ge [sflag:s19], $0x2000  }
0x3b: {  	[sflag:s19] =	ssyncset.done $0x0  }
0x3c: {  	s10 =	rddreg [dreg:$0x9];
	[sflag:s19] =	ssyncadd.s32 $0xFFFFE000  }
0x3d: {  	[spmem:s10] =	stream.linear.scatter [tilespmem:s18], [sflag:$0x9], $0x2000, $0x38;
	[tilespmem:$0x1CC00] =	vst v63  }
0x3e: {  	_ =	swait.ge [sflag:s19], $0x2000  }
0x3f: {  	[sflag:s19] =	ssyncset.done $0x0  }
0x40: {  	s12 =	rddreg [dreg:$0xa];
	[sflag:s19] =	ssyncadd.s32 $0xFFFFE000  }
0x41: {  	[spmem:s12] =	stream.linear.scatter [tilespmem:s18], [sflag:$0x9], $0x2000, $0x38;
	[tilespmem:$0x1CC00] =	vst v63  }
0x42: {  	_ =	swait.ge [sflag:s19], $0x2000  }
0x43: {  	[sflag:s19] =	ssyncset.done $0x0  }
0x44: {  	s0 =	rddreg [dreg:$0xb];
	[sflag:s19] =	ssyncadd.s32 $0xFFFFE000  }
0x45: {  	[spmem:s0] =	stream.linear.scatter [tilespmem:s18], [sflag:$0x9], $0x2000, $0x38;
	[tilespmem:$0x1CC00] =	vst v63  }
0x46: {  	_ =	swait.ge [sflag:s19], $0x2000  }
0x47: {  	[sflag:s19] =	ssyncset.done $0x0  }
0x48: {  	s8 =	rddreg [dreg:$0xc];
	[sflag:s19] =	ssyncadd.s32 $0xFFFFE000  }
0x49: {  	[spmem:s8] =	stream.linear.scatter [tilespmem:s18], [sflag:$0x9], $0x2000, $0x38;
	[tilespmem:$0x1CC00] =	vst v63  }
0x4a: {  	_ =	swait.ge [sflag:s19], $0x2000  }
0x4b: {  	[sflag:s19] =	ssyncset.done $0x0  }
0x4c: {  	s10 =	rddreg [dreg:$0xd];
	[sflag:s19] =	ssyncadd.s32 $0xFFFFE000  }
0x4d: {  	[spmem:s10] =	stream.linear.scatter [tilespmem:s18], [sflag:$0x9], $0x2000, $0x38;
	[tilespmem:$0x1CC00] =	vst v63  }
0x4e: {  	_ =	swait.ge [sflag:s19], $0x2000  }
0x4f: {  	[sflag:s19] =	ssyncset.done $0x0  }
0x50: {  	s12 =	rddreg [dreg:$0x4];
	[sflag:s19] =	ssyncadd.s32 $0xFFFFE000  }
0x51: {  	[spmem:s12] =	stream.linear.scatter [tilespmem:s18], [sflag:$0x9], $0x1C00, $0x38;
	[tilespmem:$0x1CC00] =	vst v63  }
0x52: {  	_ =	swait.ge [sflag:s19], $0x1C00  }
0x53: {  	[sflag:s19] =	ssyncset.done $0x0  }
0x54: {  	[sflag:s19] =	ssyncadd.s32 $0xFFFFE400  }
0x55: {  	[bflag:$0x0] =	sbarrier.arrive $0xFFFF  }
0x56: {  	s6 =	rddreg [dreg:$0xf]  }
0x57: {  	s0 =	simm.s32 $0xF80;
	s10 =	simm.s32 $0x0;
	s8 =	rddreg [dreg:$0xe]  }
.LBB2_4:
0x58: {  	[tilespmem:s3], [sflag:$0x9] =	stream.linear.gather [hbm4b:s6+s3], $0x800, $0x38;
	[tilespmem:$0x1CC00] =	vst v63  }
0x59: {  	_ =	swait.ge [sflag:s19], $0x800  }
0x5a: {  	[sflag:s19] =	ssyncset.done $0x0  }
0x5b: {  	[sflag:s19] =	ssyncadd.s32 $0xFFFFF800  }
0x5c: {  	[tilespmem:s20], [sflag:$0x9] =	stream.linear.gather [hbm4b:s8+s3], $0x800, $0x38;
	[tilespmem:$0x1CC00] =	vst v63  }
0x5d: {  	_ =	swait.ge [sflag:s19], $0x800  }
0x5e: {  	[sflag:s19] =	ssyncset.done $0x0  }
0x5f: {  	[sflag:s19] =	ssyncadd.s32 $0xFFFFF800  }
0x60: {  	[tilespmem:s18], [sflag:$0x1] =	stream.indirect.gather [hbm4b:s4+s21], $0x80, s3, s21, $0xb8;
	[tilespmem:$0x1CC00] =	vst v63  }
0x61: {  	s12 =	simm.s32 $0x80  }
0x62: {  	[tilespmem:s23], [sflag:$0x2] =	stream.indirect.gather [hbm4b:s4+s21], $0x80, s12, s21, $0xb8;
	[tilespmem:$0x1CC00] =	vst v63  }
0x63: {  	s12 =	simm.s32 $0x100  }
0x64: {  	[tilespmem:s26], [sflag:$0x3] =	stream.indirect.gather [hbm4b:s4+s21], $0x80, s12, s21, $0xb8;
	[tilespmem:$0x1CC00] =	vst v63  }
0x65: {  	_ =	swait.ge [sflag:s28], $0x2000  }
0x66: {  	[sflag:s28] =	ssyncset.done $0x0  }
0x67: {  	[sflag:s28] =	ssyncadd.s32 $0xFFFFE000  }
0x68: {  	[spmem:s2] =	stream.indirect.scatter.add.f32 [tilespmem:s18], [sflag:$0x5], $0x80, s20, s21, $0xb8;
	[tilespmem:$0x1CC00] =	vst v63  }
0x69: {  	s12 =	simm.s32 $0x180  }
0x6a: {  	[tilespmem:s30], [sflag:$0x4] =	stream.indirect.gather [hbm4b:s4+s21], $0x80, s12, s21, $0xb8;
	[tilespmem:$0x1CC00] =	vst v63  }
0x6b: {  	_ =	swait.ge [sflag:s31], $0x2000  }
0x6c: {  	[sflag:s31] =	ssyncset.done $0x0  }
0x6d: {  	s12 =	simm.s32 $0x880;
	[sflag:s31] =	ssyncadd.s32 $0xFFFFE000  }
0x6e: {  	[spmem:s2] =	stream.indirect.scatter.add.f32 [tilespmem:s23], [sflag:$0x6], $0x80, s12, s21, $0xb8;
	[tilespmem:$0x1CC00] =	vst v63  }
0x6f: {  	_ =	swait.ge [sflag:s1], $0x2000  }
0x70: {  	[sflag:s1] =	ssyncset.done $0x0  }
0x71: {  	s12 =	simm.s32 $0x200;
	[sflag:s1] =	ssyncadd.s32 $0xFFFFE000  }
0x72: {  	[tilespmem:s18], [sflag:$0x1] =	stream.indirect.gather [hbm4b:s4+s21], $0x80, s12, s21, $0xb8;
	[tilespmem:$0x1CC00] =	vst v63  }
0x73: {  	_ =	swait.ge [sflag:s7], $0x2000  }
0x74: {  	[sflag:s7] =	ssyncset.done $0x0  }
0x75: {  	s12 =	simm.s32 $0x900;
	[sflag:s7] =	ssyncadd.s32 $0xFFFFE000  }
0x76: {  	[spmem:s2] =	stream.indirect.scatter.add.f32 [tilespmem:s26], [sflag:$0x7], $0x80, s12, s21, $0xb8;
	[tilespmem:$0x1CC00] =	vst v63  }
0x77: {  	_ =	swait.ge [sflag:s9], $0x2000  }
0x78: {  	[sflag:s9] =	ssyncset.done $0x0  }
0x79: {  	s12 =	simm.s32 $0x280;
	[sflag:s9] =	ssyncadd.s32 $0xFFFFE000  }
0x7a: {  	[tilespmem:s23], [sflag:$0x2] =	stream.indirect.gather [hbm4b:s4+s21], $0x80, s12, s21, $0xb8;
	[tilespmem:$0x1CC00] =	vst v63  }
0x7b: {  	_ =	swait.ge [sflag:s11], $0x2000  }
0x7c: {  	[sflag:s11] =	ssyncset.done $0x0  }
0x7d: {  	s12 =	simm.s32 $0x980;
	[sflag:s11] =	ssyncadd.s32 $0xFFFFE000  }
0x7e: {  	[spmem:s2] =	stream.indirect.scatter.add.f32 [tilespmem:s30], [sflag:$0x8], $0x80, s12, s21, $0xb8;
	[tilespmem:$0x1CC00] =	vst v63  }
0x7f: {  	_ =	swait.ge [sflag:s13], $0x2000  }
0x80: {  	[sflag:s13] =	ssyncset.done $0x0  }
0x81: {  	s12 =	simm.s32 $0x300;
	[sflag:s13] =	ssyncadd.s32 $0xFFFFE000  }
0x82: {  	[tilespmem:s26], [sflag:$0x3] =	stream.indirect.gather [hbm4b:s4+s21], $0x80, s12, s21, $0xb8;
	[tilespmem:$0x1CC00] =	vst v63  }
0x83: {  	_ =	swait.ge [sflag:s28], $0x2000  }
0x84: {  	[sflag:s28] =	ssyncset.done $0x0  }
0x85: {  	s12 =	simm.s32 $0xA00;
	[sflag:s28] =	ssyncadd.s32 $0xFFFFE000  }
0x86: {  	[spmem:s2] =	stream.indirect.scatter.add.f32 [tilespmem:s18], [sflag:$0x5], $0x80, s12, s21, $0xb8;
	[tilespmem:$0x1CC00] =	vst v63  }
0x87: {  	_ =	swait.ge [sflag:s16], $0x2000  }
0x88: {  	[sflag:s16] =	ssyncset.done $0x0  }
0x89: {  	s12 =	simm.s32 $0x380;
	[sflag:s16] =	ssyncadd.s32 $0xFFFFE000  }
0x8a: {  	[tilespmem:s30], [sflag:$0x4] =	stream.indirect.gather [hbm4b:s4+s21], $0x80, s12, s21, $0xb8;
	[tilespmem:$0x1CC00] =	vst v63  }
0x8b: {  	_ =	swait.ge [sflag:s31], $0x2000  }
0x8c: {  	[sflag:s31] =	ssyncset.done $0x0  }
0x8d: {  	s12 =	simm.s32 $0xA80;
	[sflag:s31] =	ssyncadd.s32 $0xFFFFE000  }
0x8e: {  	[spmem:s2] =	stream.indirect.scatter.add.f32 [tilespmem:s23], [sflag:$0x6], $0x80, s12, s21, $0xb8;
	[tilespmem:$0x1CC00] =	vst v63  }
0x8f: {  	_ =	swait.ge [sflag:s1], $0x2000  }
0x90: {  	[sflag:s1] =	ssyncset.done $0x0  }
0x91: {  	s12 =	simm.s32 $0x400;
	[sflag:s1] =	ssyncadd.s32 $0xFFFFE000  }
0x92: {  	[tilespmem:s18], [sflag:$0x1] =	stream.indirect.gather [hbm4b:s4+s21], $0x80, s12, s21, $0xb8;
	[tilespmem:$0x1CC00] =	vst v63  }
0x93: {  	_ =	swait.ge [sflag:s7], $0x2000  }
0x94: {  	[sflag:s7] =	ssyncset.done $0x0  }
0x95: {  	s12 =	simm.s32 $0xB00;
	[sflag:s7] =	ssyncadd.s32 $0xFFFFE000  }
0x96: {  	[spmem:s2] =	stream.indirect.scatter.add.f32 [tilespmem:s26], [sflag:$0x7], $0x80, s12, s21, $0xb8;
	[tilespmem:$0x1CC00] =	vst v63  }
0x97: {  	_ =	swait.ge [sflag:s9], $0x2000  }
0x98: {  	[sflag:s9] =	ssyncset.done $0x0  }
0x99: {  	s12 =	simm.s32 $0x480;
	[sflag:s9] =	ssyncadd.s32 $0xFFFFE000  }
0x9a: {  	[tilespmem:s23], [sflag:$0x2] =	stream.indirect.gather [hbm4b:s4+s21], $0x80, s12, s21, $0xb8;
	[tilespmem:$0x1CC00] =	vst v63  }
0x9b: {  	_ =	swait.ge [sflag:s11], $0x2000  }
0x9c: {  	[sflag:s11] =	ssyncset.done $0x0  }
0x9d: {  	s12 =	simm.s32 $0xB80;
	[sflag:s11] =	ssyncadd.s32 $0xFFFFE000  }
0x9e: {  	[spmem:s2] =	stream.indirect.scatter.add.f32 [tilespmem:s30], [sflag:$0x8], $0x80, s12, s21, $0xb8;
	[tilespmem:$0x1CC00] =	vst v63  }
0x9f: {  	_ =	swait.ge [sflag:s13], $0x2000  }
0xa0: {  	[sflag:s13] =	ssyncset.done $0x0  }
0xa1: {  	s12 =	simm.s32 $0x500;
	[sflag:s13] =	ssyncadd.s32 $0xFFFFE000  }
0xa2: {  	[tilespmem:s26], [sflag:$0x3] =	stream.indirect.gather [hbm4b:s4+s21], $0x80, s12, s21, $0xb8;
	[tilespmem:$0x1CC00] =	vst v63  }
0xa3: {  	_ =	swait.ge [sflag:s28], $0x2000  }
0xa4: {  	[sflag:s28] =	ssyncset.done $0x0  }
0xa5: {  	s12 =	simm.s32 $0xC00;
	[sflag:s28] =	ssyncadd.s32 $0xFFFFE000  }
0xa6: {  	[spmem:s2] =	stream.indirect.scatter.add.f32 [tilespmem:s18], [sflag:$0x5], $0x80, s12, s21, $0xb8;
	[tilespmem:$0x1CC00] =	vst v63  }
0xa7: {  	_ =	swait.ge [sflag:s16], $0x2000  }
0xa8: {  	[sflag:s16] =	ssyncset.done $0x0  }
0xa9: {  	s12 =	simm.s32 $0x580;
	[sflag:s16] =	ssyncadd.s32 $0xFFFFE000  }
0xaa: {  	[tilespmem:s30], [sflag:$0x4] =	stream.indirect.gather [hbm4b:s4+s21], $0x80, s12, s21, $0xb8;
	[tilespmem:$0x1CC00] =	vst v63  }
0xab: {  	_ =	swait.ge [sflag:s31], $0x2000  }
0xac: {  	[sflag:s31] =	ssyncset.done $0x0  }
0xad: {  	s12 =	simm.s32 $0xC80;
	[sflag:s31] =	ssyncadd.s32 $0xFFFFE000  }
0xae: {  	[spmem:s2] =	stream.indirect.scatter.add.f32 [tilespmem:s23], [sflag:$0x6], $0x80, s12, s21, $0xb8;
	[tilespmem:$0x1CC00] =	vst v63  }
0xaf: {  	_ =	swait.ge [sflag:s1], $0x2000  }
0xb0: {  	[sflag:s1] =	ssyncset.done $0x0  }
0xb1: {  	s12 =	simm.s32 $0x600;
	[sflag:s1] =	ssyncadd.s32 $0xFFFFE000  }
0xb2: {  	[tilespmem:s18], [sflag:$0x1] =	stream.indirect.gather [hbm4b:s4+s21], $0x80, s12, s21, $0xb8;
	[tilespmem:$0x1CC00] =	vst v63  }
0xb3: {  	_ =	swait.ge [sflag:s7], $0x2000  }
0xb4: {  	[sflag:s7] =	ssyncset.done $0x0  }
0xb5: {  	[sflag:s7] =	ssyncadd.s32 $0xFFFFE000  }
0xb6: {  	[spmem:s2] =	stream.indirect.scatter.add.f32 [tilespmem:s26], [sflag:$0x7], $0x80, s14, s21, $0xb8;
	[tilespmem:$0x1CC00] =	vst v63  }
0xb7: {  	_ =	swait.ge [sflag:s9], $0x2000  }
0xb8: {  	[sflag:s9] =	ssyncset.done $0x0  }
0xb9: {  	[sflag:s9] =	ssyncadd.s32 $0xFFFFE000  }
0xba: {  	[tilespmem:s23], [sflag:$0x2] =	stream.indirect.gather [hbm4b:s4+s21], $0x80, s15, s21, $0xb8;
	[tilespmem:$0x1CC00] =	vst v63  }
0xbb: {  	_ =	swait.ge [sflag:s11], $0x2000  }
0xbc: {  	[sflag:s11] =	ssyncset.done $0x0  }
0xbd: {  	[sflag:s11] =	ssyncadd.s32 $0xFFFFE000  }
0xbe: {  	[spmem:s2] =	stream.indirect.scatter.add.f32 [tilespmem:s30], [sflag:$0x8], $0x80, s17, s21, $0xb8;
	[tilespmem:$0x1CC00] =	vst v63  }
0xbf: {  	_ =	swait.ge [sflag:s13], $0x2000  }
0xc0: {  	[sflag:s13] =	ssyncset.done $0x0  }
0xc1: {  	[sflag:s13] =	ssyncadd.s32 $0xFFFFE000  }
0xc2: {  	[tilespmem:s26], [sflag:$0x3] =	stream.indirect.gather [hbm4b:s4+s21], $0x80, s24, s21, $0xb8;
	[tilespmem:$0x1CC00] =	vst v63  }
0xc3: {  	_ =	swait.ge [sflag:s28], $0x2000  }
0xc4: {  	[sflag:s28] =	ssyncset.done $0x0  }
0xc5: {  	[sflag:s28] =	ssyncadd.s32 $0xFFFFE000  }
0xc6: {  	[spmem:s2] =	stream.indirect.scatter.add.f32 [tilespmem:s18], [sflag:$0x5], $0x80, s5, s21, $0xb8;
	[tilespmem:$0x1CC00] =	vst v63  }
0xc7: {  	_ =	swait.ge [sflag:s16], $0x2000  }
0xc8: {  	[sflag:s16] =	ssyncset.done $0x0  }
0xc9: {  	[sflag:s16] =	ssyncadd.s32 $0xFFFFE000  }
0xca: {  	[tilespmem:s30], [sflag:$0x4] =	stream.indirect.gather [hbm4b:s4+s21], $0x80, s22, s21, $0xb8;
	[tilespmem:$0x1CC00] =	vst v63  }
0xcb: {  	_ =	swait.ge [sflag:s31], $0x2000  }
0xcc: {  	[sflag:s31] =	ssyncset.done $0x0  }
0xcd: {  	[sflag:s31] =	ssyncadd.s32 $0xFFFFE000  }
0xce: {  	[spmem:s2] =	stream.indirect.scatter.add.f32 [tilespmem:s23], [sflag:$0x6], $0x80, s25, s21, $0xb8;
	[tilespmem:$0x1CC00] =	vst v63  }
0xcf: {  	_ =	swait.ge [sflag:s7], $0x2000  }
0xd0: {  	[sflag:s7] =	ssyncset.done $0x0  }
0xd1: {  	[sflag:s7] =	ssyncadd.s32 $0xFFFFE000  }
0xd2: {  	[spmem:s2] =	stream.indirect.scatter.add.f32 [tilespmem:s26], [sflag:$0x7], $0x80, s29, s21, $0xb8;
	[tilespmem:$0x1CC00] =	vst v63  }
0xd3: {  	_ =	swait.ge [sflag:s11], $0x2000  }
0xd4: {  	[sflag:s11] =	ssyncset.done $0x0  }
0xd5: {  	[sflag:s11] =	ssyncadd.s32 $0xFFFFE000  }
0xd6: {  	[spmem:s2] =	stream.indirect.scatter.add.f32 [tilespmem:s30], [sflag:$0x8], $0x80, s0, s21, $0xb8;
	[tilespmem:$0x1CC00] =	vst v63  }
0xd7: {  	_ =	swait.ge [sflag:s1], $0x2000  }
0xd8: {  	[sflag:s1] =	ssyncset.done $0x0  }
0xd9: {  	[sflag:s1] =	ssyncadd.s32 $0xFFFFE000  }
0xda: {  	_ =	swait.ge [sflag:s9], $0x2000  }
0xdb: {  	[sflag:s9] =	ssyncset.done $0x0  }
0xdc: {  	p1 =	slt.u32 @!p0 s10, $0x12;
	[sflag:s9] =	ssyncadd.s32 $0xFFFFE000  }
0xdd: {  	p1 =	por p0, !p1;
	_ =	swait.ge [sflag:s13], $0x2000  }
.Ltmp1:
0xde: {  	[sflag:s13] =	ssyncset.done $0x0;
	(pc) =	sbr.rel @!p1 .LBB2_4-.Ltmp1, $4  }
0xdf: {  	[sflag:s13] =	ssyncadd.s32 $0xFFFFE000  }
0xe0: {  	_ =	swait.ge [sflag:s16], $0x2000  }
0xe1: {  	s10 =	sadd.s32 $0x1, s10;
	[sflag:s16] =	ssyncset.done $0x0  }
0xe2: {  	s6 =	sadd.s32 $0x100, s6;
	s8 =	sadd.s32 $0x100, s8;
	[sflag:s16] =	ssyncadd.s32 $0xFFFFE000  }
0xe3: {  	s6 =	stileid.u32;
	[bflag:$0x0] =	sbarrier.arrive $0xFFFF  }
0xe4: {  	s6 =	sshll.u32 s6, $0x6;
	s10 =	rddreg [dreg:$0x3]  }
0xe5: {  	s12 =	rddreg [dreg:$0x10];
	s6 =	sor.u32 $0x1C09, s6;
	s8 =	sshrl.u32 s10, $0x3  }
0xe6: {  	[hbm:s12], [sflag:s6] =	dma.local [spmem:s8], $0x2780  }
0xe7: {  	_ =	swait.ge [sflag:s19], $0x2780  }
0xe8: {  	s0 =	rddreg [dreg:$0x11]  }
0xe9: {  	s12 =	rddreg [dreg:$0x5];
	s0 =	sadd.s32 $0x1, s0  }
0xea: {  	p1 =	sne.s32 s0, s12  }
.Ltmp2:
0xeb: {  	_ = 	snop;
	(pc) =	sbr.rel @p1 .LBB2_1-.Ltmp2, $3  }
0xec: {  	_ =	sdelay $0x1  }
0xed: {  	[sflag:s19] =	ssyncset.done $0x0  }
0xee: {  	[sflag:s19] =	ssyncadd.s32 $0xFFFFD880  }
0xef: {  	_ =	sfence.sel $0x180000  }
0xf0: {  	[bflag:$0x0] =	sbarrier.arrive $0xFFFF  }
0xf1: {  	_ =	strace $0x9000004A  }
0xf2: {  	s0 =	stileid.u32;
	[bflag:$0x2] =	sbarrier.arrive $0xFFFF  }
0xf3: {  	p0 =	sne.s32 s0, $0x0;
	s0 =	rddreg [dreg:$0x2]  }
0xf4: {  	s0 =	sadd.s32 @!p0 $0x100000, s0  }
0xf5: {  	[sflag:s0] =	ssyncadd.tile.s32 @!p0 $0x1;
	_ =	shalt  }
.Lfunc_end2:
_tile_overlayer_lowered:
.L_overlay_start_2:
0xf6: {  	(tag) =	ssettag $0x2  }
0xf7: {  	s0 =	rddreg [dreg:$0x0];
	s2 =	stileid.u32  }
0xf8: {  	s1 =	rddreg [dreg:$0x1];
	p0 =	sne.s32 s2, $0x0  }
0xf9: {  	s3 =	rddreg [dreg:$0x2];
	[bflag:$0x3] =	sbarrier.arrive $0xFFFF;
	s2 =	simm.s32 @!p0 $0x1C09  }
0xfa: {  	[timem:s3], [sflag:s2] =	dma.local @!p0 [hbm:s0], s1  }
0xfb: {  	s0 =	simm.s32 @!p0 $0x9  }
0xfc: {  	_ =	swait.ge @!p0 [sflag:s0], s1  }
0xfd: {  	s1 =	ssub.s32 @!p0 $0x0, s1;
	[sflag:s0] =	ssyncset.done @!p0 $0x0  }
0xfe: {  	[sflag:s0] =	ssyncadd.s32 @!p0 s1  }
0xff: {  	[bflag:$0x3] =	sbarrier.arrive $0xFFFF  }
0x100: {  	_ =	shalt  }

// kernel: kernel.7.cloned.1.call-start
scs
__scs_entry_jumppad:
0x0: {  	(pc) =	sbr.rel $0x88, $3  }
0x1: {  	(tag) =	ssettag $0x0;
	lr =	simm.s32 $0x1  }
0x2: {  	[smem:$0x3F97] =	sst lr;
	_ =	strace $0xD0000000  }
0x3: {  	_ = 	snop  }
0x4: {  	_ = 	snop  }
0x5: {  	_ = 	snop  }
0x6: {  	_ = 	snop  }
0x7: {  	_ = 	snop  }
__scs_overlays_trampoline_lowered:
0x8: {  	[smem:$0x3FA6] =	sst s0  }
0x9: {  	[smem:$0x3FA7] =	sst s1  }
0xa: {  	[smem:$0x3FA8] =	sst s2  }
0xb: {  	[smem:$0x3FA9] =	sst s3  }
0xc: {  	[smem:$0x3FAA] =	sst s4  }
0xd: {  	[smem:$0x3FAB] =	sst s5  }
0xe: {  	[smem:$0x3FAC] =	sst s6  }
0xf: {  	[smem:$0x3FAD] =	sst s7  }
0x10: {  	[smem:$0x3FAE] =	sst s8  }
0x11: {  	[smem:$0x3FAF] =	sst s9;
	s0 =	simm.s32 @!p0 $0x0  }
0x12: {  	s1 =	sld [smem:$0x3F95];
	s0 =	simm.s32 @p0 $0x1  }
0x13: {  	[smem:$0x3FB0] =	sst s0;
	s0 =	simm.s32 @!p1 $0x0  }
0x14: {  	s2 =	sld [smem:$0x3F94];
	s0 =	simm.s32 @p1 $0x1  }
0x15: {  	[smem:$0x3FB1] =	sst s0;
	s0 =	simm.s32 @!p2 $0x0  }
0x16: {  	s3 =	sld [smem:$0x3FDB];
	s0 =	simm.s32 @p2 $0x1  }
0x17: {  	s4 =	simm.s32 $0x1BF5;
	[smem:$0x3FB3] =	sst s0  }
0x18: {  	s0 =	sld [smem:$0x3F96];
	_ =	swait.ge [sflag:s4], $0x0  }
0x19: {  	s7 =	sld [smem:$0x3F97]  }
0x1a: {  	s8 =	sadd.s32 $0xFFFFE003, lr  }
0x1b: {  	s9 =	sadd.s32 $0xFFFFFEF7, lr;
	s5 =	simm.s32 $0xFFFFFFFF;
	p2 =	slt.u32 s8, $0xFFFFF086  }
0x1c: {  	p1 =	slt.u32 s9, $0xF7A;
	s5 =	simm.s32 @!p2 $0x0  }
0x1d: {  	s5 =	simm.s32 @p1 $0x1;
	p0 =	seq.s32 s7, s2  }
0x1e: {  	s7 =	smul.u32 @!p0 $0xF7A, s2;
	p2 =	seq.s32 @!p0 s5, $0x0  }
0x1f: {  	s9 =	smul.u32 $0xF7A, s1;
	s8 =	simm.s32 @!p0 $0x1BF5;
	p2 =	por !p2, p0  }
0x20: {  	[sflag:s8] =	ssyncset.s32 @!p0 $0xFFFFF086;
	s6 =	sadd.s32 @!p0 s3, s7;
	s7 =	simm.s32 @!p0 $0x108  }
0x21: {  	s3 =	sadd.s32 s3, s9;
	s6 =	sadd.s32 @!p0 $0x88, s6;
	s7 =	simm.s32 @p2 $0x1082  }
0x22: {  	[simem:s7], [sflag:s8] =	dma.local @!p0 [hbm:s6], $0xF7A  }
0x23: {  	s9 =	sor.u32 $0xD0000000, s2;
	s6 =	simm.s32 $0x108;
	_ =	swait.ge @!p0 [sflag:s8], $0x0  }
0x24: {  	s3 =	sadd.s32 $0x88, s3;
	s6 =	simm.s32 @!p1 $0x1082;
	[sflag:s4] =	ssyncset.s32 $0xFFFFF086  }
0x25: {  	[simem:s6], [sflag:s4] =	dma.local [hbm:s3], $0xF7A  }
0x26: {  	[smem:$0x3F97] =	sst s1;
	(tag) =	ssettag s2;
	_ =	strace s9  }
0x27: {  	s1 =	sld [smem:$0x3FA7]  }
0x28: {  	s2 =	sld [smem:$0x3FA8]  }
0x29: {  	s4 =	sld [smem:$0x3FAA]  }
0x2a: {  	p0 =	seq.s32 s5, $0x0;
	s5 =	sld [smem:$0x3FAB]  }
0x2b: {  	s6 =	sld [smem:$0x3FAC]  }
0x2c: {  	s7 =	sld [smem:$0x3FAD]  }
0x2d: {  	s3 =	simm.s32 $0x108;
	s8 =	sld [smem:$0x3FAE]  }
0x2e: {  	s3 =	simm.s32 @!p0 $0x1082;
	s9 =	sld [smem:$0x3FAF]  }
0x2f: {  	lr =	sadd.s32 s0, s3;
	s0 =	sld [smem:$0x3FA6]  }
0x30: {  	s3 =	sld [smem:$0x3FA9]  }
0x31: {  	[smem:$0x3FB2] =	sst s10  }
0x32: {  	s10 =	sld [smem:$0x3FB0];
	_ =	sdelay $0x3  }
0x33: {  	p0 =	seq.s32 s10, $0x1;
	s10 =	sld [smem:$0x3FB2];
	_ =	sdelay $0x3  }
0x34: {  	[smem:$0x3FB2] =	sst s10  }
0x35: {  	s10 =	sld [smem:$0x3FB1];
	_ =	sdelay $0x3  }
0x36: {  	p1 =	seq.s32 s10, $0x1;
	s10 =	sld [smem:$0x3FB2];
	_ =	sdelay $0x3  }
0x37: {  	[smem:$0x3FB2] =	sst s10  }
0x38: {  	s10 =	sld [smem:$0x3FB3]  }
0x39: {  	_ = 	snop;
	(pc) =	sbr.ind lr, $3  }
0x3a: {  	_ = 	snop  }
0x3b: {  	_ = 	snop  }
0x3c: {  	p2 =	seq.s32 s10, $0x1;
	s10 =	sld [smem:$0x3FB2]  }
0x3d: {  	_ =	shalt  }
0x3e: {  	_ =	shalt  }
0x3f: {  	_ =	shalt  }
0x40: {  	_ =	shalt  }
0x41: {  	_ =	shalt  }
0x42: {  	_ =	shalt  }
0x43: {  	_ =	shalt  }
0x44: {  	_ =	shalt  }
0x45: {  	_ =	shalt  }
0x46: {  	_ =	shalt  }
0x47: {  	_ =	shalt  }
0x48: {  	_ =	shalt  }
0x49: {  	_ =	shalt  }
0x4a: {  	_ =	shalt  }
0x4b: {  	_ =	shalt  }
0x4c: {  	_ =	shalt  }
0x4d: {  	_ =	shalt  }
0x4e: {  	_ =	shalt  }
0x4f: {  	_ =	shalt  }
0x50: {  	_ =	shalt  }
0x51: {  	_ =	shalt  }
0x52: {  	_ =	shalt  }
0x53: {  	_ =	shalt  }
0x54: {  	_ =	shalt  }
0x55: {  	_ =	shalt  }
0x56: {  	_ =	shalt  }
0x57: {  	_ =	shalt  }
0x58: {  	_ =	shalt  }
0x59: {  	_ =	shalt  }
0x5a: {  	_ =	shalt  }
0x5b: {  	_ =	shalt  }
0x5c: {  	_ =	shalt  }
0x5d: {  	_ =	shalt  }
0x5e: {  	_ =	shalt  }
0x5f: {  	_ =	shalt  }
0x60: {  	_ =	shalt  }
0x61: {  	_ =	shalt  }
0x62: {  	_ =	shalt  }
0x63: {  	_ =	shalt  }
0x64: {  	_ =	shalt  }
0x65: {  	_ =	shalt  }
0x66: {  	_ =	shalt  }
0x67: {  	_ =	shalt  }
0x68: {  	_ =	shalt  }
0x69: {  	_ =	shalt  }
0x6a: {  	_ =	shalt  }
0x6b: {  	_ =	shalt  }
0x6c: {  	_ =	shalt  }
0x6d: {  	_ =	shalt  }
0x6e: {  	_ =	shalt  }
0x6f: {  	_ =	shalt  }
0x70: {  	_ =	shalt  }
0x71: {  	_ =	shalt  }
0x72: {  	_ =	shalt  }
0x73: {  	_ =	shalt  }
0x74: {  	_ =	shalt  }
0x75: {  	_ =	shalt  }
0x76: {  	_ =	shalt  }
0x77: {  	_ =	shalt  }
0x78: {  	_ =	shalt  }
0x79: {  	_ =	shalt  }
0x7a: {  	_ =	shalt  }
0x7b: {  	_ =	shalt  }
0x7c: {  	_ =	shalt  }
0x7d: {  	_ =	shalt  }
0x7e: {  	_ =	shalt  }
0x7f: {  	_ =	shalt  }
0x80: {  	_ =	shalt  }
0x81: {  	_ =	shalt  }
0x82: {  	_ =	shalt  }
0x83: {  	_ =	shalt  }
0x84: {  	_ =	shalt  }
0x85: {  	_ =	shalt  }
0x86: {  	_ =	shalt  }
0x87: {  	_ =	shalt  }
.Lfunc_end0:
.L_simem_size_0:
called_computation_lowered:
.L_overlay_start_0:
0x88: {  	s2 =	sld [smem:$0x3FD9]  }
0x89: {  	s3 =	sld [smem:$0x3FFE];
	_ =	sdelay $0x1  }
0x8a: {  	s1 =	srdreg.scid  }
0x8b: {  	s0 =	sand.u32 $0x1, s1  }
0x8c: {  	s16 =	sshll.u32 s0, $0xA;
	s2 =	sadd.s32 s3, s2  }
0x8d: {  	s2 =	sadd.s32 s2, s16  }
0x8e: {  	[smem:$0x3FBE] =	sst s2  }
0x8f: {  	_ = 	snop  }
0x90: {  	(tm) =	ssettm $0x1  }
0x91: {  	s17 =	sld [smem:$0x3FFB];
	_ =	sdelay $0x3  }
0x92: {  	_ =	strace s17  }
0x93: {  	s2 =	sld [smem:$0x3FFC];
	_ =	sdelay $0x3  }
0x94: {  	_ =	strace s2  }
0x95: {  	s2 =	sld [smem:$0x3FFD];
	_ =	sdelay $0x3  }
0x96: {  	_ =	strace s2  }
0x97: {  	_ =	strace $0x8FFFFFFF  }
0x98: {  	s18 =	sld [smem:$0x3FDB];
	_ =	sdelay $0x1  }
0x99: {  	s19 =	simm.s32 $_scs_section_size  }
0x9a: {  	s4 =	simm.s32 $_size__tile_overlayer_lowered;
	s5 =	simm.s32 $_tile_overlayer_lowered  }
0x9b: {  	s22 =	simm.s32 $0x1BFF;
	s21 =	sshll.u32 s5, $0x1;
	s2 =	sadd.s32 s19, s18  }
0x9c: {  	s6 =	simm.s32 $0x0;
	s20 =	sshll.u32 s4, $0x1;
	s4 =	sadd.s32 s21, s2  }
0x9d: {  	[timem:s6], [sflag:s22] =	dma.local [hbm:s4], s20  }
0x9e: {  	_ =	swait.ge [sflag:s22], s20  }
0x9f: {  	s3 =	ssub.s32 $0x0, s20;
	[sflag:s22] =	ssyncset.done $0x0  }
0xa0: {  	[sflag:s22] =	ssyncadd.s32 s3;
	_ =	sdelay $0x1  }
0xa1: {  	s23 =	simm.s32 $0x1B8B  }
0xa2: {  	_ =	swait.ge [sflag:s23], $0x1  }
0xa3: {  	[sflag:s23] =	ssyncset.done $0x0  }
0xa4: {  	s25 =	simm.s32 $0x1B8E;
	s24 =	sld [smem:$0x3FFE];
	[sflag:s23] =	ssyncadd.s32 $0xFFFFFFFF  }
0xa5: {  	s26 =	simm.s32 $execute0_lowered;
	[smem:$0x3FD2] =	sst s25  }
0xa6: {  	s4 =	sshll.u32 s26, $0x1;
	_ =	strace $0x80000046;
	[dreg:$0x1] =	wrdreg $0xFFFFFFFF  }
0xa7: {  	s28 =	simm.s32 $_size_execute0_lowered;
	s2 =	sadd.s32 s2, s4;
	[dreg:$0x0] =	wrdreg $0x0  }
0xa8: {  	s4 =	sshll.u32 s28, $0x1;
	[dreg:$0x2] =	wrdreg s2  }
0xa9: {  	[dreg:$0x3] =	wrdreg s4  }
0xaa: {  	[dreg:$0x4] =	wrdreg $0xC0  }
0xab: {  	_ =	task [dreg:s6], $0x5FFFF  }
0xac: {  	[dreg:$0x1] =	wrdreg $0xFFFFFFFF  }
0xad: {  	[dreg:$0x0] =	wrdreg $0x60  }
0xae: {  	[dreg:$0x2] =	wrdreg s24  }
0xaf: {  	[dreg:$0x3] =	wrdreg $0x90000  }
0xb0: {  	[dreg:$0x4] =	wrdreg $0x9  }
0xb1: {  	_ =	task.clear_ibuf [dreg:s6], $0x5FFFF;
	_ =	strace $0x90000046  }
0xb2: {  	s29 =	simm.s32 $0x9;
	_ =	strace $0x80000048  }
0xb3: {  	_ =	swait.ge [sflag:s29], $0x1  }
0xb4: {  	[sflag:s29] =	ssyncadd.s32 $0xFFFFFFFF  }
0xb5: {  	_ =	strace $0x90000048  }
0xb6: {  	_ =	sfence  }
0xb7: {  	s30 =	sld [smem:$0x0];
	_ =	sdelay $0x2  }
0xb8: {  	s31 =	sshll.u32 s1, $0xD;
	s1 =	sshrl.u32 s1, $0x2  }
0xb9: {  	s3 =	sand.u32 $0x4000, s31;
	s1 =	sadd.s32 s1, s30  }
0xba: {  	s0 =	sor.u32 s3, s0;
	s1 =	sshll.u32 s1, $0x11  }
0xbb: {  	s0 =	sor.u32 s1, s0  }
0xbc: {  	s0 =	sadd.s32 $0x8F2B, s0  }
0xbd: {  	[sflag:s0] =	ssyncadd.remote.s32 $0x1  }
0xbe: {  	_ =	sfence.sel $0xFFFF  }
0xbf: {  	[dreg:$0x0] =	wrdreg $0xFFFFFFFF;
	(pc) =	sbr.abs _section_cstart, $3  }
0xc0: {  	[dreg:$0x1] =	wrdreg $0xFFFFFFFF  }
0xc1: {  	_ =	task.clear_ibuf [dreg:s6], $0x2FFFF;
	_ =	strace $0x9FFFFFFF  }
0xc2: {  	(tm) =	ssettm $0x7FFFFFFF  }
0xc3: {  	_ =	shalt  }
tec
execute0_lowered:
.L_overlay_start_1:
0x0: {  	(tag) =	ssettag $0x1  }
0x1: {  	s0 =	rddreg [dreg:$0x0]  }
0x2: {  	s2 =	rddreg [dreg:$0x1]  }
0x3: {  	s1 =	srdreg.scid;
	s9 =	stileid.u32;
	s3 =	simm.s32 $0x0  }
0x4: {  	s28 =	simm.s32 $0x1;
	s30 =	simm.s32 $0x7000;
	s31 =	simm.s32 $0x2  }
0x5: {  	s11 =	simm.s32 $0x4;
	s13 =	simm.s32 $0x7;
	s4 =	smul.u32 $0x13, s9  }
0x6: {  	s29 =	simm.s32 $0xF00;
	s1 =	sand.u32 $0x1, s1;
	s6 =	smul.u32 $0x4F000, s9  }
0x7: {  	[smem:$0x7FF] =	sst s3;
	s5 =	sor.u32 $0x130, s9;
	s17 =	smul.u32 $0x2780, s9  }
0x8: {  	s9 =	simm.s32 $0x6;
	p0 =	seq.s32 s1, $0x0;
	_ =	strace $0x80000047  }
0x9: {  	s7 =	smul.u32 $0x27800, s1;
	s8 =	ssub.s32 $0x2, s1;
	s6 =	sshrl.u32 s6, $0x2  }
0xa: {  	s5 =	smov.u32 @p0 s4;
	s14 =	sshrl.u32 s8, $0x1;
	s10 =	sadd.s32 s6, s2  }
0xb: {  	s15 =	ssub.s32 s8, s14;
	s16 =	sadd.s32 $0x12000, s10;
	[dreg:$0x3] =	wrdreg s10  }
0xc: {  	s4 =	sadd.s32 $0x2AA00, s0;
	s6 =	smax.u32 s15, $0x1;
	[dreg:$0x4] =	wrdreg s16  }
0xd: {  	p0 =	sne.s32 s1, $0x0;
	s18 =	sadd.s32 $0x2000, s10;
	[dreg:$0x5] =	wrdreg s6  }
0xe: {  	s1 =	simm.s32 $0x5;
	s19 =	sadd.s32 $0x4000, s10;
	[dreg:$0x6] =	wrdreg s18  }
0xf: {  	s5 =	sshll.u32 s5, $0x8;
	s20 =	sadd.s32 $0x6000, s10;
	[dreg:$0x7] =	wrdreg s19  }
0x10: {  	s14 =	simm.s32 $0xD00;
	s21 =	sadd.s32 $0x8000, s10;
	[dreg:$0x8] =	wrdreg s20  }
0x11: {  	s5 =	sadd.s32 s5, s0;
	s22 =	sadd.s32 $0xA000, s10;
	[dreg:$0x9] =	wrdreg s21  }
0x12: {  	s0 =	sadd.s32 s7, s0;
	s23 =	sadd.s32 $0xC000, s10;
	[dreg:$0xa] =	wrdreg s22  }
0x13: {  	s24 =	sadd.s32 $0xE000, s10;
	s25 =	sadd.s32 $0x10000, s10;
	[dreg:$0xb] =	wrdreg s23  }
0x14: {  	s7 =	simm.s32 $0x3;
	s15 =	simm.s32 $0x680;
	[dreg:$0xc] =	wrdreg s24  }
0x15: {  	s0 =	sadd.s32 $0x51C00, s0;
	[dreg:$0xd] =	wrdreg s25;
	s26 =	sadd.s32 $0x16A00, s5  }
0x16: {  	s5 =	sadd.s32 $0x2A00, s5;
	s18 =	simm.s32 $0x1000;
	s19 =	simm.s32 $0x9  }
0x17: {  	s20 =	simm.s32 $0x800;
	s21 =	simm.s32 $0x40;
	s23 =	simm.s32 $0x3000  }
0x18: {  	s16 =	simm.s32 $0x8;
	s24 =	simm.s32 $0x700;
	[dreg:$0xe] =	wrdreg s26  }
0x19: {  	s22 =	simm.s32 $0x780;
	s25 =	simm.s32 $0xE80;
	[dreg:$0xf] =	wrdreg s5  }
0x1a: {  	s0 =	sadd.s32 s17, s0;
	s26 =	simm.s32 $0x5000;
	s17 =	simm.s32 $0xD80  }
0x1b: {  	v0 =	vimm.f32 $0.0e+00;
	s5 =	simm.s32 $0xE00;
	[dreg:$0x10] =	wrdreg s0;
	s0 =	simm.s32 $0x0  }
.LBB2_1:
0x1c: {  	[dreg:$0x11] =	wrdreg s0;
	s6 =	simm.s32 $0x0;
	s8 =	simm.s32 $0x200  }
.LBB2_2:
0x1d: {  	p1 =	sne.s32 s8, $0x7E00;
	[tilespmem:s6+$0x1070] =	vst v0  }
0x1e: {  	[tilespmem:s6+$0x1000] =	vst v0  }
0x1f: {  	[tilespmem:s6+$0x1010] =	vst v0  }
.Ltmp0:
0x20: {  	[tilespmem:s6+$0x1020] =	vst v0;
	(pc) =	sbr.rel @p1 .LBB2_2-.Ltmp0, $4  }
0x21: {  	[tilespmem:s6+$0x1030] =	vst v0  }
0x22: {  	[tilespmem:s6+$0x1040] =	vst v0  }
0x23: {  	[tilespmem:s6+$0x1050] =	vst v0  }
0x24: {  	[tilespmem:s6+$0x1060] =	vst v0;
	s6 =	sshra.s32 s8, $0x2;
	s8 =	sadd.s32 $0x200, s8  }
0x25: {  	[tilespmem:s6+$0x1070] =	vst v0  }
0x26: {  	[tilespmem:s6+$0x1000] =	vst v0  }
0x27: {  	[tilespmem:s6+$0x1010] =	vst v0  }
0x28: {  	[tilespmem:s6+$0x1020] =	vst v0  }
0x29: {  	[tilespmem:s6+$0x1030] =	vst v0  }
0x2a: {  	[tilespmem:s6+$0x1040] =	vst v0  }
0x2b: {  	[tilespmem:s6+$0x1050] =	vst v0  }
0x2c: {  	[tilespmem:s6+$0x1060] =	vst v0  }
0x2d: {  	[spmem:s10] =	stream.linear.scatter [tilespmem:s18], [sflag:$0x9], $0x2000, $0x38;
	[tilespmem:$0x1CC00] =	vst v63  }
0x2e: {  	_ =	swait.ge [sflag:s19], $0x2000  }
0x2f: {  	[sflag:s19] =	ssyncset.done $0x0  }
0x30: {  	s12 =	rddreg [dreg:$0x6];
	[sflag:s19] =	ssyncadd.s32 $0xFFFFE000  }
0x31: {  	[spmem:s12] =	stream.linear.scatter [tilespmem:s18], [sflag:$0x9], $0x2000, $0x38;
	[tilespmem:$0x1CC00] =	vst v63  }
0x32: {  	_ =	swait.ge [sflag:s19], $0x2000  }
0x33: {  	[sflag:s19] =	ssyncset.done $0x0  }
0x34: {  	s0 =	rddreg [dreg:$0x7];
	[sflag:s19] =	ssyncadd.s32 $0xFFFFE000  }
0x35: {  	[spmem:s0] =	stream.linear.scatter [tilespmem:s18], [sflag:$0x9], $0x2000, $0x38;
	[tilespmem:$0x1CC00] =	vst v63  }
0x36: {  	_ =	swait.ge [sflag:s19], $0x2000  }
0x37: {  	[sflag:s19] =	ssyncset.done $0x0  }
0x38: {  	s8 =	rddreg [dreg:$0x8];
	[sflag:s19] =	ssyncadd.s32 $0xFFFFE000  }
0x39: {  	[spmem:s8] =	stream.linear.scatter [tilespmem:s18], [sflag:$0x9], $0x2000, $0x38;
	[tilespmem:$0x1CC00] =	vst v63  }
0x3a: {  	_ =	swait.ge [sflag:s19], $0x2000  }
0x3b: {  	[sflag:s19] =	ssyncset.done $0x0  }
0x3c: {  	s10 =	rddreg [dreg:$0x9];
	[sflag:s19] =	ssyncadd.s32 $0xFFFFE000  }
0x3d: {  	[spmem:s10] =	stream.linear.scatter [tilespmem:s18], [sflag:$0x9], $0x2000, $0x38;
	[tilespmem:$0x1CC00] =	vst v63  }
0x3e: {  	_ =	swait.ge [sflag:s19], $0x2000  }
0x3f: {  	[sflag:s19] =	ssyncset.done $0x0  }
0x40: {  	s12 =	rddreg [dreg:$0xa];
	[sflag:s19] =	ssyncadd.s32 $0xFFFFE000  }
0x41: {  	[spmem:s12] =	stream.linear.scatter [tilespmem:s18], [sflag:$0x9], $0x2000, $0x38;
	[tilespmem:$0x1CC00] =	vst v63  }
0x42: {  	_ =	swait.ge [sflag:s19], $0x2000  }
0x43: {  	[sflag:s19] =	ssyncset.done $0x0  }
0x44: {  	s0 =	rddreg [dreg:$0xb];
	[sflag:s19] =	ssyncadd.s32 $0xFFFFE000  }
0x45: {  	[spmem:s0] =	stream.linear.scatter [tilespmem:s18], [sflag:$0x9], $0x2000, $0x38;
	[tilespmem:$0x1CC00] =	vst v63  }
0x46: {  	_ =	swait.ge [sflag:s19], $0x2000  }
0x47: {  	[sflag:s19] =	ssyncset.done $0x0  }
0x48: {  	s8 =	rddreg [dreg:$0xc];
	[sflag:s19] =	ssyncadd.s32 $0xFFFFE000  }
0x49: {  	[spmem:s8] =	stream.linear.scatter [tilespmem:s18], [sflag:$0x9], $0x2000, $0x38;
	[tilespmem:$0x1CC00] =	vst v63  }
0x4a: {  	_ =	swait.ge [sflag:s19], $0x2000  }
0x4b: {  	[sflag:s19] =	ssyncset.done $0x0  }
0x4c: {  	s10 =	rddreg [dreg:$0xd];
	[sflag:s19] =	ssyncadd.s32 $0xFFFFE000  }
0x4d: {  	[spmem:s10] =	stream.linear.scatter [tilespmem:s18], [sflag:$0x9], $0x2000, $0x38;
	[tilespmem:$0x1CC00] =	vst v63  }
0x4e: {  	_ =	swait.ge [sflag:s19], $0x2000  }
0x4f: {  	[sflag:s19] =	ssyncset.done $0x0  }
0x50: {  	s12 =	rddreg [dreg:$0x4];
	[sflag:s19] =	ssyncadd.s32 $0xFFFFE000  }
0x51: {  	[spmem:s12] =	stream.linear.scatter [tilespmem:s18], [sflag:$0x9], $0x1C00, $0x38;
	[tilespmem:$0x1CC00] =	vst v63  }
0x52: {  	_ =	swait.ge [sflag:s19], $0x1C00  }
0x53: {  	[sflag:s19] =	ssyncset.done $0x0  }
0x54: {  	[sflag:s19] =	ssyncadd.s32 $0xFFFFE400  }
0x55: {  	[bflag:$0x0] =	sbarrier.arrive $0xFFFF  }
0x56: {  	s6 =	rddreg [dreg:$0xf]  }
0x57: {  	s0 =	simm.s32 $0xF80;
	s10 =	simm.s32 $0x0;
	s8 =	rddreg [dreg:$0xe]  }
.LBB2_4:
0x58: {  	[tilespmem:s3], [sflag:$0x9] =	stream.linear.gather [hbm4b:s6+s3], $0x800, $0x38;
	[tilespmem:$0x1CC00] =	vst v63  }
0x59: {  	_ =	swait.ge [sflag:s19], $0x800  }
0x5a: {  	[sflag:s19] =	ssyncset.done $0x0  }
0x5b: {  	[sflag:s19] =	ssyncadd.s32 $0xFFFFF800  }
0x5c: {  	[tilespmem:s20], [sflag:$0x9] =	stream.linear.gather [hbm4b:s8+s3], $0x800, $0x38;
	[tilespmem:$0x1CC00] =	vst v63  }
0x5d: {  	_ =	swait.ge [sflag:s19], $0x800  }
0x5e: {  	[sflag:s19] =	ssyncset.done $0x0  }
0x5f: {  	[sflag:s19] =	ssyncadd.s32 $0xFFFFF800  }
0x60: {  	[tilespmem:s18], [sflag:$0x1] =	stream.indirect.gather [hbm4b:s4+s21], $0x80, s3, s21, $0xb8;
	[tilespmem:$0x1CC00] =	vst v63  }
0x61: {  	s12 =	simm.s32 $0x80  }
0x62: {  	[tilespmem:s23], [sflag:$0x2] =	stream.indirect.gather [hbm4b:s4+s21], $0x80, s12, s21, $0xb8;
	[tilespmem:$0x1CC00] =	vst v63  }
0x63: {  	s12 =	simm.s32 $0x100  }
0x64: {  	[tilespmem:s26], [sflag:$0x3] =	stream.indirect.gather [hbm4b:s4+s21], $0x80, s12, s21, $0xb8;
	[tilespmem:$0x1CC00] =	vst v63  }
0x65: {  	_ =	swait.ge [sflag:s28], $0x2000  }
0x66: {  	[sflag:s28] =	ssyncset.done $0x0  }
0x67: {  	[sflag:s28] =	ssyncadd.s32 $0xFFFFE000  }
0x68: {  	[spmem:s2] =	stream.indirect.scatter.add.f32 [tilespmem:s18], [sflag:$0x5], $0x80, s20, s21, $0xb8;
	[tilespmem:$0x1CC00] =	vst v63  }
0x69: {  	s12 =	simm.s32 $0x180  }
0x6a: {  	[tilespmem:s30], [sflag:$0x4] =	stream.indirect.gather [hbm4b:s4+s21], $0x80, s12, s21, $0xb8;
	[tilespmem:$0x1CC00] =	vst v63  }
0x6b: {  	_ =	swait.ge [sflag:s31], $0x2000  }
0x6c: {  	[sflag:s31] =	ssyncset.done $0x0  }
0x6d: {  	s12 =	simm.s32 $0x880;
	[sflag:s31] =	ssyncadd.s32 $0xFFFFE000  }
0x6e: {  	[spmem:s2] =	stream.indirect.scatter.add.f32 [tilespmem:s23], [sflag:$0x6], $0x80, s12, s21, $0xb8;
	[tilespmem:$0x1CC00] =	vst v63  }
0x6f: {  	_ =	swait.ge [sflag:s1], $0x2000  }
0x70: {  	[sflag:s1] =	ssyncset.done $0x0  }
0x71: {  	s12 =	simm.s32 $0x200;
	[sflag:s1] =	ssyncadd.s32 $0xFFFFE000  }
0x72: {  	[tilespmem:s18], [sflag:$0x1] =	stream.indirect.gather [hbm4b:s4+s21], $0x80, s12, s21, $0xb8;
	[tilespmem:$0x1CC00] =	vst v63  }
0x73: {  	_ =	swait.ge [sflag:s7], $0x2000  }
0x74: {  	[sflag:s7] =	ssyncset.done $0x0  }
0x75: {  	s12 =	simm.s32 $0x900;
	[sflag:s7] =	ssyncadd.s32 $0xFFFFE000  }
0x76: {  	[spmem:s2] =	stream.indirect.scatter.add.f32 [tilespmem:s26], [sflag:$0x7], $0x80, s12, s21, $0xb8;
	[tilespmem:$0x1CC00] =	vst v63  }
0x77: {  	_ =	swait.ge [sflag:s9], $0x2000  }
0x78: {  	[sflag:s9] =	ssyncset.done $0x0  }
0x79: {  	s12 =	simm.s32 $0x280;
	[sflag:s9] =	ssyncadd.s32 $0xFFFFE000  }
0x7a: {  	[tilespmem:s23], [sflag:$0x2] =	stream.indirect.gather [hbm4b:s4+s21], $0x80, s12, s21, $0xb8;
	[tilespmem:$0x1CC00] =	vst v63  }
0x7b: {  	_ =	swait.ge [sflag:s11], $0x2000  }
0x7c: {  	[sflag:s11] =	ssyncset.done $0x0  }
0x7d: {  	s12 =	simm.s32 $0x980;
	[sflag:s11] =	ssyncadd.s32 $0xFFFFE000  }
0x7e: {  	[spmem:s2] =	stream.indirect.scatter.add.f32 [tilespmem:s30], [sflag:$0x8], $0x80, s12, s21, $0xb8;
	[tilespmem:$0x1CC00] =	vst v63  }
0x7f: {  	_ =	swait.ge [sflag:s13], $0x2000  }
0x80: {  	[sflag:s13] =	ssyncset.done $0x0  }
0x81: {  	s12 =	simm.s32 $0x300;
	[sflag:s13] =	ssyncadd.s32 $0xFFFFE000  }
0x82: {  	[tilespmem:s26], [sflag:$0x3] =	stream.indirect.gather [hbm4b:s4+s21], $0x80, s12, s21, $0xb8;
	[tilespmem:$0x1CC00] =	vst v63  }
0x83: {  	_ =	swait.ge [sflag:s28], $0x2000  }
0x84: {  	[sflag:s28] =	ssyncset.done $0x0  }
0x85: {  	s12 =	simm.s32 $0xA00;
	[sflag:s28] =	ssyncadd.s32 $0xFFFFE000  }
0x86: {  	[spmem:s2] =	stream.indirect.scatter.add.f32 [tilespmem:s18], [sflag:$0x5], $0x80, s12, s21, $0xb8;
	[tilespmem:$0x1CC00] =	vst v63  }
0x87: {  	_ =	swait.ge [sflag:s16], $0x2000  }
0x88: {  	[sflag:s16] =	ssyncset.done $0x0  }
0x89: {  	s12 =	simm.s32 $0x380;
	[sflag:s16] =	ssyncadd.s32 $0xFFFFE000  }
0x8a: {  	[tilespmem:s30], [sflag:$0x4] =	stream.indirect.gather [hbm4b:s4+s21], $0x80, s12, s21, $0xb8;
	[tilespmem:$0x1CC00] =	vst v63  }
0x8b: {  	_ =	swait.ge [sflag:s31], $0x2000  }
0x8c: {  	[sflag:s31] =	ssyncset.done $0x0  }
0x8d: {  	s12 =	simm.s32 $0xA80;
	[sflag:s31] =	ssyncadd.s32 $0xFFFFE000  }
0x8e: {  	[spmem:s2] =	stream.indirect.scatter.add.f32 [tilespmem:s23], [sflag:$0x6], $0x80, s12, s21, $0xb8;
	[tilespmem:$0x1CC00] =	vst v63  }
0x8f: {  	_ =	swait.ge [sflag:s1], $0x2000  }
0x90: {  	[sflag:s1] =	ssyncset.done $0x0  }
0x91: {  	s12 =	simm.s32 $0x400;
	[sflag:s1] =	ssyncadd.s32 $0xFFFFE000  }
0x92: {  	[tilespmem:s18], [sflag:$0x1] =	stream.indirect.gather [hbm4b:s4+s21], $0x80, s12, s21, $0xb8;
	[tilespmem:$0x1CC00] =	vst v63  }
0x93: {  	_ =	swait.ge [sflag:s7], $0x2000  }
0x94: {  	[sflag:s7] =	ssyncset.done $0x0  }
0x95: {  	s12 =	simm.s32 $0xB00;
	[sflag:s7] =	ssyncadd.s32 $0xFFFFE000  }
0x96: {  	[spmem:s2] =	stream.indirect.scatter.add.f32 [tilespmem:s26], [sflag:$0x7], $0x80, s12, s21, $0xb8;
	[tilespmem:$0x1CC00] =	vst v63  }
0x97: {  	_ =	swait.ge [sflag:s9], $0x2000  }
0x98: {  	[sflag:s9] =	ssyncset.done $0x0  }
0x99: {  	s12 =	simm.s32 $0x480;
	[sflag:s9] =	ssyncadd.s32 $0xFFFFE000  }
0x9a: {  	[tilespmem:s23], [sflag:$0x2] =	stream.indirect.gather [hbm4b:s4+s21], $0x80, s12, s21, $0xb8;
	[tilespmem:$0x1CC00] =	vst v63  }
0x9b: {  	_ =	swait.ge [sflag:s11], $0x2000  }
0x9c: {  	[sflag:s11] =	ssyncset.done $0x0  }
0x9d: {  	s12 =	simm.s32 $0xB80;
	[sflag:s11] =	ssyncadd.s32 $0xFFFFE000  }
0x9e: {  	[spmem:s2] =	stream.indirect.scatter.add.f32 [tilespmem:s30], [sflag:$0x8], $0x80, s12, s21, $0xb8;
	[tilespmem:$0x1CC00] =	vst v63  }
0x9f: {  	_ =	swait.ge [sflag:s13], $0x2000  }
0xa0: {  	[sflag:s13] =	ssyncset.done $0x0  }
0xa1: {  	s12 =	simm.s32 $0x500;
	[sflag:s13] =	ssyncadd.s32 $0xFFFFE000  }
0xa2: {  	[tilespmem:s26], [sflag:$0x3] =	stream.indirect.gather [hbm4b:s4+s21], $0x80, s12, s21, $0xb8;
	[tilespmem:$0x1CC00] =	vst v63  }
0xa3: {  	_ =	swait.ge [sflag:s28], $0x2000  }
0xa4: {  	[sflag:s28] =	ssyncset.done $0x0  }
0xa5: {  	s12 =	simm.s32 $0xC00;
	[sflag:s28] =	ssyncadd.s32 $0xFFFFE000  }
0xa6: {  	[spmem:s2] =	stream.indirect.scatter.add.f32 [tilespmem:s18], [sflag:$0x5], $0x80, s12, s21, $0xb8;
	[tilespmem:$0x1CC00] =	vst v63  }
0xa7: {  	_ =	swait.ge [sflag:s16], $0x2000  }
0xa8: {  	[sflag:s16] =	ssyncset.done $0x0  }
0xa9: {  	s12 =	simm.s32 $0x580;
	[sflag:s16] =	ssyncadd.s32 $0xFFFFE000  }
0xaa: {  	[tilespmem:s30], [sflag:$0x4] =	stream.indirect.gather [hbm4b:s4+s21], $0x80, s12, s21, $0xb8;
	[tilespmem:$0x1CC00] =	vst v63  }
0xab: {  	_ =	swait.ge [sflag:s31], $0x2000  }
0xac: {  	[sflag:s31] =	ssyncset.done $0x0  }
0xad: {  	s12 =	simm.s32 $0xC80;
	[sflag:s31] =	ssyncadd.s32 $0xFFFFE000  }
0xae: {  	[spmem:s2] =	stream.indirect.scatter.add.f32 [tilespmem:s23], [sflag:$0x6], $0x80, s12, s21, $0xb8;
	[tilespmem:$0x1CC00] =	vst v63  }
0xaf: {  	_ =	swait.ge [sflag:s1], $0x2000  }
0xb0: {  	[sflag:s1] =	ssyncset.done $0x0  }
0xb1: {  	s12 =	simm.s32 $0x600;
	[sflag:s1] =	ssyncadd.s32 $0xFFFFE000  }
0xb2: {  	[tilespmem:s18], [sflag:$0x1] =	stream.indirect.gather [hbm4b:s4+s21], $0x80, s12, s21, $0xb8;
	[tilespmem:$0x1CC00] =	vst v63  }
0xb3: {  	_ =	swait.ge [sflag:s7], $0x2000  }
0xb4: {  	[sflag:s7] =	ssyncset.done $0x0  }
0xb5: {  	[sflag:s7] =	ssyncadd.s32 $0xFFFFE000  }
0xb6: {  	[spmem:s2] =	stream.indirect.scatter.add.f32 [tilespmem:s26], [sflag:$0x7], $0x80, s14, s21, $0xb8;
	[tilespmem:$0x1CC00] =	vst v63  }
0xb7: {  	_ =	swait.ge [sflag:s9], $0x2000  }
0xb8: {  	[sflag:s9] =	ssyncset.done $0x0  }
0xb9: {  	[sflag:s9] =	ssyncadd.s32 $0xFFFFE000  }
0xba: {  	[tilespmem:s23], [sflag:$0x2] =	stream.indirect.gather [hbm4b:s4+s21], $0x80, s15, s21, $0xb8;
	[tilespmem:$0x1CC00] =	vst v63  }
0xbb: {  	_ =	swait.ge [sflag:s11], $0x2000  }
0xbc: {  	[sflag:s11] =	ssyncset.done $0x0  }
0xbd: {  	[sflag:s11] =	ssyncadd.s32 $0xFFFFE000  }
0xbe: {  	[spmem:s2] =	stream.indirect.scatter.add.f32 [tilespmem:s30], [sflag:$0x8], $0x80, s17, s21, $0xb8;
	[tilespmem:$0x1CC00] =	vst v63  }
0xbf: {  	_ =	swait.ge [sflag:s13], $0x2000  }
0xc0: {  	[sflag:s13] =	ssyncset.done $0x0  }
0xc1: {  	[sflag:s13] =	ssyncadd.s32 $0xFFFFE000  }
0xc2: {  	[tilespmem:s26], [sflag:$0x3] =	stream.indirect.gather [hbm4b:s4+s21], $0x80, s24, s21, $0xb8;
	[tilespmem:$0x1CC00] =	vst v63  }
0xc3: {  	_ =	swait.ge [sflag:s28], $0x2000  }
0xc4: {  	[sflag:s28] =	ssyncset.done $0x0  }
0xc5: {  	[sflag:s28] =	ssyncadd.s32 $0xFFFFE000  }
0xc6: {  	[spmem:s2] =	stream.indirect.scatter.add.f32 [tilespmem:s18], [sflag:$0x5], $0x80, s5, s21, $0xb8;
	[tilespmem:$0x1CC00] =	vst v63  }
0xc7: {  	_ =	swait.ge [sflag:s16], $0x2000  }
0xc8: {  	[sflag:s16] =	ssyncset.done $0x0  }
0xc9: {  	[sflag:s16] =	ssyncadd.s32 $0xFFFFE000  }
0xca: {  	[tilespmem:s30], [sflag:$0x4] =	stream.indirect.gather [hbm4b:s4+s21], $0x80, s22, s21, $0xb8;
	[tilespmem:$0x1CC00] =	vst v63  }
0xcb: {  	_ =	swait.ge [sflag:s31], $0x2000  }
0xcc: {  	[sflag:s31] =	ssyncset.done $0x0  }
0xcd: {  	[sflag:s31] =	ssyncadd.s32 $0xFFFFE000  }
0xce: {  	[spmem:s2] =	stream.indirect.scatter.add.f32 [tilespmem:s23], [sflag:$0x6], $0x80, s25, s21, $0xb8;
	[tilespmem:$0x1CC00] =	vst v63  }
0xcf: {  	_ =	swait.ge [sflag:s7], $0x2000  }
0xd0: {  	[sflag:s7] =	ssyncset.done $0x0  }
0xd1: {  	[sflag:s7] =	ssyncadd.s32 $0xFFFFE000  }
0xd2: {  	[spmem:s2] =	stream.indirect.scatter.add.f32 [tilespmem:s26], [sflag:$0x7], $0x80, s29, s21, $0xb8;
	[tilespmem:$0x1CC00] =	vst v63  }
0xd3: {  	_ =	swait.ge [sflag:s11], $0x2000  }
0xd4: {  	[sflag:s11] =	ssyncset.done $0x0  }
0xd5: {  	[sflag:s11] =	ssyncadd.s32 $0xFFFFE000  }
0xd6: {  	[spmem:s2] =	stream.indirect.scatter.add.f32 [tilespmem:s30], [sflag:$0x8], $0x80, s0, s21, $0xb8;
	[tilespmem:$0x1CC00] =	vst v63  }
0xd7: {  	_ =	swait.ge [sflag:s1], $0x2000  }
0xd8: {  	[sflag:s1] =	ssyncset.done $0x0  }
0xd9: {  	[sflag:s1] =	ssyncadd.s32 $0xFFFFE000  }
0xda: {  	_ =	swait.ge [sflag:s9], $0x2000  }
0xdb: {  	[sflag:s9] =	ssyncset.done $0x0  }
0xdc: {  	p1 =	slt.u32 @!p0 s10, $0x12;
	[sflag:s9] =	ssyncadd.s32 $0xFFFFE000  }
0xdd: {  	p1 =	por p0, !p1;
	_ =	swait.ge [sflag:s13], $0x2000  }
.Ltmp1:
0xde: {  	[sflag:s13] =	ssyncset.done $0x0;
	(pc) =	sbr.rel @!p1 .LBB2_4-.Ltmp1, $4  }
0xdf: {  	[sflag:s13] =	ssyncadd.s32 $0xFFFFE000  }
0xe0: {  	_ =	swait.ge [sflag:s16], $0x2000  }
0xe1: {  	s10 =	sadd.s32 $0x1, s10;
	[sflag:s16] =	ssyncset.done $0x0  }
0xe2: {  	s6 =	sadd.s32 $0x100, s6;
	s8 =	sadd.s32 $0x100, s8;
	[sflag:s16] =	ssyncadd.s32 $0xFFFFE000  }
0xe3: {  	s6 =	stileid.u32;
	[bflag:$0x0] =	sbarrier.arrive $0xFFFF  }
0xe4: {  	s6 =	sshll.u32 s6, $0x6;
	s10 =	rddreg [dreg:$0x3]  }
0xe5: {  	s12 =	rddreg [dreg:$0x10];
	s6 =	sor.u32 $0x1C09, s6;
	s8 =	sshrl.u32 s10, $0x3  }
0xe6: {  	[hbm:s12], [sflag:s6] =	dma.local [spmem:s8], $0x2780  }
0xe7: {  	_ =	swait.ge [sflag:s19], $0x2780  }
0xe8: {  	s0 =	rddreg [dreg:$0x11]  }
0xe9: {  	s12 =	rddreg [dreg:$0x5];
	s0 =	sadd.s32 $0x1, s0  }
0xea: {  	p1 =	sne.s32 s0, s12  }
.Ltmp2:
0xeb: {  	_ = 	snop;
	(pc) =	sbr.rel @p1 .LBB2_1-.Ltmp2, $3  }
0xec: {  	_ =	sdelay $0x1  }
0xed: {  	[sflag:s19] =	ssyncset.done $0x0  }
0xee: {  	[sflag:s19] =	ssyncadd.s32 $0xFFFFD880  }
0xef: {  	_ =	sfence.sel $0x180000  }
0xf0: {  	[bflag:$0x0] =	sbarrier.arrive $0xFFFF  }
0xf1: {  	_ =	strace $0x90000047  }
0xf2: {  	s0 =	stileid.u32;
	[bflag:$0x2] =	sbarrier.arrive $0xFFFF  }
0xf3: {  	p0 =	sne.s32 s0, $0x0;
	s0 =	rddreg [dreg:$0x2]  }
0xf4: {  	s0 =	sadd.s32 @!p0 $0x100000, s0  }
0xf5: {  	[sflag:s0] =	ssyncadd.tile.s32 @!p0 $0x1;
	_ =	shalt  }
.Lfunc_end2:
_tile_overlayer_lowered:
.L_overlay_start_2:
0xf6: {  	(tag) =	ssettag $0x2  }
0xf7: {  	s0 =	rddreg [dreg:$0x0];
	s2 =	stileid.u32  }
0xf8: {  	s1 =	rddreg [dreg:$0x1];
	p0 =	sne.s32 s2, $0x0  }
0xf9: {  	s3 =	rddreg [dreg:$0x2];
	[bflag:$0x3] =	sbarrier.arrive $0xFFFF;
	s2 =	simm.s32 @!p0 $0x1C09  }
0xfa: {  	[timem:s3], [sflag:s2] =	dma.local @!p0 [hbm:s0], s1  }
0xfb: {  	s0 =	simm.s32 @!p0 $0x9  }
0xfc: {  	_ =	swait.ge @!p0 [sflag:s0], s1  }
0xfd: {  	s1 =	ssub.s32 @!p0 $0x0, s1;
	[sflag:s0] =	ssyncset.done @!p0 $0x0  }
0xfe: {  	[sflag:s0] =	ssyncadd.s32 @!p0 s1  }
0xff: {  	[bflag:$0x3] =	sbarrier.arrive $0xFFFF  }
0x100: {  	_ =	shalt  }

</sc_bundles>
